<compile_context>
chip_gen: v7x
topology: tpu7x:2x2x1
jax: 0.10.2.dev20260603
libtpu: 0.0.44.dev20260713+nightly
codegen_flags: <defaults>
</compile_context>

<pallas_src>
import functools

import jax
import jax.numpy as jnp
from jax import lax
from jax.experimental import pallas as pl
from jax.experimental.pallas import tpu as pltpu
from jax.experimental.pallas import tpu_sc as plsc

D = 16
L = 16
NC = 2
NS = 16
NW = NC * NS
CK = 128


def _chunk_split(nch):
    g8 = nch // 8
    gb = g8 // NW
    cb = gb * 8
    grem = g8 % NW
    tail0 = NW * cb + grem * 8
    tail = nch - tail0
    sl = 8
    for cand in range(56, 7, -8):
        if cb % cand == 0:
            sl = cand
            break
    return cb, sl, grem, tail0, tail


def _seg_sum_rows(x, ei_r, np_rows):
    n = x.shape[0]
    a2 = (n + 1 + L - 1) // L * L
    nch = ei_r.shape[1]
    cb, sl, grem, tail0, tail = _chunk_split(nch)
    pt = np_rows // NS
    lt = n - (NS - 1) * pt
    zr = pt // 8
    mesh = plsc.VectorSubcoreMesh(core_axis_name="c", subcore_axis_name="s")

    sl1 = sl // 2
    dbuf = (sl1 % 8 == 0 and sl1 % 4 == 0 and cb % sl1 == 0
            and (cb // sl1) % 2 == 0 and NW * cb + sl1 <= nch)
    if not dbuf:
        sl1 = sl

    @functools.partial(
        pl.kernel,
        out_type=(
            jax.ShapeDtypeStruct((NC, n, D), jnp.float32),
            jax.ShapeDtypeStruct((NW, 1, n), jnp.float32),
        ),
        mesh=mesh,
        scratch_types=[
            pltpu.VMEM((sl1, CK), jnp.int32),
            pltpu.VMEM((sl1, CK), jnp.int32),
            pltpu.VMEM((sl1, CK), jnp.int32),
            pltpu.VMEM((sl1, CK), jnp.int32),
            pltpu.VMEM((CK, D), jnp.float32),
            pltpu.VMEM((CK, D), jnp.float32),
            pltpu.VMEM((CK, D), jnp.float32),
            pltpu.VMEM((CK, D), jnp.float32),
            pltpu.VMEM((zr, D), jnp.float32),
            pltpu.VMEM((a2,), jnp.float32),
            pltpu.VMEM_SHARED((np_rows, D), jnp.float32),
        ] + [pltpu.SemaphoreType.DMA] * 12,
        compiler_params=pltpu.CompilerParams(use_tc_tiling_on_sc=False,
                                             needs_layout_passes=False),
    )
    def k(x_hbm, ei_hbm, psum_hbm, pcnt_hbm, src_v, dst_v, src_v2, dst_v2,
          rows0, rows1, rows2, rows3, zacc_v, cnt_v, acc_sh, sem0, sem1,
          sem2, sem3, sem4, sem5, sem6, sem7, lsa0, lsd0, lsa1, lsd1):
        c = lax.axis_index("c")
        s = lax.axis_index("s")
        wid = s * NC + c
        base = s * pt
        zv = jnp.zeros((L,), jnp.float32)
        ov = jnp.ones((L,), jnp.float32)
        rows = (rows0, rows1, rows2, rows3)
        sems = (sem0, sem1, sem2, sem3)
        ssems = (sem4, sem5, sem6, sem7)

        def zb(i, _):
            for u in range(8):
                zacc_v[i * 8 + u] = zv
            return 0
        lax.fori_loop(0, zr // 8, zb, 0)
        for u in range(zr % 8):
            zacc_v[zr - zr % 8 + u] = zv

        def zc(i, _):
            for u in range(8):
                cnt_v[pl.ds((i * 8 + u) * L, L)] = zv
            return 0
        lax.fori_loop(0, a2 // L // 8, zc, 0)
        for u in range(a2 // L % 8):
            cnt_v[pl.ds((a2 // L - a2 // L % 8 + u) * L, L)] = zv

        for j in range(8):
            pltpu.sync_copy(zacc_v, acc_sh.at[pl.ds(base + j * zr, zr)])
        plsc.subcore_barrier()

        lo = wid * cb

        def one_chunk(j, rbuf, sem):
            pltpu.async_copy(x_hbm.at[src_v.at[j]], rbuf, sem).wait()
            pltpu.sync_copy(rbuf, acc_sh.at[dst_v.at[j]], add=True)
            for v in range(CK // L):
                dv = dst_v[j, pl.ds(v * L, L)]
                plsc.addupdate_scatter(cnt_v, [dv], ov)

        def make_quad(sv, dv_ref):
            def quad(qq, _):
                j = qq * 4
                gds = [pltpu.async_copy(x_hbm.at[sv.at[j + b]], rows[b],
                                        sems[b]) for b in range(4)]
                for b in range(4):
                    for v in range(CK // L):
                        dv = dv_ref[j + b, pl.ds(v * L, L)]
                        plsc.addupdate_scatter(cnt_v, [dv], ov)
                sds = []
                for b in range(4):
                    gds[b].wait()
                    sds.append(pltpu.async_copy(
                        rows[b], acc_sh.at[dv_ref.at[j + b]], ssems[b],
                        add=True))
                for d in sds:
                    d.wait()
                return 0
            return quad

        quad = make_quad(src_v, dst_v)

        banks = ((src_v, dst_v, lsa0, lsd0), (src_v2, dst_v2, lsa1, lsd1))

        def fire_slab(k2, bank):
            sv, dv, sa, sd = banks[bank]
            off = lo + k2 * sl1
            pltpu.async_copy(ei_hbm.at[0, pl.ds(off, sl1)], sv, sa)
            pltpu.async_copy(ei_hbm.at[1, pl.ds(off, sl1)], dv, sd)

        def wait_slab(bank):
            sv, dv, sa, sd = banks[bank]
            pltpu.make_async_copy(ei_hbm.at[0, pl.ds(0, sl1)], sv, sa).wait()
            pltpu.make_async_copy(ei_hbm.at[1, pl.ds(0, sl1)], dv, sd).wait()

        if dbuf:
            quad_b = make_quad(src_v2, dst_v2)
            fire_slab(0, 0)

            def dslab(q, _):
                fire_slab(2 * q + 1, 1)
                wait_slab(0)
                lax.fori_loop(0, sl1 // 4, quad, 0)
                fire_slab(2 * q + 2, 0)
                wait_slab(1)
                lax.fori_loop(0, sl1 // 4, quad_b, 0)
                return 0
            lax.fori_loop(0, cb // sl1 // 2, dslab, 0)
            wait_slab(0)
        else:
            def slab(k2, _):
                off = lo + k2 * sl1
                pltpu.sync_copy(ei_hbm.at[0, pl.ds(off, sl1)], src_v)
                pltpu.sync_copy(ei_hbm.at[1, pl.ds(off, sl1)], dst_v)
                lax.fori_loop(0, sl1 // 4, quad, 0)
                return 0
            lax.fori_loop(0, cb // sl1, slab, 0)

        if grem:
            @pl.when(wid < grem)
            def _extra():
                xo = NW * cb + wid * 8
                pltpu.sync_copy(ei_hbm.at[0, pl.ds(xo, 8)],
                                src_v.at[pl.ds(0, 8)])
                pltpu.sync_copy(ei_hbm.at[1, pl.ds(xo, 8)],
                                dst_v.at[pl.ds(0, 8)])
                lax.fori_loop(0, 2, quad, 0)

        if tail:
            @pl.when(wid == grem)
            def _tail():
                pltpu.sync_copy(ei_hbm.at[0, pl.ds(tail0, tail)],
                                src_v.at[pl.ds(0, tail)])
                pltpu.sync_copy(ei_hbm.at[1, pl.ds(tail0, tail)],
                                dst_v.at[pl.ds(0, tail)])
                for j in range(tail):
                    one_chunk(j, rows0, sem0)
        plsc.subcore_barrier()

        @pl.when(s < NS - 1)
        def _full():
            pltpu.sync_copy(acc_sh.at[pl.ds(base, pt)],
                            psum_hbm.at[c, pl.ds(base, pt)])

        @pl.when(s == NS - 1)
        def _last():
            pltpu.sync_copy(acc_sh.at[pl.ds(base, lt)],
                            psum_hbm.at[c, pl.ds(base, lt)])

        pltpu.sync_copy(cnt_v.at[pl.ds(0, n)], pcnt_hbm.at[wid, 0])

    return k(x, ei_r)


def _seg_sum_scalars(t, ei_r):
    n = t.shape[0]
    a2 = (n + 1 + L - 1) // L * L
    nch = ei_r.shape[1]
    cb, sl, grem, tail0, tail = _chunk_split(nch)
    mesh = plsc.VectorSubcoreMesh(core_axis_name="c", subcore_axis_name="s")

    @functools.partial(
        pl.kernel,
        out_type=jax.ShapeDtypeStruct((NW, 1, n), jnp.float32),
        mesh=mesh,
        scratch_types=[
            pltpu.VMEM((sl, CK), jnp.int32),
            pltpu.VMEM((sl, CK), jnp.int32),
            pltpu.VMEM((n,), jnp.float32),
            pltpu.VMEM((a2,), jnp.float32),
            pltpu.SemaphoreType.DMA,
        ],
        compiler_params=pltpu.CompilerParams(needs_layout_passes=False),
    )
    def k(t_hbm, ei_hbm, out_hbm, src_sl, dst_sl, t_v, acc_v, semt):
        c = lax.axis_index("c")
        s = lax.axis_index("s")
        wid = s * NC + c
        zv = jnp.zeros((L,), jnp.float32)

        td = pltpu.async_copy(t_hbm, t_v, semt)

        def za(i, _):
            for u in range(8):
                acc_v[pl.ds((i * 8 + u) * L, L)] = zv
            return 0
        lax.fori_loop(0, a2 // L // 8, za, 0)
        for u in range(a2 // L % 8):
            acc_v[pl.ds((a2 // L - a2 // L % 8 + u) * L, L)] = zv

        td.wait()
        lo = wid * cb

        def row(r, _):
            for v in range(CK // L):
                sv = src_sl[r, pl.ds(v * L, L)]
                dv = dst_sl[r, pl.ds(v * L, L)]
                vals = plsc.load_gather(t_v, [sv])
                plsc.addupdate_scatter(acc_v, [dv], vals)
            return 0

        def slab(k2, _):
            off = lo + k2 * sl
            pltpu.sync_copy(ei_hbm.at[0, pl.ds(off, sl)], src_sl)
            pltpu.sync_copy(ei_hbm.at[1, pl.ds(off, sl)], dst_sl)
            lax.fori_loop(0, sl, row, 0)
            return 0
        lax.fori_loop(0, cb // sl, slab, 0)

        if grem:
            @pl.when(wid < grem)
            def _extra():
                xo = NW * cb + wid * 8
                pltpu.sync_copy(ei_hbm.at[0, pl.ds(xo, 8)],
                                src_sl.at[pl.ds(0, 8)])
                pltpu.sync_copy(ei_hbm.at[1, pl.ds(xo, 8)],
                                dst_sl.at[pl.ds(0, 8)])
                lax.fori_loop(0, 8, row, 0)

        if tail:
            @pl.when(wid == grem)
            def _tail():
                pltpu.sync_copy(ei_hbm.at[0, pl.ds(tail0, tail)],
                                src_sl.at[pl.ds(0, tail)])
                pltpu.sync_copy(ei_hbm.at[1, pl.ds(tail0, tail)],
                                dst_sl.at[pl.ds(0, tail)])
                lax.fori_loop(0, tail, row, 0)

        pltpu.sync_copy(acc_v.at[pl.ds(0, n)], out_hbm.at[wid, 0])

    return k(t, ei_r)


def _dense_mid(psum_p, den_p, x_p, wl1k, bl1k, wr1k, wl2k, wr2k, bl2k):
    n8 = x_p.shape[0]

    def body(p_ref, den_ref, x_ref, wl1_ref, bl1_ref, wr1_ref, wl2_ref,
             wr2_ref, bl2_ref, t_ref, r2_ref):
        agg = (p_ref[0] + p_ref[1]) / den_ref[...]
        y = (jnp.dot(agg, wl1_ref[...], preferred_element_type=jnp.float32)
             + bl1_ref[...]
             + jnp.dot(x_ref[...], wr1_ref[...],
                       preferred_element_type=jnp.float32))
        y = jnp.maximum(y, 0.0)
        t_ref[...] = jnp.dot(y, wl2_ref[...],
                             preferred_element_type=jnp.float32)
        r2_ref[...] = (jnp.dot(y, wr2_ref[...],
                               preferred_element_type=jnp.float32)
                       + bl2_ref[...])

    return pl.pallas_call(
        body,
        out_shape=[
            jax.ShapeDtypeStruct((n8, 8), jnp.float32),
            jax.ShapeDtypeStruct((n8, 8), jnp.float32),
        ],
    )(psum_p, den_p, x_p, wl1k, bl1k, wr1k, wl2k, wr2k, bl2k)


def _dense_out(q2, pcnt2, r2row):
    n = q2.shape[1]

    def body(q_ref, c_ref, r2_ref, o_ref):
        q = jnp.sum(q_ref[...], axis=0, keepdims=True)
        den = jnp.maximum(jnp.sum(c_ref[...], axis=0), 1.0)
        o_ref[...] = q / den + r2_ref[...]

    return pl.pallas_call(
        body,
        out_shape=jax.ShapeDtypeStruct((1, n), jnp.float32),
    )(q2, pcnt2, r2row)


def kernel(edge_index, user_emb, movie_emb, W_l1, b_l1, W_r1, W_l2, b_l2,
           W_r2):
    x = jnp.concatenate([user_emb, movie_emb], axis=0)
    n = x.shape[0]
    e = edge_index.shape[1]

    ei = edge_index.astype(jnp.int32)
    if e % CK:
        pad = CK - e % CK
        ei = jnp.concatenate(
            [ei, jnp.stack([jnp.zeros((pad,), jnp.int32),
                            jnp.full((pad,), n, jnp.int32)])], axis=1)
    ei_r = ei.reshape(2, -1, CK)

    np_rows = (n + 1 + NS * L - 1) // (NS * L) * (NS * L)

    psum, pcnt = _seg_sum_rows(x, ei_r, np_rows)

    eye = jnp.eye(8, dtype=jnp.float32)
    denrow = jnp.maximum(jnp.sum(pcnt[:, 0, :], axis=0), 1.0)
    den_p = jnp.broadcast_to(denrow[:, None], (n, D)).reshape(n // 8, 8 * D)
    t8, r28 = _dense_mid(
        psum.reshape(NC, n // 8, 8 * D), den_p, x.reshape(n // 8, 8 * D),
        jnp.kron(eye, W_l1), jnp.tile(b_l1, 8).reshape(1, 8 * D),
        jnp.kron(eye, W_r1), jnp.kron(eye, W_l2), jnp.kron(eye, W_r2),
        jnp.broadcast_to(b_l2.reshape(1, 1), (1, 8)))

    q = _seg_sum_scalars(t8.reshape(n), ei_r).reshape(NW, n)
    out = _dense_out(q, pcnt, r28.reshape(1, n))
    return out.reshape(n, 1)

# --- scband reference (transcript-rebuilt; emitter-appended) ---
"""Pipeline reference for scband-movie-gnn-45062796869911 (READ-ONLY COPY).

The authoritative reference and input builder live on the scoring server;
editing this copy changes nothing except your own understanding.
"""

import jax, jax.numpy as jnp
import numpy as np

NUM_USERS = 10000
NUM_MOVIES = 40000
N = NUM_USERS + NUM_MOVIES
E = 1600000
D = 16


def sage_conv(x, edge_index, W_l, b_l, W_r):
    # PyG SAGEConv (mean aggr): out = lin_l(mean_{j in N(i)} x_j) + lin_r(x_i)
    src = edge_index[0]
    dst = edge_index[1]
    msgs = jnp.take(x, src, axis=0)
    agg = jax.ops.segment_sum(msgs, dst, num_segments=x.shape[0])
    cnt = jax.ops.segment_sum(jnp.ones((msgs.shape[0],), dtype=x.dtype), dst, num_segments=x.shape[0])
    agg = agg / jnp.maximum(cnt, 1.0)[:, None]
    return agg @ W_l + b_l + x @ W_r


def setup_inputs(seed: int = 0) -> dict:
    key = jax.random.key(seed)
    ks = jax.random.split(key, 9)
    edge_index = jax.random.randint(ks[0], (2, E), 0, N).astype(jnp.int64)
    user_emb = jax.random.normal(ks[1], (NUM_USERS, D), dtype=jnp.float32)
    movie_emb = jax.random.normal(ks[2], (NUM_MOVIES, D), dtype=jnp.float32)
    s1 = 1.0 / np.sqrt(D)
    W_l1 = jax.random.uniform(ks[3], (D, D), jnp.float32, -s1, s1)
    b_l1 = jnp.zeros((D,), jnp.float32)
    W_r1 = jax.random.uniform(ks[4], (D, D), jnp.float32, -s1, s1)
    W_l2 = jax.random.uniform(ks[5], (D, 1), jnp.float32, -s1, s1)
    b_l2 = jnp.zeros((1,), jnp.float32)
    W_r2 = jax.random.uniform(ks[6], (D, 1), jnp.float32, -s1, s1)
    return {"edge_index": edge_index, "user_emb": user_emb, "movie_emb": movie_emb,
            "W_l1": W_l1, "b_l1": b_l1, "W_r1": W_r1,
            "W_l2": W_l2, "b_l2": b_l2, "W_r2": W_r2}


def reference(edge_index, user_emb, movie_emb, W_l1, b_l1, W_r1, W_l2, b_l2, W_r2):
    x = jnp.concatenate([user_emb, movie_emb], axis=0)
    x = sage_conv(x, edge_index, W_l1, b_l1, W_r1)
    x = jax.nn.relu(x)
    x = sage_conv(x, edge_index, W_l2, b_l2, W_r2)
    return x

if __name__ == "__main__":
    import jax
    _d = setup_inputs()
    print(jax.jit(kernel)(*tuple(_d.values())))

</pallas_src>

<mosaic_0001>
#map = affine_map<(d0, d1) -> (0)>
#map1 = affine_map<(d0, d1) -> (0, 0, 0)>
module attributes {stable_mosaic.version = 14 : i64} {
  func.func @k(%arg0: i32, %arg1: i32, %arg2: memref<50000xf32, #tpu.memory_space<hbm>>, %arg3: memref<2x12500x128xi32, #tpu.memory_space<hbm>>, %arg4: memref<32x1x50000xf32, #tpu.memory_space<hbm>>, %arg5: memref<48x128xi32, #tpu.memory_space<vmem>>, %arg6: memref<48x128xi32, #tpu.memory_space<vmem>>, %arg7: memref<50000xf32, #tpu.memory_space<vmem>>, %arg8: memref<50016xf32, #tpu.memory_space<vmem>>, %arg9: memref<!tpu.dma_semaphore, #tpu.memory_space<semaphore_mem>>) attributes {dimension_semantics = [#tpu.dimension_semantics<core_parallel>, #tpu.dimension_semantics<subcore_parallel>], iteration_bounds = array<i64: 2, 16>, scalar_prefetch = 0 : i64, scratch_operands = 5 : i64, tpu.core_type = #tpu.core_type<sc_vector_subcore>, window_params = [{transform_indices = #map}, {transform_indices = #map1}, {transform_indices = #map1}]} {
    %mul3A = arith.constant 2 : i32
    %mul3A_0 = arith.muli %arg1, %mul3A : i32
    %add3A = arith.addi %mul3A_0, %arg0 : i32
    %broadcast_in_dim3A = arith.constant 0.000000e+00 : f32
    %broadcast_in_dim3A_1 = vector.broadcast %broadcast_in_dim3A : f32 to vector<16xf32>
    tpu.enqueue_dma source(%arg2 : memref<50000xf32, #tpu.memory_space<hbm>>) target(%arg7 : memref<50000xf32, #tpu.memory_space<vmem>>) target_semaphore(%arg9 : memref<!tpu.dma_semaphore, #tpu.memory_space<semaphore_mem>>)
    %scan3A = arith.constant 0 : i32
    %scan3A_2 = arith.constant 0 : i32
    %scan3A_3 = arith.constant 390 : i32
    %scan3A_4 = arith.addi %scan3A_2, %scan3A_3 : i32
    %scan3A_5 = arith.constant 1 : i32
    %scan3A_6 = scf.for %scan3A_34 = %scan3A_2 to %scan3A_4 step %scan3A_5 iter_args(%scan3A_35 = %scan3A) -> (i32)  : i32 {
      %mul3A_36 = arith.constant 8 : i32
      %mul3A_37 = arith.muli %scan3A_34, %mul3A_36 : i32
      %add3A_38 = arith.constant 0 : i32
      %add3A_39 = arith.addi %mul3A_37, %add3A_38 : i32
      %mul3A_40 = arith.constant 16 : i32
      %mul3A_41 = arith.muli %add3A_39, %mul3A_40 : i32
      %swap3A_42 = arith.index_cast %mul3A_41 : i32 to index
      %swap3A_43 = tpu.vector_load %arg8[%swap3A_42] {strides = array<i32>} : memref<50016xf32, #tpu.memory_space<vmem>>, vector<16xf32>,
      tpu.vector_store %arg8[%swap3A_42], %broadcast_in_dim3A_1 {strides = array<i32>} : memref<50016xf32, #tpu.memory_space<vmem>>, vector<16xf32>,
      %mul3A_44 = arith.constant 8 : i32
      %mul3A_45 = arith.muli %scan3A_34, %mul3A_44 : i32
      %add3A_46 = arith.constant 1 : i32
      %add3A_47 = arith.addi %mul3A_45, %add3A_46 : i32
      %mul3A_48 = arith.constant 16 : i32
      %mul3A_49 = arith.muli %add3A_47, %mul3A_48 : i32
      %swap3A_50 = arith.index_cast %mul3A_49 : i32 to index
      %swap3A_51 = tpu.vector_load %arg8[%swap3A_50] {strides = array<i32>} : memref<50016xf32, #tpu.memory_space<vmem>>, vector<16xf32>,
      tpu.vector_store %arg8[%swap3A_50], %broadcast_in_dim3A_1 {strides = array<i32>} : memref<50016xf32, #tpu.memory_space<vmem>>, vector<16xf32>,
      %mul3A_52 = arith.constant 8 : i32
      %mul3A_53 = arith.muli %scan3A_34, %mul3A_52 : i32
      %add3A_54 = arith.constant 2 : i32
      %add3A_55 = arith.addi %mul3A_53, %add3A_54 : i32
      %mul3A_56 = arith.constant 16 : i32
      %mul3A_57 = arith.muli %add3A_55, %mul3A_56 : i32
      %swap3A_58 = arith.index_cast %mul3A_57 : i32 to index
      %swap3A_59 = tpu.vector_load %arg8[%swap3A_58] {strides = array<i32>} : memref<50016xf32, #tpu.memory_space<vmem>>, vector<16xf32>,
      tpu.vector_store %arg8[%swap3A_58], %broadcast_in_dim3A_1 {strides = array<i32>} : memref<50016xf32, #tpu.memory_space<vmem>>, vector<16xf32>,
      %mul3A_60 = arith.constant 8 : i32
      %mul3A_61 = arith.muli %scan3A_34, %mul3A_60 : i32
      %add3A_62 = arith.constant 3 : i32
      %add3A_63 = arith.addi %mul3A_61, %add3A_62 : i32
      %mul3A_64 = arith.constant 16 : i32
      %mul3A_65 = arith.muli %add3A_63, %mul3A_64 : i32
      %swap3A_66 = arith.index_cast %mul3A_65 : i32 to index
      %swap3A_67 = tpu.vector_load %arg8[%swap3A_66] {strides = array<i32>} : memref<50016xf32, #tpu.memory_space<vmem>>, vector<16xf32>,
      tpu.vector_store %arg8[%swap3A_66], %broadcast_in_dim3A_1 {strides = array<i32>} : memref<50016xf32, #tpu.memory_space<vmem>>, vector<16xf32>,
      %mul3A_68 = arith.constant 8 : i32
      %mul3A_69 = arith.muli %scan3A_34, %mul3A_68 : i32
      %add3A_70 = arith.constant 4 : i32
      %add3A_71 = arith.addi %mul3A_69, %add3A_70 : i32
      %mul3A_72 = arith.constant 16 : i32
      %mul3A_73 = arith.muli %add3A_71, %mul3A_72 : i32
      %swap3A_74 = arith.index_cast %mul3A_73 : i32 to index
      %swap3A_75 = tpu.vector_load %arg8[%swap3A_74] {strides = array<i32>} : memref<50016xf32, #tpu.memory_space<vmem>>, vector<16xf32>,
      tpu.vector_store %arg8[%swap3A_74], %broadcast_in_dim3A_1 {strides = array<i32>} : memref<50016xf32, #tpu.memory_space<vmem>>, vector<16xf32>,
      %mul3A_76 = arith.constant 8 : i32
      %mul3A_77 = arith.muli %scan3A_34, %mul3A_76 : i32
      %add3A_78 = arith.constant 5 : i32
      %add3A_79 = arith.addi %mul3A_77, %add3A_78 : i32
      %mul3A_80 = arith.constant 16 : i32
      %mul3A_81 = arith.muli %add3A_79, %mul3A_80 : i32
      %swap3A_82 = arith.index_cast %mul3A_81 : i32 to index
      %swap3A_83 = tpu.vector_load %arg8[%swap3A_82] {strides = array<i32>} : memref<50016xf32, #tpu.memory_space<vmem>>, vector<16xf32>,
      tpu.vector_store %arg8[%swap3A_82], %broadcast_in_dim3A_1 {strides = array<i32>} : memref<50016xf32, #tpu.memory_space<vmem>>, vector<16xf32>,
      %mul3A_84 = arith.constant 8 : i32
      %mul3A_85 = arith.muli %scan3A_34, %mul3A_84 : i32
      %add3A_86 = arith.constant 6 : i32
      %add3A_87 = arith.addi %mul3A_85, %add3A_86 : i32
      %mul3A_88 = arith.constant 16 : i32
      %mul3A_89 = arith.muli %add3A_87, %mul3A_88 : i32
      %swap3A_90 = arith.index_cast %mul3A_89 : i32 to index
      %swap3A_91 = tpu.vector_load %arg8[%swap3A_90] {strides = array<i32>} : memref<50016xf32, #tpu.memory_space<vmem>>, vector<16xf32>,
      tpu.vector_store %arg8[%swap3A_90], %broadcast_in_dim3A_1 {strides = array<i32>} : memref<50016xf32, #tpu.memory_space<vmem>>, vector<16xf32>,
      %mul3A_92 = arith.constant 8 : i32
      %mul3A_93 = arith.muli %scan3A_34, %mul3A_92 : i32
      %add3A_94 = arith.constant 7 : i32
      %add3A_95 = arith.addi %mul3A_93, %add3A_94 : i32
      %mul3A_96 = arith.constant 16 : i32
      %mul3A_97 = arith.muli %add3A_95, %mul3A_96 : i32
      %swap3A_98 = arith.index_cast %mul3A_97 : i32 to index
      %swap3A_99 = tpu.vector_load %arg8[%swap3A_98] {strides = array<i32>} : memref<50016xf32, #tpu.memory_space<vmem>>, vector<16xf32>,
      tpu.vector_store %arg8[%swap3A_98], %broadcast_in_dim3A_1 {strides = array<i32>} : memref<50016xf32, #tpu.memory_space<vmem>>, vector<16xf32>,
      %scan3A_100 = arith.constant 0 : i32
      scf.yield %scan3A_100 : i32
    }
    %scan3A_7 = arith.constant 390 : i32
    %swap3A = arith.constant 49920 : index
    %swap3A_8 = tpu.vector_load %arg8[%swap3A] {strides = array<i32>} : memref<50016xf32, #tpu.memory_space<vmem>>, vector<16xf32>,
    tpu.vector_store %arg8[%swap3A], %broadcast_in_dim3A_1 {strides = array<i32>} : memref<50016xf32, #tpu.memory_space<vmem>>, vector<16xf32>,
    %swap3A_9 = arith.constant 49936 : index
    %swap3A_10 = tpu.vector_load %arg8[%swap3A_9] {strides = array<i32>} : memref<50016xf32, #tpu.memory_space<vmem>>, vector<16xf32>,
    tpu.vector_store %arg8[%swap3A_9], %broadcast_in_dim3A_1 {strides = array<i32>} : memref<50016xf32, #tpu.memory_space<vmem>>, vector<16xf32>,
    %swap3A_11 = arith.constant 49952 : index
    %swap3A_12 = tpu.vector_load %arg8[%swap3A_11] {strides = array<i32>} : memref<50016xf32, #tpu.memory_space<vmem>>, vector<16xf32>,
    tpu.vector_store %arg8[%swap3A_11], %broadcast_in_dim3A_1 {strides = array<i32>} : memref<50016xf32, #tpu.memory_space<vmem>>, vector<16xf32>,
    %swap3A_13 = arith.constant 49968 : index
    %swap3A_14 = tpu.vector_load %arg8[%swap3A_13] {strides = array<i32>} : memref<50016xf32, #tpu.memory_space<vmem>>, vector<16xf32>,
    tpu.vector_store %arg8[%swap3A_13], %broadcast_in_dim3A_1 {strides = array<i32>} : memref<50016xf32, #tpu.memory_space<vmem>>, vector<16xf32>,
    %swap3A_15 = arith.constant 49984 : index
    %swap3A_16 = tpu.vector_load %arg8[%swap3A_15] {strides = array<i32>} : memref<50016xf32, #tpu.memory_space<vmem>>, vector<16xf32>,
    tpu.vector_store %arg8[%swap3A_15], %broadcast_in_dim3A_1 {strides = array<i32>} : memref<50016xf32, #tpu.memory_space<vmem>>, vector<16xf32>,
    %swap3A_17 = arith.constant 50000 : index
    %swap3A_18 = tpu.vector_load %arg8[%swap3A_17] {strides = array<i32>} : memref<50016xf32, #tpu.memory_space<vmem>>, vector<16xf32>,
    tpu.vector_store %arg8[%swap3A_17], %broadcast_in_dim3A_1 {strides = array<i32>} : memref<50016xf32, #tpu.memory_space<vmem>>, vector<16xf32>,
    tpu.wait_dma2 semaphore(%arg9 : memref<!tpu.dma_semaphore, #tpu.memory_space<semaphore_mem>>) src(%arg2 : memref<50000xf32, #tpu.memory_space<hbm>>) dst(%arg7 : memref<50000xf32, #tpu.memory_space<vmem>>)
    %mul3A_19 = arith.constant 384 : i32
    %mul3A_20 = arith.muli %add3A, %mul3A_19 : i32
    %scan3A_21 = arith.constant 0 : i32
    %scan3A_22 = arith.constant 0 : i32
    %scan3A_23 = arith.constant 8 : i32
    %scan3A_24 = arith.addi %scan3A_22, %scan3A_23 : i32
    %scan3A_25 = arith.constant 1 : i32
    %scan3A_26 = scf.for %scan3A_34 = %scan3A_22 to %scan3A_24 step %scan3A_25 iter_args(%scan3A_35 = %scan3A_21) -> (i32)  : i32 {
      %mul3A_36 = arith.constant 48 : i32
      %mul3A_37 = arith.muli %scan3A_34, %mul3A_36 : i32
      %add3A_38 = arith.addi %mul3A_20, %mul3A_37 : i32
      %run_scoped3A_39 = arith.constant 0 : i32
      "tpu.region"() ({
        %run_scoped3A_49 = tpu.sem_alloc : memref<!tpu.dma_semaphore, #tpu.memory_space<semaphore_mem>>
        %dma_start3A = arith.constant 0 : i32
        %dma_start3A_50 = tpu.memref_slice %arg3[%run_scoped3A_39, %add3A_38, %dma_start3A] : memref<2x12500x128xi32, #tpu.memory_space<hbm>> -> memref<1x48x128xi32, #tpu.memory_space<hbm>>
        %dma_start3A_51 = tpu.memref_squeeze %dma_start3A_50 : memref<1x48x128xi32, #tpu.memory_space<hbm>> -> memref<48x128xi32, #tpu.memory_space<hbm>>
        %dma_start3A_52 = arith.constant 0 : i32
        %dma_start3A_53 = tpu.memref_slice %arg3[%run_scoped3A_39, %add3A_38, %dma_start3A_52] : memref<2x12500x128xi32, #tpu.memory_space<hbm>> -> memref<1x48x128xi32, #tpu.memory_space<hbm>>
        %dma_start3A_54 = tpu.memref_squeeze %dma_start3A_53 : memref<1x48x128xi32, #tpu.memory_space<hbm>> -> memref<48x128xi32, #tpu.memory_space<hbm>>
        tpu.enqueue_dma source(%dma_start3A_54 : memref<48x128xi32, #tpu.memory_space<hbm>>) target(%arg5 : memref<48x128xi32, #tpu.memory_space<vmem>>) target_semaphore(%run_scoped3A_49 : memref<!tpu.dma_semaphore, #tpu.memory_space<semaphore_mem>>)
        %dma_wait3A = arith.constant 0 : i32
        %dma_wait3A_55 = tpu.memref_slice %arg3[%run_scoped3A_39, %add3A_38, %dma_wait3A] : memref<2x12500x128xi32, #tpu.memory_space<hbm>> -> memref<1x48x128xi32, #tpu.memory_space<hbm>>
        %dma_wait3A_56 = tpu.memref_squeeze %dma_wait3A_55 : memref<1x48x128xi32, #tpu.memory_space<hbm>> -> memref<48x128xi32, #tpu.memory_space<hbm>>
        %dma_wait3A_57 = arith.constant 0 : i32
        %dma_wait3A_58 = tpu.memref_slice %arg3[%run_scoped3A_39, %add3A_38, %dma_wait3A_57] : memref<2x12500x128xi32, #tpu.memory_space<hbm>> -> memref<1x48x128xi32, #tpu.memory_space<hbm>>
        %dma_wait3A_59 = tpu.memref_squeeze %dma_wait3A_58 : memref<1x48x128xi32, #tpu.memory_space<hbm>> -> memref<48x128xi32, #tpu.memory_space<hbm>>
        tpu.wait_dma2 semaphore(%run_scoped3A_49 : memref<!tpu.dma_semaphore, #tpu.memory_space<semaphore_mem>>) src(%dma_wait3A_59 : memref<48x128xi32, #tpu.memory_space<hbm>>) dst(%arg5 : memref<48x128xi32, #tpu.memory_space<vmem>>)
        tpu.yield
      }) : () -> ()
      %run_scoped3A_40 = arith.constant 1 : i32
      "tpu.region"() ({
        %run_scoped3A_49 = tpu.sem_alloc : memref<!tpu.dma_semaphore, #tpu.memory_space<semaphore_mem>>
        %dma_start3A = arith.constant 0 : i32
        %dma_start3A_50 = tpu.memref_slice %arg3[%run_scoped3A_40, %add3A_38, %dma_start3A] : memref<2x12500x128xi32, #tpu.memory_space<hbm>> -> memref<1x48x128xi32, #tpu.memory_space<hbm>>
        %dma_start3A_51 = tpu.memref_squeeze %dma_start3A_50 : memref<1x48x128xi32, #tpu.memory_space<hbm>> -> memref<48x128xi32, #tpu.memory_space<hbm>>
        %dma_start3A_52 = arith.constant 0 : i32
        %dma_start3A_53 = tpu.memref_slice %arg3[%run_scoped3A_40, %add3A_38, %dma_start3A_52] : memref<2x12500x128xi32, #tpu.memory_space<hbm>> -> memref<1x48x128xi32, #tpu.memory_space<hbm>>
        %dma_start3A_54 = tpu.memref_squeeze %dma_start3A_53 : memref<1x48x128xi32, #tpu.memory_space<hbm>> -> memref<48x128xi32, #tpu.memory_space<hbm>>
        tpu.enqueue_dma source(%dma_start3A_54 : memref<48x128xi32, #tpu.memory_space<hbm>>) target(%arg6 : memref<48x128xi32, #tpu.memory_space<vmem>>) target_semaphore(%run_scoped3A_49 : memref<!tpu.dma_semaphore, #tpu.memory_space<semaphore_mem>>)
        %dma_wait3A = arith.constant 0 : i32
        %dma_wait3A_55 = tpu.memref_slice %arg3[%run_scoped3A_40, %add3A_38, %dma_wait3A] : memref<2x12500x128xi32, #tpu.memory_space<hbm>> -> memref<1x48x128xi32, #tpu.memory_space<hbm>>
        %dma_wait3A_56 = tpu.memref_squeeze %dma_wait3A_55 : memref<1x48x128xi32, #tpu.memory_space<hbm>> -> memref<48x128xi32, #tpu.memory_space<hbm>>
        %dma_wait3A_57 = arith.constant 0 : i32
        %dma_wait3A_58 = tpu.memref_slice %arg3[%run_scoped3A_40, %add3A_38, %dma_wait3A_57] : memref<2x12500x128xi32, #tpu.memory_space<hbm>> -> memref<1x48x128xi32, #tpu.memory_space<hbm>>
        %dma_wait3A_59 = tpu.memref_squeeze %dma_wait3A_58 : memref<1x48x128xi32, #tpu.memory_space<hbm>> -> memref<48x128xi32, #tpu.memory_space<hbm>>
        tpu.wait_dma2 semaphore(%run_scoped3A_49 : memref<!tpu.dma_semaphore, #tpu.memory_space<semaphore_mem>>) src(%dma_wait3A_59 : memref<48x128xi32, #tpu.memory_space<hbm>>) dst(%arg6 : memref<48x128xi32, #tpu.memory_space<vmem>>)
        tpu.yield
      }) : () -> ()
      %scan3A_41 = arith.constant 0 : i32
      %scan3A_42 = arith.constant 0 : i32
      %scan3A_43 = arith.constant 48 : i32
      %scan3A_44 = arith.addi %scan3A_42, %scan3A_43 : i32
      %scan3A_45 = arith.constant 1 : i32
      %scan3A_46 = scf.for %scan3A_49 = %scan3A_42 to %scan3A_44 step %scan3A_45 iter_args(%scan3A_50 = %scan3A_41) -> (i32)  : i32 {
        %get3A = arith.index_cast %scan3A_49 : i32 to index
        %get3A_51 = arith.constant 0 : index
        %get3A_52 = tpu.vector_load %arg5[%get3A, %get3A_51] {strides = array<i32>} : memref<48x128xi32, #tpu.memory_space<vmem>>, vector<16xi32>,
        %get3A_53 = arith.index_cast %scan3A_49 : i32 to index
        %get3A_54 = arith.constant 0 : index
        %get3A_55 = tpu.vector_load %arg6[%get3A_53, %get3A_54] {strides = array<i32>} : memref<48x128xi32, #tpu.memory_space<vmem>>, vector<16xi32>,
        %gather3A = tpu.vector_load_idx %arg7[%get3A_52] : memref<50000xf32, #tpu.memory_space<vmem>>[vector<16xi32>], vector<16xf32>,
        tpu.vector_store_idx %arg8[%get3A_55], %gather3A {add = true} : memref<50016xf32, #tpu.memory_space<vmem>>[vector<16xi32>], vector<16xf32>,
        %get3A_56 = arith.index_cast %scan3A_49 : i32 to index
        %get3A_57 = arith.constant 16 : index
        %get3A_58 = tpu.vector_load %arg5[%get3A_56, %get3A_57] {strides = array<i32>} : memref<48x128xi32, #tpu.memory_space<vmem>>, vector<16xi32>,
        %get3A_59 = arith.index_cast %scan3A_49 : i32 to index
        %get3A_60 = arith.constant 16 : index
        %get3A_61 = tpu.vector_load %arg6[%get3A_59, %get3A_60] {strides = array<i32>} : memref<48x128xi32, #tpu.memory_space<vmem>>, vector<16xi32>,
        %gather3A_62 = tpu.vector_load_idx %arg7[%get3A_58] : memref<50000xf32, #tpu.memory_space<vmem>>[vector<16xi32>], vector<16xf32>,
        tpu.vector_store_idx %arg8[%get3A_61], %gather3A_62 {add = true} : memref<50016xf32, #tpu.memory_space<vmem>>[vector<16xi32>], vector<16xf32>,
        %get3A_63 = arith.index_cast %scan3A_49 : i32 to index
        %get3A_64 = arith.constant 32 : index
        %get3A_65 = tpu.vector_load %arg5[%get3A_63, %get3A_64] {strides = array<i32>} : memref<48x128xi32, #tpu.memory_space<vmem>>, vector<16xi32>,
        %get3A_66 = arith.index_cast %scan3A_49 : i32 to index
        %get3A_67 = arith.constant 32 : index
        %get3A_68 = tpu.vector_load %arg6[%get3A_66, %get3A_67] {strides = array<i32>} : memref<48x128xi32, #tpu.memory_space<vmem>>, vector<16xi32>,
        %gather3A_69 = tpu.vector_load_idx %arg7[%get3A_65] : memref<50000xf32, #tpu.memory_space<vmem>>[vector<16xi32>], vector<16xf32>,
        tpu.vector_store_idx %arg8[%get3A_68], %gather3A_69 {add = true} : memref<50016xf32, #tpu.memory_space<vmem>>[vector<16xi32>], vector<16xf32>,
        %get3A_70 = arith.index_cast %scan3A_49 : i32 to index
        %get3A_71 = arith.constant 48 : index
        %get3A_72 = tpu.vector_load %arg5[%get3A_70, %get3A_71] {strides = array<i32>} : memref<48x128xi32, #tpu.memory_space<vmem>>, vector<16xi32>,
        %get3A_73 = arith.index_cast %scan3A_49 : i32 to index
        %get3A_74 = arith.constant 48 : index
        %get3A_75 = tpu.vector_load %arg6[%get3A_73, %get3A_74] {strides = array<i32>} : memref<48x128xi32, #tpu.memory_space<vmem>>, vector<16xi32>,
        %gather3A_76 = tpu.vector_load_idx %arg7[%get3A_72] : memref<50000xf32, #tpu.memory_space<vmem>>[vector<16xi32>], vector<16xf32>,
        tpu.vector_store_idx %arg8[%get3A_75], %gather3A_76 {add = true} : memref<50016xf32, #tpu.memory_space<vmem>>[vector<16xi32>], vector<16xf32>,
        %get3A_77 = arith.index_cast %scan3A_49 : i32 to index
        %get3A_78 = arith.constant 64 : index
        %get3A_79 = tpu.vector_load %arg5[%get3A_77, %get3A_78] {strides = array<i32>} : memref<48x128xi32, #tpu.memory_space<vmem>>, vector<16xi32>,
        %get3A_80 = arith.index_cast %scan3A_49 : i32 to index
        %get3A_81 = arith.constant 64 : index
        %get3A_82 = tpu.vector_load %arg6[%get3A_80, %get3A_81] {strides = array<i32>} : memref<48x128xi32, #tpu.memory_space<vmem>>, vector<16xi32>,
        %gather3A_83 = tpu.vector_load_idx %arg7[%get3A_79] : memref<50000xf32, #tpu.memory_space<vmem>>[vector<16xi32>], vector<16xf32>,
        tpu.vector_store_idx %arg8[%get3A_82], %gather3A_83 {add = true} : memref<50016xf32, #tpu.memory_space<vmem>>[vector<16xi32>], vector<16xf32>,
        %get3A_84 = arith.index_cast %scan3A_49 : i32 to index
        %get3A_85 = arith.constant 80 : index
        %get3A_86 = tpu.vector_load %arg5[%get3A_84, %get3A_85] {strides = array<i32>} : memref<48x128xi32, #tpu.memory_space<vmem>>, vector<16xi32>,
        %get3A_87 = arith.index_cast %scan3A_49 : i32 to index
        %get3A_88 = arith.constant 80 : index
        %get3A_89 = tpu.vector_load %arg6[%get3A_87, %get3A_88] {strides = array<i32>} : memref<48x128xi32, #tpu.memory_space<vmem>>, vector<16xi32>,
        %gather3A_90 = tpu.vector_load_idx %arg7[%get3A_86] : memref<50000xf32, #tpu.memory_space<vmem>>[vector<16xi32>], vector<16xf32>,
        tpu.vector_store_idx %arg8[%get3A_89], %gather3A_90 {add = true} : memref<50016xf32, #tpu.memory_space<vmem>>[vector<16xi32>], vector<16xf32>,
        %get3A_91 = arith.index_cast %scan3A_49 : i32 to index
        %get3A_92 = arith.constant 96 : index
        %get3A_93 = tpu.vector_load %arg5[%get3A_91, %get3A_92] {strides = array<i32>} : memref<48x128xi32, #tpu.memory_space<vmem>>, vector<16xi32>,
        %get3A_94 = arith.index_cast %scan3A_49 : i32 to index
        %get3A_95 = arith.constant 96 : index
        %get3A_96 = tpu.vector_load %arg6[%get3A_94, %get3A_95] {strides = array<i32>} : memref<48x128xi32, #tpu.memory_space<vmem>>, vector<16xi32>,
        %gather3A_97 = tpu.vector_load_idx %arg7[%get3A_93] : memref<50000xf32, #tpu.memory_space<vmem>>[vector<16xi32>], vector<16xf32>,
        tpu.vector_store_idx %arg8[%get3A_96], %gather3A_97 {add = true} : memref<50016xf32, #tpu.memory_space<vmem>>[vector<16xi32>], vector<16xf32>,
        %get3A_98 = arith.index_cast %scan3A_49 : i32 to index
        %get3A_99 = arith.constant 112 : index
        %get3A_100 = tpu.vector_load %arg5[%get3A_98, %get3A_99] {strides = array<i32>} : memref<48x128xi32, #tpu.memory_space<vmem>>, vector<16xi32>,
        %get3A_101 = arith.index_cast %scan3A_49 : i32 to index
        %get3A_102 = arith.constant 112 : index
        %get3A_103 = tpu.vector_load %arg6[%get3A_101, %get3A_102] {strides = array<i32>} : memref<48x128xi32, #tpu.memory_space<vmem>>, vector<16xi32>,
        %gather3A_104 = tpu.vector_load_idx %arg7[%get3A_100] : memref<50000xf32, #tpu.memory_space<vmem>>[vector<16xi32>], vector<16xf32>,
        tpu.vector_store_idx %arg8[%get3A_103], %gather3A_104 {add = true} : memref<50016xf32, #tpu.memory_space<vmem>>[vector<16xi32>], vector<16xf32>,
        %scan3A_105 = arith.constant 0 : i32
        scf.yield %scan3A_105 : i32
      }
      %scan3A_47 = arith.constant 48 : i32
      %scan3A_48 = arith.constant 0 : i32
      scf.yield %scan3A_48 : i32
    }
    %scan3A_27 = arith.constant 8 : i32
    %lt3A = arith.constant 26 : i32
    %lt3A_28 = arith.cmpi slt, %add3A, %lt3A : i32
    %convert_element_type3A = arith.extui %lt3A_28 : i1 to i32
    %cond3A = arith.constant 0 : i32
    %cond3A_29 = arith.cmpi ne, %convert_element_type3A, %cond3A : i32
    scf.if %cond3A_29 {
      %mul3A_34 = arith.constant 8 : i32
      %mul3A_35 = arith.muli %add3A, %mul3A_34 : i32
      %add3A_36 = arith.constant 12288 : i32
      %add3A_37 = arith.addi %add3A_36, %mul3A_35 : i32
      %run_scoped3A_38 = arith.constant 0 : i32
      "tpu.region"() ({
        %run_scoped3A_47 = tpu.sem_alloc : memref<!tpu.dma_semaphore, #tpu.memory_space<semaphore_mem>>
        %dma_start3A = arith.constant 0 : i32
        %dma_start3A_48 = arith.constant 0 : i32
        %dma_start3A_49 = tpu.memref_slice %arg5[%dma_start3A, %dma_start3A_48] : memref<48x128xi32, #tpu.memory_space<vmem>> -> memref<8x128xi32, #tpu.memory_space<vmem>>
        %dma_start3A_50 = arith.constant 0 : i32
        %dma_start3A_51 = tpu.memref_slice %arg3[%run_scoped3A_38, %add3A_37, %dma_start3A_50] : memref<2x12500x128xi32, #tpu.memory_space<hbm>> -> memref<1x8x128xi32, #tpu.memory_space<hbm>>
        %dma_start3A_52 = tpu.memref_squeeze %dma_start3A_51 : memref<1x8x128xi32, #tpu.memory_space<hbm>> -> memref<8x128xi32, #tpu.memory_space<hbm>>
        %dma_start3A_53 = arith.constant 0 : i32
        %dma_start3A_54 = arith.constant 0 : i32
        %dma_start3A_55 = tpu.memref_slice %arg5[%dma_start3A_53, %dma_start3A_54] : memref<48x128xi32, #tpu.memory_space<vmem>> -> memref<8x128xi32, #tpu.memory_space<vmem>>
        %dma_start3A_56 = arith.constant 0 : i32
        %dma_start3A_57 = tpu.memref_slice %arg3[%run_scoped3A_38, %add3A_37, %dma_start3A_56] : memref<2x12500x128xi32, #tpu.memory_space<hbm>> -> memref<1x8x128xi32, #tpu.memory_space<hbm>>
        %dma_start3A_58 = tpu.memref_squeeze %dma_start3A_57 : memref<1x8x128xi32, #tpu.memory_space<hbm>> -> memref<8x128xi32, #tpu.memory_space<hbm>>
        tpu.enqueue_dma source(%dma_start3A_58 : memref<8x128xi32, #tpu.memory_space<hbm>>) target(%dma_start3A_55 : memref<8x128xi32, #tpu.memory_space<vmem>>) target_semaphore(%run_scoped3A_47 : memref<!tpu.dma_semaphore, #tpu.memory_space<semaphore_mem>>)
        %dma_wait3A = arith.constant 0 : i32
        %dma_wait3A_59 = arith.constant 0 : i32
        %dma_wait3A_60 = tpu.memref_slice %arg5[%dma_wait3A, %dma_wait3A_59] : memref<48x128xi32, #tpu.memory_space<vmem>> -> memref<8x128xi32, #tpu.memory_space<vmem>>
        %dma_wait3A_61 = arith.constant 0 : i32
        %dma_wait3A_62 = tpu.memref_slice %arg3[%run_scoped3A_38, %add3A_37, %dma_wait3A_61] : memref<2x12500x128xi32, #tpu.memory_space<hbm>> -> memref<1x8x128xi32, #tpu.memory_space<hbm>>
        %dma_wait3A_63 = tpu.memref_squeeze %dma_wait3A_62 : memref<1x8x128xi32, #tpu.memory_space<hbm>> -> memref<8x128xi32, #tpu.memory_space<hbm>>
        %dma_wait3A_64 = arith.constant 0 : i32
        %dma_wait3A_65 = arith.constant 0 : i32
        %dma_wait3A_66 = tpu.memref_slice %arg5[%dma_wait3A_64, %dma_wait3A_65] : memref<48x128xi32, #tpu.memory_space<vmem>> -> memref<8x128xi32, #tpu.memory_space<vmem>>
        %dma_wait3A_67 = arith.constant 0 : i32
        %dma_wait3A_68 = tpu.memref_slice %arg3[%run_scoped3A_38, %add3A_37, %dma_wait3A_67] : memref<2x12500x128xi32, #tpu.memory_space<hbm>> -> memref<1x8x128xi32, #tpu.memory_space<hbm>>
        %dma_wait3A_69 = tpu.memref_squeeze %dma_wait3A_68 : memref<1x8x128xi32, #tpu.memory_space<hbm>> -> memref<8x128xi32, #tpu.memory_space<hbm>>
        tpu.wait_dma2 semaphore(%run_scoped3A_47 : memref<!tpu.dma_semaphore, #tpu.memory_space<semaphore_mem>>) src(%dma_wait3A_69 : memref<8x128xi32, #tpu.memory_space<hbm>>) dst(%dma_wait3A_66 : memref<8x128xi32, #tpu.memory_space<vmem>>)
        tpu.yield
      }) : () -> ()
      %run_scoped3A_39 = arith.constant 1 : i32
      "tpu.region"() ({
        %run_scoped3A_47 = tpu.sem_alloc : memref<!tpu.dma_semaphore, #tpu.memory_space<semaphore_mem>>
        %dma_start3A = arith.constant 0 : i32
        %dma_start3A_48 = arith.constant 0 : i32
        %dma_start3A_49 = tpu.memref_slice %arg6[%dma_start3A, %dma_start3A_48] : memref<48x128xi32, #tpu.memory_space<vmem>> -> memref<8x128xi32, #tpu.memory_space<vmem>>
        %dma_start3A_50 = arith.constant 0 : i32
        %dma_start3A_51 = tpu.memref_slice %arg3[%run_scoped3A_39, %add3A_37, %dma_start3A_50] : memref<2x12500x128xi32, #tpu.memory_space<hbm>> -> memref<1x8x128xi32, #tpu.memory_space<hbm>>
        %dma_start3A_52 = tpu.memref_squeeze %dma_start3A_51 : memref<1x8x128xi32, #tpu.memory_space<hbm>> -> memref<8x128xi32, #tpu.memory_space<hbm>>
        %dma_start3A_53 = arith.constant 0 : i32
        %dma_start3A_54 = arith.constant 0 : i32
        %dma_start3A_55 = tpu.memref_slice %arg6[%dma_start3A_53, %dma_start3A_54] : memref<48x128xi32, #tpu.memory_space<vmem>> -> memref<8x128xi32, #tpu.memory_space<vmem>>
        %dma_start3A_56 = arith.constant 0 : i32
        %dma_start3A_57 = tpu.memref_slice %arg3[%run_scoped3A_39, %add3A_37, %dma_start3A_56] : memref<2x12500x128xi32, #tpu.memory_space<hbm>> -> memref<1x8x128xi32, #tpu.memory_space<hbm>>
        %dma_start3A_58 = tpu.memref_squeeze %dma_start3A_57 : memref<1x8x128xi32, #tpu.memory_space<hbm>> -> memref<8x128xi32, #tpu.memory_space<hbm>>
        tpu.enqueue_dma source(%dma_start3A_58 : memref<8x128xi32, #tpu.memory_space<hbm>>) target(%dma_start3A_55 : memref<8x128xi32, #tpu.memory_space<vmem>>) target_semaphore(%run_scoped3A_47 : memref<!tpu.dma_semaphore, #tpu.memory_space<semaphore_mem>>)
        %dma_wait3A = arith.constant 0 : i32
        %dma_wait3A_59 = arith.constant 0 : i32
        %dma_wait3A_60 = tpu.memref_slice %arg6[%dma_wait3A, %dma_wait3A_59] : memref<48x128xi32, #tpu.memory_space<vmem>> -> memref<8x128xi32, #tpu.memory_space<vmem>>
        %dma_wait3A_61 = arith.constant 0 : i32
        %dma_wait3A_62 = tpu.memref_slice %arg3[%run_scoped3A_39, %add3A_37, %dma_wait3A_61] : memref<2x12500x128xi32, #tpu.memory_space<hbm>> -> memref<1x8x128xi32, #tpu.memory_space<hbm>>
        %dma_wait3A_63 = tpu.memref_squeeze %dma_wait3A_62 : memref<1x8x128xi32, #tpu.memory_space<hbm>> -> memref<8x128xi32, #tpu.memory_space<hbm>>
        %dma_wait3A_64 = arith.constant 0 : i32
        %dma_wait3A_65 = arith.constant 0 : i32
        %dma_wait3A_66 = tpu.memref_slice %arg6[%dma_wait3A_64, %dma_wait3A_65] : memref<48x128xi32, #tpu.memory_space<vmem>> -> memref<8x128xi32, #tpu.memory_space<vmem>>
        %dma_wait3A_67 = arith.constant 0 : i32
        %dma_wait3A_68 = tpu.memref_slice %arg3[%run_scoped3A_39, %add3A_37, %dma_wait3A_67] : memref<2x12500x128xi32, #tpu.memory_space<hbm>> -> memref<1x8x128xi32, #tpu.memory_space<hbm>>
        %dma_wait3A_69 = tpu.memref_squeeze %dma_wait3A_68 : memref<1x8x128xi32, #tpu.memory_space<hbm>> -> memref<8x128xi32, #tpu.memory_space<hbm>>
        tpu.wait_dma2 semaphore(%run_scoped3A_47 : memref<!tpu.dma_semaphore, #tpu.memory_space<semaphore_mem>>) src(%dma_wait3A_69 : memref<8x128xi32, #tpu.memory_space<hbm>>) dst(%dma_wait3A_66 : memref<8x128xi32, #tpu.memory_space<vmem>>)
        tpu.yield
      }) : () -> ()
      %scan3A_40 = arith.constant 0 : i32
      %scan3A_41 = arith.constant 0 : i32
      %scan3A_42 = arith.constant 8 : i32
      %scan3A_43 = arith.addi %scan3A_41, %scan3A_42 : i32
      %scan3A_44 = arith.constant 1 : i32
      %scan3A_45 = scf.for %scan3A_47 = %scan3A_41 to %scan3A_43 step %scan3A_44 iter_args(%scan3A_48 = %scan3A_40) -> (i32)  : i32 {
        %get3A = arith.index_cast %scan3A_47 : i32 to index
        %get3A_49 = arith.constant 0 : index
        %get3A_50 = tpu.vector_load %arg5[%get3A, %get3A_49] {strides = array<i32>} : memref<48x128xi32, #tpu.memory_space<vmem>>, vector<16xi32>,
        %get3A_51 = arith.index_cast %scan3A_47 : i32 to index
        %get3A_52 = arith.constant 0 : index
        %get3A_53 = tpu.vector_load %arg6[%get3A_51, %get3A_52] {strides = array<i32>} : memref<48x128xi32, #tpu.memory_space<vmem>>, vector<16xi32>,
        %gather3A = tpu.vector_load_idx %arg7[%get3A_50] : memref<50000xf32, #tpu.memory_space<vmem>>[vector<16xi32>], vector<16xf32>,
        tpu.vector_store_idx %arg8[%get3A_53], %gather3A {add = true} : memref<50016xf32, #tpu.memory_space<vmem>>[vector<16xi32>], vector<16xf32>,
        %get3A_54 = arith.index_cast %scan3A_47 : i32 to index
        %get3A_55 = arith.constant 16 : index
        %get3A_56 = tpu.vector_load %arg5[%get3A_54, %get3A_55] {strides = array<i32>} : memref<48x128xi32, #tpu.memory_space<vmem>>, vector<16xi32>,
        %get3A_57 = arith.index_cast %scan3A_47 : i32 to index
        %get3A_58 = arith.constant 16 : index
        %get3A_59 = tpu.vector_load %arg6[%get3A_57, %get3A_58] {strides = array<i32>} : memref<48x128xi32, #tpu.memory_space<vmem>>, vector<16xi32>,
        %gather3A_60 = tpu.vector_load_idx %arg7[%get3A_56] : memref<50000xf32, #tpu.memory_space<vmem>>[vector<16xi32>], vector<16xf32>,
        tpu.vector_store_idx %arg8[%get3A_59], %gather3A_60 {add = true} : memref<50016xf32, #tpu.memory_space<vmem>>[vector<16xi32>], vector<16xf32>,
        %get3A_61 = arith.index_cast %scan3A_47 : i32 to index
        %get3A_62 = arith.constant 32 : index
        %get3A_63 = tpu.vector_load %arg5[%get3A_61, %get3A_62] {strides = array<i32>} : memref<48x128xi32, #tpu.memory_space<vmem>>, vector<16xi32>,
        %get3A_64 = arith.index_cast %scan3A_47 : i32 to index
        %get3A_65 = arith.constant 32 : index
        %get3A_66 = tpu.vector_load %arg6[%get3A_64, %get3A_65] {strides = array<i32>} : memref<48x128xi32, #tpu.memory_space<vmem>>, vector<16xi32>,
        %gather3A_67 = tpu.vector_load_idx %arg7[%get3A_63] : memref<50000xf32, #tpu.memory_space<vmem>>[vector<16xi32>], vector<16xf32>,
        tpu.vector_store_idx %arg8[%get3A_66], %gather3A_67 {add = true} : memref<50016xf32, #tpu.memory_space<vmem>>[vector<16xi32>], vector<16xf32>,
        %get3A_68 = arith.index_cast %scan3A_47 : i32 to index
        %get3A_69 = arith.constant 48 : index
        %get3A_70 = tpu.vector_load %arg5[%get3A_68, %get3A_69] {strides = array<i32>} : memref<48x128xi32, #tpu.memory_space<vmem>>, vector<16xi32>,
        %get3A_71 = arith.index_cast %scan3A_47 : i32 to index
        %get3A_72 = arith.constant 48 : index
        %get3A_73 = tpu.vector_load %arg6[%get3A_71, %get3A_72] {strides = array<i32>} : memref<48x128xi32, #tpu.memory_space<vmem>>, vector<16xi32>,
        %gather3A_74 = tpu.vector_load_idx %arg7[%get3A_70] : memref<50000xf32, #tpu.memory_space<vmem>>[vector<16xi32>], vector<16xf32>,
        tpu.vector_store_idx %arg8[%get3A_73], %gather3A_74 {add = true} : memref<50016xf32, #tpu.memory_space<vmem>>[vector<16xi32>], vector<16xf32>,
        %get3A_75 = arith.index_cast %scan3A_47 : i32 to index
        %get3A_76 = arith.constant 64 : index
        %get3A_77 = tpu.vector_load %arg5[%get3A_75, %get3A_76] {strides = array<i32>} : memref<48x128xi32, #tpu.memory_space<vmem>>, vector<16xi32>,
        %get3A_78 = arith.index_cast %scan3A_47 : i32 to index
        %get3A_79 = arith.constant 64 : index
        %get3A_80 = tpu.vector_load %arg6[%get3A_78, %get3A_79] {strides = array<i32>} : memref<48x128xi32, #tpu.memory_space<vmem>>, vector<16xi32>,
        %gather3A_81 = tpu.vector_load_idx %arg7[%get3A_77] : memref<50000xf32, #tpu.memory_space<vmem>>[vector<16xi32>], vector<16xf32>,
        tpu.vector_store_idx %arg8[%get3A_80], %gather3A_81 {add = true} : memref<50016xf32, #tpu.memory_space<vmem>>[vector<16xi32>], vector<16xf32>,
        %get3A_82 = arith.index_cast %scan3A_47 : i32 to index
        %get3A_83 = arith.constant 80 : index
        %get3A_84 = tpu.vector_load %arg5[%get3A_82, %get3A_83] {strides = array<i32>} : memref<48x128xi32, #tpu.memory_space<vmem>>, vector<16xi32>,
        %get3A_85 = arith.index_cast %scan3A_47 : i32 to index
        %get3A_86 = arith.constant 80 : index
        %get3A_87 = tpu.vector_load %arg6[%get3A_85, %get3A_86] {strides = array<i32>} : memref<48x128xi32, #tpu.memory_space<vmem>>, vector<16xi32>,
        %gather3A_88 = tpu.vector_load_idx %arg7[%get3A_84] : memref<50000xf32, #tpu.memory_space<vmem>>[vector<16xi32>], vector<16xf32>,
        tpu.vector_store_idx %arg8[%get3A_87], %gather3A_88 {add = true} : memref<50016xf32, #tpu.memory_space<vmem>>[vector<16xi32>], vector<16xf32>,
        %get3A_89 = arith.index_cast %scan3A_47 : i32 to index
        %get3A_90 = arith.constant 96 : index
        %get3A_91 = tpu.vector_load %arg5[%get3A_89, %get3A_90] {strides = array<i32>} : memref<48x128xi32, #tpu.memory_space<vmem>>, vector<16xi32>,
        %get3A_92 = arith.index_cast %scan3A_47 : i32 to index
        %get3A_93 = arith.constant 96 : index
        %get3A_94 = tpu.vector_load %arg6[%get3A_92, %get3A_93] {strides = array<i32>} : memref<48x128xi32, #tpu.memory_space<vmem>>, vector<16xi32>,
        %gather3A_95 = tpu.vector_load_idx %arg7[%get3A_91] : memref<50000xf32, #tpu.memory_space<vmem>>[vector<16xi32>], vector<16xf32>,
        tpu.vector_store_idx %arg8[%get3A_94], %gather3A_95 {add = true} : memref<50016xf32, #tpu.memory_space<vmem>>[vector<16xi32>], vector<16xf32>,
        %get3A_96 = arith.index_cast %scan3A_47 : i32 to index
        %get3A_97 = arith.constant 112 : index
        %get3A_98 = tpu.vector_load %arg5[%get3A_96, %get3A_97] {strides = array<i32>} : memref<48x128xi32, #tpu.memory_space<vmem>>, vector<16xi32>,
        %get3A_99 = arith.index_cast %scan3A_47 : i32 to index
        %get3A_100 = arith.constant 112 : index
        %get3A_101 = tpu.vector_load %arg6[%get3A_99, %get3A_100] {strides = array<i32>} : memref<48x128xi32, #tpu.memory_space<vmem>>, vector<16xi32>,
        %gather3A_102 = tpu.vector_load_idx %arg7[%get3A_98] : memref<50000xf32, #tpu.memory_space<vmem>>[vector<16xi32>], vector<16xf32>,
        tpu.vector_store_idx %arg8[%get3A_101], %gather3A_102 {add = true} : memref<50016xf32, #tpu.memory_space<vmem>>[vector<16xi32>], vector<16xf32>,
        %scan3A_103 = arith.constant 0 : i32
        scf.yield %scan3A_103 : i32
      }
      %scan3A_46 = arith.constant 8 : i32
    } else {
    }
    %eq3A = arith.constant 26 : i32
    %eq3A_30 = arith.cmpi eq, %add3A, %eq3A : i32
    %convert_element_type3A_31 = arith.extui %eq3A_30 : i1 to i32
    %cond3A_32 = arith.constant 0 : i32
    %cond3A_33 = arith.cmpi ne, %convert_element_type3A_31, %cond3A_32 : i32
    scf.if %cond3A_33 {
      %run_scoped3A_34 = arith.constant 0 : i32
      "tpu.region"() ({
        %run_scoped3A_43 = tpu.sem_alloc : memref<!tpu.dma_semaphore, #tpu.memory_space<semaphore_mem>>
        %dma_start3A = arith.constant 0 : i32
        %dma_start3A_44 = arith.constant 0 : i32
        %dma_start3A_45 = tpu.memref_slice %arg5[%dma_start3A, %dma_start3A_44] : memref<48x128xi32, #tpu.memory_space<vmem>> -> memref<4x128xi32, #tpu.memory_space<vmem>>
        %dma_start3A_46 = arith.constant 12496 : i32
        %dma_start3A_47 = arith.constant 0 : i32
        %dma_start3A_48 = tpu.memref_slice %arg3[%run_scoped3A_34, %dma_start3A_46, %dma_start3A_47] : memref<2x12500x128xi32, #tpu.memory_space<hbm>> -> memref<1x4x128xi32, #tpu.memory_space<hbm>>
        %dma_start3A_49 = tpu.memref_squeeze %dma_start3A_48 : memref<1x4x128xi32, #tpu.memory_space<hbm>> -> memref<4x128xi32, #tpu.memory_space<hbm>>
        %dma_start3A_50 = arith.constant 0 : i32
        %dma_start3A_51 = arith.constant 0 : i32
        %dma_start3A_52 = tpu.memref_slice %arg5[%dma_start3A_50, %dma_start3A_51] : memref<48x128xi32, #tpu.memory_space<vmem>> -> memref<4x128xi32, #tpu.memory_space<vmem>>
        %dma_start3A_53 = arith.constant 12496 : i32
        %dma_start3A_54 = arith.constant 0 : i32
        %dma_start3A_55 = tpu.memref_slice %arg3[%run_scoped3A_34, %dma_start3A_53, %dma_start3A_54] : memref<2x12500x128xi32, #tpu.memory_space<hbm>> -> memref<1x4x128xi32, #tpu.memory_space<hbm>>
        %dma_start3A_56 = tpu.memref_squeeze %dma_start3A_55 : memref<1x4x128xi32, #tpu.memory_space<hbm>> -> memref<4x128xi32, #tpu.memory_space<hbm>>
        tpu.enqueue_dma source(%dma_start3A_56 : memref<4x128xi32, #tpu.memory_space<hbm>>) target(%dma_start3A_52 : memref<4x128xi32, #tpu.memory_space<vmem>>) target_semaphore(%run_scoped3A_43 : memref<!tpu.dma_semaphore, #tpu.memory_space<semaphore_mem>>)
        %dma_wait3A = arith.constant 0 : i32
        %dma_wait3A_57 = arith.constant 0 : i32
        %dma_wait3A_58 = tpu.memref_slice %arg5[%dma_wait3A, %dma_wait3A_57] : memref<48x128xi32, #tpu.memory_space<vmem>> -> memref<4x128xi32, #tpu.memory_space<vmem>>
        %dma_wait3A_59 = arith.constant 12496 : i32
        %dma_wait3A_60 = arith.constant 0 : i32
        %dma_wait3A_61 = tpu.memref_slice %arg3[%run_scoped3A_34, %dma_wait3A_59, %dma_wait3A_60] : memref<2x12500x128xi32, #tpu.memory_space<hbm>> -> memref<1x4x128xi32, #tpu.memory_space<hbm>>
        %dma_wait3A_62 = tpu.memref_squeeze %dma_wait3A_61 : memref<1x4x128xi32, #tpu.memory_space<hbm>> -> memref<4x128xi32, #tpu.memory_space<hbm>>
        %dma_wait3A_63 = arith.constant 0 : i32
        %dma_wait3A_64 = arith.constant 0 : i32
        %dma_wait3A_65 = tpu.memref_slice %arg5[%dma_wait3A_63, %dma_wait3A_64] : memref<48x128xi32, #tpu.memory_space<vmem>> -> memref<4x128xi32, #tpu.memory_space<vmem>>
        %dma_wait3A_66 = arith.constant 12496 : i32
        %dma_wait3A_67 = arith.constant 0 : i32
        %dma_wait3A_68 = tpu.memref_slice %arg3[%run_scoped3A_34, %dma_wait3A_66, %dma_wait3A_67] : memref<2x12500x128xi32, #tpu.memory_space<hbm>> -> memref<1x4x128xi32, #tpu.memory_space<hbm>>
        %dma_wait3A_69 = tpu.memref_squeeze %dma_wait3A_68 : memref<1x4x128xi32, #tpu.memory_space<hbm>> -> memref<4x128xi32, #tpu.memory_space<hbm>>
        tpu.wait_dma2 semaphore(%run_scoped3A_43 : memref<!tpu.dma_semaphore, #tpu.memory_space<semaphore_mem>>) src(%dma_wait3A_69 : memref<4x128xi32, #tpu.memory_space<hbm>>) dst(%dma_wait3A_65 : memref<4x128xi32, #tpu.memory_space<vmem>>)
        tpu.yield
      }) : () -> ()
      %run_scoped3A_35 = arith.constant 1 : i32
      "tpu.region"() ({
        %run_scoped3A_43 = tpu.sem_alloc : memref<!tpu.dma_semaphore, #tpu.memory_space<semaphore_mem>>
        %dma_start3A = arith.constant 0 : i32
        %dma_start3A_44 = arith.constant 0 : i32
        %dma_start3A_45 = tpu.memref_slice %arg6[%dma_start3A, %dma_start3A_44] : memref<48x128xi32, #tpu.memory_space<vmem>> -> memref<4x128xi32, #tpu.memory_space<vmem>>
        %dma_start3A_46 = arith.constant 12496 : i32
        %dma_start3A_47 = arith.constant 0 : i32
        %dma_start3A_48 = tpu.memref_slice %arg3[%run_scoped3A_35, %dma_start3A_46, %dma_start3A_47] : memref<2x12500x128xi32, #tpu.memory_space<hbm>> -> memref<1x4x128xi32, #tpu.memory_space<hbm>>
        %dma_start3A_49 = tpu.memref_squeeze %dma_start3A_48 : memref<1x4x128xi32, #tpu.memory_space<hbm>> -> memref<4x128xi32, #tpu.memory_space<hbm>>
        %dma_start3A_50 = arith.constant 0 : i32
        %dma_start3A_51 = arith.constant 0 : i32
        %dma_start3A_52 = tpu.memref_slice %arg6[%dma_start3A_50, %dma_start3A_51] : memref<48x128xi32, #tpu.memory_space<vmem>> -> memref<4x128xi32, #tpu.memory_space<vmem>>
        %dma_start3A_53 = arith.constant 12496 : i32
        %dma_start3A_54 = arith.constant 0 : i32
        %dma_start3A_55 = tpu.memref_slice %arg3[%run_scoped3A_35, %dma_start3A_53, %dma_start3A_54] : memref<2x12500x128xi32, #tpu.memory_space<hbm>> -> memref<1x4x128xi32, #tpu.memory_space<hbm>>
        %dma_start3A_56 = tpu.memref_squeeze %dma_start3A_55 : memref<1x4x128xi32, #tpu.memory_space<hbm>> -> memref<4x128xi32, #tpu.memory_space<hbm>>
        tpu.enqueue_dma source(%dma_start3A_56 : memref<4x128xi32, #tpu.memory_space<hbm>>) target(%dma_start3A_52 : memref<4x128xi32, #tpu.memory_space<vmem>>) target_semaphore(%run_scoped3A_43 : memref<!tpu.dma_semaphore, #tpu.memory_space<semaphore_mem>>)
        %dma_wait3A = arith.constant 0 : i32
        %dma_wait3A_57 = arith.constant 0 : i32
        %dma_wait3A_58 = tpu.memref_slice %arg6[%dma_wait3A, %dma_wait3A_57] : memref<48x128xi32, #tpu.memory_space<vmem>> -> memref<4x128xi32, #tpu.memory_space<vmem>>
        %dma_wait3A_59 = arith.constant 12496 : i32
        %dma_wait3A_60 = arith.constant 0 : i32
        %dma_wait3A_61 = tpu.memref_slice %arg3[%run_scoped3A_35, %dma_wait3A_59, %dma_wait3A_60] : memref<2x12500x128xi32, #tpu.memory_space<hbm>> -> memref<1x4x128xi32, #tpu.memory_space<hbm>>
        %dma_wait3A_62 = tpu.memref_squeeze %dma_wait3A_61 : memref<1x4x128xi32, #tpu.memory_space<hbm>> -> memref<4x128xi32, #tpu.memory_space<hbm>>
        %dma_wait3A_63 = arith.constant 0 : i32
        %dma_wait3A_64 = arith.constant 0 : i32
        %dma_wait3A_65 = tpu.memref_slice %arg6[%dma_wait3A_63, %dma_wait3A_64] : memref<48x128xi32, #tpu.memory_space<vmem>> -> memref<4x128xi32, #tpu.memory_space<vmem>>
        %dma_wait3A_66 = arith.constant 12496 : i32
        %dma_wait3A_67 = arith.constant 0 : i32
        %dma_wait3A_68 = tpu.memref_slice %arg3[%run_scoped3A_35, %dma_wait3A_66, %dma_wait3A_67] : memref<2x12500x128xi32, #tpu.memory_space<hbm>> -> memref<1x4x128xi32, #tpu.memory_space<hbm>>
        %dma_wait3A_69 = tpu.memref_squeeze %dma_wait3A_68 : memref<1x4x128xi32, #tpu.memory_space<hbm>> -> memref<4x128xi32, #tpu.memory_space<hbm>>
        tpu.wait_dma2 semaphore(%run_scoped3A_43 : memref<!tpu.dma_semaphore, #tpu.memory_space<semaphore_mem>>) src(%dma_wait3A_69 : memref<4x128xi32, #tpu.memory_space<hbm>>) dst(%dma_wait3A_65 : memref<4x128xi32, #tpu.memory_space<vmem>>)
        tpu.yield
      }) : () -> ()
      %scan3A_36 = arith.constant 0 : i32
      %scan3A_37 = arith.constant 0 : i32
      %scan3A_38 = arith.constant 4 : i32
      %scan3A_39 = arith.addi %scan3A_37, %scan3A_38 : i32
      %scan3A_40 = arith.constant 1 : i32
      %scan3A_41 = scf.for %scan3A_43 = %scan3A_37 to %scan3A_39 step %scan3A_40 iter_args(%scan3A_44 = %scan3A_36) -> (i32)  : i32 {
        %get3A = arith.index_cast %scan3A_43 : i32 to index
        %get3A_45 = arith.constant 0 : index
        %get3A_46 = tpu.vector_load %arg5[%get3A, %get3A_45] {strides = array<i32>} : memref<48x128xi32, #tpu.memory_space<vmem>>, vector<16xi32>,
        %get3A_47 = arith.index_cast %scan3A_43 : i32 to index
        %get3A_48 = arith.constant 0 : index
        %get3A_49 = tpu.vector_load %arg6[%get3A_47, %get3A_48] {strides = array<i32>} : memref<48x128xi32, #tpu.memory_space<vmem>>, vector<16xi32>,
        %gather3A = tpu.vector_load_idx %arg7[%get3A_46] : memref<50000xf32, #tpu.memory_space<vmem>>[vector<16xi32>], vector<16xf32>,
        tpu.vector_store_idx %arg8[%get3A_49], %gather3A {add = true} : memref<50016xf32, #tpu.memory_space<vmem>>[vector<16xi32>], vector<16xf32>,
        %get3A_50 = arith.index_cast %scan3A_43 : i32 to index
        %get3A_51 = arith.constant 16 : index
        %get3A_52 = tpu.vector_load %arg5[%get3A_50, %get3A_51] {strides = array<i32>} : memref<48x128xi32, #tpu.memory_space<vmem>>, vector<16xi32>,
        %get3A_53 = arith.index_cast %scan3A_43 : i32 to index
        %get3A_54 = arith.constant 16 : index
        %get3A_55 = tpu.vector_load %arg6[%get3A_53, %get3A_54] {strides = array<i32>} : memref<48x128xi32, #tpu.memory_space<vmem>>, vector<16xi32>,
        %gather3A_56 = tpu.vector_load_idx %arg7[%get3A_52] : memref<50000xf32, #tpu.memory_space<vmem>>[vector<16xi32>], vector<16xf32>,
        tpu.vector_store_idx %arg8[%get3A_55], %gather3A_56 {add = true} : memref<50016xf32, #tpu.memory_space<vmem>>[vector<16xi32>], vector<16xf32>,
        %get3A_57 = arith.index_cast %scan3A_43 : i32 to index
        %get3A_58 = arith.constant 32 : index
        %get3A_59 = tpu.vector_load %arg5[%get3A_57, %get3A_58] {strides = array<i32>} : memref<48x128xi32, #tpu.memory_space<vmem>>, vector<16xi32>,
        %get3A_60 = arith.index_cast %scan3A_43 : i32 to index
        %get3A_61 = arith.constant 32 : index
        %get3A_62 = tpu.vector_load %arg6[%get3A_60, %get3A_61] {strides = array<i32>} : memref<48x128xi32, #tpu.memory_space<vmem>>, vector<16xi32>,
        %gather3A_63 = tpu.vector_load_idx %arg7[%get3A_59] : memref<50000xf32, #tpu.memory_space<vmem>>[vector<16xi32>], vector<16xf32>,
        tpu.vector_store_idx %arg8[%get3A_62], %gather3A_63 {add = true} : memref<50016xf32, #tpu.memory_space<vmem>>[vector<16xi32>], vector<16xf32>,
        %get3A_64 = arith.index_cast %scan3A_43 : i32 to index
        %get3A_65 = arith.constant 48 : index
        %get3A_66 = tpu.vector_load %arg5[%get3A_64, %get3A_65] {strides = array<i32>} : memref<48x128xi32, #tpu.memory_space<vmem>>, vector<16xi32>,
        %get3A_67 = arith.index_cast %scan3A_43 : i32 to index
        %get3A_68 = arith.constant 48 : index
        %get3A_69 = tpu.vector_load %arg6[%get3A_67, %get3A_68] {strides = array<i32>} : memref<48x128xi32, #tpu.memory_space<vmem>>, vector<16xi32>,
        %gather3A_70 = tpu.vector_load_idx %arg7[%get3A_66] : memref<50000xf32, #tpu.memory_space<vmem>>[vector<16xi32>], vector<16xf32>,
        tpu.vector_store_idx %arg8[%get3A_69], %gather3A_70 {add = true} : memref<50016xf32, #tpu.memory_space<vmem>>[vector<16xi32>], vector<16xf32>,
        %get3A_71 = arith.index_cast %scan3A_43 : i32 to index
        %get3A_72 = arith.constant 64 : index
        %get3A_73 = tpu.vector_load %arg5[%get3A_71, %get3A_72] {strides = array<i32>} : memref<48x128xi32, #tpu.memory_space<vmem>>, vector<16xi32>,
        %get3A_74 = arith.index_cast %scan3A_43 : i32 to index
        %get3A_75 = arith.constant 64 : index
        %get3A_76 = tpu.vector_load %arg6[%get3A_74, %get3A_75] {strides = array<i32>} : memref<48x128xi32, #tpu.memory_space<vmem>>, vector<16xi32>,
        %gather3A_77 = tpu.vector_load_idx %arg7[%get3A_73] : memref<50000xf32, #tpu.memory_space<vmem>>[vector<16xi32>], vector<16xf32>,
        tpu.vector_store_idx %arg8[%get3A_76], %gather3A_77 {add = true} : memref<50016xf32, #tpu.memory_space<vmem>>[vector<16xi32>], vector<16xf32>,
        %get3A_78 = arith.index_cast %scan3A_43 : i32 to index
        %get3A_79 = arith.constant 80 : index
        %get3A_80 = tpu.vector_load %arg5[%get3A_78, %get3A_79] {strides = array<i32>} : memref<48x128xi32, #tpu.memory_space<vmem>>, vector<16xi32>,
        %get3A_81 = arith.index_cast %scan3A_43 : i32 to index
        %get3A_82 = arith.constant 80 : index
        %get3A_83 = tpu.vector_load %arg6[%get3A_81, %get3A_82] {strides = array<i32>} : memref<48x128xi32, #tpu.memory_space<vmem>>, vector<16xi32>,
        %gather3A_84 = tpu.vector_load_idx %arg7[%get3A_80] : memref<50000xf32, #tpu.memory_space<vmem>>[vector<16xi32>], vector<16xf32>,
        tpu.vector_store_idx %arg8[%get3A_83], %gather3A_84 {add = true} : memref<50016xf32, #tpu.memory_space<vmem>>[vector<16xi32>], vector<16xf32>,
        %get3A_85 = arith.index_cast %scan3A_43 : i32 to index
        %get3A_86 = arith.constant 96 : index
        %get3A_87 = tpu.vector_load %arg5[%get3A_85, %get3A_86] {strides = array<i32>} : memref<48x128xi32, #tpu.memory_space<vmem>>, vector<16xi32>,
        %get3A_88 = arith.index_cast %scan3A_43 : i32 to index
        %get3A_89 = arith.constant 96 : index
        %get3A_90 = tpu.vector_load %arg6[%get3A_88, %get3A_89] {strides = array<i32>} : memref<48x128xi32, #tpu.memory_space<vmem>>, vector<16xi32>,
        %gather3A_91 = tpu.vector_load_idx %arg7[%get3A_87] : memref<50000xf32, #tpu.memory_space<vmem>>[vector<16xi32>], vector<16xf32>,
        tpu.vector_store_idx %arg8[%get3A_90], %gather3A_91 {add = true} : memref<50016xf32, #tpu.memory_space<vmem>>[vector<16xi32>], vector<16xf32>,
        %get3A_92 = arith.index_cast %scan3A_43 : i32 to index
        %get3A_93 = arith.constant 112 : index
        %get3A_94 = tpu.vector_load %arg5[%get3A_92, %get3A_93] {strides = array<i32>} : memref<48x128xi32, #tpu.memory_space<vmem>>, vector<16xi32>,
        %get3A_95 = arith.index_cast %scan3A_43 : i32 to index
        %get3A_96 = arith.constant 112 : index
        %get3A_97 = tpu.vector_load %arg6[%get3A_95, %get3A_96] {strides = array<i32>} : memref<48x128xi32, #tpu.memory_space<vmem>>, vector<16xi32>,
        %gather3A_98 = tpu.vector_load_idx %arg7[%get3A_94] : memref<50000xf32, #tpu.memory_space<vmem>>[vector<16xi32>], vector<16xf32>,
        tpu.vector_store_idx %arg8[%get3A_97], %gather3A_98 {add = true} : memref<50016xf32, #tpu.memory_space<vmem>>[vector<16xi32>], vector<16xf32>,
        %scan3A_99 = arith.constant 0 : i32
        scf.yield %scan3A_99 : i32
      }
      %scan3A_42 = arith.constant 4 : i32
    } else {
    }
    %run_scoped3A = arith.constant 0 : i32
    "tpu.region"() ({
      %run_scoped3A_34 = tpu.sem_alloc : memref<!tpu.dma_semaphore, #tpu.memory_space<semaphore_mem>>
      %dma_start3A = arith.constant 0 : i32
      %dma_start3A_35 = tpu.memref_slice %arg8[%dma_start3A] : memref<50016xf32, #tpu.memory_space<vmem>> -> memref<50000xf32, #tpu.memory_space<vmem>>
      %dma_start3A_36 = arith.constant 0 : i32
      %dma_start3A_37 = tpu.memref_slice %arg4[%add3A, %run_scoped3A, %dma_start3A_36] : memref<32x1x50000xf32, #tpu.memory_space<hbm>> -> memref<1x1x50000xf32, #tpu.memory_space<hbm>>
      %dma_start3A_38 = tpu.memref_squeeze %dma_start3A_37 : memref<1x1x50000xf32, #tpu.memory_space<hbm>> -> memref<50000xf32, #tpu.memory_space<hbm>>
      %dma_start3A_39 = arith.constant 0 : i32
      %dma_start3A_40 = tpu.memref_slice %arg4[%add3A, %run_scoped3A, %dma_start3A_39] : memref<32x1x50000xf32, #tpu.memory_space<hbm>> -> memref<1x1x50000xf32, #tpu.memory_space<hbm>>
      %dma_start3A_41 = tpu.memref_squeeze %dma_start3A_40 : memref<1x1x50000xf32, #tpu.memory_space<hbm>> -> memref<50000xf32, #tpu.memory_space<hbm>>
      %dma_start3A_42 = arith.constant 0 : i32
      %dma_start3A_43 = tpu.memref_slice %arg8[%dma_start3A_42] : memref<50016xf32, #tpu.memory_space<vmem>> -> memref<50000xf32, #tpu.memory_space<vmem>>
      tpu.enqueue_dma source(%dma_start3A_43 : memref<50000xf32, #tpu.memory_space<vmem>>) target(%dma_start3A_41 : memref<50000xf32, #tpu.memory_space<hbm>>) target_semaphore(%run_scoped3A_34 : memref<!tpu.dma_semaphore, #tpu.memory_space<semaphore_mem>>)
      %dma_wait3A = arith.constant 0 : i32
      %dma_wait3A_44 = tpu.memref_slice %arg8[%dma_wait3A] : memref<50016xf32, #tpu.memory_space<vmem>> -> memref<50000xf32, #tpu.memory_space<vmem>>
      %dma_wait3A_45 = arith.constant 0 : i32
      %dma_wait3A_46 = tpu.memref_slice %arg4[%add3A, %run_scoped3A, %dma_wait3A_45] : memref<32x1x50000xf32, #tpu.memory_space<hbm>> -> memref<1x1x50000xf32, #tpu.memory_space<hbm>>
      %dma_wait3A_47 = tpu.memref_squeeze %dma_wait3A_46 : memref<1x1x50000xf32, #tpu.memory_space<hbm>> -> memref<50000xf32, #tpu.memory_space<hbm>>
      %dma_wait3A_48 = arith.constant 0 : i32
      %dma_wait3A_49 = tpu.memref_slice %arg4[%add3A, %run_scoped3A, %dma_wait3A_48] : memref<32x1x50000xf32, #tpu.memory_space<hbm>> -> memref<1x1x50000xf32, #tpu.memory_space<hbm>>
      %dma_wait3A_50 = tpu.memref_squeeze %dma_wait3A_49 : memref<1x1x50000xf32, #tpu.memory_space<hbm>> -> memref<50000xf32, #tpu.memory_space<hbm>>
      %dma_wait3A_51 = arith.constant 0 : i32
      %dma_wait3A_52 = tpu.memref_slice %arg8[%dma_wait3A_51] : memref<50016xf32, #tpu.memory_space<vmem>> -> memref<50000xf32, #tpu.memory_space<vmem>>
      tpu.wait_dma2 semaphore(%run_scoped3A_34 : memref<!tpu.dma_semaphore, #tpu.memory_space<semaphore_mem>>) src(%dma_wait3A_52 : memref<50000xf32, #tpu.memory_space<vmem>>) dst(%dma_wait3A_50 : memref<50000xf32, #tpu.memory_space<hbm>>)
      tpu.yield
    }) : () -> ()
    return
  }
}

#map = affine_map<(d0, d1) -> (0, 0)>
#map1 = affine_map<(d0, d1) -> (0, 0, 0)>
module attributes {stable_mosaic.version = 14 : i64} {
  func.func @k(%arg0: i32, %arg1: i32, %arg2: memref<50000x16xf32, #tpu.memory_space<hbm>>, %arg3: memref<2x12500x128xi32, #tpu.memory_space<hbm>>, %arg4: memref<2x50000x16xf32, #tpu.memory_space<hbm>>, %arg5: memref<32x1x50000xf32, #tpu.memory_space<hbm>>, %arg6: memref<24x128xi32, #tpu.memory_space<vmem>>, %arg7: memref<24x128xi32, #tpu.memory_space<vmem>>, %arg8: memref<24x128xi32, #tpu.memory_space<vmem>>, %arg9: memref<24x128xi32, #tpu.memory_space<vmem>>, %arg10: memref<128x16xf32, #tpu.memory_space<vmem>>, %arg11: memref<128x16xf32, #tpu.memory_space<vmem>>, %arg12: memref<128x16xf32, #tpu.memory_space<vmem>>, %arg13: memref<128x16xf32, #tpu.memory_space<vmem>>, %arg14: memref<392x16xf32, #tpu.memory_space<vmem>>, %arg15: memref<50016xf32, #tpu.memory_space<vmem>>, %arg16: memref<50176x16xf32, #tpu.memory_space<vmem_shared>>, %arg17: memref<!tpu.dma_semaphore, #tpu.memory_space<semaphore_mem>>, %arg18: memref<!tpu.dma_semaphore, #tpu.memory_space<semaphore_mem>>, %arg19: memref<!tpu.dma_semaphore, #tpu.memory_space<semaphore_mem>>, %arg20: memref<!tpu.dma_semaphore, #tpu.memory_space<semaphore_mem>>, %arg21: memref<!tpu.dma_semaphore, #tpu.memory_space<semaphore_mem>>, %arg22: memref<!tpu.dma_semaphore, #tpu.memory_space<semaphore_mem>>, %arg23: memref<!tpu.dma_semaphore, #tpu.memory_space<semaphore_mem>>, %arg24: memref<!tpu.dma_semaphore, #tpu.memory_space<semaphore_mem>>, %arg25: memref<!tpu.dma_semaphore, #tpu.memory_space<semaphore_mem>>, %arg26: memref<!tpu.dma_semaphore, #tpu.memory_space<semaphore_mem>>, %arg27: memref<!tpu.dma_semaphore, #tpu.memory_space<semaphore_mem>>, %arg28: memref<!tpu.dma_semaphore, #tpu.memory_space<semaphore_mem>>) attributes {dimension_semantics = [#tpu.dimension_semantics<core_parallel>, #tpu.dimension_semantics<subcore_parallel>], iteration_bounds = array<i64: 2, 16>, scalar_prefetch = 0 : i64, scratch_operands = 23 : i64, tpu.core_type = #tpu.core_type<sc_vector_subcore>, window_params = [{transform_indices = #map}, {transform_indices = #map1}, {transform_indices = #map1}, {transform_indices = #map1}]} {
    %mul3A = arith.constant 2 : i32
    %mul3A_0 = arith.muli %arg1, %mul3A : i32
    %add3A = arith.addi %mul3A_0, %arg0 : i32
    %mul3A_1 = arith.constant 3136 : i32
    %mul3A_2 = arith.muli %arg1, %mul3A_1 : i32
    %broadcast_in_dim3A = arith.constant 0.000000e+00 : f32
    %broadcast_in_dim3A_3 = vector.broadcast %broadcast_in_dim3A : f32 to vector<16xf32>
    %broadcast_in_dim3A_4 = arith.constant 1.000000e+00 : f32
    %broadcast_in_dim3A_5 = vector.broadcast %broadcast_in_dim3A_4 : f32 to vector<16xf32>
    %scan3A = arith.constant 0 : i32
    %scan3A_6 = arith.constant 0 : i32
    %scan3A_7 = arith.constant 49 : i32
    %scan3A_8 = arith.addi %scan3A_6, %scan3A_7 : i32
    %scan3A_9 = arith.constant 1 : i32
    %scan3A_10 = scf.for %scan3A_104 = %scan3A_6 to %scan3A_8 step %scan3A_9 iter_args(%scan3A_105 = %scan3A) -> (i32)  : i32 {
      %mul3A_106 = arith.constant 8 : i32
      %mul3A_107 = arith.muli %scan3A_104, %mul3A_106 : i32
      %add3A_108 = arith.constant 0 : i32
      %add3A_109 = arith.addi %mul3A_107, %add3A_108 : i32
      %swap3A_110 = arith.index_cast %add3A_109 : i32 to index
      %swap3A_111 = arith.constant 0 : index
      %swap3A_112 = tpu.vector_load %arg14[%swap3A_110, %swap3A_111] {strides = array<i32>} : memref<392x16xf32, #tpu.memory_space<vmem>>, vector<16xf32>,
      tpu.vector_store %arg14[%swap3A_110, %swap3A_111], %broadcast_in_dim3A_3 {strides = array<i32>} : memref<392x16xf32, #tpu.memory_space<vmem>>, vector<16xf32>,
      %mul3A_113 = arith.constant 8 : i32
      %mul3A_114 = arith.muli %scan3A_104, %mul3A_113 : i32
      %add3A_115 = arith.constant 1 : i32
      %add3A_116 = arith.addi %mul3A_114, %add3A_115 : i32
      %swap3A_117 = arith.index_cast %add3A_116 : i32 to index
      %swap3A_118 = arith.constant 0 : index
      %swap3A_119 = tpu.vector_load %arg14[%swap3A_117, %swap3A_118] {strides = array<i32>} : memref<392x16xf32, #tpu.memory_space<vmem>>, vector<16xf32>,
      tpu.vector_store %arg14[%swap3A_117, %swap3A_118], %broadcast_in_dim3A_3 {strides = array<i32>} : memref<392x16xf32, #tpu.memory_space<vmem>>, vector<16xf32>,
      %mul3A_120 = arith.constant 8 : i32
      %mul3A_121 = arith.muli %scan3A_104, %mul3A_120 : i32
      %add3A_122 = arith.constant 2 : i32
      %add3A_123 = arith.addi %mul3A_121, %add3A_122 : i32
      %swap3A_124 = arith.index_cast %add3A_123 : i32 to index
      %swap3A_125 = arith.constant 0 : index
      %swap3A_126 = tpu.vector_load %arg14[%swap3A_124, %swap3A_125] {strides = array<i32>} : memref<392x16xf32, #tpu.memory_space<vmem>>, vector<16xf32>,
      tpu.vector_store %arg14[%swap3A_124, %swap3A_125], %broadcast_in_dim3A_3 {strides = array<i32>} : memref<392x16xf32, #tpu.memory_space<vmem>>, vector<16xf32>,
      %mul3A_127 = arith.constant 8 : i32
      %mul3A_128 = arith.muli %scan3A_104, %mul3A_127 : i32
      %add3A_129 = arith.constant 3 : i32
      %add3A_130 = arith.addi %mul3A_128, %add3A_129 : i32
      %swap3A_131 = arith.index_cast %add3A_130 : i32 to index
      %swap3A_132 = arith.constant 0 : index
      %swap3A_133 = tpu.vector_load %arg14[%swap3A_131, %swap3A_132] {strides = array<i32>} : memref<392x16xf32, #tpu.memory_space<vmem>>, vector<16xf32>,
      tpu.vector_store %arg14[%swap3A_131, %swap3A_132], %broadcast_in_dim3A_3 {strides = array<i32>} : memref<392x16xf32, #tpu.memory_space<vmem>>, vector<16xf32>,
      %mul3A_134 = arith.constant 8 : i32
      %mul3A_135 = arith.muli %scan3A_104, %mul3A_134 : i32
      %add3A_136 = arith.constant 4 : i32
      %add3A_137 = arith.addi %mul3A_135, %add3A_136 : i32
      %swap3A_138 = arith.index_cast %add3A_137 : i32 to index
      %swap3A_139 = arith.constant 0 : index
      %swap3A_140 = tpu.vector_load %arg14[%swap3A_138, %swap3A_139] {strides = array<i32>} : memref<392x16xf32, #tpu.memory_space<vmem>>, vector<16xf32>,
      tpu.vector_store %arg14[%swap3A_138, %swap3A_139], %broadcast_in_dim3A_3 {strides = array<i32>} : memref<392x16xf32, #tpu.memory_space<vmem>>, vector<16xf32>,
      %mul3A_141 = arith.constant 8 : i32
      %mul3A_142 = arith.muli %scan3A_104, %mul3A_141 : i32
      %add3A_143 = arith.constant 5 : i32
      %add3A_144 = arith.addi %mul3A_142, %add3A_143 : i32
      %swap3A_145 = arith.index_cast %add3A_144 : i32 to index
      %swap3A_146 = arith.constant 0 : index
      %swap3A_147 = tpu.vector_load %arg14[%swap3A_145, %swap3A_146] {strides = array<i32>} : memref<392x16xf32, #tpu.memory_space<vmem>>, vector<16xf32>,
      tpu.vector_store %arg14[%swap3A_145, %swap3A_146], %broadcast_in_dim3A_3 {strides = array<i32>} : memref<392x16xf32, #tpu.memory_space<vmem>>, vector<16xf32>,
      %mul3A_148 = arith.constant 8 : i32
      %mul3A_149 = arith.muli %scan3A_104, %mul3A_148 : i32
      %add3A_150 = arith.constant 6 : i32
      %add3A_151 = arith.addi %mul3A_149, %add3A_150 : i32
      %swap3A_152 = arith.index_cast %add3A_151 : i32 to index
      %swap3A_153 = arith.constant 0 : index
      %swap3A_154 = tpu.vector_load %arg14[%swap3A_152, %swap3A_153] {strides = array<i32>} : memref<392x16xf32, #tpu.memory_space<vmem>>, vector<16xf32>,
      tpu.vector_store %arg14[%swap3A_152, %swap3A_153], %broadcast_in_dim3A_3 {strides = array<i32>} : memref<392x16xf32, #tpu.memory_space<vmem>>, vector<16xf32>,
      %mul3A_155 = arith.constant 8 : i32
      %mul3A_156 = arith.muli %scan3A_104, %mul3A_155 : i32
      %add3A_157 = arith.constant 7 : i32
      %add3A_158 = arith.addi %mul3A_156, %add3A_157 : i32
      %swap3A_159 = arith.index_cast %add3A_158 : i32 to index
      %swap3A_160 = arith.constant 0 : index
      %swap3A_161 = tpu.vector_load %arg14[%swap3A_159, %swap3A_160] {strides = array<i32>} : memref<392x16xf32, #tpu.memory_space<vmem>>, vector<16xf32>,
      tpu.vector_store %arg14[%swap3A_159, %swap3A_160], %broadcast_in_dim3A_3 {strides = array<i32>} : memref<392x16xf32, #tpu.memory_space<vmem>>, vector<16xf32>,
      %scan3A_162 = arith.constant 0 : i32
      scf.yield %scan3A_162 : i32
    }
    %scan3A_11 = arith.constant 49 : i32
    %scan3A_12 = arith.constant 0 : i32
    %scan3A_13 = arith.constant 0 : i32
    %scan3A_14 = arith.constant 390 : i32
    %scan3A_15 = arith.addi %scan3A_13, %scan3A_14 : i32
    %scan3A_16 = arith.constant 1 : i32
    %scan3A_17 = scf.for %scan3A_104 = %scan3A_13 to %scan3A_15 step %scan3A_16 iter_args(%scan3A_105 = %scan3A_12) -> (i32)  : i32 {
      %mul3A_106 = arith.constant 8 : i32
      %mul3A_107 = arith.muli %scan3A_104, %mul3A_106 : i32
      %add3A_108 = arith.constant 0 : i32
      %add3A_109 = arith.addi %mul3A_107, %add3A_108 : i32
      %mul3A_110 = arith.constant 16 : i32
      %mul3A_111 = arith.muli %add3A_109, %mul3A_110 : i32
      %swap3A_112 = arith.index_cast %mul3A_111 : i32 to index
      %swap3A_113 = tpu.vector_load %arg15[%swap3A_112] {strides = array<i32>} : memref<50016xf32, #tpu.memory_space<vmem>>, vector<16xf32>,
      tpu.vector_store %arg15[%swap3A_112], %broadcast_in_dim3A_3 {strides = array<i32>} : memref<50016xf32, #tpu.memory_space<vmem>>, vector<16xf32>,
      %mul3A_114 = arith.constant 8 : i32
      %mul3A_115 = arith.muli %scan3A_104, %mul3A_114 : i32
      %add3A_116 = arith.constant 1 : i32
      %add3A_117 = arith.addi %mul3A_115, %add3A_116 : i32
      %mul3A_118 = arith.constant 16 : i32
      %mul3A_119 = arith.muli %add3A_117, %mul3A_118 : i32
      %swap3A_120 = arith.index_cast %mul3A_119 : i32 to index
      %swap3A_121 = tpu.vector_load %arg15[%swap3A_120] {strides = array<i32>} : memref<50016xf32, #tpu.memory_space<vmem>>, vector<16xf32>,
      tpu.vector_store %arg15[%swap3A_120], %broadcast_in_dim3A_3 {strides = array<i32>} : memref<50016xf32, #tpu.memory_space<vmem>>, vector<16xf32>,
      %mul3A_122 = arith.constant 8 : i32
      %mul3A_123 = arith.muli %scan3A_104, %mul3A_122 : i32
      %add3A_124 = arith.constant 2 : i32
      %add3A_125 = arith.addi %mul3A_123, %add3A_124 : i32
      %mul3A_126 = arith.constant 16 : i32
      %mul3A_127 = arith.muli %add3A_125, %mul3A_126 : i32
      %swap3A_128 = arith.index_cast %mul3A_127 : i32 to index
      %swap3A_129 = tpu.vector_load %arg15[%swap3A_128] {strides = array<i32>} : memref<50016xf32, #tpu.memory_space<vmem>>, vector<16xf32>,
      tpu.vector_store %arg15[%swap3A_128], %broadcast_in_dim3A_3 {strides = array<i32>} : memref<50016xf32, #tpu.memory_space<vmem>>, vector<16xf32>,
      %mul3A_130 = arith.constant 8 : i32
      %mul3A_131 = arith.muli %scan3A_104, %mul3A_130 : i32
      %add3A_132 = arith.constant 3 : i32
      %add3A_133 = arith.addi %mul3A_131, %add3A_132 : i32
      %mul3A_134 = arith.constant 16 : i32
      %mul3A_135 = arith.muli %add3A_133, %mul3A_134 : i32
      %swap3A_136 = arith.index_cast %mul3A_135 : i32 to index
      %swap3A_137 = tpu.vector_load %arg15[%swap3A_136] {strides = array<i32>} : memref<50016xf32, #tpu.memory_space<vmem>>, vector<16xf32>,
      tpu.vector_store %arg15[%swap3A_136], %broadcast_in_dim3A_3 {strides = array<i32>} : memref<50016xf32, #tpu.memory_space<vmem>>, vector<16xf32>,
      %mul3A_138 = arith.constant 8 : i32
      %mul3A_139 = arith.muli %scan3A_104, %mul3A_138 : i32
      %add3A_140 = arith.constant 4 : i32
      %add3A_141 = arith.addi %mul3A_139, %add3A_140 : i32
      %mul3A_142 = arith.constant 16 : i32
      %mul3A_143 = arith.muli %add3A_141, %mul3A_142 : i32
      %swap3A_144 = arith.index_cast %mul3A_143 : i32 to index
      %swap3A_145 = tpu.vector_load %arg15[%swap3A_144] {strides = array<i32>} : memref<50016xf32, #tpu.memory_space<vmem>>, vector<16xf32>,
      tpu.vector_store %arg15[%swap3A_144], %broadcast_in_dim3A_3 {strides = array<i32>} : memref<50016xf32, #tpu.memory_space<vmem>>, vector<16xf32>,
      %mul3A_146 = arith.constant 8 : i32
      %mul3A_147 = arith.muli %scan3A_104, %mul3A_146 : i32
      %add3A_148 = arith.constant 5 : i32
      %add3A_149 = arith.addi %mul3A_147, %add3A_148 : i32
      %mul3A_150 = arith.constant 16 : i32
      %mul3A_151 = arith.muli %add3A_149, %mul3A_150 : i32
      %swap3A_152 = arith.index_cast %mul3A_151 : i32 to index
      %swap3A_153 = tpu.vector_load %arg15[%swap3A_152] {strides = array<i32>} : memref<50016xf32, #tpu.memory_space<vmem>>, vector<16xf32>,
      tpu.vector_store %arg15[%swap3A_152], %broadcast_in_dim3A_3 {strides = array<i32>} : memref<50016xf32, #tpu.memory_space<vmem>>, vector<16xf32>,
      %mul3A_154 = arith.constant 8 : i32
      %mul3A_155 = arith.muli %scan3A_104, %mul3A_154 : i32
      %add3A_156 = arith.constant 6 : i32
      %add3A_157 = arith.addi %mul3A_155, %add3A_156 : i32
      %mul3A_158 = arith.constant 16 : i32
      %mul3A_159 = arith.muli %add3A_157, %mul3A_158 : i32
      %swap3A_160 = arith.index_cast %mul3A_159 : i32 to index
      %swap3A_161 = tpu.vector_load %arg15[%swap3A_160] {strides = array<i32>} : memref<50016xf32, #tpu.memory_space<vmem>>, vector<16xf32>,
      tpu.vector_store %arg15[%swap3A_160], %broadcast_in_dim3A_3 {strides = array<i32>} : memref<50016xf32, #tpu.memory_space<vmem>>, vector<16xf32>,
      %mul3A_162 = arith.constant 8 : i32
      %mul3A_163 = arith.muli %scan3A_104, %mul3A_162 : i32
      %add3A_164 = arith.constant 7 : i32
      %add3A_165 = arith.addi %mul3A_163, %add3A_164 : i32
      %mul3A_166 = arith.constant 16 : i32
      %mul3A_167 = arith.muli %add3A_165, %mul3A_166 : i32
      %swap3A_168 = arith.index_cast %mul3A_167 : i32 to index
      %swap3A_169 = tpu.vector_load %arg15[%swap3A_168] {strides = array<i32>} : memref<50016xf32, #tpu.memory_space<vmem>>, vector<16xf32>,
      tpu.vector_store %arg15[%swap3A_168], %broadcast_in_dim3A_3 {strides = array<i32>} : memref<50016xf32, #tpu.memory_space<vmem>>, vector<16xf32>,
      %scan3A_170 = arith.constant 0 : i32
      scf.yield %scan3A_170 : i32
    }
    %scan3A_18 = arith.constant 390 : i32
    %swap3A = arith.constant 49920 : index
    %swap3A_19 = tpu.vector_load %arg15[%swap3A] {strides = array<i32>} : memref<50016xf32, #tpu.memory_space<vmem>>, vector<16xf32>,
    tpu.vector_store %arg15[%swap3A], %broadcast_in_dim3A_3 {strides = array<i32>} : memref<50016xf32, #tpu.memory_space<vmem>>, vector<16xf32>,
    %swap3A_20 = arith.constant 49936 : index
    %swap3A_21 = tpu.vector_load %arg15[%swap3A_20] {strides = array<i32>} : memref<50016xf32, #tpu.memory_space<vmem>>, vector<16xf32>,
    tpu.vector_store %arg15[%swap3A_20], %broadcast_in_dim3A_3 {strides = array<i32>} : memref<50016xf32, #tpu.memory_space<vmem>>, vector<16xf32>,
    %swap3A_22 = arith.constant 49952 : index
    %swap3A_23 = tpu.vector_load %arg15[%swap3A_22] {strides = array<i32>} : memref<50016xf32, #tpu.memory_space<vmem>>, vector<16xf32>,
    tpu.vector_store %arg15[%swap3A_22], %broadcast_in_dim3A_3 {strides = array<i32>} : memref<50016xf32, #tpu.memory_space<vmem>>, vector<16xf32>,
    %swap3A_24 = arith.constant 49968 : index
    %swap3A_25 = tpu.vector_load %arg15[%swap3A_24] {strides = array<i32>} : memref<50016xf32, #tpu.memory_space<vmem>>, vector<16xf32>,
    tpu.vector_store %arg15[%swap3A_24], %broadcast_in_dim3A_3 {strides = array<i32>} : memref<50016xf32, #tpu.memory_space<vmem>>, vector<16xf32>,
    %swap3A_26 = arith.constant 49984 : index
    %swap3A_27 = tpu.vector_load %arg15[%swap3A_26] {strides = array<i32>} : memref<50016xf32, #tpu.memory_space<vmem>>, vector<16xf32>,
    tpu.vector_store %arg15[%swap3A_26], %broadcast_in_dim3A_3 {strides = array<i32>} : memref<50016xf32, #tpu.memory_space<vmem>>, vector<16xf32>,
    %swap3A_28 = arith.constant 50000 : index
    %swap3A_29 = tpu.vector_load %arg15[%swap3A_28] {strides = array<i32>} : memref<50016xf32, #tpu.memory_space<vmem>>, vector<16xf32>,
    tpu.vector_store %arg15[%swap3A_28], %broadcast_in_dim3A_3 {strides = array<i32>} : memref<50016xf32, #tpu.memory_space<vmem>>, vector<16xf32>,
    %add3A_30 = arith.constant 0 : i32
    %add3A_31 = arith.addi %mul3A_2, %add3A_30 : i32
    "tpu.region"() ({
      %run_scoped3A_104 = tpu.sem_alloc : memref<!tpu.dma_semaphore, #tpu.memory_space<semaphore_mem>>
      %dma_start3A_105 = arith.constant 0 : i32
      %dma_start3A_106 = tpu.memref_slice %arg16[%add3A_31, %dma_start3A_105] : memref<50176x16xf32, #tpu.memory_space<vmem_shared>> -> memref<392x16xf32, #tpu.memory_space<vmem_shared>>
      %dma_start3A_107 = arith.constant 0 : i32
      %dma_start3A_108 = tpu.memref_slice %arg16[%add3A_31, %dma_start3A_107] : memref<50176x16xf32, #tpu.memory_space<vmem_shared>> -> memref<392x16xf32, #tpu.memory_space<vmem_shared>>
      tpu.enqueue_dma source(%arg14 : memref<392x16xf32, #tpu.memory_space<vmem>>) target(%dma_start3A_108 : memref<392x16xf32, #tpu.memory_space<vmem_shared>>) target_semaphore(%run_scoped3A_104 : memref<!tpu.dma_semaphore, #tpu.memory_space<semaphore_mem>>)
      %dma_wait3A_109 = arith.constant 0 : i32
      %dma_wait3A_110 = tpu.memref_slice %arg16[%add3A_31, %dma_wait3A_109] : memref<50176x16xf32, #tpu.memory_space<vmem_shared>> -> memref<392x16xf32, #tpu.memory_space<vmem_shared>>
      %dma_wait3A_111 = arith.constant 0 : i32
      %dma_wait3A_112 = tpu.memref_slice %arg16[%add3A_31, %dma_wait3A_111] : memref<50176x16xf32, #tpu.memory_space<vmem_shared>> -> memref<392x16xf32, #tpu.memory_space<vmem_shared>>
      tpu.wait_dma2 semaphore(%run_scoped3A_104 : memref<!tpu.dma_semaphore, #tpu.memory_space<semaphore_mem>>) src(%arg14 : memref<392x16xf32, #tpu.memory_space<vmem>>) dst(%dma_wait3A_112 : memref<392x16xf32, #tpu.memory_space<vmem_shared>>)
      tpu.yield
    }) : () -> ()
    %add3A_32 = arith.constant 392 : i32
    %add3A_33 = arith.addi %mul3A_2, %add3A_32 : i32
    "tpu.region"() ({
      %run_scoped3A_104 = tpu.sem_alloc : memref<!tpu.dma_semaphore, #tpu.memory_space<semaphore_mem>>
      %dma_start3A_105 = arith.constant 0 : i32
      %dma_start3A_106 = tpu.memref_slice %arg16[%add3A_33, %dma_start3A_105] : memref<50176x16xf32, #tpu.memory_space<vmem_shared>> -> memref<392x16xf32, #tpu.memory_space<vmem_shared>>
      %dma_start3A_107 = arith.constant 0 : i32
      %dma_start3A_108 = tpu.memref_slice %arg16[%add3A_33, %dma_start3A_107] : memref<50176x16xf32, #tpu.memory_space<vmem_shared>> -> memref<392x16xf32, #tpu.memory_space<vmem_shared>>
      tpu.enqueue_dma source(%arg14 : memref<392x16xf32, #tpu.memory_space<vmem>>) target(%dma_start3A_108 : memref<392x16xf32, #tpu.memory_space<vmem_shared>>) target_semaphore(%run_scoped3A_104 : memref<!tpu.dma_semaphore, #tpu.memory_space<semaphore_mem>>)
      %dma_wait3A_109 = arith.constant 0 : i32
      %dma_wait3A_110 = tpu.memref_slice %arg16[%add3A_33, %dma_wait3A_109] : memref<50176x16xf32, #tpu.memory_space<vmem_shared>> -> memref<392x16xf32, #tpu.memory_space<vmem_shared>>
      %dma_wait3A_111 = arith.constant 0 : i32
      %dma_wait3A_112 = tpu.memref_slice %arg16[%add3A_33, %dma_wait3A_111] : memref<50176x16xf32, #tpu.memory_space<vmem_shared>> -> memref<392x16xf32, #tpu.memory_space<vmem_shared>>
      tpu.wait_dma2 semaphore(%run_scoped3A_104 : memref<!tpu.dma_semaphore, #tpu.memory_space<semaphore_mem>>) src(%arg14 : memref<392x16xf32, #tpu.memory_space<vmem>>) dst(%dma_wait3A_112 : memref<392x16xf32, #tpu.memory_space<vmem_shared>>)
      tpu.yield
    }) : () -> ()
    %add3A_34 = arith.constant 784 : i32
    %add3A_35 = arith.addi %mul3A_2, %add3A_34 : i32
    "tpu.region"() ({
      %run_scoped3A_104 = tpu.sem_alloc : memref<!tpu.dma_semaphore, #tpu.memory_space<semaphore_mem>>
      %dma_start3A_105 = arith.constant 0 : i32
      %dma_start3A_106 = tpu.memref_slice %arg16[%add3A_35, %dma_start3A_105] : memref<50176x16xf32, #tpu.memory_space<vmem_shared>> -> memref<392x16xf32, #tpu.memory_space<vmem_shared>>
      %dma_start3A_107 = arith.constant 0 : i32
      %dma_start3A_108 = tpu.memref_slice %arg16[%add3A_35, %dma_start3A_107] : memref<50176x16xf32, #tpu.memory_space<vmem_shared>> -> memref<392x16xf32, #tpu.memory_space<vmem_shared>>
      tpu.enqueue_dma source(%arg14 : memref<392x16xf32, #tpu.memory_space<vmem>>) target(%dma_start3A_108 : memref<392x16xf32, #tpu.memory_space<vmem_shared>>) target_semaphore(%run_scoped3A_104 : memref<!tpu.dma_semaphore, #tpu.memory_space<semaphore_mem>>)
      %dma_wait3A_109 = arith.constant 0 : i32
      %dma_wait3A_110 = tpu.memref_slice %arg16[%add3A_35, %dma_wait3A_109] : memref<50176x16xf32, #tpu.memory_space<vmem_shared>> -> memref<392x16xf32, #tpu.memory_space<vmem_shared>>
      %dma_wait3A_111 = arith.constant 0 : i32
      %dma_wait3A_112 = tpu.memref_slice %arg16[%add3A_35, %dma_wait3A_111] : memref<50176x16xf32, #tpu.memory_space<vmem_shared>> -> memref<392x16xf32, #tpu.memory_space<vmem_shared>>
      tpu.wait_dma2 semaphore(%run_scoped3A_104 : memref<!tpu.dma_semaphore, #tpu.memory_space<semaphore_mem>>) src(%arg14 : memref<392x16xf32, #tpu.memory_space<vmem>>) dst(%dma_wait3A_112 : memref<392x16xf32, #tpu.memory_space<vmem_shared>>)
      tpu.yield
    }) : () -> ()
    %add3A_36 = arith.constant 1176 : i32
    %add3A_37 = arith.addi %mul3A_2, %add3A_36 : i32
    "tpu.region"() ({
      %run_scoped3A_104 = tpu.sem_alloc : memref<!tpu.dma_semaphore, #tpu.memory_space<semaphore_mem>>
      %dma_start3A_105 = arith.constant 0 : i32
      %dma_start3A_106 = tpu.memref_slice %arg16[%add3A_37, %dma_start3A_105] : memref<50176x16xf32, #tpu.memory_space<vmem_shared>> -> memref<392x16xf32, #tpu.memory_space<vmem_shared>>
      %dma_start3A_107 = arith.constant 0 : i32
      %dma_start3A_108 = tpu.memref_slice %arg16[%add3A_37, %dma_start3A_107] : memref<50176x16xf32, #tpu.memory_space<vmem_shared>> -> memref<392x16xf32, #tpu.memory_space<vmem_shared>>
      tpu.enqueue_dma source(%arg14 : memref<392x16xf32, #tpu.memory_space<vmem>>) target(%dma_start3A_108 : memref<392x16xf32, #tpu.memory_space<vmem_shared>>) target_semaphore(%run_scoped3A_104 : memref<!tpu.dma_semaphore, #tpu.memory_space<semaphore_mem>>)
      %dma_wait3A_109 = arith.constant 0 : i32
      %dma_wait3A_110 = tpu.memref_slice %arg16[%add3A_37, %dma_wait3A_109] : memref<50176x16xf32, #tpu.memory_space<vmem_shared>> -> memref<392x16xf32, #tpu.memory_space<vmem_shared>>
      %dma_wait3A_111 = arith.constant 0 : i32
      %dma_wait3A_112 = tpu.memref_slice %arg16[%add3A_37, %dma_wait3A_111] : memref<50176x16xf32, #tpu.memory_space<vmem_shared>> -> memref<392x16xf32, #tpu.memory_space<vmem_shared>>
      tpu.wait_dma2 semaphore(%run_scoped3A_104 : memref<!tpu.dma_semaphore, #tpu.memory_space<semaphore_mem>>) src(%arg14 : memref<392x16xf32, #tpu.memory_space<vmem>>) dst(%dma_wait3A_112 : memref<392x16xf32, #tpu.memory_space<vmem_shared>>)
      tpu.yield
    }) : () -> ()
    %add3A_38 = arith.constant 1568 : i32
    %add3A_39 = arith.addi %mul3A_2, %add3A_38 : i32
    "tpu.region"() ({
      %run_scoped3A_104 = tpu.sem_alloc : memref<!tpu.dma_semaphore, #tpu.memory_space<semaphore_mem>>
      %dma_start3A_105 = arith.constant 0 : i32
      %dma_start3A_106 = tpu.memref_slice %arg16[%add3A_39, %dma_start3A_105] : memref<50176x16xf32, #tpu.memory_space<vmem_shared>> -> memref<392x16xf32, #tpu.memory_space<vmem_shared>>
      %dma_start3A_107 = arith.constant 0 : i32
      %dma_start3A_108 = tpu.memref_slice %arg16[%add3A_39, %dma_start3A_107] : memref<50176x16xf32, #tpu.memory_space<vmem_shared>> -> memref<392x16xf32, #tpu.memory_space<vmem_shared>>
      tpu.enqueue_dma source(%arg14 : memref<392x16xf32, #tpu.memory_space<vmem>>) target(%dma_start3A_108 : memref<392x16xf32, #tpu.memory_space<vmem_shared>>) target_semaphore(%run_scoped3A_104 : memref<!tpu.dma_semaphore, #tpu.memory_space<semaphore_mem>>)
      %dma_wait3A_109 = arith.constant 0 : i32
      %dma_wait3A_110 = tpu.memref_slice %arg16[%add3A_39, %dma_wait3A_109] : memref<50176x16xf32, #tpu.memory_space<vmem_shared>> -> memref<392x16xf32, #tpu.memory_space<vmem_shared>>
      %dma_wait3A_111 = arith.constant 0 : i32
      %dma_wait3A_112 = tpu.memref_slice %arg16[%add3A_39, %dma_wait3A_111] : memref<50176x16xf32, #tpu.memory_space<vmem_shared>> -> memref<392x16xf32, #tpu.memory_space<vmem_shared>>
      tpu.wait_dma2 semaphore(%run_scoped3A_104 : memref<!tpu.dma_semaphore, #tpu.memory_space<semaphore_mem>>) src(%arg14 : memref<392x16xf32, #tpu.memory_space<vmem>>) dst(%dma_wait3A_112 : memref<392x16xf32, #tpu.memory_space<vmem_shared>>)
      tpu.yield
    }) : () -> ()
    %add3A_40 = arith.constant 1960 : i32
    %add3A_41 = arith.addi %mul3A_2, %add3A_40 : i32
    "tpu.region"() ({
      %run_scoped3A_104 = tpu.sem_alloc : memref<!tpu.dma_semaphore, #tpu.memory_space<semaphore_mem>>
      %dma_start3A_105 = arith.constant 0 : i32
      %dma_start3A_106 = tpu.memref_slice %arg16[%add3A_41, %dma_start3A_105] : memref<50176x16xf32, #tpu.memory_space<vmem_shared>> -> memref<392x16xf32, #tpu.memory_space<vmem_shared>>
      %dma_start3A_107 = arith.constant 0 : i32
      %dma_start3A_108 = tpu.memref_slice %arg16[%add3A_41, %dma_start3A_107] : memref<50176x16xf32, #tpu.memory_space<vmem_shared>> -> memref<392x16xf32, #tpu.memory_space<vmem_shared>>
      tpu.enqueue_dma source(%arg14 : memref<392x16xf32, #tpu.memory_space<vmem>>) target(%dma_start3A_108 : memref<392x16xf32, #tpu.memory_space<vmem_shared>>) target_semaphore(%run_scoped3A_104 : memref<!tpu.dma_semaphore, #tpu.memory_space<semaphore_mem>>)
      %dma_wait3A_109 = arith.constant 0 : i32
      %dma_wait3A_110 = tpu.memref_slice %arg16[%add3A_41, %dma_wait3A_109] : memref<50176x16xf32, #tpu.memory_space<vmem_shared>> -> memref<392x16xf32, #tpu.memory_space<vmem_shared>>
      %dma_wait3A_111 = arith.constant 0 : i32
      %dma_wait3A_112 = tpu.memref_slice %arg16[%add3A_41, %dma_wait3A_111] : memref<50176x16xf32, #tpu.memory_space<vmem_shared>> -> memref<392x16xf32, #tpu.memory_space<vmem_shared>>
      tpu.wait_dma2 semaphore(%run_scoped3A_104 : memref<!tpu.dma_semaphore, #tpu.memory_space<semaphore_mem>>) src(%arg14 : memref<392x16xf32, #tpu.memory_space<vmem>>) dst(%dma_wait3A_112 : memref<392x16xf32, #tpu.memory_space<vmem_shared>>)
      tpu.yield
    }) : () -> ()
    %add3A_42 = arith.constant 2352 : i32
    %add3A_43 = arith.addi %mul3A_2, %add3A_42 : i32
    "tpu.region"() ({
      %run_scoped3A_104 = tpu.sem_alloc : memref<!tpu.dma_semaphore, #tpu.memory_space<semaphore_mem>>
      %dma_start3A_105 = arith.constant 0 : i32
      %dma_start3A_106 = tpu.memref_slice %arg16[%add3A_43, %dma_start3A_105] : memref<50176x16xf32, #tpu.memory_space<vmem_shared>> -> memref<392x16xf32, #tpu.memory_space<vmem_shared>>
      %dma_start3A_107 = arith.constant 0 : i32
      %dma_start3A_108 = tpu.memref_slice %arg16[%add3A_43, %dma_start3A_107] : memref<50176x16xf32, #tpu.memory_space<vmem_shared>> -> memref<392x16xf32, #tpu.memory_space<vmem_shared>>
      tpu.enqueue_dma source(%arg14 : memref<392x16xf32, #tpu.memory_space<vmem>>) target(%dma_start3A_108 : memref<392x16xf32, #tpu.memory_space<vmem_shared>>) target_semaphore(%run_scoped3A_104 : memref<!tpu.dma_semaphore, #tpu.memory_space<semaphore_mem>>)
      %dma_wait3A_109 = arith.constant 0 : i32
      %dma_wait3A_110 = tpu.memref_slice %arg16[%add3A_43, %dma_wait3A_109] : memref<50176x16xf32, #tpu.memory_space<vmem_shared>> -> memref<392x16xf32, #tpu.memory_space<vmem_shared>>
      %dma_wait3A_111 = arith.constant 0 : i32
      %dma_wait3A_112 = tpu.memref_slice %arg16[%add3A_43, %dma_wait3A_111] : memref<50176x16xf32, #tpu.memory_space<vmem_shared>> -> memref<392x16xf32, #tpu.memory_space<vmem_shared>>
      tpu.wait_dma2 semaphore(%run_scoped3A_104 : memref<!tpu.dma_semaphore, #tpu.memory_space<semaphore_mem>>) src(%arg14 : memref<392x16xf32, #tpu.memory_space<vmem>>) dst(%dma_wait3A_112 : memref<392x16xf32, #tpu.memory_space<vmem_shared>>)
      tpu.yield
    }) : () -> ()
    %add3A_44 = arith.constant 2744 : i32
    %add3A_45 = arith.addi %mul3A_2, %add3A_44 : i32
    "tpu.region"() ({
      %run_scoped3A_104 = tpu.sem_alloc : memref<!tpu.dma_semaphore, #tpu.memory_space<semaphore_mem>>
      %dma_start3A_105 = arith.constant 0 : i32
      %dma_start3A_106 = tpu.memref_slice %arg16[%add3A_45, %dma_start3A_105] : memref<50176x16xf32, #tpu.memory_space<vmem_shared>> -> memref<392x16xf32, #tpu.memory_space<vmem_shared>>
      %dma_start3A_107 = arith.constant 0 : i32
      %dma_start3A_108 = tpu.memref_slice %arg16[%add3A_45, %dma_start3A_107] : memref<50176x16xf32, #tpu.memory_space<vmem_shared>> -> memref<392x16xf32, #tpu.memory_space<vmem_shared>>
      tpu.enqueue_dma source(%arg14 : memref<392x16xf32, #tpu.memory_space<vmem>>) target(%dma_start3A_108 : memref<392x16xf32, #tpu.memory_space<vmem_shared>>) target_semaphore(%run_scoped3A_104 : memref<!tpu.dma_semaphore, #tpu.memory_space<semaphore_mem>>)
      %dma_wait3A_109 = arith.constant 0 : i32
      %dma_wait3A_110 = tpu.memref_slice %arg16[%add3A_45, %dma_wait3A_109] : memref<50176x16xf32, #tpu.memory_space<vmem_shared>> -> memref<392x16xf32, #tpu.memory_space<vmem_shared>>
      %dma_wait3A_111 = arith.constant 0 : i32
      %dma_wait3A_112 = tpu.memref_slice %arg16[%add3A_45, %dma_wait3A_111] : memref<50176x16xf32, #tpu.memory_space<vmem_shared>> -> memref<392x16xf32, #tpu.memory_space<vmem_shared>>
      tpu.wait_dma2 semaphore(%run_scoped3A_104 : memref<!tpu.dma_semaphore, #tpu.memory_space<semaphore_mem>>) src(%arg14 : memref<392x16xf32, #tpu.memory_space<vmem>>) dst(%dma_wait3A_112 : memref<392x16xf32, #tpu.memory_space<vmem_shared>>)
      tpu.yield
    }) : () -> ()
    %barrier3A = arith.constant 0 : index
    tpu.barrier barrier_id(%barrier3A)
    %mul3A_46 = arith.constant 384 : i32
    %mul3A_47 = arith.muli %add3A, %mul3A_46 : i32
    %add3A_48 = arith.constant 0 : i32
    %add3A_49 = arith.addi %mul3A_47, %add3A_48 : i32
    %dma_start3A = arith.constant 0 : i32
    %dma_start3A_50 = arith.constant 0 : i32
    %dma_start3A_51 = tpu.memref_slice %arg3[%dma_start3A, %add3A_49, %dma_start3A_50] : memref<2x12500x128xi32, #tpu.memory_space<hbm>> -> memref<1x24x128xi32, #tpu.memory_space<hbm>>
    %dma_start3A_52 = tpu.memref_squeeze %dma_start3A_51 : memref<1x24x128xi32, #tpu.memory_space<hbm>> -> memref<24x128xi32, #tpu.memory_space<hbm>>
    %dma_start3A_53 = arith.constant 0 : i32
    %dma_start3A_54 = tpu.memref_slice %arg3[%dma_start3A, %add3A_49, %dma_start3A_53] : memref<2x12500x128xi32, #tpu.memory_space<hbm>> -> memref<1x24x128xi32, #tpu.memory_space<hbm>>
    %dma_start3A_55 = tpu.memref_squeeze %dma_start3A_54 : memref<1x24x128xi32, #tpu.memory_space<hbm>> -> memref<24x128xi32, #tpu.memory_space<hbm>>
    tpu.enqueue_dma source(%dma_start3A_55 : memref<24x128xi32, #tpu.memory_space<hbm>>) target(%arg6 : memref<24x128xi32, #tpu.memory_space<vmem>>) target_semaphore(%arg25 : memref<!tpu.dma_semaphore, #tpu.memory_space<semaphore_mem>>)
    %dma_start3A_56 = arith.constant 1 : i32
    %dma_start3A_57 = arith.constant 0 : i32
    %dma_start3A_58 = tpu.memref_slice %arg3[%dma_start3A_56, %add3A_49, %dma_start3A_57] : memref<2x12500x128xi32, #tpu.memory_space<hbm>> -> memref<1x24x128xi32, #tpu.memory_space<hbm>>
    %dma_start3A_59 = tpu.memref_squeeze %dma_start3A_58 : memref<1x24x128xi32, #tpu.memory_space<hbm>> -> memref<24x128xi32, #tpu.memory_space<hbm>>
    %dma_start3A_60 = arith.constant 0 : i32
    %dma_start3A_61 = tpu.memref_slice %arg3[%dma_start3A_56, %add3A_49, %dma_start3A_60] : memref<2x12500x128xi32, #tpu.memory_space<hbm>> -> memref<1x24x128xi32, #tpu.memory_space<hbm>>
    %dma_start3A_62 = tpu.memref_squeeze %dma_start3A_61 : memref<1x24x128xi32, #tpu.memory_space<hbm>> -> memref<24x128xi32, #tpu.memory_space<hbm>>
    tpu.enqueue_dma source(%dma_start3A_62 : memref<24x128xi32, #tpu.memory_space<hbm>>) target(%arg7 : memref<24x128xi32, #tpu.memory_space<vmem>>) target_semaphore(%arg26 : memref<!tpu.dma_semaphore, #tpu.memory_space<semaphore_mem>>)
    %scan3A_63 = arith.constant 0 : i32
    %scan3A_64 = arith.constant 0 : i32
    %scan3A_65 = arith.constant 8 : i32
    %scan3A_66 = arith.addi %scan3A_64, %scan3A_65 : i32
    %scan3A_67 = arith.constant 1 : i32
    %scan3A_68 = scf.for %scan3A_104 = %scan3A_64 to %scan3A_66 step %scan3A_67 iter_args(%scan3A_105 = %scan3A_63) -> (i32)  : i32 {
      %mul3A_106 = arith.constant 2 : i32
      %mul3A_107 = arith.muli %mul3A_106, %scan3A_104 : i32
      %add3A_108 = arith.constant 1 : i32
      %add3A_109 = arith.addi %mul3A_107, %add3A_108 : i32
      %mul3A_110 = arith.constant 24 : i32
      %mul3A_111 = arith.muli %add3A_109, %mul3A_110 : i32
      %add3A_112 = arith.addi %mul3A_47, %mul3A_111 : i32
      %dma_start3A_113 = arith.constant 0 : i32
      %dma_start3A_114 = arith.constant 0 : i32
      %dma_start3A_115 = tpu.memref_slice %arg3[%dma_start3A_113, %add3A_112, %dma_start3A_114] : memref<2x12500x128xi32, #tpu.memory_space<hbm>> -> memref<1x24x128xi32, #tpu.memory_space<hbm>>
      %dma_start3A_116 = tpu.memref_squeeze %dma_start3A_115 : memref<1x24x128xi32, #tpu.memory_space<hbm>> -> memref<24x128xi32, #tpu.memory_space<hbm>>
      %dma_start3A_117 = arith.constant 0 : i32
      %dma_start3A_118 = tpu.memref_slice %arg3[%dma_start3A_113, %add3A_112, %dma_start3A_117] : memref<2x12500x128xi32, #tpu.memory_space<hbm>> -> memref<1x24x128xi32, #tpu.memory_space<hbm>>
      %dma_start3A_119 = tpu.memref_squeeze %dma_start3A_118 : memref<1x24x128xi32, #tpu.memory_space<hbm>> -> memref<24x128xi32, #tpu.memory_space<hbm>>
      tpu.enqueue_dma source(%dma_start3A_119 : memref<24x128xi32, #tpu.memory_space<hbm>>) target(%arg8 : memref<24x128xi32, #tpu.memory_space<vmem>>) target_semaphore(%arg27 : memref<!tpu.dma_semaphore, #tpu.memory_space<semaphore_mem>>)
      %dma_start3A_120 = arith.constant 1 : i32
      %dma_start3A_121 = arith.constant 0 : i32
      %dma_start3A_122 = tpu.memref_slice %arg3[%dma_start3A_120, %add3A_112, %dma_start3A_121] : memref<2x12500x128xi32, #tpu.memory_space<hbm>> -> memref<1x24x128xi32, #tpu.memory_space<hbm>>
      %dma_start3A_123 = tpu.memref_squeeze %dma_start3A_122 : memref<1x24x128xi32, #tpu.memory_space<hbm>> -> memref<24x128xi32, #tpu.memory_space<hbm>>
      %dma_start3A_124 = arith.constant 0 : i32
      %dma_start3A_125 = tpu.memref_slice %arg3[%dma_start3A_120, %add3A_112, %dma_start3A_124] : memref<2x12500x128xi32, #tpu.memory_space<hbm>> -> memref<1x24x128xi32, #tpu.memory_space<hbm>>
      %dma_start3A_126 = tpu.memref_squeeze %dma_start3A_125 : memref<1x24x128xi32, #tpu.memory_space<hbm>> -> memref<24x128xi32, #tpu.memory_space<hbm>>
      tpu.enqueue_dma source(%dma_start3A_126 : memref<24x128xi32, #tpu.memory_space<hbm>>) target(%arg9 : memref<24x128xi32, #tpu.memory_space<vmem>>) target_semaphore(%arg28 : memref<!tpu.dma_semaphore, #tpu.memory_space<semaphore_mem>>)
      %dma_wait3A_127 = arith.constant 0 : i32
      %dma_wait3A_128 = arith.constant 0 : i32
      %dma_wait3A_129 = arith.constant 0 : i32
      %dma_wait3A_130 = tpu.memref_slice %arg3[%dma_wait3A_127, %dma_wait3A_128, %dma_wait3A_129] : memref<2x12500x128xi32, #tpu.memory_space<hbm>> -> memref<1x24x128xi32, #tpu.memory_space<hbm>>
      %dma_wait3A_131 = tpu.memref_squeeze %dma_wait3A_130 : memref<1x24x128xi32, #tpu.memory_space<hbm>> -> memref<24x128xi32, #tpu.memory_space<hbm>>
      %dma_wait3A_132 = arith.constant 0 : i32
      %dma_wait3A_133 = arith.constant 0 : i32
      %dma_wait3A_134 = tpu.memref_slice %arg3[%dma_wait3A_127, %dma_wait3A_132, %dma_wait3A_133] : memref<2x12500x128xi32, #tpu.memory_space<hbm>> -> memref<1x24x128xi32, #tpu.memory_space<hbm>>
      %dma_wait3A_135 = tpu.memref_squeeze %dma_wait3A_134 : memref<1x24x128xi32, #tpu.memory_space<hbm>> -> memref<24x128xi32, #tpu.memory_space<hbm>>
      tpu.wait_dma2 semaphore(%arg25 : memref<!tpu.dma_semaphore, #tpu.memory_space<semaphore_mem>>) src(%dma_wait3A_135 : memref<24x128xi32, #tpu.memory_space<hbm>>) dst(%arg6 : memref<24x128xi32, #tpu.memory_space<vmem>>)
      %dma_wait3A_136 = arith.constant 1 : i32
      %dma_wait3A_137 = arith.constant 0 : i32
      %dma_wait3A_138 = arith.constant 0 : i32
      %dma_wait3A_139 = tpu.memref_slice %arg3[%dma_wait3A_136, %dma_wait3A_137, %dma_wait3A_138] : memref<2x12500x128xi32, #tpu.memory_space<hbm>> -> memref<1x24x128xi32, #tpu.memory_space<hbm>>
      %dma_wait3A_140 = tpu.memref_squeeze %dma_wait3A_139 : memref<1x24x128xi32, #tpu.memory_space<hbm>> -> memref<24x128xi32, #tpu.memory_space<hbm>>
      %dma_wait3A_141 = arith.constant 0 : i32
      %dma_wait3A_142 = arith.constant 0 : i32
      %dma_wait3A_143 = tpu.memref_slice %arg3[%dma_wait3A_136, %dma_wait3A_141, %dma_wait3A_142] : memref<2x12500x128xi32, #tpu.memory_space<hbm>> -> memref<1x24x128xi32, #tpu.memory_space<hbm>>
      %dma_wait3A_144 = tpu.memref_squeeze %dma_wait3A_143 : memref<1x24x128xi32, #tpu.memory_space<hbm>> -> memref<24x128xi32, #tpu.memory_space<hbm>>
      tpu.wait_dma2 semaphore(%arg26 : memref<!tpu.dma_semaphore, #tpu.memory_space<semaphore_mem>>) src(%dma_wait3A_144 : memref<24x128xi32, #tpu.memory_space<hbm>>) dst(%arg7 : memref<24x128xi32, #tpu.memory_space<vmem>>)
      %scan3A_145 = arith.constant 0 : i32
      %scan3A_146 = arith.constant 0 : i32
      %scan3A_147 = arith.constant 6 : i32
      %scan3A_148 = arith.addi %scan3A_146, %scan3A_147 : i32
      %scan3A_149 = arith.constant 1 : i32
      %scan3A_150 = scf.for %scan3A_199 = %scan3A_146 to %scan3A_148 step %scan3A_149 iter_args(%scan3A_200 = %scan3A_145) -> (i32)  : i32 {
        %mul3A_201 = arith.constant 4 : i32
        %mul3A_202 = arith.muli %scan3A_199, %mul3A_201 : i32
        %add3A_203 = arith.constant 0 : i32
        %add3A_204 = arith.addi %mul3A_202, %add3A_203 : i32
        %dma_start3A_205 = arith.constant 0 : i32
        %dma_start3A_206 = tpu.memref_slice %arg6[%add3A_204, %dma_start3A_205] : memref<24x128xi32, #tpu.memory_space<vmem>> -> memref<1x128xi32, #tpu.memory_space<vmem>>
        %dma_start3A_207 = tpu.memref_squeeze %dma_start3A_206 : memref<1x128xi32, #tpu.memory_space<vmem>> -> memref<128xi32, #tpu.memory_space<vmem>>
        %dma_start3A_208 = arith.constant 0 : i32
        %dma_start3A_209 = arith.constant 0 : i32
        %dma_start3A_210 = tpu.memref_slice %arg2[%dma_start3A_208, %dma_start3A_209] : memref<50000x16xf32, #tpu.memory_space<hbm>> -> memref<50000x16xf32, #tpu.memory_space<hbm>>
        tpu.enqueue_indirect_dma source(%dma_start3A_210 : memref<50000x16xf32, #tpu.memory_space<hbm>>) target(%arg10 : memref<128x16xf32, #tpu.memory_space<vmem>>) offsets(%dma_start3A_207 : memref<128xi32, #tpu.memory_space<vmem>>) semaphore(%arg17 : memref<!tpu.dma_semaphore, #tpu.memory_space<semaphore_mem>>)
        %add3A_211 = arith.constant 1 : i32
        %add3A_212 = arith.addi %mul3A_202, %add3A_211 : i32
        %dma_start3A_213 = arith.constant 0 : i32
        %dma_start3A_214 = tpu.memref_slice %arg6[%add3A_212, %dma_start3A_213] : memref<24x128xi32, #tpu.memory_space<vmem>> -> memref<1x128xi32, #tpu.memory_space<vmem>>
        %dma_start3A_215 = tpu.memref_squeeze %dma_start3A_214 : memref<1x128xi32, #tpu.memory_space<vmem>> -> memref<128xi32, #tpu.memory_space<vmem>>
        %dma_start3A_216 = arith.constant 0 : i32
        %dma_start3A_217 = arith.constant 0 : i32
        %dma_start3A_218 = tpu.memref_slice %arg2[%dma_start3A_216, %dma_start3A_217] : memref<50000x16xf32, #tpu.memory_space<hbm>> -> memref<50000x16xf32, #tpu.memory_space<hbm>>
        tpu.enqueue_indirect_dma source(%dma_start3A_218 : memref<50000x16xf32, #tpu.memory_space<hbm>>) target(%arg11 : memref<128x16xf32, #tpu.memory_space<vmem>>) offsets(%dma_start3A_215 : memref<128xi32, #tpu.memory_space<vmem>>) semaphore(%arg18 : memref<!tpu.dma_semaphore, #tpu.memory_space<semaphore_mem>>)
        %add3A_219 = arith.constant 2 : i32
        %add3A_220 = arith.addi %mul3A_202, %add3A_219 : i32
        %dma_start3A_221 = arith.constant 0 : i32
        %dma_start3A_222 = tpu.memref_slice %arg6[%add3A_220, %dma_start3A_221] : memref<24x128xi32, #tpu.memory_space<vmem>> -> memref<1x128xi32, #tpu.memory_space<vmem>>
        %dma_start3A_223 = tpu.memref_squeeze %dma_start3A_222 : memref<1x128xi32, #tpu.memory_space<vmem>> -> memref<128xi32, #tpu.memory_space<vmem>>
        %dma_start3A_224 = arith.constant 0 : i32
        %dma_start3A_225 = arith.constant 0 : i32
        %dma_start3A_226 = tpu.memref_slice %arg2[%dma_start3A_224, %dma_start3A_225] : memref<50000x16xf32, #tpu.memory_space<hbm>> -> memref<50000x16xf32, #tpu.memory_space<hbm>>
        tpu.enqueue_indirect_dma source(%dma_start3A_226 : memref<50000x16xf32, #tpu.memory_space<hbm>>) target(%arg12 : memref<128x16xf32, #tpu.memory_space<vmem>>) offsets(%dma_start3A_223 : memref<128xi32, #tpu.memory_space<vmem>>) semaphore(%arg19 : memref<!tpu.dma_semaphore, #tpu.memory_space<semaphore_mem>>)
        %add3A_227 = arith.constant 3 : i32
        %add3A_228 = arith.addi %mul3A_202, %add3A_227 : i32
        %dma_start3A_229 = arith.constant 0 : i32
        %dma_start3A_230 = tpu.memref_slice %arg6[%add3A_228, %dma_start3A_229] : memref<24x128xi32, #tpu.memory_space<vmem>> -> memref<1x128xi32, #tpu.memory_space<vmem>>
        %dma_start3A_231 = tpu.memref_squeeze %dma_start3A_230 : memref<1x128xi32, #tpu.memory_space<vmem>> -> memref<128xi32, #tpu.memory_space<vmem>>
        %dma_start3A_232 = arith.constant 0 : i32
        %dma_start3A_233 = arith.constant 0 : i32
        %dma_start3A_234 = tpu.memref_slice %arg2[%dma_start3A_232, %dma_start3A_233] : memref<50000x16xf32, #tpu.memory_space<hbm>> -> memref<50000x16xf32, #tpu.memory_space<hbm>>
        tpu.enqueue_indirect_dma source(%dma_start3A_234 : memref<50000x16xf32, #tpu.memory_space<hbm>>) target(%arg13 : memref<128x16xf32, #tpu.memory_space<vmem>>) offsets(%dma_start3A_231 : memref<128xi32, #tpu.memory_space<vmem>>) semaphore(%arg20 : memref<!tpu.dma_semaphore, #tpu.memory_space<semaphore_mem>>)
        %add3A_235 = arith.constant 0 : i32
        %add3A_236 = arith.addi %mul3A_202, %add3A_235 : i32
        %get3A = arith.index_cast %add3A_236 : i32 to index
        %get3A_237 = arith.constant 0 : index
        %get3A_238 = tpu.vector_load %arg7[%get3A, %get3A_237] {strides = array<i32>} : memref<24x128xi32, #tpu.memory_space<vmem>>, vector<16xi32>,
        tpu.vector_store_idx %arg15[%get3A_238], %broadcast_in_dim3A_5 {add = true} : memref<50016xf32, #tpu.memory_space<vmem>>[vector<16xi32>], vector<16xf32>,
        %add3A_239 = arith.constant 0 : i32
        %add3A_240 = arith.addi %mul3A_202, %add3A_239 : i32
        %get3A_241 = arith.index_cast %add3A_240 : i32 to index
        %get3A_242 = arith.constant 16 : index
        %get3A_243 = tpu.vector_load %arg7[%get3A_241, %get3A_242] {strides = array<i32>} : memref<24x128xi32, #tpu.memory_space<vmem>>, vector<16xi32>,
        tpu.vector_store_idx %arg15[%get3A_243], %broadcast_in_dim3A_5 {add = true} : memref<50016xf32, #tpu.memory_space<vmem>>[vector<16xi32>], vector<16xf32>,
        %add3A_244 = arith.constant 0 : i32
        %add3A_245 = arith.addi %mul3A_202, %add3A_244 : i32
        %get3A_246 = arith.index_cast %add3A_245 : i32 to index
        %get3A_247 = arith.constant 32 : index
        %get3A_248 = tpu.vector_load %arg7[%get3A_246, %get3A_247] {strides = array<i32>} : memref<24x128xi32, #tpu.memory_space<vmem>>, vector<16xi32>,
        tpu.vector_store_idx %arg15[%get3A_248], %broadcast_in_dim3A_5 {add = true} : memref<50016xf32, #tpu.memory_space<vmem>>[vector<16xi32>], vector<16xf32>,
        %add3A_249 = arith.constant 0 : i32
        %add3A_250 = arith.addi %mul3A_202, %add3A_249 : i32
        %get3A_251 = arith.index_cast %add3A_250 : i32 to index
        %get3A_252 = arith.constant 48 : index
        %get3A_253 = tpu.vector_load %arg7[%get3A_251, %get3A_252] {strides = array<i32>} : memref<24x128xi32, #tpu.memory_space<vmem>>, vector<16xi32>,
        tpu.vector_store_idx %arg15[%get3A_253], %broadcast_in_dim3A_5 {add = true} : memref<50016xf32, #tpu.memory_space<vmem>>[vector<16xi32>], vector<16xf32>,
        %add3A_254 = arith.constant 0 : i32
        %add3A_255 = arith.addi %mul3A_202, %add3A_254 : i32
        %get3A_256 = arith.index_cast %add3A_255 : i32 to index
        %get3A_257 = arith.constant 64 : index
        %get3A_258 = tpu.vector_load %arg7[%get3A_256, %get3A_257] {strides = array<i32>} : memref<24x128xi32, #tpu.memory_space<vmem>>, vector<16xi32>,
        tpu.vector_store_idx %arg15[%get3A_258], %broadcast_in_dim3A_5 {add = true} : memref<50016xf32, #tpu.memory_space<vmem>>[vector<16xi32>], vector<16xf32>,
        %add3A_259 = arith.constant 0 : i32
        %add3A_260 = arith.addi %mul3A_202, %add3A_259 : i32
        %get3A_261 = arith.index_cast %add3A_260 : i32 to index
        %get3A_262 = arith.constant 80 : index
        %get3A_263 = tpu.vector_load %arg7[%get3A_261, %get3A_262] {strides = array<i32>} : memref<24x128xi32, #tpu.memory_space<vmem>>, vector<16xi32>,
        tpu.vector_store_idx %arg15[%get3A_263], %broadcast_in_dim3A_5 {add = true} : memref<50016xf32, #tpu.memory_space<vmem>>[vector<16xi32>], vector<16xf32>,
        %add3A_264 = arith.constant 0 : i32
        %add3A_265 = arith.addi %mul3A_202, %add3A_264 : i32
        %get3A_266 = arith.index_cast %add3A_265 : i32 to index
        %get3A_267 = arith.constant 96 : index
        %get3A_268 = tpu.vector_load %arg7[%get3A_266, %get3A_267] {strides = array<i32>} : memref<24x128xi32, #tpu.memory_space<vmem>>, vector<16xi32>,
        tpu.vector_store_idx %arg15[%get3A_268], %broadcast_in_dim3A_5 {add = true} : memref<50016xf32, #tpu.memory_space<vmem>>[vector<16xi32>], vector<16xf32>,
        %add3A_269 = arith.constant 0 : i32
        %add3A_270 = arith.addi %mul3A_202, %add3A_269 : i32
        %get3A_271 = arith.index_cast %add3A_270 : i32 to index
        %get3A_272 = arith.constant 112 : index
        %get3A_273 = tpu.vector_load %arg7[%get3A_271, %get3A_272] {strides = array<i32>} : memref<24x128xi32, #tpu.memory_space<vmem>>, vector<16xi32>,
        tpu.vector_store_idx %arg15[%get3A_273], %broadcast_in_dim3A_5 {add = true} : memref<50016xf32, #tpu.memory_space<vmem>>[vector<16xi32>], vector<16xf32>,
        %add3A_274 = arith.constant 1 : i32
        %add3A_275 = arith.addi %mul3A_202, %add3A_274 : i32
        %get3A_276 = arith.index_cast %add3A_275 : i32 to index
        %get3A_277 = arith.constant 0 : index
        %get3A_278 = tpu.vector_load %arg7[%get3A_276, %get3A_277] {strides = array<i32>} : memref<24x128xi32, #tpu.memory_space<vmem>>, vector<16xi32>,
        tpu.vector_store_idx %arg15[%get3A_278], %broadcast_in_dim3A_5 {add = true} : memref<50016xf32, #tpu.memory_space<vmem>>[vector<16xi32>], vector<16xf32>,
        %add3A_279 = arith.constant 1 : i32
        %add3A_280 = arith.addi %mul3A_202, %add3A_279 : i32
        %get3A_281 = arith.index_cast %add3A_280 : i32 to index
        %get3A_282 = arith.constant 16 : index
        %get3A_283 = tpu.vector_load %arg7[%get3A_281, %get3A_282] {strides = array<i32>} : memref<24x128xi32, #tpu.memory_space<vmem>>, vector<16xi32>,
        tpu.vector_store_idx %arg15[%get3A_283], %broadcast_in_dim3A_5 {add = true} : memref<50016xf32, #tpu.memory_space<vmem>>[vector<16xi32>], vector<16xf32>,
        %add3A_284 = arith.constant 1 : i32
        %add3A_285 = arith.addi %mul3A_202, %add3A_284 : i32
        %get3A_286 = arith.index_cast %add3A_285 : i32 to index
        %get3A_287 = arith.constant 32 : index
        %get3A_288 = tpu.vector_load %arg7[%get3A_286, %get3A_287] {strides = array<i32>} : memref<24x128xi32, #tpu.memory_space<vmem>>, vector<16xi32>,
        tpu.vector_store_idx %arg15[%get3A_288], %broadcast_in_dim3A_5 {add = true} : memref<50016xf32, #tpu.memory_space<vmem>>[vector<16xi32>], vector<16xf32>,
        %add3A_289 = arith.constant 1 : i32
        %add3A_290 = arith.addi %mul3A_202, %add3A_289 : i32
        %get3A_291 = arith.index_cast %add3A_290 : i32 to index
        %get3A_292 = arith.constant 48 : index
        %get3A_293 = tpu.vector_load %arg7[%get3A_291, %get3A_292] {strides = array<i32>} : memref<24x128xi32, #tpu.memory_space<vmem>>, vector<16xi32>,
        tpu.vector_store_idx %arg15[%get3A_293], %broadcast_in_dim3A_5 {add = true} : memref<50016xf32, #tpu.memory_space<vmem>>[vector<16xi32>], vector<16xf32>,
        %add3A_294 = arith.constant 1 : i32
        %add3A_295 = arith.addi %mul3A_202, %add3A_294 : i32
        %get3A_296 = arith.index_cast %add3A_295 : i32 to index
        %get3A_297 = arith.constant 64 : index
        %get3A_298 = tpu.vector_load %arg7[%get3A_296, %get3A_297] {strides = array<i32>} : memref<24x128xi32, #tpu.memory_space<vmem>>, vector<16xi32>,
        tpu.vector_store_idx %arg15[%get3A_298], %broadcast_in_dim3A_5 {add = true} : memref<50016xf32, #tpu.memory_space<vmem>>[vector<16xi32>], vector<16xf32>,
        %add3A_299 = arith.constant 1 : i32
        %add3A_300 = arith.addi %mul3A_202, %add3A_299 : i32
        %get3A_301 = arith.index_cast %add3A_300 : i32 to index
        %get3A_302 = arith.constant 80 : index
        %get3A_303 = tpu.vector_load %arg7[%get3A_301, %get3A_302] {strides = array<i32>} : memref<24x128xi32, #tpu.memory_space<vmem>>, vector<16xi32>,
        tpu.vector_store_idx %arg15[%get3A_303], %broadcast_in_dim3A_5 {add = true} : memref<50016xf32, #tpu.memory_space<vmem>>[vector<16xi32>], vector<16xf32>,
        %add3A_304 = arith.constant 1 : i32
        %add3A_305 = arith.addi %mul3A_202, %add3A_304 : i32
        %get3A_306 = arith.index_cast %add3A_305 : i32 to index
        %get3A_307 = arith.constant 96 : index
        %get3A_308 = tpu.vector_load %arg7[%get3A_306, %get3A_307] {strides = array<i32>} : memref<24x128xi32, #tpu.memory_space<vmem>>, vector<16xi32>,
        tpu.vector_store_idx %arg15[%get3A_308], %broadcast_in_dim3A_5 {add = true} : memref<50016xf32, #tpu.memory_space<vmem>>[vector<16xi32>], vector<16xf32>,
        %add3A_309 = arith.constant 1 : i32
        %add3A_310 = arith.addi %mul3A_202, %add3A_309 : i32
        %get3A_311 = arith.index_cast %add3A_310 : i32 to index
        %get3A_312 = arith.constant 112 : index
        %get3A_313 = tpu.vector_load %arg7[%get3A_311, %get3A_312] {strides = array<i32>} : memref<24x128xi32, #tpu.memory_space<vmem>>, vector<16xi32>,
        tpu.vector_store_idx %arg15[%get3A_313], %broadcast_in_dim3A_5 {add = true} : memref<50016xf32, #tpu.memory_space<vmem>>[vector<16xi32>], vector<16xf32>,
        %add3A_314 = arith.constant 2 : i32
        %add3A_315 = arith.addi %mul3A_202, %add3A_314 : i32
        %get3A_316 = arith.index_cast %add3A_315 : i32 to index
        %get3A_317 = arith.constant 0 : index
        %get3A_318 = tpu.vector_load %arg7[%get3A_316, %get3A_317] {strides = array<i32>} : memref<24x128xi32, #tpu.memory_space<vmem>>, vector<16xi32>,
        tpu.vector_store_idx %arg15[%get3A_318], %broadcast_in_dim3A_5 {add = true} : memref<50016xf32, #tpu.memory_space<vmem>>[vector<16xi32>], vector<16xf32>,
        %add3A_319 = arith.constant 2 : i32
        %add3A_320 = arith.addi %mul3A_202, %add3A_319 : i32
        %get3A_321 = arith.index_cast %add3A_320 : i32 to index
        %get3A_322 = arith.constant 16 : index
        %get3A_323 = tpu.vector_load %arg7[%get3A_321, %get3A_322] {strides = array<i32>} : memref<24x128xi32, #tpu.memory_space<vmem>>, vector<16xi32>,
        tpu.vector_store_idx %arg15[%get3A_323], %broadcast_in_dim3A_5 {add = true} : memref<50016xf32, #tpu.memory_space<vmem>>[vector<16xi32>], vector<16xf32>,
        %add3A_324 = arith.constant 2 : i32
        %add3A_325 = arith.addi %mul3A_202, %add3A_324 : i32
        %get3A_326 = arith.index_cast %add3A_325 : i32 to index
        %get3A_327 = arith.constant 32 : index
        %get3A_328 = tpu.vector_load %arg7[%get3A_326, %get3A_327] {strides = array<i32>} : memref<24x128xi32, #tpu.memory_space<vmem>>, vector<16xi32>,
        tpu.vector_store_idx %arg15[%get3A_328], %broadcast_in_dim3A_5 {add = true} : memref<50016xf32, #tpu.memory_space<vmem>>[vector<16xi32>], vector<16xf32>,
        %add3A_329 = arith.constant 2 : i32
        %add3A_330 = arith.addi %mul3A_202, %add3A_329 : i32
        %get3A_331 = arith.index_cast %add3A_330 : i32 to index
        %get3A_332 = arith.constant 48 : index
        %get3A_333 = tpu.vector_load %arg7[%get3A_331, %get3A_332] {strides = array<i32>} : memref<24x128xi32, #tpu.memory_space<vmem>>, vector<16xi32>,
        tpu.vector_store_idx %arg15[%get3A_333], %broadcast_in_dim3A_5 {add = true} : memref<50016xf32, #tpu.memory_space<vmem>>[vector<16xi32>], vector<16xf32>,
        %add3A_334 = arith.constant 2 : i32
        %add3A_335 = arith.addi %mul3A_202, %add3A_334 : i32
        %get3A_336 = arith.index_cast %add3A_335 : i32 to index
        %get3A_337 = arith.constant 64 : index
        %get3A_338 = tpu.vector_load %arg7[%get3A_336, %get3A_337] {strides = array<i32>} : memref<24x128xi32, #tpu.memory_space<vmem>>, vector<16xi32>,
        tpu.vector_store_idx %arg15[%get3A_338], %broadcast_in_dim3A_5 {add = true} : memref<50016xf32, #tpu.memory_space<vmem>>[vector<16xi32>], vector<16xf32>,
        %add3A_339 = arith.constant 2 : i32
        %add3A_340 = arith.addi %mul3A_202, %add3A_339 : i32
        %get3A_341 = arith.index_cast %add3A_340 : i32 to index
        %get3A_342 = arith.constant 80 : index
        %get3A_343 = tpu.vector_load %arg7[%get3A_341, %get3A_342] {strides = array<i32>} : memref<24x128xi32, #tpu.memory_space<vmem>>, vector<16xi32>,
        tpu.vector_store_idx %arg15[%get3A_343], %broadcast_in_dim3A_5 {add = true} : memref<50016xf32, #tpu.memory_space<vmem>>[vector<16xi32>], vector<16xf32>,
        %add3A_344 = arith.constant 2 : i32
        %add3A_345 = arith.addi %mul3A_202, %add3A_344 : i32
        %get3A_346 = arith.index_cast %add3A_345 : i32 to index
        %get3A_347 = arith.constant 96 : index
        %get3A_348 = tpu.vector_load %arg7[%get3A_346, %get3A_347] {strides = array<i32>} : memref<24x128xi32, #tpu.memory_space<vmem>>, vector<16xi32>,
        tpu.vector_store_idx %arg15[%get3A_348], %broadcast_in_dim3A_5 {add = true} : memref<50016xf32, #tpu.memory_space<vmem>>[vector<16xi32>], vector<16xf32>,
        %add3A_349 = arith.constant 2 : i32
        %add3A_350 = arith.addi %mul3A_202, %add3A_349 : i32
        %get3A_351 = arith.index_cast %add3A_350 : i32 to index
        %get3A_352 = arith.constant 112 : index
        %get3A_353 = tpu.vector_load %arg7[%get3A_351, %get3A_352] {strides = array<i32>} : memref<24x128xi32, #tpu.memory_space<vmem>>, vector<16xi32>,
        tpu.vector_store_idx %arg15[%get3A_353], %broadcast_in_dim3A_5 {add = true} : memref<50016xf32, #tpu.memory_space<vmem>>[vector<16xi32>], vector<16xf32>,
        %add3A_354 = arith.constant 3 : i32
        %add3A_355 = arith.addi %mul3A_202, %add3A_354 : i32
        %get3A_356 = arith.index_cast %add3A_355 : i32 to index
        %get3A_357 = arith.constant 0 : index
        %get3A_358 = tpu.vector_load %arg7[%get3A_356, %get3A_357] {strides = array<i32>} : memref<24x128xi32, #tpu.memory_space<vmem>>, vector<16xi32>,
        tpu.vector_store_idx %arg15[%get3A_358], %broadcast_in_dim3A_5 {add = true} : memref<50016xf32, #tpu.memory_space<vmem>>[vector<16xi32>], vector<16xf32>,
        %add3A_359 = arith.constant 3 : i32
        %add3A_360 = arith.addi %mul3A_202, %add3A_359 : i32
        %get3A_361 = arith.index_cast %add3A_360 : i32 to index
        %get3A_362 = arith.constant 16 : index
        %get3A_363 = tpu.vector_load %arg7[%get3A_361, %get3A_362] {strides = array<i32>} : memref<24x128xi32, #tpu.memory_space<vmem>>, vector<16xi32>,
        tpu.vector_store_idx %arg15[%get3A_363], %broadcast_in_dim3A_5 {add = true} : memref<50016xf32, #tpu.memory_space<vmem>>[vector<16xi32>], vector<16xf32>,
        %add3A_364 = arith.constant 3 : i32
        %add3A_365 = arith.addi %mul3A_202, %add3A_364 : i32
        %get3A_366 = arith.index_cast %add3A_365 : i32 to index
        %get3A_367 = arith.constant 32 : index
        %get3A_368 = tpu.vector_load %arg7[%get3A_366, %get3A_367] {strides = array<i32>} : memref<24x128xi32, #tpu.memory_space<vmem>>, vector<16xi32>,
        tpu.vector_store_idx %arg15[%get3A_368], %broadcast_in_dim3A_5 {add = true} : memref<50016xf32, #tpu.memory_space<vmem>>[vector<16xi32>], vector<16xf32>,
        %add3A_369 = arith.constant 3 : i32
        %add3A_370 = arith.addi %mul3A_202, %add3A_369 : i32
        %get3A_371 = arith.index_cast %add3A_370 : i32 to index
        %get3A_372 = arith.constant 48 : index
        %get3A_373 = tpu.vector_load %arg7[%get3A_371, %get3A_372] {strides = array<i32>} : memref<24x128xi32, #tpu.memory_space<vmem>>, vector<16xi32>,
        tpu.vector_store_idx %arg15[%get3A_373], %broadcast_in_dim3A_5 {add = true} : memref<50016xf32, #tpu.memory_space<vmem>>[vector<16xi32>], vector<16xf32>,
        %add3A_374 = arith.constant 3 : i32
        %add3A_375 = arith.addi %mul3A_202, %add3A_374 : i32
        %get3A_376 = arith.index_cast %add3A_375 : i32 to index
        %get3A_377 = arith.constant 64 : index
        %get3A_378 = tpu.vector_load %arg7[%get3A_376, %get3A_377] {strides = array<i32>} : memref<24x128xi32, #tpu.memory_space<vmem>>, vector<16xi32>,
        tpu.vector_store_idx %arg15[%get3A_378], %broadcast_in_dim3A_5 {add = true} : memref<50016xf32, #tpu.memory_space<vmem>>[vector<16xi32>], vector<16xf32>,
        %add3A_379 = arith.constant 3 : i32
        %add3A_380 = arith.addi %mul3A_202, %add3A_379 : i32
        %get3A_381 = arith.index_cast %add3A_380 : i32 to index
        %get3A_382 = arith.constant 80 : index
        %get3A_383 = tpu.vector_load %arg7[%get3A_381, %get3A_382] {strides = array<i32>} : memref<24x128xi32, #tpu.memory_space<vmem>>, vector<16xi32>,
        tpu.vector_store_idx %arg15[%get3A_383], %broadcast_in_dim3A_5 {add = true} : memref<50016xf32, #tpu.memory_space<vmem>>[vector<16xi32>], vector<16xf32>,
        %add3A_384 = arith.constant 3 : i32
        %add3A_385 = arith.addi %mul3A_202, %add3A_384 : i32
        %get3A_386 = arith.index_cast %add3A_385 : i32 to index
        %get3A_387 = arith.constant 96 : index
        %get3A_388 = tpu.vector_load %arg7[%get3A_386, %get3A_387] {strides = array<i32>} : memref<24x128xi32, #tpu.memory_space<vmem>>, vector<16xi32>,
        tpu.vector_store_idx %arg15[%get3A_388], %broadcast_in_dim3A_5 {add = true} : memref<50016xf32, #tpu.memory_space<vmem>>[vector<16xi32>], vector<16xf32>,
        %add3A_389 = arith.constant 3 : i32
        %add3A_390 = arith.addi %mul3A_202, %add3A_389 : i32
        %get3A_391 = arith.index_cast %add3A_390 : i32 to index
        %get3A_392 = arith.constant 112 : index
        %get3A_393 = tpu.vector_load %arg7[%get3A_391, %get3A_392] {strides = array<i32>} : memref<24x128xi32, #tpu.memory_space<vmem>>, vector<16xi32>,
        tpu.vector_store_idx %arg15[%get3A_393], %broadcast_in_dim3A_5 {add = true} : memref<50016xf32, #tpu.memory_space<vmem>>[vector<16xi32>], vector<16xf32>,
        %dma_wait3A_394 = arith.constant 0 : i32
        %dma_wait3A_395 = tpu.memref_slice %arg6[%add3A_204, %dma_wait3A_394] : memref<24x128xi32, #tpu.memory_space<vmem>> -> memref<1x128xi32, #tpu.memory_space<vmem>>
        %dma_wait3A_396 = tpu.memref_squeeze %dma_wait3A_395 : memref<1x128xi32, #tpu.memory_space<vmem>> -> memref<128xi32, #tpu.memory_space<vmem>>
        %dma_wait3A_397 = arith.constant 0 : i32
        %dma_wait3A_398 = arith.constant 0 : i32
        %dma_wait3A_399 = tpu.memref_slice %arg2[%dma_wait3A_397, %dma_wait3A_398] : memref<50000x16xf32, #tpu.memory_space<hbm>> -> memref<50000x16xf32, #tpu.memory_space<hbm>>
        tpu.wait_indirect_dma semaphore(%arg17 : memref<!tpu.dma_semaphore, #tpu.memory_space<semaphore_mem>>) src(%dma_wait3A_399 : memref<50000x16xf32, #tpu.memory_space<hbm>>) dst(%arg10 : memref<128x16xf32, #tpu.memory_space<vmem>>)
        %add3A_400 = arith.constant 0 : i32
        %add3A_401 = arith.addi %mul3A_202, %add3A_400 : i32
        %dma_start3A_402 = arith.constant 0 : i32
        %dma_start3A_403 = tpu.memref_slice %arg7[%add3A_401, %dma_start3A_402] : memref<24x128xi32, #tpu.memory_space<vmem>> -> memref<1x128xi32, #tpu.memory_space<vmem>>
        %dma_start3A_404 = tpu.memref_squeeze %dma_start3A_403 : memref<1x128xi32, #tpu.memory_space<vmem>> -> memref<128xi32, #tpu.memory_space<vmem>>
        %dma_start3A_405 = arith.constant 0 : i32
        %dma_start3A_406 = arith.constant 0 : i32
        %dma_start3A_407 = tpu.memref_slice %arg16[%dma_start3A_405, %dma_start3A_406] : memref<50176x16xf32, #tpu.memory_space<vmem_shared>> -> memref<50176x16xf32, #tpu.memory_space<vmem_shared>>
        tpu.enqueue_indirect_dma source(%arg10 : memref<128x16xf32, #tpu.memory_space<vmem>>) target(%dma_start3A_407 : memref<50176x16xf32, #tpu.memory_space<vmem_shared>>) offsets(%dma_start3A_404 : memref<128xi32, #tpu.memory_space<vmem>>) semaphore(%arg21 : memref<!tpu.dma_semaphore, #tpu.memory_space<semaphore_mem>>) {add = true}
        %dma_wait3A_408 = arith.constant 0 : i32
        %dma_wait3A_409 = tpu.memref_slice %arg6[%add3A_212, %dma_wait3A_408] : memref<24x128xi32, #tpu.memory_space<vmem>> -> memref<1x128xi32, #tpu.memory_space<vmem>>
        %dma_wait3A_410 = tpu.memref_squeeze %dma_wait3A_409 : memref<1x128xi32, #tpu.memory_space<vmem>> -> memref<128xi32, #tpu.memory_space<vmem>>
        %dma_wait3A_411 = arith.constant 0 : i32
        %dma_wait3A_412 = arith.constant 0 : i32
        %dma_wait3A_413 = tpu.memref_slice %arg2[%dma_wait3A_411, %dma_wait3A_412] : memref<50000x16xf32, #tpu.memory_space<hbm>> -> memref<50000x16xf32, #tpu.memory_space<hbm>>
        tpu.wait_indirect_dma semaphore(%arg18 : memref<!tpu.dma_semaphore, #tpu.memory_space<semaphore_mem>>) src(%dma_wait3A_413 : memref<50000x16xf32, #tpu.memory_space<hbm>>) dst(%arg11 : memref<128x16xf32, #tpu.memory_space<vmem>>)
        %add3A_414 = arith.constant 1 : i32
        %add3A_415 = arith.addi %mul3A_202, %add3A_414 : i32
        %dma_start3A_416 = arith.constant 0 : i32
        %dma_start3A_417 = tpu.memref_slice %arg7[%add3A_415, %dma_start3A_416] : memref<24x128xi32, #tpu.memory_space<vmem>> -> memref<1x128xi32, #tpu.memory_space<vmem>>
        %dma_start3A_418 = tpu.memref_squeeze %dma_start3A_417 : memref<1x128xi32, #tpu.memory_space<vmem>> -> memref<128xi32, #tpu.memory_space<vmem>>
        %dma_start3A_419 = arith.constant 0 : i32
        %dma_start3A_420 = arith.constant 0 : i32
        %dma_start3A_421 = tpu.memref_slice %arg16[%dma_start3A_419, %dma_start3A_420] : memref<50176x16xf32, #tpu.memory_space<vmem_shared>> -> memref<50176x16xf32, #tpu.memory_space<vmem_shared>>
        tpu.enqueue_indirect_dma source(%arg11 : memref<128x16xf32, #tpu.memory_space<vmem>>) target(%dma_start3A_421 : memref<50176x16xf32, #tpu.memory_space<vmem_shared>>) offsets(%dma_start3A_418 : memref<128xi32, #tpu.memory_space<vmem>>) semaphore(%arg22 : memref<!tpu.dma_semaphore, #tpu.memory_space<semaphore_mem>>) {add = true}
        %dma_wait3A_422 = arith.constant 0 : i32
        %dma_wait3A_423 = tpu.memref_slice %arg6[%add3A_220, %dma_wait3A_422] : memref<24x128xi32, #tpu.memory_space<vmem>> -> memref<1x128xi32, #tpu.memory_space<vmem>>
        %dma_wait3A_424 = tpu.memref_squeeze %dma_wait3A_423 : memref<1x128xi32, #tpu.memory_space<vmem>> -> memref<128xi32, #tpu.memory_space<vmem>>
        %dma_wait3A_425 = arith.constant 0 : i32
        %dma_wait3A_426 = arith.constant 0 : i32
        %dma_wait3A_427 = tpu.memref_slice %arg2[%dma_wait3A_425, %dma_wait3A_426] : memref<50000x16xf32, #tpu.memory_space<hbm>> -> memref<50000x16xf32, #tpu.memory_space<hbm>>
        tpu.wait_indirect_dma semaphore(%arg19 : memref<!tpu.dma_semaphore, #tpu.memory_space<semaphore_mem>>) src(%dma_wait3A_427 : memref<50000x16xf32, #tpu.memory_space<hbm>>) dst(%arg12 : memref<128x16xf32, #tpu.memory_space<vmem>>)
        %add3A_428 = arith.constant 2 : i32
        %add3A_429 = arith.addi %mul3A_202, %add3A_428 : i32
        %dma_start3A_430 = arith.constant 0 : i32
        %dma_start3A_431 = tpu.memref_slice %arg7[%add3A_429, %dma_start3A_430] : memref<24x128xi32, #tpu.memory_space<vmem>> -> memref<1x128xi32, #tpu.memory_space<vmem>>
        %dma_start3A_432 = tpu.memref_squeeze %dma_start3A_431 : memref<1x128xi32, #tpu.memory_space<vmem>> -> memref<128xi32, #tpu.memory_space<vmem>>
        %dma_start3A_433 = arith.constant 0 : i32
        %dma_start3A_434 = arith.constant 0 : i32
        %dma_start3A_435 = tpu.memref_slice %arg16[%dma_start3A_433, %dma_start3A_434] : memref<50176x16xf32, #tpu.memory_space<vmem_shared>> -> memref<50176x16xf32, #tpu.memory_space<vmem_shared>>
        tpu.enqueue_indirect_dma source(%arg12 : memref<128x16xf32, #tpu.memory_space<vmem>>) target(%dma_start3A_435 : memref<50176x16xf32, #tpu.memory_space<vmem_shared>>) offsets(%dma_start3A_432 : memref<128xi32, #tpu.memory_space<vmem>>) semaphore(%arg23 : memref<!tpu.dma_semaphore, #tpu.memory_space<semaphore_mem>>) {add = true}
        %dma_wait3A_436 = arith.constant 0 : i32
        %dma_wait3A_437 = tpu.memref_slice %arg6[%add3A_228, %dma_wait3A_436] : memref<24x128xi32, #tpu.memory_space<vmem>> -> memref<1x128xi32, #tpu.memory_space<vmem>>
        %dma_wait3A_438 = tpu.memref_squeeze %dma_wait3A_437 : memref<1x128xi32, #tpu.memory_space<vmem>> -> memref<128xi32, #tpu.memory_space<vmem>>
        %dma_wait3A_439 = arith.constant 0 : i32
        %dma_wait3A_440 = arith.constant 0 : i32
        %dma_wait3A_441 = tpu.memref_slice %arg2[%dma_wait3A_439, %dma_wait3A_440] : memref<50000x16xf32, #tpu.memory_space<hbm>> -> memref<50000x16xf32, #tpu.memory_space<hbm>>
        tpu.wait_indirect_dma semaphore(%arg20 : memref<!tpu.dma_semaphore, #tpu.memory_space<semaphore_mem>>) src(%dma_wait3A_441 : memref<50000x16xf32, #tpu.memory_space<hbm>>) dst(%arg13 : memref<128x16xf32, #tpu.memory_space<vmem>>)
        %add3A_442 = arith.constant 3 : i32
        %add3A_443 = arith.addi %mul3A_202, %add3A_442 : i32
        %dma_start3A_444 = arith.constant 0 : i32
        %dma_start3A_445 = tpu.memref_slice %arg7[%add3A_443, %dma_start3A_444] : memref<24x128xi32, #tpu.memory_space<vmem>> -> memref<1x128xi32, #tpu.memory_space<vmem>>
        %dma_start3A_446 = tpu.memref_squeeze %dma_start3A_445 : memref<1x128xi32, #tpu.memory_space<vmem>> -> memref<128xi32, #tpu.memory_space<vmem>>
        %dma_start3A_447 = arith.constant 0 : i32
        %dma_start3A_448 = arith.constant 0 : i32
        %dma_start3A_449 = tpu.memref_slice %arg16[%dma_start3A_447, %dma_start3A_448] : memref<50176x16xf32, #tpu.memory_space<vmem_shared>> -> memref<50176x16xf32, #tpu.memory_space<vmem_shared>>
        tpu.enqueue_indirect_dma source(%arg13 : memref<128x16xf32, #tpu.memory_space<vmem>>) target(%dma_start3A_449 : memref<50176x16xf32, #tpu.memory_space<vmem_shared>>) offsets(%dma_start3A_446 : memref<128xi32, #tpu.memory_space<vmem>>) semaphore(%arg24 : memref<!tpu.dma_semaphore, #tpu.memory_space<semaphore_mem>>) {add = true}
        %dma_wait3A_450 = arith.constant 0 : i32
        %dma_wait3A_451 = tpu.memref_slice %arg7[%add3A_401, %dma_wait3A_450] : memref<24x128xi32, #tpu.memory_space<vmem>> -> memref<1x128xi32, #tpu.memory_space<vmem>>
        %dma_wait3A_452 = tpu.memref_squeeze %dma_wait3A_451 : memref<1x128xi32, #tpu.memory_space<vmem>> -> memref<128xi32, #tpu.memory_space<vmem>>
        %dma_wait3A_453 = arith.constant 0 : i32
        %dma_wait3A_454 = arith.constant 0 : i32
        %dma_wait3A_455 = tpu.memref_slice %arg16[%dma_wait3A_453, %dma_wait3A_454] : memref<50176x16xf32, #tpu.memory_space<vmem_shared>> -> memref<50176x16xf32, #tpu.memory_space<vmem_shared>>
        tpu.wait_indirect_dma semaphore(%arg21 : memref<!tpu.dma_semaphore, #tpu.memory_space<semaphore_mem>>) src(%arg10 : memref<128x16xf32, #tpu.memory_space<vmem>>) dst(%dma_wait3A_455 : memref<50176x16xf32, #tpu.memory_space<vmem_shared>>)
        %dma_wait3A_456 = arith.constant 0 : i32
        %dma_wait3A_457 = tpu.memref_slice %arg7[%add3A_415, %dma_wait3A_456] : memref<24x128xi32, #tpu.memory_space<vmem>> -> memref<1x128xi32, #tpu.memory_space<vmem>>
        %dma_wait3A_458 = tpu.memref_squeeze %dma_wait3A_457 : memref<1x128xi32, #tpu.memory_space<vmem>> -> memref<128xi32, #tpu.memory_space<vmem>>
        %dma_wait3A_459 = arith.constant 0 : i32
        %dma_wait3A_460 = arith.constant 0 : i32
        %dma_wait3A_461 = tpu.memref_slice %arg16[%dma_wait3A_459, %dma_wait3A_460] : memref<50176x16xf32, #tpu.memory_space<vmem_shared>> -> memref<50176x16xf32, #tpu.memory_space<vmem_shared>>
        tpu.wait_indirect_dma semaphore(%arg22 : memref<!tpu.dma_semaphore, #tpu.memory_space<semaphore_mem>>) src(%arg11 : memref<128x16xf32, #tpu.memory_space<vmem>>) dst(%dma_wait3A_461 : memref<50176x16xf32, #tpu.memory_space<vmem_shared>>)
        %dma_wait3A_462 = arith.constant 0 : i32
        %dma_wait3A_463 = tpu.memref_slice %arg7[%add3A_429, %dma_wait3A_462] : memref<24x128xi32, #tpu.memory_space<vmem>> -> memref<1x128xi32, #tpu.memory_space<vmem>>
        %dma_wait3A_464 = tpu.memref_squeeze %dma_wait3A_463 : memref<1x128xi32, #tpu.memory_space<vmem>> -> memref<128xi32, #tpu.memory_space<vmem>>
        %dma_wait3A_465 = arith.constant 0 : i32
        %dma_wait3A_466 = arith.constant 0 : i32
        %dma_wait3A_467 = tpu.memref_slice %arg16[%dma_wait3A_465, %dma_wait3A_466] : memref<50176x16xf32, #tpu.memory_space<vmem_shared>> -> memref<50176x16xf32, #tpu.memory_space<vmem_shared>>
        tpu.wait_indirect_dma semaphore(%arg23 : memref<!tpu.dma_semaphore, #tpu.memory_space<semaphore_mem>>) src(%arg12 : memref<128x16xf32, #tpu.memory_space<vmem>>) dst(%dma_wait3A_467 : memref<50176x16xf32, #tpu.memory_space<vmem_shared>>)
        %dma_wait3A_468 = arith.constant 0 : i32
        %dma_wait3A_469 = tpu.memref_slice %arg7[%add3A_443, %dma_wait3A_468] : memref<24x128xi32, #tpu.memory_space<vmem>> -> memref<1x128xi32, #tpu.memory_space<vmem>>
        %dma_wait3A_470 = tpu.memref_squeeze %dma_wait3A_469 : memref<1x128xi32, #tpu.memory_space<vmem>> -> memref<128xi32, #tpu.memory_space<vmem>>
        %dma_wait3A_471 = arith.constant 0 : i32
        %dma_wait3A_472 = arith.constant 0 : i32
        %dma_wait3A_473 = tpu.memref_slice %arg16[%dma_wait3A_471, %dma_wait3A_472] : memref<50176x16xf32, #tpu.memory_space<vmem_shared>> -> memref<50176x16xf32, #tpu.memory_space<vmem_shared>>
        tpu.wait_indirect_dma semaphore(%arg24 : memref<!tpu.dma_semaphore, #tpu.memory_space<semaphore_mem>>) src(%arg13 : memref<128x16xf32, #tpu.memory_space<vmem>>) dst(%dma_wait3A_473 : memref<50176x16xf32, #tpu.memory_space<vmem_shared>>)
        %scan3A_474 = arith.constant 0 : i32
        scf.yield %scan3A_474 : i32
      }
      %scan3A_151 = arith.constant 6 : i32
      %mul3A_152 = arith.constant 2 : i32
      %mul3A_153 = arith.muli %mul3A_152, %scan3A_104 : i32
      %add3A_154 = arith.constant 2 : i32
      %add3A_155 = arith.addi %mul3A_153, %add3A_154 : i32
      %mul3A_156 = arith.constant 24 : i32
      %mul3A_157 = arith.muli %add3A_155, %mul3A_156 : i32
      %add3A_158 = arith.addi %mul3A_47, %mul3A_157 : i32
      %dma_start3A_159 = arith.constant 0 : i32
      %dma_start3A_160 = arith.constant 0 : i32
      %dma_start3A_161 = tpu.memref_slice %arg3[%dma_start3A_159, %add3A_158, %dma_start3A_160] : memref<2x12500x128xi32, #tpu.memory_space<hbm>> -> memref<1x24x128xi32, #tpu.memory_space<hbm>>
      %dma_start3A_162 = tpu.memref_squeeze %dma_start3A_161 : memref<1x24x128xi32, #tpu.memory_space<hbm>> -> memref<24x128xi32, #tpu.memory_space<hbm>>
      %dma_start3A_163 = arith.constant 0 : i32
      %dma_start3A_164 = tpu.memref_slice %arg3[%dma_start3A_159, %add3A_158, %dma_start3A_163] : memref<2x12500x128xi32, #tpu.memory_space<hbm>> -> memref<1x24x128xi32, #tpu.memory_space<hbm>>
      %dma_start3A_165 = tpu.memref_squeeze %dma_start3A_164 : memref<1x24x128xi32, #tpu.memory_space<hbm>> -> memref<24x128xi32, #tpu.memory_space<hbm>>
      tpu.enqueue_dma source(%dma_start3A_165 : memref<24x128xi32, #tpu.memory_space<hbm>>) target(%arg6 : memref<24x128xi32, #tpu.memory_space<vmem>>) target_semaphore(%arg25 : memref<!tpu.dma_semaphore, #tpu.memory_space<semaphore_mem>>)
      %dma_start3A_166 = arith.constant 1 : i32
      %dma_start3A_167 = arith.constant 0 : i32
      %dma_start3A_168 = tpu.memref_slice %arg3[%dma_start3A_166, %add3A_158, %dma_start3A_167] : memref<2x12500x128xi32, #tpu.memory_space<hbm>> -> memref<1x24x128xi32, #tpu.memory_space<hbm>>
      %dma_start3A_169 = tpu.memref_squeeze %dma_start3A_168 : memref<1x24x128xi32, #tpu.memory_space<hbm>> -> memref<24x128xi32, #tpu.memory_space<hbm>>
      %dma_start3A_170 = arith.constant 0 : i32
      %dma_start3A_171 = tpu.memref_slice %arg3[%dma_start3A_166, %add3A_158, %dma_start3A_170] : memref<2x12500x128xi32, #tpu.memory_space<hbm>> -> memref<1x24x128xi32, #tpu.memory_space<hbm>>
      %dma_start3A_172 = tpu.memref_squeeze %dma_start3A_171 : memref<1x24x128xi32, #tpu.memory_space<hbm>> -> memref<24x128xi32, #tpu.memory_space<hbm>>
      tpu.enqueue_dma source(%dma_start3A_172 : memref<24x128xi32, #tpu.memory_space<hbm>>) target(%arg7 : memref<24x128xi32, #tpu.memory_space<vmem>>) target_semaphore(%arg26 : memref<!tpu.dma_semaphore, #tpu.memory_space<semaphore_mem>>)
      %dma_wait3A_173 = arith.constant 0 : i32
      %dma_wait3A_174 = arith.constant 0 : i32
      %dma_wait3A_175 = arith.constant 0 : i32
      %dma_wait3A_176 = tpu.memref_slice %arg3[%dma_wait3A_173, %dma_wait3A_174, %dma_wait3A_175] : memref<2x12500x128xi32, #tpu.memory_space<hbm>> -> memref<1x24x128xi32, #tpu.memory_space<hbm>>
      %dma_wait3A_177 = tpu.memref_squeeze %dma_wait3A_176 : memref<1x24x128xi32, #tpu.memory_space<hbm>> -> memref<24x128xi32, #tpu.memory_space<hbm>>
      %dma_wait3A_178 = arith.constant 0 : i32
      %dma_wait3A_179 = arith.constant 0 : i32
      %dma_wait3A_180 = tpu.memref_slice %arg3[%dma_wait3A_173, %dma_wait3A_178, %dma_wait3A_179] : memref<2x12500x128xi32, #tpu.memory_space<hbm>> -> memref<1x24x128xi32, #tpu.memory_space<hbm>>
      %dma_wait3A_181 = tpu.memref_squeeze %dma_wait3A_180 : memref<1x24x128xi32, #tpu.memory_space<hbm>> -> memref<24x128xi32, #tpu.memory_space<hbm>>
      tpu.wait_dma2 semaphore(%arg27 : memref<!tpu.dma_semaphore, #tpu.memory_space<semaphore_mem>>) src(%dma_wait3A_181 : memref<24x128xi32, #tpu.memory_space<hbm>>) dst(%arg8 : memref<24x128xi32, #tpu.memory_space<vmem>>)
      %dma_wait3A_182 = arith.constant 1 : i32
      %dma_wait3A_183 = arith.constant 0 : i32
      %dma_wait3A_184 = arith.constant 0 : i32
      %dma_wait3A_185 = tpu.memref_slice %arg3[%dma_wait3A_182, %dma_wait3A_183, %dma_wait3A_184] : memref<2x12500x128xi32, #tpu.memory_space<hbm>> -> memref<1x24x128xi32, #tpu.memory_space<hbm>>
      %dma_wait3A_186 = tpu.memref_squeeze %dma_wait3A_185 : memref<1x24x128xi32, #tpu.memory_space<hbm>> -> memref<24x128xi32, #tpu.memory_space<hbm>>
      %dma_wait3A_187 = arith.constant 0 : i32
      %dma_wait3A_188 = arith.constant 0 : i32
      %dma_wait3A_189 = tpu.memref_slice %arg3[%dma_wait3A_182, %dma_wait3A_187, %dma_wait3A_188] : memref<2x12500x128xi32, #tpu.memory_space<hbm>> -> memref<1x24x128xi32, #tpu.memory_space<hbm>>
      %dma_wait3A_190 = tpu.memref_squeeze %dma_wait3A_189 : memref<1x24x128xi32, #tpu.memory_space<hbm>> -> memref<24x128xi32, #tpu.memory_space<hbm>>
      tpu.wait_dma2 semaphore(%arg28 : memref<!tpu.dma_semaphore, #tpu.memory_space<semaphore_mem>>) src(%dma_wait3A_190 : memref<24x128xi32, #tpu.memory_space<hbm>>) dst(%arg9 : memref<24x128xi32, #tpu.memory_space<vmem>>)
      %scan3A_191 = arith.constant 0 : i32
      %scan3A_192 = arith.constant 0 : i32
      %scan3A_193 = arith.constant 6 : i32
      %scan3A_194 = arith.addi %scan3A_192, %scan3A_193 : i32
      %scan3A_195 = arith.constant 1 : i32
      %scan3A_196 = scf.for %scan3A_199 = %scan3A_192 to %scan3A_194 step %scan3A_195 iter_args(%scan3A_200 = %scan3A_191) -> (i32)  : i32 {
        %mul3A_201 = arith.constant 4 : i32
        %mul3A_202 = arith.muli %scan3A_199, %mul3A_201 : i32
        %add3A_203 = arith.constant 0 : i32
        %add3A_204 = arith.addi %mul3A_202, %add3A_203 : i32
        %dma_start3A_205 = arith.constant 0 : i32
        %dma_start3A_206 = tpu.memref_slice %arg8[%add3A_204, %dma_start3A_205] : memref<24x128xi32, #tpu.memory_space<vmem>> -> memref<1x128xi32, #tpu.memory_space<vmem>>
        %dma_start3A_207 = tpu.memref_squeeze %dma_start3A_206 : memref<1x128xi32, #tpu.memory_space<vmem>> -> memref<128xi32, #tpu.memory_space<vmem>>
        %dma_start3A_208 = arith.constant 0 : i32
        %dma_start3A_209 = arith.constant 0 : i32
        %dma_start3A_210 = tpu.memref_slice %arg2[%dma_start3A_208, %dma_start3A_209] : memref<50000x16xf32, #tpu.memory_space<hbm>> -> memref<50000x16xf32, #tpu.memory_space<hbm>>
        tpu.enqueue_indirect_dma source(%dma_start3A_210 : memref<50000x16xf32, #tpu.memory_space<hbm>>) target(%arg10 : memref<128x16xf32, #tpu.memory_space<vmem>>) offsets(%dma_start3A_207 : memref<128xi32, #tpu.memory_space<vmem>>) semaphore(%arg17 : memref<!tpu.dma_semaphore, #tpu.memory_space<semaphore_mem>>)
        %add3A_211 = arith.constant 1 : i32
        %add3A_212 = arith.addi %mul3A_202, %add3A_211 : i32
        %dma_start3A_213 = arith.constant 0 : i32
        %dma_start3A_214 = tpu.memref_slice %arg8[%add3A_212, %dma_start3A_213] : memref<24x128xi32, #tpu.memory_space<vmem>> -> memref<1x128xi32, #tpu.memory_space<vmem>>
        %dma_start3A_215 = tpu.memref_squeeze %dma_start3A_214 : memref<1x128xi32, #tpu.memory_space<vmem>> -> memref<128xi32, #tpu.memory_space<vmem>>
        %dma_start3A_216 = arith.constant 0 : i32
        %dma_start3A_217 = arith.constant 0 : i32
        %dma_start3A_218 = tpu.memref_slice %arg2[%dma_start3A_216, %dma_start3A_217] : memref<50000x16xf32, #tpu.memory_space<hbm>> -> memref<50000x16xf32, #tpu.memory_space<hbm>>
        tpu.enqueue_indirect_dma source(%dma_start3A_218 : memref<50000x16xf32, #tpu.memory_space<hbm>>) target(%arg11 : memref<128x16xf32, #tpu.memory_space<vmem>>) offsets(%dma_start3A_215 : memref<128xi32, #tpu.memory_space<vmem>>) semaphore(%arg18 : memref<!tpu.dma_semaphore, #tpu.memory_space<semaphore_mem>>)
        %add3A_219 = arith.constant 2 : i32
        %add3A_220 = arith.addi %mul3A_202, %add3A_219 : i32
        %dma_start3A_221 = arith.constant 0 : i32
        %dma_start3A_222 = tpu.memref_slice %arg8[%add3A_220, %dma_start3A_221] : memref<24x128xi32, #tpu.memory_space<vmem>> -> memref<1x128xi32, #tpu.memory_space<vmem>>
        %dma_start3A_223 = tpu.memref_squeeze %dma_start3A_222 : memref<1x128xi32, #tpu.memory_space<vmem>> -> memref<128xi32, #tpu.memory_space<vmem>>
        %dma_start3A_224 = arith.constant 0 : i32
        %dma_start3A_225 = arith.constant 0 : i32
        %dma_start3A_226 = tpu.memref_slice %arg2[%dma_start3A_224, %dma_start3A_225] : memref<50000x16xf32, #tpu.memory_space<hbm>> -> memref<50000x16xf32, #tpu.memory_space<hbm>>
        tpu.enqueue_indirect_dma source(%dma_start3A_226 : memref<50000x16xf32, #tpu.memory_space<hbm>>) target(%arg12 : memref<128x16xf32, #tpu.memory_space<vmem>>) offsets(%dma_start3A_223 : memref<128xi32, #tpu.memory_space<vmem>>) semaphore(%arg19 : memref<!tpu.dma_semaphore, #tpu.memory_space<semaphore_mem>>)
        %add3A_227 = arith.constant 3 : i32
        %add3A_228 = arith.addi %mul3A_202, %add3A_227 : i32
        %dma_start3A_229 = arith.constant 0 : i32
        %dma_start3A_230 = tpu.memref_slice %arg8[%add3A_228, %dma_start3A_229] : memref<24x128xi32, #tpu.memory_space<vmem>> -> memref<1x128xi32, #tpu.memory_space<vmem>>
        %dma_start3A_231 = tpu.memref_squeeze %dma_start3A_230 : memref<1x128xi32, #tpu.memory_space<vmem>> -> memref<128xi32, #tpu.memory_space<vmem>>
        %dma_start3A_232 = arith.constant 0 : i32
        %dma_start3A_233 = arith.constant 0 : i32
        %dma_start3A_234 = tpu.memref_slice %arg2[%dma_start3A_232, %dma_start3A_233] : memref<50000x16xf32, #tpu.memory_space<hbm>> -> memref<50000x16xf32, #tpu.memory_space<hbm>>
        tpu.enqueue_indirect_dma source(%dma_start3A_234 : memref<50000x16xf32, #tpu.memory_space<hbm>>) target(%arg13 : memref<128x16xf32, #tpu.memory_space<vmem>>) offsets(%dma_start3A_231 : memref<128xi32, #tpu.memory_space<vmem>>) semaphore(%arg20 : memref<!tpu.dma_semaphore, #tpu.memory_space<semaphore_mem>>)
        %add3A_235 = arith.constant 0 : i32
        %add3A_236 = arith.addi %mul3A_202, %add3A_235 : i32
        %get3A = arith.index_cast %add3A_236 : i32 to index
        %get3A_237 = arith.constant 0 : index
        %get3A_238 = tpu.vector_load %arg9[%get3A, %get3A_237] {strides = array<i32>} : memref<24x128xi32, #tpu.memory_space<vmem>>, vector<16xi32>,
        tpu.vector_store_idx %arg15[%get3A_238], %broadcast_in_dim3A_5 {add = true} : memref<50016xf32, #tpu.memory_space<vmem>>[vector<16xi32>], vector<16xf32>,
        %add3A_239 = arith.constant 0 : i32
        %add3A_240 = arith.addi %mul3A_202, %add3A_239 : i32
        %get3A_241 = arith.index_cast %add3A_240 : i32 to index
        %get3A_242 = arith.constant 16 : index
        %get3A_243 = tpu.vector_load %arg9[%get3A_241, %get3A_242] {strides = array<i32>} : memref<24x128xi32, #tpu.memory_space<vmem>>, vector<16xi32>,
        tpu.vector_store_idx %arg15[%get3A_243], %broadcast_in_dim3A_5 {add = true} : memref<50016xf32, #tpu.memory_space<vmem>>[vector<16xi32>], vector<16xf32>,
        %add3A_244 = arith.constant 0 : i32
        %add3A_245 = arith.addi %mul3A_202, %add3A_244 : i32
        %get3A_246 = arith.index_cast %add3A_245 : i32 to index
        %get3A_247 = arith.constant 32 : index
        %get3A_248 = tpu.vector_load %arg9[%get3A_246, %get3A_247] {strides = array<i32>} : memref<24x128xi32, #tpu.memory_space<vmem>>, vector<16xi32>,
        tpu.vector_store_idx %arg15[%get3A_248], %broadcast_in_dim3A_5 {add = true} : memref<50016xf32, #tpu.memory_space<vmem>>[vector<16xi32>], vector<16xf32>,
        %add3A_249 = arith.constant 0 : i32
        %add3A_250 = arith.addi %mul3A_202, %add3A_249 : i32
        %get3A_251 = arith.index_cast %add3A_250 : i32 to index
        %get3A_252 = arith.constant 48 : index
        %get3A_253 = tpu.vector_load %arg9[%get3A_251, %get3A_252] {strides = array<i32>} : memref<24x128xi32, #tpu.memory_space<vmem>>, vector<16xi32>,
        tpu.vector_store_idx %arg15[%get3A_253], %broadcast_in_dim3A_5 {add = true} : memref<50016xf32, #tpu.memory_space<vmem>>[vector<16xi32>], vector<16xf32>,
        %add3A_254 = arith.constant 0 : i32
        %add3A_255 = arith.addi %mul3A_202, %add3A_254 : i32
        %get3A_256 = arith.index_cast %add3A_255 : i32 to index
        %get3A_257 = arith.constant 64 : index
        %get3A_258 = tpu.vector_load %arg9[%get3A_256, %get3A_257] {strides = array<i32>} : memref<24x128xi32, #tpu.memory_space<vmem>>, vector<16xi32>,
        tpu.vector_store_idx %arg15[%get3A_258], %broadcast_in_dim3A_5 {add = true} : memref<50016xf32, #tpu.memory_space<vmem>>[vector<16xi32>], vector<16xf32>,
        %add3A_259 = arith.constant 0 : i32
        %add3A_260 = arith.addi %mul3A_202, %add3A_259 : i32
        %get3A_261 = arith.index_cast %add3A_260 : i32 to index
        %get3A_262 = arith.constant 80 : index
        %get3A_263 = tpu.vector_load %arg9[%get3A_261, %get3A_262] {strides = array<i32>} : memref<24x128xi32, #tpu.memory_space<vmem>>, vector<16xi32>,
        tpu.vector_store_idx %arg15[%get3A_263], %broadcast_in_dim3A_5 {add = true} : memref<50016xf32, #tpu.memory_space<vmem>>[vector<16xi32>], vector<16xf32>,
        %add3A_264 = arith.constant 0 : i32
        %add3A_265 = arith.addi %mul3A_202, %add3A_264 : i32
        %get3A_266 = arith.index_cast %add3A_265 : i32 to index
        %get3A_267 = arith.constant 96 : index
        %get3A_268 = tpu.vector_load %arg9[%get3A_266, %get3A_267] {strides = array<i32>} : memref<24x128xi32, #tpu.memory_space<vmem>>, vector<16xi32>,
        tpu.vector_store_idx %arg15[%get3A_268], %broadcast_in_dim3A_5 {add = true} : memref<50016xf32, #tpu.memory_space<vmem>>[vector<16xi32>], vector<16xf32>,
        %add3A_269 = arith.constant 0 : i32
        %add3A_270 = arith.addi %mul3A_202, %add3A_269 : i32
        %get3A_271 = arith.index_cast %add3A_270 : i32 to index
        %get3A_272 = arith.constant 112 : index
        %get3A_273 = tpu.vector_load %arg9[%get3A_271, %get3A_272] {strides = array<i32>} : memref<24x128xi32, #tpu.memory_space<vmem>>, vector<16xi32>,
        tpu.vector_store_idx %arg15[%get3A_273], %broadcast_in_dim3A_5 {add = true} : memref<50016xf32, #tpu.memory_space<vmem>>[vector<16xi32>], vector<16xf32>,
        %add3A_274 = arith.constant 1 : i32
        %add3A_275 = arith.addi %mul3A_202, %add3A_274 : i32
        %get3A_276 = arith.index_cast %add3A_275 : i32 to index
        %get3A_277 = arith.constant 0 : index
        %get3A_278 = tpu.vector_load %arg9[%get3A_276, %get3A_277] {strides = array<i32>} : memref<24x128xi32, #tpu.memory_space<vmem>>, vector<16xi32>,
        tpu.vector_store_idx %arg15[%get3A_278], %broadcast_in_dim3A_5 {add = true} : memref<50016xf32, #tpu.memory_space<vmem>>[vector<16xi32>], vector<16xf32>,
        %add3A_279 = arith.constant 1 : i32
        %add3A_280 = arith.addi %mul3A_202, %add3A_279 : i32
        %get3A_281 = arith.index_cast %add3A_280 : i32 to index
        %get3A_282 = arith.constant 16 : index
        %get3A_283 = tpu.vector_load %arg9[%get3A_281, %get3A_282] {strides = array<i32>} : memref<24x128xi32, #tpu.memory_space<vmem>>, vector<16xi32>,
        tpu.vector_store_idx %arg15[%get3A_283], %broadcast_in_dim3A_5 {add = true} : memref<50016xf32, #tpu.memory_space<vmem>>[vector<16xi32>], vector<16xf32>,
        %add3A_284 = arith.constant 1 : i32
        %add3A_285 = arith.addi %mul3A_202, %add3A_284 : i32
        %get3A_286 = arith.index_cast %add3A_285 : i32 to index
        %get3A_287 = arith.constant 32 : index
        %get3A_288 = tpu.vector_load %arg9[%get3A_286, %get3A_287] {strides = array<i32>} : memref<24x128xi32, #tpu.memory_space<vmem>>, vector<16xi32>,
        tpu.vector_store_idx %arg15[%get3A_288], %broadcast_in_dim3A_5 {add = true} : memref<50016xf32, #tpu.memory_space<vmem>>[vector<16xi32>], vector<16xf32>,
        %add3A_289 = arith.constant 1 : i32
        %add3A_290 = arith.addi %mul3A_202, %add3A_289 : i32
        %get3A_291 = arith.index_cast %add3A_290 : i32 to index
        %get3A_292 = arith.constant 48 : index
        %get3A_293 = tpu.vector_load %arg9[%get3A_291, %get3A_292] {strides = array<i32>} : memref<24x128xi32, #tpu.memory_space<vmem>>, vector<16xi32>,
        tpu.vector_store_idx %arg15[%get3A_293], %broadcast_in_dim3A_5 {add = true} : memref<50016xf32, #tpu.memory_space<vmem>>[vector<16xi32>], vector<16xf32>,
        %add3A_294 = arith.constant 1 : i32
        %add3A_295 = arith.addi %mul3A_202, %add3A_294 : i32
        %get3A_296 = arith.index_cast %add3A_295 : i32 to index
        %get3A_297 = arith.constant 64 : index
        %get3A_298 = tpu.vector_load %arg9[%get3A_296, %get3A_297] {strides = array<i32>} : memref<24x128xi32, #tpu.memory_space<vmem>>, vector<16xi32>,
        tpu.vector_store_idx %arg15[%get3A_298], %broadcast_in_dim3A_5 {add = true} : memref<50016xf32, #tpu.memory_space<vmem>>[vector<16xi32>], vector<16xf32>,
        %add3A_299 = arith.constant 1 : i32
        %add3A_300 = arith.addi %mul3A_202, %add3A_299 : i32
        %get3A_301 = arith.index_cast %add3A_300 : i32 to index
        %get3A_302 = arith.constant 80 : index
        %get3A_303 = tpu.vector_load %arg9[%get3A_301, %get3A_302] {strides = array<i32>} : memref<24x128xi32, #tpu.memory_space<vmem>>, vector<16xi32>,
        tpu.vector_store_idx %arg15[%get3A_303], %broadcast_in_dim3A_5 {add = true} : memref<50016xf32, #tpu.memory_space<vmem>>[vector<16xi32>], vector<16xf32>,
        %add3A_304 = arith.constant 1 : i32
        %add3A_305 = arith.addi %mul3A_202, %add3A_304 : i32
        %get3A_306 = arith.index_cast %add3A_305 : i32 to index
        %get3A_307 = arith.constant 96 : index
        %get3A_308 = tpu.vector_load %arg9[%get3A_306, %get3A_307] {strides = array<i32>} : memref<24x128xi32, #tpu.memory_space<vmem>>, vector<16xi32>,
        tpu.vector_store_idx %arg15[%get3A_308], %broadcast_in_dim3A_5 {add = true} : memref<50016xf32, #tpu.memory_space<vmem>>[vector<16xi32>], vector<16xf32>,
        %add3A_309 = arith.constant 1 : i32
        %add3A_310 = arith.addi %mul3A_202, %add3A_309 : i32
        %get3A_311 = arith.index_cast %add3A_310 : i32 to index
        %get3A_312 = arith.constant 112 : index
        %get3A_313 = tpu.vector_load %arg9[%get3A_311, %get3A_312] {strides = array<i32>} : memref<24x128xi32, #tpu.memory_space<vmem>>, vector<16xi32>,
        tpu.vector_store_idx %arg15[%get3A_313], %broadcast_in_dim3A_5 {add = true} : memref<50016xf32, #tpu.memory_space<vmem>>[vector<16xi32>], vector<16xf32>,
        %add3A_314 = arith.constant 2 : i32
        %add3A_315 = arith.addi %mul3A_202, %add3A_314 : i32
        %get3A_316 = arith.index_cast %add3A_315 : i32 to index
        %get3A_317 = arith.constant 0 : index
        %get3A_318 = tpu.vector_load %arg9[%get3A_316, %get3A_317] {strides = array<i32>} : memref<24x128xi32, #tpu.memory_space<vmem>>, vector<16xi32>,
        tpu.vector_store_idx %arg15[%get3A_318], %broadcast_in_dim3A_5 {add = true} : memref<50016xf32, #tpu.memory_space<vmem>>[vector<16xi32>], vector<16xf32>,
        %add3A_319 = arith.constant 2 : i32
        %add3A_320 = arith.addi %mul3A_202, %add3A_319 : i32
        %get3A_321 = arith.index_cast %add3A_320 : i32 to index
        %get3A_322 = arith.constant 16 : index
        %get3A_323 = tpu.vector_load %arg9[%get3A_321, %get3A_322] {strides = array<i32>} : memref<24x128xi32, #tpu.memory_space<vmem>>, vector<16xi32>,
        tpu.vector_store_idx %arg15[%get3A_323], %broadcast_in_dim3A_5 {add = true} : memref<50016xf32, #tpu.memory_space<vmem>>[vector<16xi32>], vector<16xf32>,
        %add3A_324 = arith.constant 2 : i32
        %add3A_325 = arith.addi %mul3A_202, %add3A_324 : i32
        %get3A_326 = arith.index_cast %add3A_325 : i32 to index
        %get3A_327 = arith.constant 32 : index
        %get3A_328 = tpu.vector_load %arg9[%get3A_326, %get3A_327] {strides = array<i32>} : memref<24x128xi32, #tpu.memory_space<vmem>>, vector<16xi32>,
        tpu.vector_store_idx %arg15[%get3A_328], %broadcast_in_dim3A_5 {add = true} : memref<50016xf32, #tpu.memory_space<vmem>>[vector<16xi32>], vector<16xf32>,
        %add3A_329 = arith.constant 2 : i32
        %add3A_330 = arith.addi %mul3A_202, %add3A_329 : i32
        %get3A_331 = arith.index_cast %add3A_330 : i32 to index
        %get3A_332 = arith.constant 48 : index
        %get3A_333 = tpu.vector_load %arg9[%get3A_331, %get3A_332] {strides = array<i32>} : memref<24x128xi32, #tpu.memory_space<vmem>>, vector<16xi32>,
        tpu.vector_store_idx %arg15[%get3A_333], %broadcast_in_dim3A_5 {add = true} : memref<50016xf32, #tpu.memory_space<vmem>>[vector<16xi32>], vector<16xf32>,
        %add3A_334 = arith.constant 2 : i32
        %add3A_335 = arith.addi %mul3A_202, %add3A_334 : i32
        %get3A_336 = arith.index_cast %add3A_335 : i32 to index
        %get3A_337 = arith.constant 64 : index
        %get3A_338 = tpu.vector_load %arg9[%get3A_336, %get3A_337] {strides = array<i32>} : memref<24x128xi32, #tpu.memory_space<vmem>>, vector<16xi32>,
        tpu.vector_store_idx %arg15[%get3A_338], %broadcast_in_dim3A_5 {add = true} : memref<50016xf32, #tpu.memory_space<vmem>>[vector<16xi32>], vector<16xf32>,
        %add3A_339 = arith.constant 2 : i32
        %add3A_340 = arith.addi %mul3A_202, %add3A_339 : i32
        %get3A_341 = arith.index_cast %add3A_340 : i32 to index
        %get3A_342 = arith.constant 80 : index
        %get3A_343 = tpu.vector_load %arg9[%get3A_341, %get3A_342] {strides = array<i32>} : memref<24x128xi32, #tpu.memory_space<vmem>>, vector<16xi32>,
        tpu.vector_store_idx %arg15[%get3A_343], %broadcast_in_dim3A_5 {add = true} : memref<50016xf32, #tpu.memory_space<vmem>>[vector<16xi32>], vector<16xf32>,
        %add3A_344 = arith.constant 2 : i32
        %add3A_345 = arith.addi %mul3A_202, %add3A_344 : i32
        %get3A_346 = arith.index_cast %add3A_345 : i32 to index
        %get3A_347 = arith.constant 96 : index
        %get3A_348 = tpu.vector_load %arg9[%get3A_346, %get3A_347] {strides = array<i32>} : memref<24x128xi32, #tpu.memory_space<vmem>>, vector<16xi32>,
        tpu.vector_store_idx %arg15[%get3A_348], %broadcast_in_dim3A_5 {add = true} : memref<50016xf32, #tpu.memory_space<vmem>>[vector<16xi32>], vector<16xf32>,
        %add3A_349 = arith.constant 2 : i32
        %add3A_350 = arith.addi %mul3A_202, %add3A_349 : i32
        %get3A_351 = arith.index_cast %add3A_350 : i32 to index
        %get3A_352 = arith.constant 112 : index
        %get3A_353 = tpu.vector_load %arg9[%get3A_351, %get3A_352] {strides = array<i32>} : memref<24x128xi32, #tpu.memory_space<vmem>>, vector<16xi32>,
        tpu.vector_store_idx %arg15[%get3A_353], %broadcast_in_dim3A_5 {add = true} : memref<50016xf32, #tpu.memory_space<vmem>>[vector<16xi32>], vector<16xf32>,
        %add3A_354 = arith.constant 3 : i32
        %add3A_355 = arith.addi %mul3A_202, %add3A_354 : i32
        %get3A_356 = arith.index_cast %add3A_355 : i32 to index
        %get3A_357 = arith.constant 0 : index
        %get3A_358 = tpu.vector_load %arg9[%get3A_356, %get3A_357] {strides = array<i32>} : memref<24x128xi32, #tpu.memory_space<vmem>>, vector<16xi32>,
        tpu.vector_store_idx %arg15[%get3A_358], %broadcast_in_dim3A_5 {add = true} : memref<50016xf32, #tpu.memory_space<vmem>>[vector<16xi32>], vector<16xf32>,
        %add3A_359 = arith.constant 3 : i32
        %add3A_360 = arith.addi %mul3A_202, %add3A_359 : i32
        %get3A_361 = arith.index_cast %add3A_360 : i32 to index
        %get3A_362 = arith.constant 16 : index
        %get3A_363 = tpu.vector_load %arg9[%get3A_361, %get3A_362] {strides = array<i32>} : memref<24x128xi32, #tpu.memory_space<vmem>>, vector<16xi32>,
        tpu.vector_store_idx %arg15[%get3A_363], %broadcast_in_dim3A_5 {add = true} : memref<50016xf32, #tpu.memory_space<vmem>>[vector<16xi32>], vector<16xf32>,
        %add3A_364 = arith.constant 3 : i32
        %add3A_365 = arith.addi %mul3A_202, %add3A_364 : i32
        %get3A_366 = arith.index_cast %add3A_365 : i32 to index
        %get3A_367 = arith.constant 32 : index
        %get3A_368 = tpu.vector_load %arg9[%get3A_366, %get3A_367] {strides = array<i32>} : memref<24x128xi32, #tpu.memory_space<vmem>>, vector<16xi32>,
        tpu.vector_store_idx %arg15[%get3A_368], %broadcast_in_dim3A_5 {add = true} : memref<50016xf32, #tpu.memory_space<vmem>>[vector<16xi32>], vector<16xf32>,
        %add3A_369 = arith.constant 3 : i32
        %add3A_370 = arith.addi %mul3A_202, %add3A_369 : i32
        %get3A_371 = arith.index_cast %add3A_370 : i32 to index
        %get3A_372 = arith.constant 48 : index
        %get3A_373 = tpu.vector_load %arg9[%get3A_371, %get3A_372] {strides = array<i32>} : memref<24x128xi32, #tpu.memory_space<vmem>>, vector<16xi32>,
        tpu.vector_store_idx %arg15[%get3A_373], %broadcast_in_dim3A_5 {add = true} : memref<50016xf32, #tpu.memory_space<vmem>>[vector<16xi32>], vector<16xf32>,
        %add3A_374 = arith.constant 3 : i32
        %add3A_375 = arith.addi %mul3A_202, %add3A_374 : i32
        %get3A_376 = arith.index_cast %add3A_375 : i32 to index
        %get3A_377 = arith.constant 64 : index
        %get3A_378 = tpu.vector_load %arg9[%get3A_376, %get3A_377] {strides = array<i32>} : memref<24x128xi32, #tpu.memory_space<vmem>>, vector<16xi32>,
        tpu.vector_store_idx %arg15[%get3A_378], %broadcast_in_dim3A_5 {add = true} : memref<50016xf32, #tpu.memory_space<vmem>>[vector<16xi32>], vector<16xf32>,
        %add3A_379 = arith.constant 3 : i32
        %add3A_380 = arith.addi %mul3A_202, %add3A_379 : i32
        %get3A_381 = arith.index_cast %add3A_380 : i32 to index
        %get3A_382 = arith.constant 80 : index
        %get3A_383 = tpu.vector_load %arg9[%get3A_381, %get3A_382] {strides = array<i32>} : memref<24x128xi32, #tpu.memory_space<vmem>>, vector<16xi32>,
        tpu.vector_store_idx %arg15[%get3A_383], %broadcast_in_dim3A_5 {add = true} : memref<50016xf32, #tpu.memory_space<vmem>>[vector<16xi32>], vector<16xf32>,
        %add3A_384 = arith.constant 3 : i32
        %add3A_385 = arith.addi %mul3A_202, %add3A_384 : i32
        %get3A_386 = arith.index_cast %add3A_385 : i32 to index
        %get3A_387 = arith.constant 96 : index
        %get3A_388 = tpu.vector_load %arg9[%get3A_386, %get3A_387] {strides = array<i32>} : memref<24x128xi32, #tpu.memory_space<vmem>>, vector<16xi32>,
        tpu.vector_store_idx %arg15[%get3A_388], %broadcast_in_dim3A_5 {add = true} : memref<50016xf32, #tpu.memory_space<vmem>>[vector<16xi32>], vector<16xf32>,
        %add3A_389 = arith.constant 3 : i32
        %add3A_390 = arith.addi %mul3A_202, %add3A_389 : i32
        %get3A_391 = arith.index_cast %add3A_390 : i32 to index
        %get3A_392 = arith.constant 112 : index
        %get3A_393 = tpu.vector_load %arg9[%get3A_391, %get3A_392] {strides = array<i32>} : memref<24x128xi32, #tpu.memory_space<vmem>>, vector<16xi32>,
        tpu.vector_store_idx %arg15[%get3A_393], %broadcast_in_dim3A_5 {add = true} : memref<50016xf32, #tpu.memory_space<vmem>>[vector<16xi32>], vector<16xf32>,
        %dma_wait3A_394 = arith.constant 0 : i32
        %dma_wait3A_395 = tpu.memref_slice %arg8[%add3A_204, %dma_wait3A_394] : memref<24x128xi32, #tpu.memory_space<vmem>> -> memref<1x128xi32, #tpu.memory_space<vmem>>
        %dma_wait3A_396 = tpu.memref_squeeze %dma_wait3A_395 : memref<1x128xi32, #tpu.memory_space<vmem>> -> memref<128xi32, #tpu.memory_space<vmem>>
        %dma_wait3A_397 = arith.constant 0 : i32
        %dma_wait3A_398 = arith.constant 0 : i32
        %dma_wait3A_399 = tpu.memref_slice %arg2[%dma_wait3A_397, %dma_wait3A_398] : memref<50000x16xf32, #tpu.memory_space<hbm>> -> memref<50000x16xf32, #tpu.memory_space<hbm>>
        tpu.wait_indirect_dma semaphore(%arg17 : memref<!tpu.dma_semaphore, #tpu.memory_space<semaphore_mem>>) src(%dma_wait3A_399 : memref<50000x16xf32, #tpu.memory_space<hbm>>) dst(%arg10 : memref<128x16xf32, #tpu.memory_space<vmem>>)
        %add3A_400 = arith.constant 0 : i32
        %add3A_401 = arith.addi %mul3A_202, %add3A_400 : i32
        %dma_start3A_402 = arith.constant 0 : i32
        %dma_start3A_403 = tpu.memref_slice %arg9[%add3A_401, %dma_start3A_402] : memref<24x128xi32, #tpu.memory_space<vmem>> -> memref<1x128xi32, #tpu.memory_space<vmem>>
        %dma_start3A_404 = tpu.memref_squeeze %dma_start3A_403 : memref<1x128xi32, #tpu.memory_space<vmem>> -> memref<128xi32, #tpu.memory_space<vmem>>
        %dma_start3A_405 = arith.constant 0 : i32
        %dma_start3A_406 = arith.constant 0 : i32
        %dma_start3A_407 = tpu.memref_slice %arg16[%dma_start3A_405, %dma_start3A_406] : memref<50176x16xf32, #tpu.memory_space<vmem_shared>> -> memref<50176x16xf32, #tpu.memory_space<vmem_shared>>
        tpu.enqueue_indirect_dma source(%arg10 : memref<128x16xf32, #tpu.memory_space<vmem>>) target(%dma_start3A_407 : memref<50176x16xf32, #tpu.memory_space<vmem_shared>>) offsets(%dma_start3A_404 : memref<128xi32, #tpu.memory_space<vmem>>) semaphore(%arg21 : memref<!tpu.dma_semaphore, #tpu.memory_space<semaphore_mem>>) {add = true}
        %dma_wait3A_408 = arith.constant 0 : i32
        %dma_wait3A_409 = tpu.memref_slice %arg8[%add3A_212, %dma_wait3A_408] : memref<24x128xi32, #tpu.memory_space<vmem>> -> memref<1x128xi32, #tpu.memory_space<vmem>>
        %dma_wait3A_410 = tpu.memref_squeeze %dma_wait3A_409 : memref<1x128xi32, #tpu.memory_space<vmem>> -> memref<128xi32, #tpu.memory_space<vmem>>
        %dma_wait3A_411 = arith.constant 0 : i32
        %dma_wait3A_412 = arith.constant 0 : i32
        %dma_wait3A_413 = tpu.memref_slice %arg2[%dma_wait3A_411, %dma_wait3A_412] : memref<50000x16xf32, #tpu.memory_space<hbm>> -> memref<50000x16xf32, #tpu.memory_space<hbm>>
        tpu.wait_indirect_dma semaphore(%arg18 : memref<!tpu.dma_semaphore, #tpu.memory_space<semaphore_mem>>) src(%dma_wait3A_413 : memref<50000x16xf32, #tpu.memory_space<hbm>>) dst(%arg11 : memref<128x16xf32, #tpu.memory_space<vmem>>)
        %add3A_414 = arith.constant 1 : i32
        %add3A_415 = arith.addi %mul3A_202, %add3A_414 : i32
        %dma_start3A_416 = arith.constant 0 : i32
        %dma_start3A_417 = tpu.memref_slice %arg9[%add3A_415, %dma_start3A_416] : memref<24x128xi32, #tpu.memory_space<vmem>> -> memref<1x128xi32, #tpu.memory_space<vmem>>
        %dma_start3A_418 = tpu.memref_squeeze %dma_start3A_417 : memref<1x128xi32, #tpu.memory_space<vmem>> -> memref<128xi32, #tpu.memory_space<vmem>>
        %dma_start3A_419 = arith.constant 0 : i32
        %dma_start3A_420 = arith.constant 0 : i32
        %dma_start3A_421 = tpu.memref_slice %arg16[%dma_start3A_419, %dma_start3A_420] : memref<50176x16xf32, #tpu.memory_space<vmem_shared>> -> memref<50176x16xf32, #tpu.memory_space<vmem_shared>>
        tpu.enqueue_indirect_dma source(%arg11 : memref<128x16xf32, #tpu.memory_space<vmem>>) target(%dma_start3A_421 : memref<50176x16xf32, #tpu.memory_space<vmem_shared>>) offsets(%dma_start3A_418 : memref<128xi32, #tpu.memory_space<vmem>>) semaphore(%arg22 : memref<!tpu.dma_semaphore, #tpu.memory_space<semaphore_mem>>) {add = true}
        %dma_wait3A_422 = arith.constant 0 : i32
        %dma_wait3A_423 = tpu.memref_slice %arg8[%add3A_220, %dma_wait3A_422] : memref<24x128xi32, #tpu.memory_space<vmem>> -> memref<1x128xi32, #tpu.memory_space<vmem>>
        %dma_wait3A_424 = tpu.memref_squeeze %dma_wait3A_423 : memref<1x128xi32, #tpu.memory_space<vmem>> -> memref<128xi32, #tpu.memory_space<vmem>>
        %dma_wait3A_425 = arith.constant 0 : i32
        %dma_wait3A_426 = arith.constant 0 : i32
        %dma_wait3A_427 = tpu.memref_slice %arg2[%dma_wait3A_425, %dma_wait3A_426] : memref<50000x16xf32, #tpu.memory_space<hbm>> -> memref<50000x16xf32, #tpu.memory_space<hbm>>
        tpu.wait_indirect_dma semaphore(%arg19 : memref<!tpu.dma_semaphore, #tpu.memory_space<semaphore_mem>>) src(%dma_wait3A_427 : memref<50000x16xf32, #tpu.memory_space<hbm>>) dst(%arg12 : memref<128x16xf32, #tpu.memory_space<vmem>>)
        %add3A_428 = arith.constant 2 : i32
        %add3A_429 = arith.addi %mul3A_202, %add3A_428 : i32
        %dma_start3A_430 = arith.constant 0 : i32
        %dma_start3A_431 = tpu.memref_slice %arg9[%add3A_429, %dma_start3A_430] : memref<24x128xi32, #tpu.memory_space<vmem>> -> memref<1x128xi32, #tpu.memory_space<vmem>>
        %dma_start3A_432 = tpu.memref_squeeze %dma_start3A_431 : memref<1x128xi32, #tpu.memory_space<vmem>> -> memref<128xi32, #tpu.memory_space<vmem>>
        %dma_start3A_433 = arith.constant 0 : i32
        %dma_start3A_434 = arith.constant 0 : i32
        %dma_start3A_435 = tpu.memref_slice %arg16[%dma_start3A_433, %dma_start3A_434] : memref<50176x16xf32, #tpu.memory_space<vmem_shared>> -> memref<50176x16xf32, #tpu.memory_space<vmem_shared>>
        tpu.enqueue_indirect_dma source(%arg12 : memref<128x16xf32, #tpu.memory_space<vmem>>) target(%dma_start3A_435 : memref<50176x16xf32, #tpu.memory_space<vmem_shared>>) offsets(%dma_start3A_432 : memref<128xi32, #tpu.memory_space<vmem>>) semaphore(%arg23 : memref<!tpu.dma_semaphore, #tpu.memory_space<semaphore_mem>>) {add = true}
        %dma_wait3A_436 = arith.constant 0 : i32
        %dma_wait3A_437 = tpu.memref_slice %arg8[%add3A_228, %dma_wait3A_436] : memref<24x128xi32, #tpu.memory_space<vmem>> -> memref<1x128xi32, #tpu.memory_space<vmem>>
        %dma_wait3A_438 = tpu.memref_squeeze %dma_wait3A_437 : memref<1x128xi32, #tpu.memory_space<vmem>> -> memref<128xi32, #tpu.memory_space<vmem>>
        %dma_wait3A_439 = arith.constant 0 : i32
        %dma_wait3A_440 = arith.constant 0 : i32
        %dma_wait3A_441 = tpu.memref_slice %arg2[%dma_wait3A_439, %dma_wait3A_440] : memref<50000x16xf32, #tpu.memory_space<hbm>> -> memref<50000x16xf32, #tpu.memory_space<hbm>>
        tpu.wait_indirect_dma semaphore(%arg20 : memref<!tpu.dma_semaphore, #tpu.memory_space<semaphore_mem>>) src(%dma_wait3A_441 : memref<50000x16xf32, #tpu.memory_space<hbm>>) dst(%arg13 : memref<128x16xf32, #tpu.memory_space<vmem>>)
        %add3A_442 = arith.constant 3 : i32
        %add3A_443 = arith.addi %mul3A_202, %add3A_442 : i32
        %dma_start3A_444 = arith.constant 0 : i32
        %dma_start3A_445 = tpu.memref_slice %arg9[%add3A_443, %dma_start3A_444] : memref<24x128xi32, #tpu.memory_space<vmem>> -> memref<1x128xi32, #tpu.memory_space<vmem>>
        %dma_start3A_446 = tpu.memref_squeeze %dma_start3A_445 : memref<1x128xi32, #tpu.memory_space<vmem>> -> memref<128xi32, #tpu.memory_space<vmem>>
        %dma_start3A_447 = arith.constant 0 : i32
        %dma_start3A_448 = arith.constant 0 : i32
        %dma_start3A_449 = tpu.memref_slice %arg16[%dma_start3A_447, %dma_start3A_448] : memref<50176x16xf32, #tpu.memory_space<vmem_shared>> -> memref<50176x16xf32, #tpu.memory_space<vmem_shared>>
        tpu.enqueue_indirect_dma source(%arg13 : memref<128x16xf32, #tpu.memory_space<vmem>>) target(%dma_start3A_449 : memref<50176x16xf32, #tpu.memory_space<vmem_shared>>) offsets(%dma_start3A_446 : memref<128xi32, #tpu.memory_space<vmem>>) semaphore(%arg24 : memref<!tpu.dma_semaphore, #tpu.memory_space<semaphore_mem>>) {add = true}
        %dma_wait3A_450 = arith.constant 0 : i32
        %dma_wait3A_451 = tpu.memref_slice %arg9[%add3A_401, %dma_wait3A_450] : memref<24x128xi32, #tpu.memory_space<vmem>> -> memref<1x128xi32, #tpu.memory_space<vmem>>
        %dma_wait3A_452 = tpu.memref_squeeze %dma_wait3A_451 : memref<1x128xi32, #tpu.memory_space<vmem>> -> memref<128xi32, #tpu.memory_space<vmem>>
        %dma_wait3A_453 = arith.constant 0 : i32
        %dma_wait3A_454 = arith.constant 0 : i32
        %dma_wait3A_455 = tpu.memref_slice %arg16[%dma_wait3A_453, %dma_wait3A_454] : memref<50176x16xf32, #tpu.memory_space<vmem_shared>> -> memref<50176x16xf32, #tpu.memory_space<vmem_shared>>
        tpu.wait_indirect_dma semaphore(%arg21 : memref<!tpu.dma_semaphore, #tpu.memory_space<semaphore_mem>>) src(%arg10 : memref<128x16xf32, #tpu.memory_space<vmem>>) dst(%dma_wait3A_455 : memref<50176x16xf32, #tpu.memory_space<vmem_shared>>)
        %dma_wait3A_456 = arith.constant 0 : i32
        %dma_wait3A_457 = tpu.memref_slice %arg9[%add3A_415, %dma_wait3A_456] : memref<24x128xi32, #tpu.memory_space<vmem>> -> memref<1x128xi32, #tpu.memory_space<vmem>>
        %dma_wait3A_458 = tpu.memref_squeeze %dma_wait3A_457 : memref<1x128xi32, #tpu.memory_space<vmem>> -> memref<128xi32, #tpu.memory_space<vmem>>
        %dma_wait3A_459 = arith.constant 0 : i32
        %dma_wait3A_460 = arith.constant 0 : i32
        %dma_wait3A_461 = tpu.memref_slice %arg16[%dma_wait3A_459, %dma_wait3A_460] : memref<50176x16xf32, #tpu.memory_space<vmem_shared>> -> memref<50176x16xf32, #tpu.memory_space<vmem_shared>>
        tpu.wait_indirect_dma semaphore(%arg22 : memref<!tpu.dma_semaphore, #tpu.memory_space<semaphore_mem>>) src(%arg11 : memref<128x16xf32, #tpu.memory_space<vmem>>) dst(%dma_wait3A_461 : memref<50176x16xf32, #tpu.memory_space<vmem_shared>>)
        %dma_wait3A_462 = arith.constant 0 : i32
        %dma_wait3A_463 = tpu.memref_slice %arg9[%add3A_429, %dma_wait3A_462] : memref<24x128xi32, #tpu.memory_space<vmem>> -> memref<1x128xi32, #tpu.memory_space<vmem>>
        %dma_wait3A_464 = tpu.memref_squeeze %dma_wait3A_463 : memref<1x128xi32, #tpu.memory_space<vmem>> -> memref<128xi32, #tpu.memory_space<vmem>>
        %dma_wait3A_465 = arith.constant 0 : i32
        %dma_wait3A_466 = arith.constant 0 : i32
        %dma_wait3A_467 = tpu.memref_slice %arg16[%dma_wait3A_465, %dma_wait3A_466] : memref<50176x16xf32, #tpu.memory_space<vmem_shared>> -> memref<50176x16xf32, #tpu.memory_space<vmem_shared>>
        tpu.wait_indirect_dma semaphore(%arg23 : memref<!tpu.dma_semaphore, #tpu.memory_space<semaphore_mem>>) src(%arg12 : memref<128x16xf32, #tpu.memory_space<vmem>>) dst(%dma_wait3A_467 : memref<50176x16xf32, #tpu.memory_space<vmem_shared>>)
        %dma_wait3A_468 = arith.constant 0 : i32
        %dma_wait3A_469 = tpu.memref_slice %arg9[%add3A_443, %dma_wait3A_468] : memref<24x128xi32, #tpu.memory_space<vmem>> -> memref<1x128xi32, #tpu.memory_space<vmem>>
        %dma_wait3A_470 = tpu.memref_squeeze %dma_wait3A_469 : memref<1x128xi32, #tpu.memory_space<vmem>> -> memref<128xi32, #tpu.memory_space<vmem>>
        %dma_wait3A_471 = arith.constant 0 : i32
        %dma_wait3A_472 = arith.constant 0 : i32
        %dma_wait3A_473 = tpu.memref_slice %arg16[%dma_wait3A_471, %dma_wait3A_472] : memref<50176x16xf32, #tpu.memory_space<vmem_shared>> -> memref<50176x16xf32, #tpu.memory_space<vmem_shared>>
        tpu.wait_indirect_dma semaphore(%arg24 : memref<!tpu.dma_semaphore, #tpu.memory_space<semaphore_mem>>) src(%arg13 : memref<128x16xf32, #tpu.memory_space<vmem>>) dst(%dma_wait3A_473 : memref<50176x16xf32, #tpu.memory_space<vmem_shared>>)
        %scan3A_474 = arith.constant 0 : i32
        scf.yield %scan3A_474 : i32
      }
      %scan3A_197 = arith.constant 6 : i32
      %scan3A_198 = arith.constant 0 : i32
      scf.yield %scan3A_198 : i32
    }
    %scan3A_69 = arith.constant 8 : i32
    %dma_wait3A = arith.constant 0 : i32
    %dma_wait3A_70 = arith.constant 0 : i32
    %dma_wait3A_71 = arith.constant 0 : i32
    %dma_wait3A_72 = tpu.memref_slice %arg3[%dma_wait3A, %dma_wait3A_70, %dma_wait3A_71] : memref<2x12500x128xi32, #tpu.memory_space<hbm>> -> memref<1x24x128xi32, #tpu.memory_space<hbm>>
    %dma_wait3A_73 = tpu.memref_squeeze %dma_wait3A_72 : memref<1x24x128xi32, #tpu.memory_space<hbm>> -> memref<24x128xi32, #tpu.memory_space<hbm>>
    %dma_wait3A_74 = arith.constant 0 : i32
    %dma_wait3A_75 = arith.constant 0 : i32
    %dma_wait3A_76 = tpu.memref_slice %arg3[%dma_wait3A, %dma_wait3A_74, %dma_wait3A_75] : memref<2x12500x128xi32, #tpu.memory_space<hbm>> -> memref<1x24x128xi32, #tpu.memory_space<hbm>>
    %dma_wait3A_77 = tpu.memref_squeeze %dma_wait3A_76 : memref<1x24x128xi32, #tpu.memory_space<hbm>> -> memref<24x128xi32, #tpu.memory_space<hbm>>
    tpu.wait_dma2 semaphore(%arg25 : memref<!tpu.dma_semaphore, #tpu.memory_space<semaphore_mem>>) src(%dma_wait3A_77 : memref<24x128xi32, #tpu.memory_space<hbm>>) dst(%arg6 : memref<24x128xi32, #tpu.memory_space<vmem>>)
    %dma_wait3A_78 = arith.constant 1 : i32
    %dma_wait3A_79 = arith.constant 0 : i32
    %dma_wait3A_80 = arith.constant 0 : i32
    %dma_wait3A_81 = tpu.memref_slice %arg3[%dma_wait3A_78, %dma_wait3A_79, %dma_wait3A_80] : memref<2x12500x128xi32, #tpu.memory_space<hbm>> -> memref<1x24x128xi32, #tpu.memory_space<hbm>>
    %dma_wait3A_82 = tpu.memref_squeeze %dma_wait3A_81 : memref<1x24x128xi32, #tpu.memory_space<hbm>> -> memref<24x128xi32, #tpu.memory_space<hbm>>
    %dma_wait3A_83 = arith.constant 0 : i32
    %dma_wait3A_84 = arith.constant 0 : i32
    %dma_wait3A_85 = tpu.memref_slice %arg3[%dma_wait3A_78, %dma_wait3A_83, %dma_wait3A_84] : memref<2x12500x128xi32, #tpu.memory_space<hbm>> -> memref<1x24x128xi32, #tpu.memory_space<hbm>>
    %dma_wait3A_86 = tpu.memref_squeeze %dma_wait3A_85 : memref<1x24x128xi32, #tpu.memory_space<hbm>> -> memref<24x128xi32, #tpu.memory_space<hbm>>
    tpu.wait_dma2 semaphore(%arg26 : memref<!tpu.dma_semaphore, #tpu.memory_space<semaphore_mem>>) src(%dma_wait3A_86 : memref<24x128xi32, #tpu.memory_space<hbm>>) dst(%arg7 : memref<24x128xi32, #tpu.memory_space<vmem>>)
    %lt3A = arith.constant 26 : i32
    %lt3A_87 = arith.cmpi slt, %add3A, %lt3A : i32
    %convert_element_type3A = arith.extui %lt3A_87 : i1 to i32
    %cond3A = arith.constant 0 : i32
    %cond3A_88 = arith.cmpi ne, %convert_element_type3A, %cond3A : i32
    scf.if %cond3A_88 {
      %mul3A_104 = arith.constant 8 : i32
      %mul3A_105 = arith.muli %add3A, %mul3A_104 : i32
      %add3A_106 = arith.constant 12288 : i32
      %add3A_107 = arith.addi %add3A_106, %mul3A_105 : i32
      %run_scoped3A_108 = arith.constant 0 : i32
      "tpu.region"() ({
        %run_scoped3A_117 = tpu.sem_alloc : memref<!tpu.dma_semaphore, #tpu.memory_space<semaphore_mem>>
        %dma_start3A_118 = arith.constant 0 : i32
        %dma_start3A_119 = arith.constant 0 : i32
        %dma_start3A_120 = tpu.memref_slice %arg6[%dma_start3A_118, %dma_start3A_119] : memref<24x128xi32, #tpu.memory_space<vmem>> -> memref<8x128xi32, #tpu.memory_space<vmem>>
        %dma_start3A_121 = arith.constant 0 : i32
        %dma_start3A_122 = tpu.memref_slice %arg3[%run_scoped3A_108, %add3A_107, %dma_start3A_121] : memref<2x12500x128xi32, #tpu.memory_space<hbm>> -> memref<1x8x128xi32, #tpu.memory_space<hbm>>
        %dma_start3A_123 = tpu.memref_squeeze %dma_start3A_122 : memref<1x8x128xi32, #tpu.memory_space<hbm>> -> memref<8x128xi32, #tpu.memory_space<hbm>>
        %dma_start3A_124 = arith.constant 0 : i32
        %dma_start3A_125 = arith.constant 0 : i32
        %dma_start3A_126 = tpu.memref_slice %arg6[%dma_start3A_124, %dma_start3A_125] : memref<24x128xi32, #tpu.memory_space<vmem>> -> memref<8x128xi32, #tpu.memory_space<vmem>>
        %dma_start3A_127 = arith.constant 0 : i32
        %dma_start3A_128 = tpu.memref_slice %arg3[%run_scoped3A_108, %add3A_107, %dma_start3A_127] : memref<2x12500x128xi32, #tpu.memory_space<hbm>> -> memref<1x8x128xi32, #tpu.memory_space<hbm>>
        %dma_start3A_129 = tpu.memref_squeeze %dma_start3A_128 : memref<1x8x128xi32, #tpu.memory_space<hbm>> -> memref<8x128xi32, #tpu.memory_space<hbm>>
        tpu.enqueue_dma source(%dma_start3A_129 : memref<8x128xi32, #tpu.memory_space<hbm>>) target(%dma_start3A_126 : memref<8x128xi32, #tpu.memory_space<vmem>>) target_semaphore(%run_scoped3A_117 : memref<!tpu.dma_semaphore, #tpu.memory_space<semaphore_mem>>)
        %dma_wait3A_130 = arith.constant 0 : i32
        %dma_wait3A_131 = arith.constant 0 : i32
        %dma_wait3A_132 = tpu.memref_slice %arg6[%dma_wait3A_130, %dma_wait3A_131] : memref<24x128xi32, #tpu.memory_space<vmem>> -> memref<8x128xi32, #tpu.memory_space<vmem>>
        %dma_wait3A_133 = arith.constant 0 : i32
        %dma_wait3A_134 = tpu.memref_slice %arg3[%run_scoped3A_108, %add3A_107, %dma_wait3A_133] : memref<2x12500x128xi32, #tpu.memory_space<hbm>> -> memref<1x8x128xi32, #tpu.memory_space<hbm>>
        %dma_wait3A_135 = tpu.memref_squeeze %dma_wait3A_134 : memref<1x8x128xi32, #tpu.memory_space<hbm>> -> memref<8x128xi32, #tpu.memory_space<hbm>>
        %dma_wait3A_136 = arith.constant 0 : i32
        %dma_wait3A_137 = arith.constant 0 : i32
        %dma_wait3A_138 = tpu.memref_slice %arg6[%dma_wait3A_136, %dma_wait3A_137] : memref<24x128xi32, #tpu.memory_space<vmem>> -> memref<8x128xi32, #tpu.memory_space<vmem>>
        %dma_wait3A_139 = arith.constant 0 : i32
        %dma_wait3A_140 = tpu.memref_slice %arg3[%run_scoped3A_108, %add3A_107, %dma_wait3A_139] : memref<2x12500x128xi32, #tpu.memory_space<hbm>> -> memref<1x8x128xi32, #tpu.memory_space<hbm>>
        %dma_wait3A_141 = tpu.memref_squeeze %dma_wait3A_140 : memref<1x8x128xi32, #tpu.memory_space<hbm>> -> memref<8x128xi32, #tpu.memory_space<hbm>>
        tpu.wait_dma2 semaphore(%run_scoped3A_117 : memref<!tpu.dma_semaphore, #tpu.memory_space<semaphore_mem>>) src(%dma_wait3A_141 : memref<8x128xi32, #tpu.memory_space<hbm>>) dst(%dma_wait3A_138 : memref<8x128xi32, #tpu.memory_space<vmem>>)
        tpu.yield
      }) : () -> ()
      %run_scoped3A_109 = arith.constant 1 : i32
      "tpu.region"() ({
        %run_scoped3A_117 = tpu.sem_alloc : memref<!tpu.dma_semaphore, #tpu.memory_space<semaphore_mem>>
        %dma_start3A_118 = arith.constant 0 : i32
        %dma_start3A_119 = arith.constant 0 : i32
        %dma_start3A_120 = tpu.memref_slice %arg7[%dma_start3A_118, %dma_start3A_119] : memref<24x128xi32, #tpu.memory_space<vmem>> -> memref<8x128xi32, #tpu.memory_space<vmem>>
        %dma_start3A_121 = arith.constant 0 : i32
        %dma_start3A_122 = tpu.memref_slice %arg3[%run_scoped3A_109, %add3A_107, %dma_start3A_121] : memref<2x12500x128xi32, #tpu.memory_space<hbm>> -> memref<1x8x128xi32, #tpu.memory_space<hbm>>
        %dma_start3A_123 = tpu.memref_squeeze %dma_start3A_122 : memref<1x8x128xi32, #tpu.memory_space<hbm>> -> memref<8x128xi32, #tpu.memory_space<hbm>>
        %dma_start3A_124 = arith.constant 0 : i32
        %dma_start3A_125 = arith.constant 0 : i32
        %dma_start3A_126 = tpu.memref_slice %arg7[%dma_start3A_124, %dma_start3A_125] : memref<24x128xi32, #tpu.memory_space<vmem>> -> memref<8x128xi32, #tpu.memory_space<vmem>>
        %dma_start3A_127 = arith.constant 0 : i32
        %dma_start3A_128 = tpu.memref_slice %arg3[%run_scoped3A_109, %add3A_107, %dma_start3A_127] : memref<2x12500x128xi32, #tpu.memory_space<hbm>> -> memref<1x8x128xi32, #tpu.memory_space<hbm>>
        %dma_start3A_129 = tpu.memref_squeeze %dma_start3A_128 : memref<1x8x128xi32, #tpu.memory_space<hbm>> -> memref<8x128xi32, #tpu.memory_space<hbm>>
        tpu.enqueue_dma source(%dma_start3A_129 : memref<8x128xi32, #tpu.memory_space<hbm>>) target(%dma_start3A_126 : memref<8x128xi32, #tpu.memory_space<vmem>>) target_semaphore(%run_scoped3A_117 : memref<!tpu.dma_semaphore, #tpu.memory_space<semaphore_mem>>)
        %dma_wait3A_130 = arith.constant 0 : i32
        %dma_wait3A_131 = arith.constant 0 : i32
        %dma_wait3A_132 = tpu.memref_slice %arg7[%dma_wait3A_130, %dma_wait3A_131] : memref<24x128xi32, #tpu.memory_space<vmem>> -> memref<8x128xi32, #tpu.memory_space<vmem>>
        %dma_wait3A_133 = arith.constant 0 : i32
        %dma_wait3A_134 = tpu.memref_slice %arg3[%run_scoped3A_109, %add3A_107, %dma_wait3A_133] : memref<2x12500x128xi32, #tpu.memory_space<hbm>> -> memref<1x8x128xi32, #tpu.memory_space<hbm>>
        %dma_wait3A_135 = tpu.memref_squeeze %dma_wait3A_134 : memref<1x8x128xi32, #tpu.memory_space<hbm>> -> memref<8x128xi32, #tpu.memory_space<hbm>>
        %dma_wait3A_136 = arith.constant 0 : i32
        %dma_wait3A_137 = arith.constant 0 : i32
        %dma_wait3A_138 = tpu.memref_slice %arg7[%dma_wait3A_136, %dma_wait3A_137] : memref<24x128xi32, #tpu.memory_space<vmem>> -> memref<8x128xi32, #tpu.memory_space<vmem>>
        %dma_wait3A_139 = arith.constant 0 : i32
        %dma_wait3A_140 = tpu.memref_slice %arg3[%run_scoped3A_109, %add3A_107, %dma_wait3A_139] : memref<2x12500x128xi32, #tpu.memory_space<hbm>> -> memref<1x8x128xi32, #tpu.memory_space<hbm>>
        %dma_wait3A_141 = tpu.memref_squeeze %dma_wait3A_140 : memref<1x8x128xi32, #tpu.memory_space<hbm>> -> memref<8x128xi32, #tpu.memory_space<hbm>>
        tpu.wait_dma2 semaphore(%run_scoped3A_117 : memref<!tpu.dma_semaphore, #tpu.memory_space<semaphore_mem>>) src(%dma_wait3A_141 : memref<8x128xi32, #tpu.memory_space<hbm>>) dst(%dma_wait3A_138 : memref<8x128xi32, #tpu.memory_space<vmem>>)
        tpu.yield
      }) : () -> ()
      %scan3A_110 = arith.constant 0 : i32
      %scan3A_111 = arith.constant 0 : i32
      %scan3A_112 = arith.constant 2 : i32
      %scan3A_113 = arith.addi %scan3A_111, %scan3A_112 : i32
      %scan3A_114 = arith.constant 1 : i32
      %scan3A_115 = scf.for %scan3A_117 = %scan3A_111 to %scan3A_113 step %scan3A_114 iter_args(%scan3A_118 = %scan3A_110) -> (i32)  : i32 {
        %mul3A_119 = arith.constant 4 : i32
        %mul3A_120 = arith.muli %scan3A_117, %mul3A_119 : i32
        %add3A_121 = arith.constant 0 : i32
        %add3A_122 = arith.addi %mul3A_120, %add3A_121 : i32
        %dma_start3A_123 = arith.constant 0 : i32
        %dma_start3A_124 = tpu.memref_slice %arg6[%add3A_122, %dma_start3A_123] : memref<24x128xi32, #tpu.memory_space<vmem>> -> memref<1x128xi32, #tpu.memory_space<vmem>>
        %dma_start3A_125 = tpu.memref_squeeze %dma_start3A_124 : memref<1x128xi32, #tpu.memory_space<vmem>> -> memref<128xi32, #tpu.memory_space<vmem>>
        %dma_start3A_126 = arith.constant 0 : i32
        %dma_start3A_127 = arith.constant 0 : i32
        %dma_start3A_128 = tpu.memref_slice %arg2[%dma_start3A_126, %dma_start3A_127] : memref<50000x16xf32, #tpu.memory_space<hbm>> -> memref<50000x16xf32, #tpu.memory_space<hbm>>
        tpu.enqueue_indirect_dma source(%dma_start3A_128 : memref<50000x16xf32, #tpu.memory_space<hbm>>) target(%arg10 : memref<128x16xf32, #tpu.memory_space<vmem>>) offsets(%dma_start3A_125 : memref<128xi32, #tpu.memory_space<vmem>>) semaphore(%arg17 : memref<!tpu.dma_semaphore, #tpu.memory_space<semaphore_mem>>)
        %add3A_129 = arith.constant 1 : i32
        %add3A_130 = arith.addi %mul3A_120, %add3A_129 : i32
        %dma_start3A_131 = arith.constant 0 : i32
        %dma_start3A_132 = tpu.memref_slice %arg6[%add3A_130, %dma_start3A_131] : memref<24x128xi32, #tpu.memory_space<vmem>> -> memref<1x128xi32, #tpu.memory_space<vmem>>
        %dma_start3A_133 = tpu.memref_squeeze %dma_start3A_132 : memref<1x128xi32, #tpu.memory_space<vmem>> -> memref<128xi32, #tpu.memory_space<vmem>>
        %dma_start3A_134 = arith.constant 0 : i32
        %dma_start3A_135 = arith.constant 0 : i32
        %dma_start3A_136 = tpu.memref_slice %arg2[%dma_start3A_134, %dma_start3A_135] : memref<50000x16xf32, #tpu.memory_space<hbm>> -> memref<50000x16xf32, #tpu.memory_space<hbm>>
        tpu.enqueue_indirect_dma source(%dma_start3A_136 : memref<50000x16xf32, #tpu.memory_space<hbm>>) target(%arg11 : memref<128x16xf32, #tpu.memory_space<vmem>>) offsets(%dma_start3A_133 : memref<128xi32, #tpu.memory_space<vmem>>) semaphore(%arg18 : memref<!tpu.dma_semaphore, #tpu.memory_space<semaphore_mem>>)
        %add3A_137 = arith.constant 2 : i32
        %add3A_138 = arith.addi %mul3A_120, %add3A_137 : i32
        %dma_start3A_139 = arith.constant 0 : i32
        %dma_start3A_140 = tpu.memref_slice %arg6[%add3A_138, %dma_start3A_139] : memref<24x128xi32, #tpu.memory_space<vmem>> -> memref<1x128xi32, #tpu.memory_space<vmem>>
        %dma_start3A_141 = tpu.memref_squeeze %dma_start3A_140 : memref<1x128xi32, #tpu.memory_space<vmem>> -> memref<128xi32, #tpu.memory_space<vmem>>
        %dma_start3A_142 = arith.constant 0 : i32
        %dma_start3A_143 = arith.constant 0 : i32
        %dma_start3A_144 = tpu.memref_slice %arg2[%dma_start3A_142, %dma_start3A_143] : memref<50000x16xf32, #tpu.memory_space<hbm>> -> memref<50000x16xf32, #tpu.memory_space<hbm>>
        tpu.enqueue_indirect_dma source(%dma_start3A_144 : memref<50000x16xf32, #tpu.memory_space<hbm>>) target(%arg12 : memref<128x16xf32, #tpu.memory_space<vmem>>) offsets(%dma_start3A_141 : memref<128xi32, #tpu.memory_space<vmem>>) semaphore(%arg19 : memref<!tpu.dma_semaphore, #tpu.memory_space<semaphore_mem>>)
        %add3A_145 = arith.constant 3 : i32
        %add3A_146 = arith.addi %mul3A_120, %add3A_145 : i32
        %dma_start3A_147 = arith.constant 0 : i32
        %dma_start3A_148 = tpu.memref_slice %arg6[%add3A_146, %dma_start3A_147] : memref<24x128xi32, #tpu.memory_space<vmem>> -> memref<1x128xi32, #tpu.memory_space<vmem>>
        %dma_start3A_149 = tpu.memref_squeeze %dma_start3A_148 : memref<1x128xi32, #tpu.memory_space<vmem>> -> memref<128xi32, #tpu.memory_space<vmem>>
        %dma_start3A_150 = arith.constant 0 : i32
        %dma_start3A_151 = arith.constant 0 : i32
        %dma_start3A_152 = tpu.memref_slice %arg2[%dma_start3A_150, %dma_start3A_151] : memref<50000x16xf32, #tpu.memory_space<hbm>> -> memref<50000x16xf32, #tpu.memory_space<hbm>>
        tpu.enqueue_indirect_dma source(%dma_start3A_152 : memref<50000x16xf32, #tpu.memory_space<hbm>>) target(%arg13 : memref<128x16xf32, #tpu.memory_space<vmem>>) offsets(%dma_start3A_149 : memref<128xi32, #tpu.memory_space<vmem>>) semaphore(%arg20 : memref<!tpu.dma_semaphore, #tpu.memory_space<semaphore_mem>>)
        %add3A_153 = arith.constant 0 : i32
        %add3A_154 = arith.addi %mul3A_120, %add3A_153 : i32
        %get3A = arith.index_cast %add3A_154 : i32 to index
        %get3A_155 = arith.constant 0 : index
        %get3A_156 = tpu.vector_load %arg7[%get3A, %get3A_155] {strides = array<i32>} : memref<24x128xi32, #tpu.memory_space<vmem>>, vector<16xi32>,
        tpu.vector_store_idx %arg15[%get3A_156], %broadcast_in_dim3A_5 {add = true} : memref<50016xf32, #tpu.memory_space<vmem>>[vector<16xi32>], vector<16xf32>,
        %add3A_157 = arith.constant 0 : i32
        %add3A_158 = arith.addi %mul3A_120, %add3A_157 : i32
        %get3A_159 = arith.index_cast %add3A_158 : i32 to index
        %get3A_160 = arith.constant 16 : index
        %get3A_161 = tpu.vector_load %arg7[%get3A_159, %get3A_160] {strides = array<i32>} : memref<24x128xi32, #tpu.memory_space<vmem>>, vector<16xi32>,
        tpu.vector_store_idx %arg15[%get3A_161], %broadcast_in_dim3A_5 {add = true} : memref<50016xf32, #tpu.memory_space<vmem>>[vector<16xi32>], vector<16xf32>,
        %add3A_162 = arith.constant 0 : i32
        %add3A_163 = arith.addi %mul3A_120, %add3A_162 : i32
        %get3A_164 = arith.index_cast %add3A_163 : i32 to index
        %get3A_165 = arith.constant 32 : index
        %get3A_166 = tpu.vector_load %arg7[%get3A_164, %get3A_165] {strides = array<i32>} : memref<24x128xi32, #tpu.memory_space<vmem>>, vector<16xi32>,
        tpu.vector_store_idx %arg15[%get3A_166], %broadcast_in_dim3A_5 {add = true} : memref<50016xf32, #tpu.memory_space<vmem>>[vector<16xi32>], vector<16xf32>,
        %add3A_167 = arith.constant 0 : i32
        %add3A_168 = arith.addi %mul3A_120, %add3A_167 : i32
        %get3A_169 = arith.index_cast %add3A_168 : i32 to index
        %get3A_170 = arith.constant 48 : index
        %get3A_171 = tpu.vector_load %arg7[%get3A_169, %get3A_170] {strides = array<i32>} : memref<24x128xi32, #tpu.memory_space<vmem>>, vector<16xi32>,
        tpu.vector_store_idx %arg15[%get3A_171], %broadcast_in_dim3A_5 {add = true} : memref<50016xf32, #tpu.memory_space<vmem>>[vector<16xi32>], vector<16xf32>,
        %add3A_172 = arith.constant 0 : i32
        %add3A_173 = arith.addi %mul3A_120, %add3A_172 : i32
        %get3A_174 = arith.index_cast %add3A_173 : i32 to index
        %get3A_175 = arith.constant 64 : index
        %get3A_176 = tpu.vector_load %arg7[%get3A_174, %get3A_175] {strides = array<i32>} : memref<24x128xi32, #tpu.memory_space<vmem>>, vector<16xi32>,
        tpu.vector_store_idx %arg15[%get3A_176], %broadcast_in_dim3A_5 {add = true} : memref<50016xf32, #tpu.memory_space<vmem>>[vector<16xi32>], vector<16xf32>,
        %add3A_177 = arith.constant 0 : i32
        %add3A_178 = arith.addi %mul3A_120, %add3A_177 : i32
        %get3A_179 = arith.index_cast %add3A_178 : i32 to index
        %get3A_180 = arith.constant 80 : index
        %get3A_181 = tpu.vector_load %arg7[%get3A_179, %get3A_180] {strides = array<i32>} : memref<24x128xi32, #tpu.memory_space<vmem>>, vector<16xi32>,
        tpu.vector_store_idx %arg15[%get3A_181], %broadcast_in_dim3A_5 {add = true} : memref<50016xf32, #tpu.memory_space<vmem>>[vector<16xi32>], vector<16xf32>,
        %add3A_182 = arith.constant 0 : i32
        %add3A_183 = arith.addi %mul3A_120, %add3A_182 : i32
        %get3A_184 = arith.index_cast %add3A_183 : i32 to index
        %get3A_185 = arith.constant 96 : index
        %get3A_186 = tpu.vector_load %arg7[%get3A_184, %get3A_185] {strides = array<i32>} : memref<24x128xi32, #tpu.memory_space<vmem>>, vector<16xi32>,
        tpu.vector_store_idx %arg15[%get3A_186], %broadcast_in_dim3A_5 {add = true} : memref<50016xf32, #tpu.memory_space<vmem>>[vector<16xi32>], vector<16xf32>,
        %add3A_187 = arith.constant 0 : i32
        %add3A_188 = arith.addi %mul3A_120, %add3A_187 : i32
        %get3A_189 = arith.index_cast %add3A_188 : i32 to index
        %get3A_190 = arith.constant 112 : index
        %get3A_191 = tpu.vector_load %arg7[%get3A_189, %get3A_190] {strides = array<i32>} : memref<24x128xi32, #tpu.memory_space<vmem>>, vector<16xi32>,
        tpu.vector_store_idx %arg15[%get3A_191], %broadcast_in_dim3A_5 {add = true} : memref<50016xf32, #tpu.memory_space<vmem>>[vector<16xi32>], vector<16xf32>,
        %add3A_192 = arith.constant 1 : i32
        %add3A_193 = arith.addi %mul3A_120, %add3A_192 : i32
        %get3A_194 = arith.index_cast %add3A_193 : i32 to index
        %get3A_195 = arith.constant 0 : index
        %get3A_196 = tpu.vector_load %arg7[%get3A_194, %get3A_195] {strides = array<i32>} : memref<24x128xi32, #tpu.memory_space<vmem>>, vector<16xi32>,
        tpu.vector_store_idx %arg15[%get3A_196], %broadcast_in_dim3A_5 {add = true} : memref<50016xf32, #tpu.memory_space<vmem>>[vector<16xi32>], vector<16xf32>,
        %add3A_197 = arith.constant 1 : i32
        %add3A_198 = arith.addi %mul3A_120, %add3A_197 : i32
        %get3A_199 = arith.index_cast %add3A_198 : i32 to index
        %get3A_200 = arith.constant 16 : index
        %get3A_201 = tpu.vector_load %arg7[%get3A_199, %get3A_200] {strides = array<i32>} : memref<24x128xi32, #tpu.memory_space<vmem>>, vector<16xi32>,
        tpu.vector_store_idx %arg15[%get3A_201], %broadcast_in_dim3A_5 {add = true} : memref<50016xf32, #tpu.memory_space<vmem>>[vector<16xi32>], vector<16xf32>,
        %add3A_202 = arith.constant 1 : i32
        %add3A_203 = arith.addi %mul3A_120, %add3A_202 : i32
        %get3A_204 = arith.index_cast %add3A_203 : i32 to index
        %get3A_205 = arith.constant 32 : index
        %get3A_206 = tpu.vector_load %arg7[%get3A_204, %get3A_205] {strides = array<i32>} : memref<24x128xi32, #tpu.memory_space<vmem>>, vector<16xi32>,
        tpu.vector_store_idx %arg15[%get3A_206], %broadcast_in_dim3A_5 {add = true} : memref<50016xf32, #tpu.memory_space<vmem>>[vector<16xi32>], vector<16xf32>,
        %add3A_207 = arith.constant 1 : i32
        %add3A_208 = arith.addi %mul3A_120, %add3A_207 : i32
        %get3A_209 = arith.index_cast %add3A_208 : i32 to index
        %get3A_210 = arith.constant 48 : index
        %get3A_211 = tpu.vector_load %arg7[%get3A_209, %get3A_210] {strides = array<i32>} : memref<24x128xi32, #tpu.memory_space<vmem>>, vector<16xi32>,
        tpu.vector_store_idx %arg15[%get3A_211], %broadcast_in_dim3A_5 {add = true} : memref<50016xf32, #tpu.memory_space<vmem>>[vector<16xi32>], vector<16xf32>,
        %add3A_212 = arith.constant 1 : i32
        %add3A_213 = arith.addi %mul3A_120, %add3A_212 : i32
        %get3A_214 = arith.index_cast %add3A_213 : i32 to index
        %get3A_215 = arith.constant 64 : index
        %get3A_216 = tpu.vector_load %arg7[%get3A_214, %get3A_215] {strides = array<i32>} : memref<24x128xi32, #tpu.memory_space<vmem>>, vector<16xi32>,
        tpu.vector_store_idx %arg15[%get3A_216], %broadcast_in_dim3A_5 {add = true} : memref<50016xf32, #tpu.memory_space<vmem>>[vector<16xi32>], vector<16xf32>,
        %add3A_217 = arith.constant 1 : i32
        %add3A_218 = arith.addi %mul3A_120, %add3A_217 : i32
        %get3A_219 = arith.index_cast %add3A_218 : i32 to index
        %get3A_220 = arith.constant 80 : index
        %get3A_221 = tpu.vector_load %arg7[%get3A_219, %get3A_220] {strides = array<i32>} : memref<24x128xi32, #tpu.memory_space<vmem>>, vector<16xi32>,
        tpu.vector_store_idx %arg15[%get3A_221], %broadcast_in_dim3A_5 {add = true} : memref<50016xf32, #tpu.memory_space<vmem>>[vector<16xi32>], vector<16xf32>,
        %add3A_222 = arith.constant 1 : i32
        %add3A_223 = arith.addi %mul3A_120, %add3A_222 : i32
        %get3A_224 = arith.index_cast %add3A_223 : i32 to index
        %get3A_225 = arith.constant 96 : index
        %get3A_226 = tpu.vector_load %arg7[%get3A_224, %get3A_225] {strides = array<i32>} : memref<24x128xi32, #tpu.memory_space<vmem>>, vector<16xi32>,
        tpu.vector_store_idx %arg15[%get3A_226], %broadcast_in_dim3A_5 {add = true} : memref<50016xf32, #tpu.memory_space<vmem>>[vector<16xi32>], vector<16xf32>,
        %add3A_227 = arith.constant 1 : i32
        %add3A_228 = arith.addi %mul3A_120, %add3A_227 : i32
        %get3A_229 = arith.index_cast %add3A_228 : i32 to index
        %get3A_230 = arith.constant 112 : index
        %get3A_231 = tpu.vector_load %arg7[%get3A_229, %get3A_230] {strides = array<i32>} : memref<24x128xi32, #tpu.memory_space<vmem>>, vector<16xi32>,
        tpu.vector_store_idx %arg15[%get3A_231], %broadcast_in_dim3A_5 {add = true} : memref<50016xf32, #tpu.memory_space<vmem>>[vector<16xi32>], vector<16xf32>,
        %add3A_232 = arith.constant 2 : i32
        %add3A_233 = arith.addi %mul3A_120, %add3A_232 : i32
        %get3A_234 = arith.index_cast %add3A_233 : i32 to index
        %get3A_235 = arith.constant 0 : index
        %get3A_236 = tpu.vector_load %arg7[%get3A_234, %get3A_235] {strides = array<i32>} : memref<24x128xi32, #tpu.memory_space<vmem>>, vector<16xi32>,
        tpu.vector_store_idx %arg15[%get3A_236], %broadcast_in_dim3A_5 {add = true} : memref<50016xf32, #tpu.memory_space<vmem>>[vector<16xi32>], vector<16xf32>,
        %add3A_237 = arith.constant 2 : i32
        %add3A_238 = arith.addi %mul3A_120, %add3A_237 : i32
        %get3A_239 = arith.index_cast %add3A_238 : i32 to index
        %get3A_240 = arith.constant 16 : index
        %get3A_241 = tpu.vector_load %arg7[%get3A_239, %get3A_240] {strides = array<i32>} : memref<24x128xi32, #tpu.memory_space<vmem>>, vector<16xi32>,
        tpu.vector_store_idx %arg15[%get3A_241], %broadcast_in_dim3A_5 {add = true} : memref<50016xf32, #tpu.memory_space<vmem>>[vector<16xi32>], vector<16xf32>,
        %add3A_242 = arith.constant 2 : i32
        %add3A_243 = arith.addi %mul3A_120, %add3A_242 : i32
        %get3A_244 = arith.index_cast %add3A_243 : i32 to index
        %get3A_245 = arith.constant 32 : index
        %get3A_246 = tpu.vector_load %arg7[%get3A_244, %get3A_245] {strides = array<i32>} : memref<24x128xi32, #tpu.memory_space<vmem>>, vector<16xi32>,
        tpu.vector_store_idx %arg15[%get3A_246], %broadcast_in_dim3A_5 {add = true} : memref<50016xf32, #tpu.memory_space<vmem>>[vector<16xi32>], vector<16xf32>,
        %add3A_247 = arith.constant 2 : i32
        %add3A_248 = arith.addi %mul3A_120, %add3A_247 : i32
        %get3A_249 = arith.index_cast %add3A_248 : i32 to index
        %get3A_250 = arith.constant 48 : index
        %get3A_251 = tpu.vector_load %arg7[%get3A_249, %get3A_250] {strides = array<i32>} : memref<24x128xi32, #tpu.memory_space<vmem>>, vector<16xi32>,
        tpu.vector_store_idx %arg15[%get3A_251], %broadcast_in_dim3A_5 {add = true} : memref<50016xf32, #tpu.memory_space<vmem>>[vector<16xi32>], vector<16xf32>,
        %add3A_252 = arith.constant 2 : i32
        %add3A_253 = arith.addi %mul3A_120, %add3A_252 : i32
        %get3A_254 = arith.index_cast %add3A_253 : i32 to index
        %get3A_255 = arith.constant 64 : index
        %get3A_256 = tpu.vector_load %arg7[%get3A_254, %get3A_255] {strides = array<i32>} : memref<24x128xi32, #tpu.memory_space<vmem>>, vector<16xi32>,
        tpu.vector_store_idx %arg15[%get3A_256], %broadcast_in_dim3A_5 {add = true} : memref<50016xf32, #tpu.memory_space<vmem>>[vector<16xi32>], vector<16xf32>,
        %add3A_257 = arith.constant 2 : i32
        %add3A_258 = arith.addi %mul3A_120, %add3A_257 : i32
        %get3A_259 = arith.index_cast %add3A_258 : i32 to index
        %get3A_260 = arith.constant 80 : index
        %get3A_261 = tpu.vector_load %arg7[%get3A_259, %get3A_260] {strides = array<i32>} : memref<24x128xi32, #tpu.memory_space<vmem>>, vector<16xi32>,
        tpu.vector_store_idx %arg15[%get3A_261], %broadcast_in_dim3A_5 {add = true} : memref<50016xf32, #tpu.memory_space<vmem>>[vector<16xi32>], vector<16xf32>,
        %add3A_262 = arith.constant 2 : i32
        %add3A_263 = arith.addi %mul3A_120, %add3A_262 : i32
        %get3A_264 = arith.index_cast %add3A_263 : i32 to index
        %get3A_265 = arith.constant 96 : index
        %get3A_266 = tpu.vector_load %arg7[%get3A_264, %get3A_265] {strides = array<i32>} : memref<24x128xi32, #tpu.memory_space<vmem>>, vector<16xi32>,
        tpu.vector_store_idx %arg15[%get3A_266], %broadcast_in_dim3A_5 {add = true} : memref<50016xf32, #tpu.memory_space<vmem>>[vector<16xi32>], vector<16xf32>,
        %add3A_267 = arith.constant 2 : i32
        %add3A_268 = arith.addi %mul3A_120, %add3A_267 : i32
        %get3A_269 = arith.index_cast %add3A_268 : i32 to index
        %get3A_270 = arith.constant 112 : index
        %get3A_271 = tpu.vector_load %arg7[%get3A_269, %get3A_270] {strides = array<i32>} : memref<24x128xi32, #tpu.memory_space<vmem>>, vector<16xi32>,
        tpu.vector_store_idx %arg15[%get3A_271], %broadcast_in_dim3A_5 {add = true} : memref<50016xf32, #tpu.memory_space<vmem>>[vector<16xi32>], vector<16xf32>,
        %add3A_272 = arith.constant 3 : i32
        %add3A_273 = arith.addi %mul3A_120, %add3A_272 : i32
        %get3A_274 = arith.index_cast %add3A_273 : i32 to index
        %get3A_275 = arith.constant 0 : index
        %get3A_276 = tpu.vector_load %arg7[%get3A_274, %get3A_275] {strides = array<i32>} : memref<24x128xi32, #tpu.memory_space<vmem>>, vector<16xi32>,
        tpu.vector_store_idx %arg15[%get3A_276], %broadcast_in_dim3A_5 {add = true} : memref<50016xf32, #tpu.memory_space<vmem>>[vector<16xi32>], vector<16xf32>,
        %add3A_277 = arith.constant 3 : i32
        %add3A_278 = arith.addi %mul3A_120, %add3A_277 : i32
        %get3A_279 = arith.index_cast %add3A_278 : i32 to index
        %get3A_280 = arith.constant 16 : index
        %get3A_281 = tpu.vector_load %arg7[%get3A_279, %get3A_280] {strides = array<i32>} : memref<24x128xi32, #tpu.memory_space<vmem>>, vector<16xi32>,
        tpu.vector_store_idx %arg15[%get3A_281], %broadcast_in_dim3A_5 {add = true} : memref<50016xf32, #tpu.memory_space<vmem>>[vector<16xi32>], vector<16xf32>,
        %add3A_282 = arith.constant 3 : i32
        %add3A_283 = arith.addi %mul3A_120, %add3A_282 : i32
        %get3A_284 = arith.index_cast %add3A_283 : i32 to index
        %get3A_285 = arith.constant 32 : index
        %get3A_286 = tpu.vector_load %arg7[%get3A_284, %get3A_285] {strides = array<i32>} : memref<24x128xi32, #tpu.memory_space<vmem>>, vector<16xi32>,
        tpu.vector_store_idx %arg15[%get3A_286], %broadcast_in_dim3A_5 {add = true} : memref<50016xf32, #tpu.memory_space<vmem>>[vector<16xi32>], vector<16xf32>,
        %add3A_287 = arith.constant 3 : i32
        %add3A_288 = arith.addi %mul3A_120, %add3A_287 : i32
        %get3A_289 = arith.index_cast %add3A_288 : i32 to index
        %get3A_290 = arith.constant 48 : index
        %get3A_291 = tpu.vector_load %arg7[%get3A_289, %get3A_290] {strides = array<i32>} : memref<24x128xi32, #tpu.memory_space<vmem>>, vector<16xi32>,
        tpu.vector_store_idx %arg15[%get3A_291], %broadcast_in_dim3A_5 {add = true} : memref<50016xf32, #tpu.memory_space<vmem>>[vector<16xi32>], vector<16xf32>,
        %add3A_292 = arith.constant 3 : i32
        %add3A_293 = arith.addi %mul3A_120, %add3A_292 : i32
        %get3A_294 = arith.index_cast %add3A_293 : i32 to index
        %get3A_295 = arith.constant 64 : index
        %get3A_296 = tpu.vector_load %arg7[%get3A_294, %get3A_295] {strides = array<i32>} : memref<24x128xi32, #tpu.memory_space<vmem>>, vector<16xi32>,
        tpu.vector_store_idx %arg15[%get3A_296], %broadcast_in_dim3A_5 {add = true} : memref<50016xf32, #tpu.memory_space<vmem>>[vector<16xi32>], vector<16xf32>,
        %add3A_297 = arith.constant 3 : i32
        %add3A_298 = arith.addi %mul3A_120, %add3A_297 : i32
        %get3A_299 = arith.index_cast %add3A_298 : i32 to index
        %get3A_300 = arith.constant 80 : index
        %get3A_301 = tpu.vector_load %arg7[%get3A_299, %get3A_300] {strides = array<i32>} : memref<24x128xi32, #tpu.memory_space<vmem>>, vector<16xi32>,
        tpu.vector_store_idx %arg15[%get3A_301], %broadcast_in_dim3A_5 {add = true} : memref<50016xf32, #tpu.memory_space<vmem>>[vector<16xi32>], vector<16xf32>,
        %add3A_302 = arith.constant 3 : i32
        %add3A_303 = arith.addi %mul3A_120, %add3A_302 : i32
        %get3A_304 = arith.index_cast %add3A_303 : i32 to index
        %get3A_305 = arith.constant 96 : index
        %get3A_306 = tpu.vector_load %arg7[%get3A_304, %get3A_305] {strides = array<i32>} : memref<24x128xi32, #tpu.memory_space<vmem>>, vector<16xi32>,
        tpu.vector_store_idx %arg15[%get3A_306], %broadcast_in_dim3A_5 {add = true} : memref<50016xf32, #tpu.memory_space<vmem>>[vector<16xi32>], vector<16xf32>,
        %add3A_307 = arith.constant 3 : i32
        %add3A_308 = arith.addi %mul3A_120, %add3A_307 : i32
        %get3A_309 = arith.index_cast %add3A_308 : i32 to index
        %get3A_310 = arith.constant 112 : index
        %get3A_311 = tpu.vector_load %arg7[%get3A_309, %get3A_310] {strides = array<i32>} : memref<24x128xi32, #tpu.memory_space<vmem>>, vector<16xi32>,
        tpu.vector_store_idx %arg15[%get3A_311], %broadcast_in_dim3A_5 {add = true} : memref<50016xf32, #tpu.memory_space<vmem>>[vector<16xi32>], vector<16xf32>,
        %dma_wait3A_312 = arith.constant 0 : i32
        %dma_wait3A_313 = tpu.memref_slice %arg6[%add3A_122, %dma_wait3A_312] : memref<24x128xi32, #tpu.memory_space<vmem>> -> memref<1x128xi32, #tpu.memory_space<vmem>>
        %dma_wait3A_314 = tpu.memref_squeeze %dma_wait3A_313 : memref<1x128xi32, #tpu.memory_space<vmem>> -> memref<128xi32, #tpu.memory_space<vmem>>
        %dma_wait3A_315 = arith.constant 0 : i32
        %dma_wait3A_316 = arith.constant 0 : i32
        %dma_wait3A_317 = tpu.memref_slice %arg2[%dma_wait3A_315, %dma_wait3A_316] : memref<50000x16xf32, #tpu.memory_space<hbm>> -> memref<50000x16xf32, #tpu.memory_space<hbm>>
        tpu.wait_indirect_dma semaphore(%arg17 : memref<!tpu.dma_semaphore, #tpu.memory_space<semaphore_mem>>) src(%dma_wait3A_317 : memref<50000x16xf32, #tpu.memory_space<hbm>>) dst(%arg10 : memref<128x16xf32, #tpu.memory_space<vmem>>)
        %add3A_318 = arith.constant 0 : i32
        %add3A_319 = arith.addi %mul3A_120, %add3A_318 : i32
        %dma_start3A_320 = arith.constant 0 : i32
        %dma_start3A_321 = tpu.memref_slice %arg7[%add3A_319, %dma_start3A_320] : memref<24x128xi32, #tpu.memory_space<vmem>> -> memref<1x128xi32, #tpu.memory_space<vmem>>
        %dma_start3A_322 = tpu.memref_squeeze %dma_start3A_321 : memref<1x128xi32, #tpu.memory_space<vmem>> -> memref<128xi32, #tpu.memory_space<vmem>>
        %dma_start3A_323 = arith.constant 0 : i32
        %dma_start3A_324 = arith.constant 0 : i32
        %dma_start3A_325 = tpu.memref_slice %arg16[%dma_start3A_323, %dma_start3A_324] : memref<50176x16xf32, #tpu.memory_space<vmem_shared>> -> memref<50176x16xf32, #tpu.memory_space<vmem_shared>>
        tpu.enqueue_indirect_dma source(%arg10 : memref<128x16xf32, #tpu.memory_space<vmem>>) target(%dma_start3A_325 : memref<50176x16xf32, #tpu.memory_space<vmem_shared>>) offsets(%dma_start3A_322 : memref<128xi32, #tpu.memory_space<vmem>>) semaphore(%arg21 : memref<!tpu.dma_semaphore, #tpu.memory_space<semaphore_mem>>) {add = true}
        %dma_wait3A_326 = arith.constant 0 : i32
        %dma_wait3A_327 = tpu.memref_slice %arg6[%add3A_130, %dma_wait3A_326] : memref<24x128xi32, #tpu.memory_space<vmem>> -> memref<1x128xi32, #tpu.memory_space<vmem>>
        %dma_wait3A_328 = tpu.memref_squeeze %dma_wait3A_327 : memref<1x128xi32, #tpu.memory_space<vmem>> -> memref<128xi32, #tpu.memory_space<vmem>>
        %dma_wait3A_329 = arith.constant 0 : i32
        %dma_wait3A_330 = arith.constant 0 : i32
        %dma_wait3A_331 = tpu.memref_slice %arg2[%dma_wait3A_329, %dma_wait3A_330] : memref<50000x16xf32, #tpu.memory_space<hbm>> -> memref<50000x16xf32, #tpu.memory_space<hbm>>
        tpu.wait_indirect_dma semaphore(%arg18 : memref<!tpu.dma_semaphore, #tpu.memory_space<semaphore_mem>>) src(%dma_wait3A_331 : memref<50000x16xf32, #tpu.memory_space<hbm>>) dst(%arg11 : memref<128x16xf32, #tpu.memory_space<vmem>>)
        %add3A_332 = arith.constant 1 : i32
        %add3A_333 = arith.addi %mul3A_120, %add3A_332 : i32
        %dma_start3A_334 = arith.constant 0 : i32
        %dma_start3A_335 = tpu.memref_slice %arg7[%add3A_333, %dma_start3A_334] : memref<24x128xi32, #tpu.memory_space<vmem>> -> memref<1x128xi32, #tpu.memory_space<vmem>>
        %dma_start3A_336 = tpu.memref_squeeze %dma_start3A_335 : memref<1x128xi32, #tpu.memory_space<vmem>> -> memref<128xi32, #tpu.memory_space<vmem>>
        %dma_start3A_337 = arith.constant 0 : i32
        %dma_start3A_338 = arith.constant 0 : i32
        %dma_start3A_339 = tpu.memref_slice %arg16[%dma_start3A_337, %dma_start3A_338] : memref<50176x16xf32, #tpu.memory_space<vmem_shared>> -> memref<50176x16xf32, #tpu.memory_space<vmem_shared>>
        tpu.enqueue_indirect_dma source(%arg11 : memref<128x16xf32, #tpu.memory_space<vmem>>) target(%dma_start3A_339 : memref<50176x16xf32, #tpu.memory_space<vmem_shared>>) offsets(%dma_start3A_336 : memref<128xi32, #tpu.memory_space<vmem>>) semaphore(%arg22 : memref<!tpu.dma_semaphore, #tpu.memory_space<semaphore_mem>>) {add = true}
        %dma_wait3A_340 = arith.constant 0 : i32
        %dma_wait3A_341 = tpu.memref_slice %arg6[%add3A_138, %dma_wait3A_340] : memref<24x128xi32, #tpu.memory_space<vmem>> -> memref<1x128xi32, #tpu.memory_space<vmem>>
        %dma_wait3A_342 = tpu.memref_squeeze %dma_wait3A_341 : memref<1x128xi32, #tpu.memory_space<vmem>> -> memref<128xi32, #tpu.memory_space<vmem>>
        %dma_wait3A_343 = arith.constant 0 : i32
        %dma_wait3A_344 = arith.constant 0 : i32
        %dma_wait3A_345 = tpu.memref_slice %arg2[%dma_wait3A_343, %dma_wait3A_344] : memref<50000x16xf32, #tpu.memory_space<hbm>> -> memref<50000x16xf32, #tpu.memory_space<hbm>>
        tpu.wait_indirect_dma semaphore(%arg19 : memref<!tpu.dma_semaphore, #tpu.memory_space<semaphore_mem>>) src(%dma_wait3A_345 : memref<50000x16xf32, #tpu.memory_space<hbm>>) dst(%arg12 : memref<128x16xf32, #tpu.memory_space<vmem>>)
        %add3A_346 = arith.constant 2 : i32
        %add3A_347 = arith.addi %mul3A_120, %add3A_346 : i32
        %dma_start3A_348 = arith.constant 0 : i32
        %dma_start3A_349 = tpu.memref_slice %arg7[%add3A_347, %dma_start3A_348] : memref<24x128xi32, #tpu.memory_space<vmem>> -> memref<1x128xi32, #tpu.memory_space<vmem>>
        %dma_start3A_350 = tpu.memref_squeeze %dma_start3A_349 : memref<1x128xi32, #tpu.memory_space<vmem>> -> memref<128xi32, #tpu.memory_space<vmem>>
        %dma_start3A_351 = arith.constant 0 : i32
        %dma_start3A_352 = arith.constant 0 : i32
        %dma_start3A_353 = tpu.memref_slice %arg16[%dma_start3A_351, %dma_start3A_352] : memref<50176x16xf32, #tpu.memory_space<vmem_shared>> -> memref<50176x16xf32, #tpu.memory_space<vmem_shared>>
        tpu.enqueue_indirect_dma source(%arg12 : memref<128x16xf32, #tpu.memory_space<vmem>>) target(%dma_start3A_353 : memref<50176x16xf32, #tpu.memory_space<vmem_shared>>) offsets(%dma_start3A_350 : memref<128xi32, #tpu.memory_space<vmem>>) semaphore(%arg23 : memref<!tpu.dma_semaphore, #tpu.memory_space<semaphore_mem>>) {add = true}
        %dma_wait3A_354 = arith.constant 0 : i32
        %dma_wait3A_355 = tpu.memref_slice %arg6[%add3A_146, %dma_wait3A_354] : memref<24x128xi32, #tpu.memory_space<vmem>> -> memref<1x128xi32, #tpu.memory_space<vmem>>
        %dma_wait3A_356 = tpu.memref_squeeze %dma_wait3A_355 : memref<1x128xi32, #tpu.memory_space<vmem>> -> memref<128xi32, #tpu.memory_space<vmem>>
        %dma_wait3A_357 = arith.constant 0 : i32
        %dma_wait3A_358 = arith.constant 0 : i32
        %dma_wait3A_359 = tpu.memref_slice %arg2[%dma_wait3A_357, %dma_wait3A_358] : memref<50000x16xf32, #tpu.memory_space<hbm>> -> memref<50000x16xf32, #tpu.memory_space<hbm>>
        tpu.wait_indirect_dma semaphore(%arg20 : memref<!tpu.dma_semaphore, #tpu.memory_space<semaphore_mem>>) src(%dma_wait3A_359 : memref<50000x16xf32, #tpu.memory_space<hbm>>) dst(%arg13 : memref<128x16xf32, #tpu.memory_space<vmem>>)
        %add3A_360 = arith.constant 3 : i32
        %add3A_361 = arith.addi %mul3A_120, %add3A_360 : i32
        %dma_start3A_362 = arith.constant 0 : i32
        %dma_start3A_363 = tpu.memref_slice %arg7[%add3A_361, %dma_start3A_362] : memref<24x128xi32, #tpu.memory_space<vmem>> -> memref<1x128xi32, #tpu.memory_space<vmem>>
        %dma_start3A_364 = tpu.memref_squeeze %dma_start3A_363 : memref<1x128xi32, #tpu.memory_space<vmem>> -> memref<128xi32, #tpu.memory_space<vmem>>
        %dma_start3A_365 = arith.constant 0 : i32
        %dma_start3A_366 = arith.constant 0 : i32
        %dma_start3A_367 = tpu.memref_slice %arg16[%dma_start3A_365, %dma_start3A_366] : memref<50176x16xf32, #tpu.memory_space<vmem_shared>> -> memref<50176x16xf32, #tpu.memory_space<vmem_shared>>
        tpu.enqueue_indirect_dma source(%arg13 : memref<128x16xf32, #tpu.memory_space<vmem>>) target(%dma_start3A_367 : memref<50176x16xf32, #tpu.memory_space<vmem_shared>>) offsets(%dma_start3A_364 : memref<128xi32, #tpu.memory_space<vmem>>) semaphore(%arg24 : memref<!tpu.dma_semaphore, #tpu.memory_space<semaphore_mem>>) {add = true}
        %dma_wait3A_368 = arith.constant 0 : i32
        %dma_wait3A_369 = tpu.memref_slice %arg7[%add3A_319, %dma_wait3A_368] : memref<24x128xi32, #tpu.memory_space<vmem>> -> memref<1x128xi32, #tpu.memory_space<vmem>>
        %dma_wait3A_370 = tpu.memref_squeeze %dma_wait3A_369 : memref<1x128xi32, #tpu.memory_space<vmem>> -> memref<128xi32, #tpu.memory_space<vmem>>
        %dma_wait3A_371 = arith.constant 0 : i32
        %dma_wait3A_372 = arith.constant 0 : i32
        %dma_wait3A_373 = tpu.memref_slice %arg16[%dma_wait3A_371, %dma_wait3A_372] : memref<50176x16xf32, #tpu.memory_space<vmem_shared>> -> memref<50176x16xf32, #tpu.memory_space<vmem_shared>>
        tpu.wait_indirect_dma semaphore(%arg21 : memref<!tpu.dma_semaphore, #tpu.memory_space<semaphore_mem>>) src(%arg10 : memref<128x16xf32, #tpu.memory_space<vmem>>) dst(%dma_wait3A_373 : memref<50176x16xf32, #tpu.memory_space<vmem_shared>>)
        %dma_wait3A_374 = arith.constant 0 : i32
        %dma_wait3A_375 = tpu.memref_slice %arg7[%add3A_333, %dma_wait3A_374] : memref<24x128xi32, #tpu.memory_space<vmem>> -> memref<1x128xi32, #tpu.memory_space<vmem>>
        %dma_wait3A_376 = tpu.memref_squeeze %dma_wait3A_375 : memref<1x128xi32, #tpu.memory_space<vmem>> -> memref<128xi32, #tpu.memory_space<vmem>>
        %dma_wait3A_377 = arith.constant 0 : i32
        %dma_wait3A_378 = arith.constant 0 : i32
        %dma_wait3A_379 = tpu.memref_slice %arg16[%dma_wait3A_377, %dma_wait3A_378] : memref<50176x16xf32, #tpu.memory_space<vmem_shared>> -> memref<50176x16xf32, #tpu.memory_space<vmem_shared>>
        tpu.wait_indirect_dma semaphore(%arg22 : memref<!tpu.dma_semaphore, #tpu.memory_space<semaphore_mem>>) src(%arg11 : memref<128x16xf32, #tpu.memory_space<vmem>>) dst(%dma_wait3A_379 : memref<50176x16xf32, #tpu.memory_space<vmem_shared>>)
        %dma_wait3A_380 = arith.constant 0 : i32
        %dma_wait3A_381 = tpu.memref_slice %arg7[%add3A_347, %dma_wait3A_380] : memref<24x128xi32, #tpu.memory_space<vmem>> -> memref<1x128xi32, #tpu.memory_space<vmem>>
        %dma_wait3A_382 = tpu.memref_squeeze %dma_wait3A_381 : memref<1x128xi32, #tpu.memory_space<vmem>> -> memref<128xi32, #tpu.memory_space<vmem>>
        %dma_wait3A_383 = arith.constant 0 : i32
        %dma_wait3A_384 = arith.constant 0 : i32
        %dma_wait3A_385 = tpu.memref_slice %arg16[%dma_wait3A_383, %dma_wait3A_384] : memref<50176x16xf32, #tpu.memory_space<vmem_shared>> -> memref<50176x16xf32, #tpu.memory_space<vmem_shared>>
        tpu.wait_indirect_dma semaphore(%arg23 : memref<!tpu.dma_semaphore, #tpu.memory_space<semaphore_mem>>) src(%arg12 : memref<128x16xf32, #tpu.memory_space<vmem>>) dst(%dma_wait3A_385 : memref<50176x16xf32, #tpu.memory_space<vmem_shared>>)
        %dma_wait3A_386 = arith.constant 0 : i32
        %dma_wait3A_387 = tpu.memref_slice %arg7[%add3A_361, %dma_wait3A_386] : memref<24x128xi32, #tpu.memory_space<vmem>> -> memref<1x128xi32, #tpu.memory_space<vmem>>
        %dma_wait3A_388 = tpu.memref_squeeze %dma_wait3A_387 : memref<1x128xi32, #tpu.memory_space<vmem>> -> memref<128xi32, #tpu.memory_space<vmem>>
        %dma_wait3A_389 = arith.constant 0 : i32
        %dma_wait3A_390 = arith.constant 0 : i32
        %dma_wait3A_391 = tpu.memref_slice %arg16[%dma_wait3A_389, %dma_wait3A_390] : memref<50176x16xf32, #tpu.memory_space<vmem_shared>> -> memref<50176x16xf32, #tpu.memory_space<vmem_shared>>
        tpu.wait_indirect_dma semaphore(%arg24 : memref<!tpu.dma_semaphore, #tpu.memory_space<semaphore_mem>>) src(%arg13 : memref<128x16xf32, #tpu.memory_space<vmem>>) dst(%dma_wait3A_391 : memref<50176x16xf32, #tpu.memory_space<vmem_shared>>)
        %scan3A_392 = arith.constant 0 : i32
        scf.yield %scan3A_392 : i32
      }
      %scan3A_116 = arith.constant 2 : i32
    } else {
    }
    %eq3A = arith.constant 26 : i32
    %eq3A_89 = arith.cmpi eq, %add3A, %eq3A : i32
    %convert_element_type3A_90 = arith.extui %eq3A_89 : i1 to i32
    %cond3A_91 = arith.constant 0 : i32
    %cond3A_92 = arith.cmpi ne, %convert_element_type3A_90, %cond3A_91 : i32
    scf.if %cond3A_92 {
      %run_scoped3A_104 = arith.constant 0 : i32
      "tpu.region"() ({
        %run_scoped3A_293 = tpu.sem_alloc : memref<!tpu.dma_semaphore, #tpu.memory_space<semaphore_mem>>
        %dma_start3A_294 = arith.constant 0 : i32
        %dma_start3A_295 = arith.constant 0 : i32
        %dma_start3A_296 = tpu.memref_slice %arg6[%dma_start3A_294, %dma_start3A_295] : memref<24x128xi32, #tpu.memory_space<vmem>> -> memref<4x128xi32, #tpu.memory_space<vmem>>
        %dma_start3A_297 = arith.constant 12496 : i32
        %dma_start3A_298 = arith.constant 0 : i32
        %dma_start3A_299 = tpu.memref_slice %arg3[%run_scoped3A_104, %dma_start3A_297, %dma_start3A_298] : memref<2x12500x128xi32, #tpu.memory_space<hbm>> -> memref<1x4x128xi32, #tpu.memory_space<hbm>>
        %dma_start3A_300 = tpu.memref_squeeze %dma_start3A_299 : memref<1x4x128xi32, #tpu.memory_space<hbm>> -> memref<4x128xi32, #tpu.memory_space<hbm>>
        %dma_start3A_301 = arith.constant 0 : i32
        %dma_start3A_302 = arith.constant 0 : i32
        %dma_start3A_303 = tpu.memref_slice %arg6[%dma_start3A_301, %dma_start3A_302] : memref<24x128xi32, #tpu.memory_space<vmem>> -> memref<4x128xi32, #tpu.memory_space<vmem>>
        %dma_start3A_304 = arith.constant 12496 : i32
        %dma_start3A_305 = arith.constant 0 : i32
        %dma_start3A_306 = tpu.memref_slice %arg3[%run_scoped3A_104, %dma_start3A_304, %dma_start3A_305] : memref<2x12500x128xi32, #tpu.memory_space<hbm>> -> memref<1x4x128xi32, #tpu.memory_space<hbm>>
        %dma_start3A_307 = tpu.memref_squeeze %dma_start3A_306 : memref<1x4x128xi32, #tpu.memory_space<hbm>> -> memref<4x128xi32, #tpu.memory_space<hbm>>
        tpu.enqueue_dma source(%dma_start3A_307 : memref<4x128xi32, #tpu.memory_space<hbm>>) target(%dma_start3A_303 : memref<4x128xi32, #tpu.memory_space<vmem>>) target_semaphore(%run_scoped3A_293 : memref<!tpu.dma_semaphore, #tpu.memory_space<semaphore_mem>>)
        %dma_wait3A_308 = arith.constant 0 : i32
        %dma_wait3A_309 = arith.constant 0 : i32
        %dma_wait3A_310 = tpu.memref_slice %arg6[%dma_wait3A_308, %dma_wait3A_309] : memref<24x128xi32, #tpu.memory_space<vmem>> -> memref<4x128xi32, #tpu.memory_space<vmem>>
        %dma_wait3A_311 = arith.constant 12496 : i32
        %dma_wait3A_312 = arith.constant 0 : i32
        %dma_wait3A_313 = tpu.memref_slice %arg3[%run_scoped3A_104, %dma_wait3A_311, %dma_wait3A_312] : memref<2x12500x128xi32, #tpu.memory_space<hbm>> -> memref<1x4x128xi32, #tpu.memory_space<hbm>>
        %dma_wait3A_314 = tpu.memref_squeeze %dma_wait3A_313 : memref<1x4x128xi32, #tpu.memory_space<hbm>> -> memref<4x128xi32, #tpu.memory_space<hbm>>
        %dma_wait3A_315 = arith.constant 0 : i32
        %dma_wait3A_316 = arith.constant 0 : i32
        %dma_wait3A_317 = tpu.memref_slice %arg6[%dma_wait3A_315, %dma_wait3A_316] : memref<24x128xi32, #tpu.memory_space<vmem>> -> memref<4x128xi32, #tpu.memory_space<vmem>>
        %dma_wait3A_318 = arith.constant 12496 : i32
        %dma_wait3A_319 = arith.constant 0 : i32
        %dma_wait3A_320 = tpu.memref_slice %arg3[%run_scoped3A_104, %dma_wait3A_318, %dma_wait3A_319] : memref<2x12500x128xi32, #tpu.memory_space<hbm>> -> memref<1x4x128xi32, #tpu.memory_space<hbm>>
        %dma_wait3A_321 = tpu.memref_squeeze %dma_wait3A_320 : memref<1x4x128xi32, #tpu.memory_space<hbm>> -> memref<4x128xi32, #tpu.memory_space<hbm>>
        tpu.wait_dma2 semaphore(%run_scoped3A_293 : memref<!tpu.dma_semaphore, #tpu.memory_space<semaphore_mem>>) src(%dma_wait3A_321 : memref<4x128xi32, #tpu.memory_space<hbm>>) dst(%dma_wait3A_317 : memref<4x128xi32, #tpu.memory_space<vmem>>)
        tpu.yield
      }) : () -> ()
      %run_scoped3A_105 = arith.constant 1 : i32
      "tpu.region"() ({
        %run_scoped3A_293 = tpu.sem_alloc : memref<!tpu.dma_semaphore, #tpu.memory_space<semaphore_mem>>
        %dma_start3A_294 = arith.constant 0 : i32
        %dma_start3A_295 = arith.constant 0 : i32
        %dma_start3A_296 = tpu.memref_slice %arg7[%dma_start3A_294, %dma_start3A_295] : memref<24x128xi32, #tpu.memory_space<vmem>> -> memref<4x128xi32, #tpu.memory_space<vmem>>
        %dma_start3A_297 = arith.constant 12496 : i32
        %dma_start3A_298 = arith.constant 0 : i32
        %dma_start3A_299 = tpu.memref_slice %arg3[%run_scoped3A_105, %dma_start3A_297, %dma_start3A_298] : memref<2x12500x128xi32, #tpu.memory_space<hbm>> -> memref<1x4x128xi32, #tpu.memory_space<hbm>>
        %dma_start3A_300 = tpu.memref_squeeze %dma_start3A_299 : memref<1x4x128xi32, #tpu.memory_space<hbm>> -> memref<4x128xi32, #tpu.memory_space<hbm>>
        %dma_start3A_301 = arith.constant 0 : i32
        %dma_start3A_302 = arith.constant 0 : i32
        %dma_start3A_303 = tpu.memref_slice %arg7[%dma_start3A_301, %dma_start3A_302] : memref<24x128xi32, #tpu.memory_space<vmem>> -> memref<4x128xi32, #tpu.memory_space<vmem>>
        %dma_start3A_304 = arith.constant 12496 : i32
        %dma_start3A_305 = arith.constant 0 : i32
        %dma_start3A_306 = tpu.memref_slice %arg3[%run_scoped3A_105, %dma_start3A_304, %dma_start3A_305] : memref<2x12500x128xi32, #tpu.memory_space<hbm>> -> memref<1x4x128xi32, #tpu.memory_space<hbm>>
        %dma_start3A_307 = tpu.memref_squeeze %dma_start3A_306 : memref<1x4x128xi32, #tpu.memory_space<hbm>> -> memref<4x128xi32, #tpu.memory_space<hbm>>
        tpu.enqueue_dma source(%dma_start3A_307 : memref<4x128xi32, #tpu.memory_space<hbm>>) target(%dma_start3A_303 : memref<4x128xi32, #tpu.memory_space<vmem>>) target_semaphore(%run_scoped3A_293 : memref<!tpu.dma_semaphore, #tpu.memory_space<semaphore_mem>>)
        %dma_wait3A_308 = arith.constant 0 : i32
        %dma_wait3A_309 = arith.constant 0 : i32
        %dma_wait3A_310 = tpu.memref_slice %arg7[%dma_wait3A_308, %dma_wait3A_309] : memref<24x128xi32, #tpu.memory_space<vmem>> -> memref<4x128xi32, #tpu.memory_space<vmem>>
        %dma_wait3A_311 = arith.constant 12496 : i32
        %dma_wait3A_312 = arith.constant 0 : i32
        %dma_wait3A_313 = tpu.memref_slice %arg3[%run_scoped3A_105, %dma_wait3A_311, %dma_wait3A_312] : memref<2x12500x128xi32, #tpu.memory_space<hbm>> -> memref<1x4x128xi32, #tpu.memory_space<hbm>>
        %dma_wait3A_314 = tpu.memref_squeeze %dma_wait3A_313 : memref<1x4x128xi32, #tpu.memory_space<hbm>> -> memref<4x128xi32, #tpu.memory_space<hbm>>
        %dma_wait3A_315 = arith.constant 0 : i32
        %dma_wait3A_316 = arith.constant 0 : i32
        %dma_wait3A_317 = tpu.memref_slice %arg7[%dma_wait3A_315, %dma_wait3A_316] : memref<24x128xi32, #tpu.memory_space<vmem>> -> memref<4x128xi32, #tpu.memory_space<vmem>>
        %dma_wait3A_318 = arith.constant 12496 : i32
        %dma_wait3A_319 = arith.constant 0 : i32
        %dma_wait3A_320 = tpu.memref_slice %arg3[%run_scoped3A_105, %dma_wait3A_318, %dma_wait3A_319] : memref<2x12500x128xi32, #tpu.memory_space<hbm>> -> memref<1x4x128xi32, #tpu.memory_space<hbm>>
        %dma_wait3A_321 = tpu.memref_squeeze %dma_wait3A_320 : memref<1x4x128xi32, #tpu.memory_space<hbm>> -> memref<4x128xi32, #tpu.memory_space<hbm>>
        tpu.wait_dma2 semaphore(%run_scoped3A_293 : memref<!tpu.dma_semaphore, #tpu.memory_space<semaphore_mem>>) src(%dma_wait3A_321 : memref<4x128xi32, #tpu.memory_space<hbm>>) dst(%dma_wait3A_317 : memref<4x128xi32, #tpu.memory_space<vmem>>)
        tpu.yield
      }) : () -> ()
      %dma_start3A_106 = arith.constant 0 : i32
      %dma_start3A_107 = arith.constant 0 : i32
      %dma_start3A_108 = tpu.memref_slice %arg6[%dma_start3A_106, %dma_start3A_107] : memref<24x128xi32, #tpu.memory_space<vmem>> -> memref<1x128xi32, #tpu.memory_space<vmem>>
      %dma_start3A_109 = tpu.memref_squeeze %dma_start3A_108 : memref<1x128xi32, #tpu.memory_space<vmem>> -> memref<128xi32, #tpu.memory_space<vmem>>
      %dma_start3A_110 = arith.constant 0 : i32
      %dma_start3A_111 = arith.constant 0 : i32
      %dma_start3A_112 = tpu.memref_slice %arg2[%dma_start3A_110, %dma_start3A_111] : memref<50000x16xf32, #tpu.memory_space<hbm>> -> memref<50000x16xf32, #tpu.memory_space<hbm>>
      tpu.enqueue_indirect_dma source(%dma_start3A_112 : memref<50000x16xf32, #tpu.memory_space<hbm>>) target(%arg10 : memref<128x16xf32, #tpu.memory_space<vmem>>) offsets(%dma_start3A_109 : memref<128xi32, #tpu.memory_space<vmem>>) semaphore(%arg17 : memref<!tpu.dma_semaphore, #tpu.memory_space<semaphore_mem>>)
      %dma_wait3A_113 = arith.constant 0 : i32
      %dma_wait3A_114 = arith.constant 0 : i32
      %dma_wait3A_115 = tpu.memref_slice %arg6[%dma_wait3A_113, %dma_wait3A_114] : memref<24x128xi32, #tpu.memory_space<vmem>> -> memref<1x128xi32, #tpu.memory_space<vmem>>
      %dma_wait3A_116 = tpu.memref_squeeze %dma_wait3A_115 : memref<1x128xi32, #tpu.memory_space<vmem>> -> memref<128xi32, #tpu.memory_space<vmem>>
      %dma_wait3A_117 = arith.constant 0 : i32
      %dma_wait3A_118 = arith.constant 0 : i32
      %dma_wait3A_119 = tpu.memref_slice %arg2[%dma_wait3A_117, %dma_wait3A_118] : memref<50000x16xf32, #tpu.memory_space<hbm>> -> memref<50000x16xf32, #tpu.memory_space<hbm>>
      tpu.wait_indirect_dma semaphore(%arg17 : memref<!tpu.dma_semaphore, #tpu.memory_space<semaphore_mem>>) src(%dma_wait3A_119 : memref<50000x16xf32, #tpu.memory_space<hbm>>) dst(%arg10 : memref<128x16xf32, #tpu.memory_space<vmem>>)
      %run_scoped3A_120 = arith.constant 0 : i32
      "tpu.region"() ({
        %run_scoped3A_293 = tpu.sem_alloc : memref<!tpu.dma_semaphore, #tpu.memory_space<semaphore_mem>>
        %dma_start3A_294 = arith.constant 0 : i32
        %dma_start3A_295 = tpu.memref_slice %arg7[%run_scoped3A_120, %dma_start3A_294] : memref<24x128xi32, #tpu.memory_space<vmem>> -> memref<1x128xi32, #tpu.memory_space<vmem>>
        %dma_start3A_296 = tpu.memref_squeeze %dma_start3A_295 : memref<1x128xi32, #tpu.memory_space<vmem>> -> memref<128xi32, #tpu.memory_space<vmem>>
        %dma_start3A_297 = arith.constant 0 : i32
        %dma_start3A_298 = arith.constant 0 : i32
        %dma_start3A_299 = tpu.memref_slice %arg16[%dma_start3A_297, %dma_start3A_298] : memref<50176x16xf32, #tpu.memory_space<vmem_shared>> -> memref<50176x16xf32, #tpu.memory_space<vmem_shared>>
        tpu.enqueue_indirect_dma source(%arg10 : memref<128x16xf32, #tpu.memory_space<vmem>>) target(%dma_start3A_299 : memref<50176x16xf32, #tpu.memory_space<vmem_shared>>) offsets(%dma_start3A_296 : memref<128xi32, #tpu.memory_space<vmem>>) semaphore(%run_scoped3A_293 : memref<!tpu.dma_semaphore, #tpu.memory_space<semaphore_mem>>) {add = true}
        %dma_wait3A_300 = arith.constant 0 : i32
        %dma_wait3A_301 = tpu.memref_slice %arg7[%run_scoped3A_120, %dma_wait3A_300] : memref<24x128xi32, #tpu.memory_space<vmem>> -> memref<1x128xi32, #tpu.memory_space<vmem>>
        %dma_wait3A_302 = tpu.memref_squeeze %dma_wait3A_301 : memref<1x128xi32, #tpu.memory_space<vmem>> -> memref<128xi32, #tpu.memory_space<vmem>>
        %dma_wait3A_303 = arith.constant 0 : i32
        %dma_wait3A_304 = arith.constant 0 : i32
        %dma_wait3A_305 = tpu.memref_slice %arg16[%dma_wait3A_303, %dma_wait3A_304] : memref<50176x16xf32, #tpu.memory_space<vmem_shared>> -> memref<50176x16xf32, #tpu.memory_space<vmem_shared>>
        tpu.wait_indirect_dma semaphore(%run_scoped3A_293 : memref<!tpu.dma_semaphore, #tpu.memory_space<semaphore_mem>>) src(%arg10 : memref<128x16xf32, #tpu.memory_space<vmem>>) dst(%dma_wait3A_305 : memref<50176x16xf32, #tpu.memory_space<vmem_shared>>)
        tpu.yield
      }) : () -> ()
      %get3A = arith.constant 0 : i32
      %get3A_121 = arith.index_cast %get3A : i32 to index
      %get3A_122 = arith.constant 0 : index
      %get3A_123 = tpu.vector_load %arg7[%get3A_121, %get3A_122] {strides = array<i32>} : memref<24x128xi32, #tpu.memory_space<vmem>>, vector<16xi32>,
      tpu.vector_store_idx %arg15[%get3A_123], %broadcast_in_dim3A_5 {add = true} : memref<50016xf32, #tpu.memory_space<vmem>>[vector<16xi32>], vector<16xf32>,
      %get3A_124 = arith.constant 0 : i32
      %get3A_125 = arith.index_cast %get3A_124 : i32 to index
      %get3A_126 = arith.constant 16 : index
      %get3A_127 = tpu.vector_load %arg7[%get3A_125, %get3A_126] {strides = array<i32>} : memref<24x128xi32, #tpu.memory_space<vmem>>, vector<16xi32>,
      tpu.vector_store_idx %arg15[%get3A_127], %broadcast_in_dim3A_5 {add = true} : memref<50016xf32, #tpu.memory_space<vmem>>[vector<16xi32>], vector<16xf32>,
      %get3A_128 = arith.constant 0 : i32
      %get3A_129 = arith.index_cast %get3A_128 : i32 to index
      %get3A_130 = arith.constant 32 : index
      %get3A_131 = tpu.vector_load %arg7[%get3A_129, %get3A_130] {strides = array<i32>} : memref<24x128xi32, #tpu.memory_space<vmem>>, vector<16xi32>,
      tpu.vector_store_idx %arg15[%get3A_131], %broadcast_in_dim3A_5 {add = true} : memref<50016xf32, #tpu.memory_space<vmem>>[vector<16xi32>], vector<16xf32>,
      %get3A_132 = arith.constant 0 : i32
      %get3A_133 = arith.index_cast %get3A_132 : i32 to index
      %get3A_134 = arith.constant 48 : index
      %get3A_135 = tpu.vector_load %arg7[%get3A_133, %get3A_134] {strides = array<i32>} : memref<24x128xi32, #tpu.memory_space<vmem>>, vector<16xi32>,
      tpu.vector_store_idx %arg15[%get3A_135], %broadcast_in_dim3A_5 {add = true} : memref<50016xf32, #tpu.memory_space<vmem>>[vector<16xi32>], vector<16xf32>,
      %get3A_136 = arith.constant 0 : i32
      %get3A_137 = arith.index_cast %get3A_136 : i32 to index
      %get3A_138 = arith.constant 64 : index
      %get3A_139 = tpu.vector_load %arg7[%get3A_137, %get3A_138] {strides = array<i32>} : memref<24x128xi32, #tpu.memory_space<vmem>>, vector<16xi32>,
      tpu.vector_store_idx %arg15[%get3A_139], %broadcast_in_dim3A_5 {add = true} : memref<50016xf32, #tpu.memory_space<vmem>>[vector<16xi32>], vector<16xf32>,
      %get3A_140 = arith.constant 0 : i32
      %get3A_141 = arith.index_cast %get3A_140 : i32 to index
      %get3A_142 = arith.constant 80 : index
      %get3A_143 = tpu.vector_load %arg7[%get3A_141, %get3A_142] {strides = array<i32>} : memref<24x128xi32, #tpu.memory_space<vmem>>, vector<16xi32>,
      tpu.vector_store_idx %arg15[%get3A_143], %broadcast_in_dim3A_5 {add = true} : memref<50016xf32, #tpu.memory_space<vmem>>[vector<16xi32>], vector<16xf32>,
      %get3A_144 = arith.constant 0 : i32
      %get3A_145 = arith.index_cast %get3A_144 : i32 to index
      %get3A_146 = arith.constant 96 : index
      %get3A_147 = tpu.vector_load %arg7[%get3A_145, %get3A_146] {strides = array<i32>} : memref<24x128xi32, #tpu.memory_space<vmem>>, vector<16xi32>,
      tpu.vector_store_idx %arg15[%get3A_147], %broadcast_in_dim3A_5 {add = true} : memref<50016xf32, #tpu.memory_space<vmem>>[vector<16xi32>], vector<16xf32>,
      %get3A_148 = arith.constant 0 : i32
      %get3A_149 = arith.index_cast %get3A_148 : i32 to index
      %get3A_150 = arith.constant 112 : index
      %get3A_151 = tpu.vector_load %arg7[%get3A_149, %get3A_150] {strides = array<i32>} : memref<24x128xi32, #tpu.memory_space<vmem>>, vector<16xi32>,
      tpu.vector_store_idx %arg15[%get3A_151], %broadcast_in_dim3A_5 {add = true} : memref<50016xf32, #tpu.memory_space<vmem>>[vector<16xi32>], vector<16xf32>,
      %dma_start3A_152 = arith.constant 1 : i32
      %dma_start3A_153 = arith.constant 0 : i32
      %dma_start3A_154 = tpu.memref_slice %arg6[%dma_start3A_152, %dma_start3A_153] : memref<24x128xi32, #tpu.memory_space<vmem>> -> memref<1x128xi32, #tpu.memory_space<vmem>>
      %dma_start3A_155 = tpu.memref_squeeze %dma_start3A_154 : memref<1x128xi32, #tpu.memory_space<vmem>> -> memref<128xi32, #tpu.memory_space<vmem>>
      %dma_start3A_156 = arith.constant 0 : i32
      %dma_start3A_157 = arith.constant 0 : i32
      %dma_start3A_158 = tpu.memref_slice %arg2[%dma_start3A_156, %dma_start3A_157] : memref<50000x16xf32, #tpu.memory_space<hbm>> -> memref<50000x16xf32, #tpu.memory_space<hbm>>
      tpu.enqueue_indirect_dma source(%dma_start3A_158 : memref<50000x16xf32, #tpu.memory_space<hbm>>) target(%arg10 : memref<128x16xf32, #tpu.memory_space<vmem>>) offsets(%dma_start3A_155 : memref<128xi32, #tpu.memory_space<vmem>>) semaphore(%arg17 : memref<!tpu.dma_semaphore, #tpu.memory_space<semaphore_mem>>)
      %dma_wait3A_159 = arith.constant 1 : i32
      %dma_wait3A_160 = arith.constant 0 : i32
      %dma_wait3A_161 = tpu.memref_slice %arg6[%dma_wait3A_159, %dma_wait3A_160] : memref<24x128xi32, #tpu.memory_space<vmem>> -> memref<1x128xi32, #tpu.memory_space<vmem>>
      %dma_wait3A_162 = tpu.memref_squeeze %dma_wait3A_161 : memref<1x128xi32, #tpu.memory_space<vmem>> -> memref<128xi32, #tpu.memory_space<vmem>>
      %dma_wait3A_163 = arith.constant 0 : i32
      %dma_wait3A_164 = arith.constant 0 : i32
      %dma_wait3A_165 = tpu.memref_slice %arg2[%dma_wait3A_163, %dma_wait3A_164] : memref<50000x16xf32, #tpu.memory_space<hbm>> -> memref<50000x16xf32, #tpu.memory_space<hbm>>
      tpu.wait_indirect_dma semaphore(%arg17 : memref<!tpu.dma_semaphore, #tpu.memory_space<semaphore_mem>>) src(%dma_wait3A_165 : memref<50000x16xf32, #tpu.memory_space<hbm>>) dst(%arg10 : memref<128x16xf32, #tpu.memory_space<vmem>>)
      %run_scoped3A_166 = arith.constant 1 : i32
      "tpu.region"() ({
        %run_scoped3A_293 = tpu.sem_alloc : memref<!tpu.dma_semaphore, #tpu.memory_space<semaphore_mem>>
        %dma_start3A_294 = arith.constant 0 : i32
        %dma_start3A_295 = tpu.memref_slice %arg7[%run_scoped3A_166, %dma_start3A_294] : memref<24x128xi32, #tpu.memory_space<vmem>> -> memref<1x128xi32, #tpu.memory_space<vmem>>
        %dma_start3A_296 = tpu.memref_squeeze %dma_start3A_295 : memref<1x128xi32, #tpu.memory_space<vmem>> -> memref<128xi32, #tpu.memory_space<vmem>>
        %dma_start3A_297 = arith.constant 0 : i32
        %dma_start3A_298 = arith.constant 0 : i32
        %dma_start3A_299 = tpu.memref_slice %arg16[%dma_start3A_297, %dma_start3A_298] : memref<50176x16xf32, #tpu.memory_space<vmem_shared>> -> memref<50176x16xf32, #tpu.memory_space<vmem_shared>>
        tpu.enqueue_indirect_dma source(%arg10 : memref<128x16xf32, #tpu.memory_space<vmem>>) target(%dma_start3A_299 : memref<50176x16xf32, #tpu.memory_space<vmem_shared>>) offsets(%dma_start3A_296 : memref<128xi32, #tpu.memory_space<vmem>>) semaphore(%run_scoped3A_293 : memref<!tpu.dma_semaphore, #tpu.memory_space<semaphore_mem>>) {add = true}
        %dma_wait3A_300 = arith.constant 0 : i32
        %dma_wait3A_301 = tpu.memref_slice %arg7[%run_scoped3A_166, %dma_wait3A_300] : memref<24x128xi32, #tpu.memory_space<vmem>> -> memref<1x128xi32, #tpu.memory_space<vmem>>
        %dma_wait3A_302 = tpu.memref_squeeze %dma_wait3A_301 : memref<1x128xi32, #tpu.memory_space<vmem>> -> memref<128xi32, #tpu.memory_space<vmem>>
        %dma_wait3A_303 = arith.constant 0 : i32
        %dma_wait3A_304 = arith.constant 0 : i32
        %dma_wait3A_305 = tpu.memref_slice %arg16[%dma_wait3A_303, %dma_wait3A_304] : memref<50176x16xf32, #tpu.memory_space<vmem_shared>> -> memref<50176x16xf32, #tpu.memory_space<vmem_shared>>
        tpu.wait_indirect_dma semaphore(%run_scoped3A_293 : memref<!tpu.dma_semaphore, #tpu.memory_space<semaphore_mem>>) src(%arg10 : memref<128x16xf32, #tpu.memory_space<vmem>>) dst(%dma_wait3A_305 : memref<50176x16xf32, #tpu.memory_space<vmem_shared>>)
        tpu.yield
      }) : () -> ()
      %get3A_167 = arith.constant 1 : i32
      %get3A_168 = arith.index_cast %get3A_167 : i32 to index
      %get3A_169 = arith.constant 0 : index
      %get3A_170 = tpu.vector_load %arg7[%get3A_168, %get3A_169] {strides = array<i32>} : memref<24x128xi32, #tpu.memory_space<vmem>>, vector<16xi32>,
      tpu.vector_store_idx %arg15[%get3A_170], %broadcast_in_dim3A_5 {add = true} : memref<50016xf32, #tpu.memory_space<vmem>>[vector<16xi32>], vector<16xf32>,
      %get3A_171 = arith.constant 1 : i32
      %get3A_172 = arith.index_cast %get3A_171 : i32 to index
      %get3A_173 = arith.constant 16 : index
      %get3A_174 = tpu.vector_load %arg7[%get3A_172, %get3A_173] {strides = array<i32>} : memref<24x128xi32, #tpu.memory_space<vmem>>, vector<16xi32>,
      tpu.vector_store_idx %arg15[%get3A_174], %broadcast_in_dim3A_5 {add = true} : memref<50016xf32, #tpu.memory_space<vmem>>[vector<16xi32>], vector<16xf32>,
      %get3A_175 = arith.constant 1 : i32
      %get3A_176 = arith.index_cast %get3A_175 : i32 to index
      %get3A_177 = arith.constant 32 : index
      %get3A_178 = tpu.vector_load %arg7[%get3A_176, %get3A_177] {strides = array<i32>} : memref<24x128xi32, #tpu.memory_space<vmem>>, vector<16xi32>,
      tpu.vector_store_idx %arg15[%get3A_178], %broadcast_in_dim3A_5 {add = true} : memref<50016xf32, #tpu.memory_space<vmem>>[vector<16xi32>], vector<16xf32>,
      %get3A_179 = arith.constant 1 : i32
      %get3A_180 = arith.index_cast %get3A_179 : i32 to index
      %get3A_181 = arith.constant 48 : index
      %get3A_182 = tpu.vector_load %arg7[%get3A_180, %get3A_181] {strides = array<i32>} : memref<24x128xi32, #tpu.memory_space<vmem>>, vector<16xi32>,
      tpu.vector_store_idx %arg15[%get3A_182], %broadcast_in_dim3A_5 {add = true} : memref<50016xf32, #tpu.memory_space<vmem>>[vector<16xi32>], vector<16xf32>,
      %get3A_183 = arith.constant 1 : i32
      %get3A_184 = arith.index_cast %get3A_183 : i32 to index
      %get3A_185 = arith.constant 64 : index
      %get3A_186 = tpu.vector_load %arg7[%get3A_184, %get3A_185] {strides = array<i32>} : memref<24x128xi32, #tpu.memory_space<vmem>>, vector<16xi32>,
      tpu.vector_store_idx %arg15[%get3A_186], %broadcast_in_dim3A_5 {add = true} : memref<50016xf32, #tpu.memory_space<vmem>>[vector<16xi32>], vector<16xf32>,
      %get3A_187 = arith.constant 1 : i32
      %get3A_188 = arith.index_cast %get3A_187 : i32 to index
      %get3A_189 = arith.constant 80 : index
      %get3A_190 = tpu.vector_load %arg7[%get3A_188, %get3A_189] {strides = array<i32>} : memref<24x128xi32, #tpu.memory_space<vmem>>, vector<16xi32>,
      tpu.vector_store_idx %arg15[%get3A_190], %broadcast_in_dim3A_5 {add = true} : memref<50016xf32, #tpu.memory_space<vmem>>[vector<16xi32>], vector<16xf32>,
      %get3A_191 = arith.constant 1 : i32
      %get3A_192 = arith.index_cast %get3A_191 : i32 to index
      %get3A_193 = arith.constant 96 : index
      %get3A_194 = tpu.vector_load %arg7[%get3A_192, %get3A_193] {strides = array<i32>} : memref<24x128xi32, #tpu.memory_space<vmem>>, vector<16xi32>,
      tpu.vector_store_idx %arg15[%get3A_194], %broadcast_in_dim3A_5 {add = true} : memref<50016xf32, #tpu.memory_space<vmem>>[vector<16xi32>], vector<16xf32>,
      %get3A_195 = arith.constant 1 : i32
      %get3A_196 = arith.index_cast %get3A_195 : i32 to index
      %get3A_197 = arith.constant 112 : index
      %get3A_198 = tpu.vector_load %arg7[%get3A_196, %get3A_197] {strides = array<i32>} : memref<24x128xi32, #tpu.memory_space<vmem>>, vector<16xi32>,
      tpu.vector_store_idx %arg15[%get3A_198], %broadcast_in_dim3A_5 {add = true} : memref<50016xf32, #tpu.memory_space<vmem>>[vector<16xi32>], vector<16xf32>,
      %dma_start3A_199 = arith.constant 2 : i32
      %dma_start3A_200 = arith.constant 0 : i32
      %dma_start3A_201 = tpu.memref_slice %arg6[%dma_start3A_199, %dma_start3A_200] : memref<24x128xi32, #tpu.memory_space<vmem>> -> memref<1x128xi32, #tpu.memory_space<vmem>>
      %dma_start3A_202 = tpu.memref_squeeze %dma_start3A_201 : memref<1x128xi32, #tpu.memory_space<vmem>> -> memref<128xi32, #tpu.memory_space<vmem>>
      %dma_start3A_203 = arith.constant 0 : i32
      %dma_start3A_204 = arith.constant 0 : i32
      %dma_start3A_205 = tpu.memref_slice %arg2[%dma_start3A_203, %dma_start3A_204] : memref<50000x16xf32, #tpu.memory_space<hbm>> -> memref<50000x16xf32, #tpu.memory_space<hbm>>
      tpu.enqueue_indirect_dma source(%dma_start3A_205 : memref<50000x16xf32, #tpu.memory_space<hbm>>) target(%arg10 : memref<128x16xf32, #tpu.memory_space<vmem>>) offsets(%dma_start3A_202 : memref<128xi32, #tpu.memory_space<vmem>>) semaphore(%arg17 : memref<!tpu.dma_semaphore, #tpu.memory_space<semaphore_mem>>)
      %dma_wait3A_206 = arith.constant 2 : i32
      %dma_wait3A_207 = arith.constant 0 : i32
      %dma_wait3A_208 = tpu.memref_slice %arg6[%dma_wait3A_206, %dma_wait3A_207] : memref<24x128xi32, #tpu.memory_space<vmem>> -> memref<1x128xi32, #tpu.memory_space<vmem>>
      %dma_wait3A_209 = tpu.memref_squeeze %dma_wait3A_208 : memref<1x128xi32, #tpu.memory_space<vmem>> -> memref<128xi32, #tpu.memory_space<vmem>>
      %dma_wait3A_210 = arith.constant 0 : i32
      %dma_wait3A_211 = arith.constant 0 : i32
      %dma_wait3A_212 = tpu.memref_slice %arg2[%dma_wait3A_210, %dma_wait3A_211] : memref<50000x16xf32, #tpu.memory_space<hbm>> -> memref<50000x16xf32, #tpu.memory_space<hbm>>
      tpu.wait_indirect_dma semaphore(%arg17 : memref<!tpu.dma_semaphore, #tpu.memory_space<semaphore_mem>>) src(%dma_wait3A_212 : memref<50000x16xf32, #tpu.memory_space<hbm>>) dst(%arg10 : memref<128x16xf32, #tpu.memory_space<vmem>>)
      %run_scoped3A_213 = arith.constant 2 : i32
      "tpu.region"() ({
        %run_scoped3A_293 = tpu.sem_alloc : memref<!tpu.dma_semaphore, #tpu.memory_space<semaphore_mem>>
        %dma_start3A_294 = arith.constant 0 : i32
        %dma_start3A_295 = tpu.memref_slice %arg7[%run_scoped3A_213, %dma_start3A_294] : memref<24x128xi32, #tpu.memory_space<vmem>> -> memref<1x128xi32, #tpu.memory_space<vmem>>
        %dma_start3A_296 = tpu.memref_squeeze %dma_start3A_295 : memref<1x128xi32, #tpu.memory_space<vmem>> -> memref<128xi32, #tpu.memory_space<vmem>>
        %dma_start3A_297 = arith.constant 0 : i32
        %dma_start3A_298 = arith.constant 0 : i32
        %dma_start3A_299 = tpu.memref_slice %arg16[%dma_start3A_297, %dma_start3A_298] : memref<50176x16xf32, #tpu.memory_space<vmem_shared>> -> memref<50176x16xf32, #tpu.memory_space<vmem_shared>>
        tpu.enqueue_indirect_dma source(%arg10 : memref<128x16xf32, #tpu.memory_space<vmem>>) target(%dma_start3A_299 : memref<50176x16xf32, #tpu.memory_space<vmem_shared>>) offsets(%dma_start3A_296 : memref<128xi32, #tpu.memory_space<vmem>>) semaphore(%run_scoped3A_293 : memref<!tpu.dma_semaphore, #tpu.memory_space<semaphore_mem>>) {add = true}
        %dma_wait3A_300 = arith.constant 0 : i32
        %dma_wait3A_301 = tpu.memref_slice %arg7[%run_scoped3A_213, %dma_wait3A_300] : memref<24x128xi32, #tpu.memory_space<vmem>> -> memref<1x128xi32, #tpu.memory_space<vmem>>
        %dma_wait3A_302 = tpu.memref_squeeze %dma_wait3A_301 : memref<1x128xi32, #tpu.memory_space<vmem>> -> memref<128xi32, #tpu.memory_space<vmem>>
        %dma_wait3A_303 = arith.constant 0 : i32
        %dma_wait3A_304 = arith.constant 0 : i32
        %dma_wait3A_305 = tpu.memref_slice %arg16[%dma_wait3A_303, %dma_wait3A_304] : memref<50176x16xf32, #tpu.memory_space<vmem_shared>> -> memref<50176x16xf32, #tpu.memory_space<vmem_shared>>
        tpu.wait_indirect_dma semaphore(%run_scoped3A_293 : memref<!tpu.dma_semaphore, #tpu.memory_space<semaphore_mem>>) src(%arg10 : memref<128x16xf32, #tpu.memory_space<vmem>>) dst(%dma_wait3A_305 : memref<50176x16xf32, #tpu.memory_space<vmem_shared>>)
        tpu.yield
      }) : () -> ()
      %get3A_214 = arith.constant 2 : i32
      %get3A_215 = arith.index_cast %get3A_214 : i32 to index
      %get3A_216 = arith.constant 0 : index
      %get3A_217 = tpu.vector_load %arg7[%get3A_215, %get3A_216] {strides = array<i32>} : memref<24x128xi32, #tpu.memory_space<vmem>>, vector<16xi32>,
      tpu.vector_store_idx %arg15[%get3A_217], %broadcast_in_dim3A_5 {add = true} : memref<50016xf32, #tpu.memory_space<vmem>>[vector<16xi32>], vector<16xf32>,
      %get3A_218 = arith.constant 2 : i32
      %get3A_219 = arith.index_cast %get3A_218 : i32 to index
      %get3A_220 = arith.constant 16 : index
      %get3A_221 = tpu.vector_load %arg7[%get3A_219, %get3A_220] {strides = array<i32>} : memref<24x128xi32, #tpu.memory_space<vmem>>, vector<16xi32>,
      tpu.vector_store_idx %arg15[%get3A_221], %broadcast_in_dim3A_5 {add = true} : memref<50016xf32, #tpu.memory_space<vmem>>[vector<16xi32>], vector<16xf32>,
      %get3A_222 = arith.constant 2 : i32
      %get3A_223 = arith.index_cast %get3A_222 : i32 to index
      %get3A_224 = arith.constant 32 : index
      %get3A_225 = tpu.vector_load %arg7[%get3A_223, %get3A_224] {strides = array<i32>} : memref<24x128xi32, #tpu.memory_space<vmem>>, vector<16xi32>,
      tpu.vector_store_idx %arg15[%get3A_225], %broadcast_in_dim3A_5 {add = true} : memref<50016xf32, #tpu.memory_space<vmem>>[vector<16xi32>], vector<16xf32>,
      %get3A_226 = arith.constant 2 : i32
      %get3A_227 = arith.index_cast %get3A_226 : i32 to index
      %get3A_228 = arith.constant 48 : index
      %get3A_229 = tpu.vector_load %arg7[%get3A_227, %get3A_228] {strides = array<i32>} : memref<24x128xi32, #tpu.memory_space<vmem>>, vector<16xi32>,
      tpu.vector_store_idx %arg15[%get3A_229], %broadcast_in_dim3A_5 {add = true} : memref<50016xf32, #tpu.memory_space<vmem>>[vector<16xi32>], vector<16xf32>,
      %get3A_230 = arith.constant 2 : i32
      %get3A_231 = arith.index_cast %get3A_230 : i32 to index
      %get3A_232 = arith.constant 64 : index
      %get3A_233 = tpu.vector_load %arg7[%get3A_231, %get3A_232] {strides = array<i32>} : memref<24x128xi32, #tpu.memory_space<vmem>>, vector<16xi32>,
      tpu.vector_store_idx %arg15[%get3A_233], %broadcast_in_dim3A_5 {add = true} : memref<50016xf32, #tpu.memory_space<vmem>>[vector<16xi32>], vector<16xf32>,
      %get3A_234 = arith.constant 2 : i32
      %get3A_235 = arith.index_cast %get3A_234 : i32 to index
      %get3A_236 = arith.constant 80 : index
      %get3A_237 = tpu.vector_load %arg7[%get3A_235, %get3A_236] {strides = array<i32>} : memref<24x128xi32, #tpu.memory_space<vmem>>, vector<16xi32>,
      tpu.vector_store_idx %arg15[%get3A_237], %broadcast_in_dim3A_5 {add = true} : memref<50016xf32, #tpu.memory_space<vmem>>[vector<16xi32>], vector<16xf32>,
      %get3A_238 = arith.constant 2 : i32
      %get3A_239 = arith.index_cast %get3A_238 : i32 to index
      %get3A_240 = arith.constant 96 : index
      %get3A_241 = tpu.vector_load %arg7[%get3A_239, %get3A_240] {strides = array<i32>} : memref<24x128xi32, #tpu.memory_space<vmem>>, vector<16xi32>,
      tpu.vector_store_idx %arg15[%get3A_241], %broadcast_in_dim3A_5 {add = true} : memref<50016xf32, #tpu.memory_space<vmem>>[vector<16xi32>], vector<16xf32>,
      %get3A_242 = arith.constant 2 : i32
      %get3A_243 = arith.index_cast %get3A_242 : i32 to index
      %get3A_244 = arith.constant 112 : index
      %get3A_245 = tpu.vector_load %arg7[%get3A_243, %get3A_244] {strides = array<i32>} : memref<24x128xi32, #tpu.memory_space<vmem>>, vector<16xi32>,
      tpu.vector_store_idx %arg15[%get3A_245], %broadcast_in_dim3A_5 {add = true} : memref<50016xf32, #tpu.memory_space<vmem>>[vector<16xi32>], vector<16xf32>,
      %dma_start3A_246 = arith.constant 3 : i32
      %dma_start3A_247 = arith.constant 0 : i32
      %dma_start3A_248 = tpu.memref_slice %arg6[%dma_start3A_246, %dma_start3A_247] : memref<24x128xi32, #tpu.memory_space<vmem>> -> memref<1x128xi32, #tpu.memory_space<vmem>>
      %dma_start3A_249 = tpu.memref_squeeze %dma_start3A_248 : memref<1x128xi32, #tpu.memory_space<vmem>> -> memref<128xi32, #tpu.memory_space<vmem>>
      %dma_start3A_250 = arith.constant 0 : i32
      %dma_start3A_251 = arith.constant 0 : i32
      %dma_start3A_252 = tpu.memref_slice %arg2[%dma_start3A_250, %dma_start3A_251] : memref<50000x16xf32, #tpu.memory_space<hbm>> -> memref<50000x16xf32, #tpu.memory_space<hbm>>
      tpu.enqueue_indirect_dma source(%dma_start3A_252 : memref<50000x16xf32, #tpu.memory_space<hbm>>) target(%arg10 : memref<128x16xf32, #tpu.memory_space<vmem>>) offsets(%dma_start3A_249 : memref<128xi32, #tpu.memory_space<vmem>>) semaphore(%arg17 : memref<!tpu.dma_semaphore, #tpu.memory_space<semaphore_mem>>)
      %dma_wait3A_253 = arith.constant 3 : i32
      %dma_wait3A_254 = arith.constant 0 : i32
      %dma_wait3A_255 = tpu.memref_slice %arg6[%dma_wait3A_253, %dma_wait3A_254] : memref<24x128xi32, #tpu.memory_space<vmem>> -> memref<1x128xi32, #tpu.memory_space<vmem>>
      %dma_wait3A_256 = tpu.memref_squeeze %dma_wait3A_255 : memref<1x128xi32, #tpu.memory_space<vmem>> -> memref<128xi32, #tpu.memory_space<vmem>>
      %dma_wait3A_257 = arith.constant 0 : i32
      %dma_wait3A_258 = arith.constant 0 : i32
      %dma_wait3A_259 = tpu.memref_slice %arg2[%dma_wait3A_257, %dma_wait3A_258] : memref<50000x16xf32, #tpu.memory_space<hbm>> -> memref<50000x16xf32, #tpu.memory_space<hbm>>
      tpu.wait_indirect_dma semaphore(%arg17 : memref<!tpu.dma_semaphore, #tpu.memory_space<semaphore_mem>>) src(%dma_wait3A_259 : memref<50000x16xf32, #tpu.memory_space<hbm>>) dst(%arg10 : memref<128x16xf32, #tpu.memory_space<vmem>>)
      %run_scoped3A_260 = arith.constant 3 : i32
      "tpu.region"() ({
        %run_scoped3A_293 = tpu.sem_alloc : memref<!tpu.dma_semaphore, #tpu.memory_space<semaphore_mem>>
        %dma_start3A_294 = arith.constant 0 : i32
        %dma_start3A_295 = tpu.memref_slice %arg7[%run_scoped3A_260, %dma_start3A_294] : memref<24x128xi32, #tpu.memory_space<vmem>> -> memref<1x128xi32, #tpu.memory_space<vmem>>
        %dma_start3A_296 = tpu.memref_squeeze %dma_start3A_295 : memref<1x128xi32, #tpu.memory_space<vmem>> -> memref<128xi32, #tpu.memory_space<vmem>>
        %dma_start3A_297 = arith.constant 0 : i32
        %dma_start3A_298 = arith.constant 0 : i32
        %dma_start3A_299 = tpu.memref_slice %arg16[%dma_start3A_297, %dma_start3A_298] : memref<50176x16xf32, #tpu.memory_space<vmem_shared>> -> memref<50176x16xf32, #tpu.memory_space<vmem_shared>>
        tpu.enqueue_indirect_dma source(%arg10 : memref<128x16xf32, #tpu.memory_space<vmem>>) target(%dma_start3A_299 : memref<50176x16xf32, #tpu.memory_space<vmem_shared>>) offsets(%dma_start3A_296 : memref<128xi32, #tpu.memory_space<vmem>>) semaphore(%run_scoped3A_293 : memref<!tpu.dma_semaphore, #tpu.memory_space<semaphore_mem>>) {add = true}
        %dma_wait3A_300 = arith.constant 0 : i32
        %dma_wait3A_301 = tpu.memref_slice %arg7[%run_scoped3A_260, %dma_wait3A_300] : memref<24x128xi32, #tpu.memory_space<vmem>> -> memref<1x128xi32, #tpu.memory_space<vmem>>
        %dma_wait3A_302 = tpu.memref_squeeze %dma_wait3A_301 : memref<1x128xi32, #tpu.memory_space<vmem>> -> memref<128xi32, #tpu.memory_space<vmem>>
        %dma_wait3A_303 = arith.constant 0 : i32
        %dma_wait3A_304 = arith.constant 0 : i32
        %dma_wait3A_305 = tpu.memref_slice %arg16[%dma_wait3A_303, %dma_wait3A_304] : memref<50176x16xf32, #tpu.memory_space<vmem_shared>> -> memref<50176x16xf32, #tpu.memory_space<vmem_shared>>
        tpu.wait_indirect_dma semaphore(%run_scoped3A_293 : memref<!tpu.dma_semaphore, #tpu.memory_space<semaphore_mem>>) src(%arg10 : memref<128x16xf32, #tpu.memory_space<vmem>>) dst(%dma_wait3A_305 : memref<50176x16xf32, #tpu.memory_space<vmem_shared>>)
        tpu.yield
      }) : () -> ()
      %get3A_261 = arith.constant 3 : i32
      %get3A_262 = arith.index_cast %get3A_261 : i32 to index
      %get3A_263 = arith.constant 0 : index
      %get3A_264 = tpu.vector_load %arg7[%get3A_262, %get3A_263] {strides = array<i32>} : memref<24x128xi32, #tpu.memory_space<vmem>>, vector<16xi32>,
      tpu.vector_store_idx %arg15[%get3A_264], %broadcast_in_dim3A_5 {add = true} : memref<50016xf32, #tpu.memory_space<vmem>>[vector<16xi32>], vector<16xf32>,
      %get3A_265 = arith.constant 3 : i32
      %get3A_266 = arith.index_cast %get3A_265 : i32 to index
      %get3A_267 = arith.constant 16 : index
      %get3A_268 = tpu.vector_load %arg7[%get3A_266, %get3A_267] {strides = array<i32>} : memref<24x128xi32, #tpu.memory_space<vmem>>, vector<16xi32>,
      tpu.vector_store_idx %arg15[%get3A_268], %broadcast_in_dim3A_5 {add = true} : memref<50016xf32, #tpu.memory_space<vmem>>[vector<16xi32>], vector<16xf32>,
      %get3A_269 = arith.constant 3 : i32
      %get3A_270 = arith.index_cast %get3A_269 : i32 to index
      %get3A_271 = arith.constant 32 : index
      %get3A_272 = tpu.vector_load %arg7[%get3A_270, %get3A_271] {strides = array<i32>} : memref<24x128xi32, #tpu.memory_space<vmem>>, vector<16xi32>,
      tpu.vector_store_idx %arg15[%get3A_272], %broadcast_in_dim3A_5 {add = true} : memref<50016xf32, #tpu.memory_space<vmem>>[vector<16xi32>], vector<16xf32>,
      %get3A_273 = arith.constant 3 : i32
      %get3A_274 = arith.index_cast %get3A_273 : i32 to index
      %get3A_275 = arith.constant 48 : index
      %get3A_276 = tpu.vector_load %arg7[%get3A_274, %get3A_275] {strides = array<i32>} : memref<24x128xi32, #tpu.memory_space<vmem>>, vector<16xi32>,
      tpu.vector_store_idx %arg15[%get3A_276], %broadcast_in_dim3A_5 {add = true} : memref<50016xf32, #tpu.memory_space<vmem>>[vector<16xi32>], vector<16xf32>,
      %get3A_277 = arith.constant 3 : i32
      %get3A_278 = arith.index_cast %get3A_277 : i32 to index
      %get3A_279 = arith.constant 64 : index
      %get3A_280 = tpu.vector_load %arg7[%get3A_278, %get3A_279] {strides = array<i32>} : memref<24x128xi32, #tpu.memory_space<vmem>>, vector<16xi32>,
      tpu.vector_store_idx %arg15[%get3A_280], %broadcast_in_dim3A_5 {add = true} : memref<50016xf32, #tpu.memory_space<vmem>>[vector<16xi32>], vector<16xf32>,
      %get3A_281 = arith.constant 3 : i32
      %get3A_282 = arith.index_cast %get3A_281 : i32 to index
      %get3A_283 = arith.constant 80 : index
      %get3A_284 = tpu.vector_load %arg7[%get3A_282, %get3A_283] {strides = array<i32>} : memref<24x128xi32, #tpu.memory_space<vmem>>, vector<16xi32>,
      tpu.vector_store_idx %arg15[%get3A_284], %broadcast_in_dim3A_5 {add = true} : memref<50016xf32, #tpu.memory_space<vmem>>[vector<16xi32>], vector<16xf32>,
      %get3A_285 = arith.constant 3 : i32
      %get3A_286 = arith.index_cast %get3A_285 : i32 to index
      %get3A_287 = arith.constant 96 : index
      %get3A_288 = tpu.vector_load %arg7[%get3A_286, %get3A_287] {strides = array<i32>} : memref<24x128xi32, #tpu.memory_space<vmem>>, vector<16xi32>,
      tpu.vector_store_idx %arg15[%get3A_288], %broadcast_in_dim3A_5 {add = true} : memref<50016xf32, #tpu.memory_space<vmem>>[vector<16xi32>], vector<16xf32>,
      %get3A_289 = arith.constant 3 : i32
      %get3A_290 = arith.index_cast %get3A_289 : i32 to index
      %get3A_291 = arith.constant 112 : index
      %get3A_292 = tpu.vector_load %arg7[%get3A_290, %get3A_291] {strides = array<i32>} : memref<24x128xi32, #tpu.memory_space<vmem>>, vector<16xi32>,
      tpu.vector_store_idx %arg15[%get3A_292], %broadcast_in_dim3A_5 {add = true} : memref<50016xf32, #tpu.memory_space<vmem>>[vector<16xi32>], vector<16xf32>,
    } else {
    }
    %barrier3A_93 = arith.constant 0 : index
    tpu.barrier barrier_id(%barrier3A_93)
    %lt3A_94 = arith.constant 15 : i32
    %lt3A_95 = arith.cmpi slt, %arg1, %lt3A_94 : i32
    %convert_element_type3A_96 = arith.extui %lt3A_95 : i1 to i32
    %cond3A_97 = arith.constant 0 : i32
    %cond3A_98 = arith.cmpi ne, %convert_element_type3A_96, %cond3A_97 : i32
    scf.if %cond3A_98 {
      "tpu.region"() ({
        %run_scoped3A_104 = tpu.sem_alloc : memref<!tpu.dma_semaphore, #tpu.memory_space<semaphore_mem>>
        %dma_start3A_105 = arith.constant 0 : i32
        %dma_start3A_106 = tpu.memref_slice %arg4[%arg0, %mul3A_2, %dma_start3A_105] : memref<2x50000x16xf32, #tpu.memory_space<hbm>> -> memref<1x3136x16xf32, #tpu.memory_space<hbm>>
        %dma_start3A_107 = tpu.memref_squeeze %dma_start3A_106 : memref<1x3136x16xf32, #tpu.memory_space<hbm>> -> memref<3136x16xf32, #tpu.memory_space<hbm>>
        %dma_start3A_108 = arith.constant 0 : i32
        %dma_start3A_109 = tpu.memref_slice %arg16[%mul3A_2, %dma_start3A_108] : memref<50176x16xf32, #tpu.memory_space<vmem_shared>> -> memref<3136x16xf32, #tpu.memory_space<vmem_shared>>
        tpu.enqueue_dma source(%dma_start3A_109 : memref<3136x16xf32, #tpu.memory_space<vmem_shared>>) target(%dma_start3A_107 : memref<3136x16xf32, #tpu.memory_space<hbm>>) target_semaphore(%run_scoped3A_104 : memref<!tpu.dma_semaphore, #tpu.memory_space<semaphore_mem>>)
        %dma_wait3A_110 = arith.constant 0 : i32
        %dma_wait3A_111 = tpu.memref_slice %arg4[%arg0, %mul3A_2, %dma_wait3A_110] : memref<2x50000x16xf32, #tpu.memory_space<hbm>> -> memref<1x3136x16xf32, #tpu.memory_space<hbm>>
        %dma_wait3A_112 = tpu.memref_squeeze %dma_wait3A_111 : memref<1x3136x16xf32, #tpu.memory_space<hbm>> -> memref<3136x16xf32, #tpu.memory_space<hbm>>
        %dma_wait3A_113 = arith.constant 0 : i32
        %dma_wait3A_114 = tpu.memref_slice %arg16[%mul3A_2, %dma_wait3A_113] : memref<50176x16xf32, #tpu.memory_space<vmem_shared>> -> memref<3136x16xf32, #tpu.memory_space<vmem_shared>>
        tpu.wait_dma2 semaphore(%run_scoped3A_104 : memref<!tpu.dma_semaphore, #tpu.memory_space<semaphore_mem>>) src(%dma_wait3A_114 : memref<3136x16xf32, #tpu.memory_space<vmem_shared>>) dst(%dma_wait3A_112 : memref<3136x16xf32, #tpu.memory_space<hbm>>)
        tpu.yield
      }) : () -> ()
    } else {
    }
    %eq3A_99 = arith.constant 15 : i32
    %eq3A_100 = arith.cmpi eq, %arg1, %eq3A_99 : i32
    %convert_element_type3A_101 = arith.extui %eq3A_100 : i1 to i32
    %cond3A_102 = arith.constant 0 : i32
    %cond3A_103 = arith.cmpi ne, %convert_element_type3A_101, %cond3A_102 : i32
    scf.if %cond3A_103 {
      "tpu.region"() ({
        %run_scoped3A_104 = tpu.sem_alloc : memref<!tpu.dma_semaphore, #tpu.memory_space<semaphore_mem>>
        %dma_start3A_105 = arith.constant 0 : i32
        %dma_start3A_106 = tpu.memref_slice %arg4[%arg0, %mul3A_2, %dma_start3A_105] : memref<2x50000x16xf32, #tpu.memory_space<hbm>> -> memref<1x2960x16xf32, #tpu.memory_space<hbm>>
        %dma_start3A_107 = tpu.memref_squeeze %dma_start3A_106 : memref<1x2960x16xf32, #tpu.memory_space<hbm>> -> memref<2960x16xf32, #tpu.memory_space<hbm>>
        %dma_start3A_108 = arith.constant 0 : i32
        %dma_start3A_109 = tpu.memref_slice %arg16[%mul3A_2, %dma_start3A_108] : memref<50176x16xf32, #tpu.memory_space<vmem_shared>> -> memref<2960x16xf32, #tpu.memory_space<vmem_shared>>
        tpu.enqueue_dma source(%dma_start3A_109 : memref<2960x16xf32, #tpu.memory_space<vmem_shared>>) target(%dma_start3A_107 : memref<2960x16xf32, #tpu.memory_space<hbm>>) target_semaphore(%run_scoped3A_104 : memref<!tpu.dma_semaphore, #tpu.memory_space<semaphore_mem>>)
        %dma_wait3A_110 = arith.constant 0 : i32
        %dma_wait3A_111 = tpu.memref_slice %arg4[%arg0, %mul3A_2, %dma_wait3A_110] : memref<2x50000x16xf32, #tpu.memory_space<hbm>> -> memref<1x2960x16xf32, #tpu.memory_space<hbm>>
        %dma_wait3A_112 = tpu.memref_squeeze %dma_wait3A_111 : memref<1x2960x16xf32, #tpu.memory_space<hbm>> -> memref<2960x16xf32, #tpu.memory_space<hbm>>
        %dma_wait3A_113 = arith.constant 0 : i32
        %dma_wait3A_114 = tpu.memref_slice %arg16[%mul3A_2, %dma_wait3A_113] : memref<50176x16xf32, #tpu.memory_space<vmem_shared>> -> memref<2960x16xf32, #tpu.memory_space<vmem_shared>>
        tpu.wait_dma2 semaphore(%run_scoped3A_104 : memref<!tpu.dma_semaphore, #tpu.memory_space<semaphore_mem>>) src(%dma_wait3A_114 : memref<2960x16xf32, #tpu.memory_space<vmem_shared>>) dst(%dma_wait3A_112 : memref<2960x16xf32, #tpu.memory_space<hbm>>)
        tpu.yield
      }) : () -> ()
    } else {
    }
    %run_scoped3A = arith.constant 0 : i32
    "tpu.region"() ({
      %run_scoped3A_104 = tpu.sem_alloc : memref<!tpu.dma_semaphore, #tpu.memory_space<semaphore_mem>>
      %dma_start3A_105 = arith.constant 0 : i32
      %dma_start3A_106 = tpu.memref_slice %arg15[%dma_start3A_105] : memref<50016xf32, #tpu.memory_space<vmem>> -> memref<50000xf32, #tpu.memory_space<vmem>>
      %dma_start3A_107 = arith.constant 0 : i32
      %dma_start3A_108 = tpu.memref_slice %arg5[%add3A, %run_scoped3A, %dma_start3A_107] : memref<32x1x50000xf32, #tpu.memory_space<hbm>> -> memref<1x1x50000xf32, #tpu.memory_space<hbm>>
      %dma_start3A_109 = tpu.memref_squeeze %dma_start3A_108 : memref<1x1x50000xf32, #tpu.memory_space<hbm>> -> memref<50000xf32, #tpu.memory_space<hbm>>
      %dma_start3A_110 = arith.constant 0 : i32
      %dma_start3A_111 = tpu.memref_slice %arg5[%add3A, %run_scoped3A, %dma_start3A_110] : memref<32x1x50000xf32, #tpu.memory_space<hbm>> -> memref<1x1x50000xf32, #tpu.memory_space<hbm>>
      %dma_start3A_112 = tpu.memref_squeeze %dma_start3A_111 : memref<1x1x50000xf32, #tpu.memory_space<hbm>> -> memref<50000xf32, #tpu.memory_space<hbm>>
      %dma_start3A_113 = arith.constant 0 : i32
      %dma_start3A_114 = tpu.memref_slice %arg15[%dma_start3A_113] : memref<50016xf32, #tpu.memory_space<vmem>> -> memref<50000xf32, #tpu.memory_space<vmem>>
      tpu.enqueue_dma source(%dma_start3A_114 : memref<50000xf32, #tpu.memory_space<vmem>>) target(%dma_start3A_112 : memref<50000xf32, #tpu.memory_space<hbm>>) target_semaphore(%run_scoped3A_104 : memref<!tpu.dma_semaphore, #tpu.memory_space<semaphore_mem>>)
      %dma_wait3A_115 = arith.constant 0 : i32
      %dma_wait3A_116 = tpu.memref_slice %arg15[%dma_wait3A_115] : memref<50016xf32, #tpu.memory_space<vmem>> -> memref<50000xf32, #tpu.memory_space<vmem>>
      %dma_wait3A_117 = arith.constant 0 : i32
      %dma_wait3A_118 = tpu.memref_slice %arg5[%add3A, %run_scoped3A, %dma_wait3A_117] : memref<32x1x50000xf32, #tpu.memory_space<hbm>> -> memref<1x1x50000xf32, #tpu.memory_space<hbm>>
      %dma_wait3A_119 = tpu.memref_squeeze %dma_wait3A_118 : memref<1x1x50000xf32, #tpu.memory_space<hbm>> -> memref<50000xf32, #tpu.memory_space<hbm>>
      %dma_wait3A_120 = arith.constant 0 : i32
      %dma_wait3A_121 = tpu.memref_slice %arg5[%add3A, %run_scoped3A, %dma_wait3A_120] : memref<32x1x50000xf32, #tpu.memory_space<hbm>> -> memref<1x1x50000xf32, #tpu.memory_space<hbm>>
      %dma_wait3A_122 = tpu.memref_squeeze %dma_wait3A_121 : memref<1x1x50000xf32, #tpu.memory_space<hbm>> -> memref<50000xf32, #tpu.memory_space<hbm>>
      %dma_wait3A_123 = arith.constant 0 : i32
      %dma_wait3A_124 = tpu.memref_slice %arg15[%dma_wait3A_123] : memref<50016xf32, #tpu.memory_space<vmem>> -> memref<50000xf32, #tpu.memory_space<vmem>>
      tpu.wait_dma2 semaphore(%run_scoped3A_104 : memref<!tpu.dma_semaphore, #tpu.memory_space<semaphore_mem>>) src(%dma_wait3A_124 : memref<50000xf32, #tpu.memory_space<vmem>>) dst(%dma_wait3A_122 : memref<50000xf32, #tpu.memory_space<hbm>>)
      tpu.yield
    }) : () -> ()
    return
  }
}

module attributes {stable_mosaic.version = 14 : i64} {
  func.func @body(%arg0: memref<2x6250x128xf32, #tpu.memory_space<vmem>>, %arg1: memref<6250x128xf32, #tpu.memory_space<vmem>>, %arg2: memref<6250x128xf32, #tpu.memory_space<vmem>>, %arg3: memref<128x128xf32, #tpu.memory_space<vmem>>, %arg4: memref<1x128xf32, #tpu.memory_space<vmem>>, %arg5: memref<128x128xf32, #tpu.memory_space<vmem>>, %arg6: memref<128x8xf32, #tpu.memory_space<vmem>>, %arg7: memref<128x8xf32, #tpu.memory_space<vmem>>, %arg8: memref<1x8xf32, #tpu.memory_space<vmem>>, %arg9: memref<6250x8xf32, #tpu.memory_space<vmem>>, %arg10: memref<6250x8xf32, #tpu.memory_space<vmem>>) attributes {dimension_semantics = [], scalar_prefetch = 0 : i64, scratch_operands = 0 : i64, tpu.core_type = #tpu.core_type<tc>} {
    %get3A = arith.constant 0 : index
    %get3A_0 = arith.constant 0 : index
    %get3A_1 = arith.constant 0 : index
    %get3A_2 = vector.load %arg0[%get3A, %get3A_0, %get3A_1] : memref<2x6250x128xf32, #tpu.memory_space<vmem>>, vector<1x6250x128xf32>
    %get3A_3 = vector.shape_cast %get3A_2 : vector<1x6250x128xf32> to vector<6250x128xf32>
    %get3A_4 = arith.constant 1 : index
    %get3A_5 = arith.constant 0 : index
    %get3A_6 = arith.constant 0 : index
    %get3A_7 = vector.load %arg0[%get3A_4, %get3A_5, %get3A_6] : memref<2x6250x128xf32, #tpu.memory_space<vmem>>, vector<1x6250x128xf32>
    %get3A_8 = vector.shape_cast %get3A_7 : vector<1x6250x128xf32> to vector<6250x128xf32>
    %add3A = arith.addf %get3A_3, %get3A_8 : vector<6250x128xf32>
    %get3A_9 = arith.constant 0 : index
    %get3A_10 = arith.constant 0 : index
    %get3A_11 = vector.load %arg1[%get3A_9, %get3A_10] : memref<6250x128xf32, #tpu.memory_space<vmem>>, vector<6250x128xf32>
    %div3A = arith.divf %add3A, %get3A_11 : vector<6250x128xf32>
    %get3A_12 = arith.constant 0 : index
    %get3A_13 = arith.constant 0 : index
    %get3A_14 = vector.load %arg3[%get3A_12, %get3A_13] : memref<128x128xf32, #tpu.memory_space<vmem>>, vector<128x128xf32>
    %dot_general3A = arith.constant dense<0.000000e+00> : vector<6250x128xf32>
    %dot_general3A_15 = tpu.matmul %div3A, %get3A_14, %dot_general3A {dimension_numbers = #tpu.dot_dimension_numbers<[1], [0], [0], [1], [0, 0, 1, 1], [], []>, transpose_lhs_hint = false} : vector<6250x128xf32>, vector<128x128xf32>, vector<6250x128xf32> -> vector<6250x128xf32>
    %get3A_16 = arith.constant 0 : index
    %get3A_17 = arith.constant 0 : index
    %get3A_18 = vector.load %arg4[%get3A_16, %get3A_17] : memref<1x128xf32, #tpu.memory_space<vmem>>, vector<1x128xf32>
    %add3A_19 = vector.broadcast %get3A_18 : vector<1x128xf32> to vector<6250x128xf32>
    %add3A_20 = arith.addf %dot_general3A_15, %add3A_19 : vector<6250x128xf32>
    %get3A_21 = arith.constant 0 : index
    %get3A_22 = arith.constant 0 : index
    %get3A_23 = vector.load %arg2[%get3A_21, %get3A_22] : memref<6250x128xf32, #tpu.memory_space<vmem>>, vector<6250x128xf32>
    %get3A_24 = arith.constant 0 : index
    %get3A_25 = arith.constant 0 : index
    %get3A_26 = vector.load %arg5[%get3A_24, %get3A_25] : memref<128x128xf32, #tpu.memory_space<vmem>>, vector<128x128xf32>
    %dot_general3A_27 = arith.constant dense<0.000000e+00> : vector<6250x128xf32>
    %dot_general3A_28 = tpu.matmul %get3A_23, %get3A_26, %dot_general3A_27 {dimension_numbers = #tpu.dot_dimension_numbers<[1], [0], [0], [1], [0, 0, 1, 1], [], []>, transpose_lhs_hint = false} : vector<6250x128xf32>, vector<128x128xf32>, vector<6250x128xf32> -> vector<6250x128xf32>
    %add3A_29 = arith.addf %add3A_20, %dot_general3A_28 : vector<6250x128xf32>
    %max3A = arith.constant 0.000000e+00 : f32
    %max3A_30 = vector.broadcast %max3A : f32 to vector<6250x128xf32>
    %max3A_31 = arith.maximumf %add3A_29, %max3A_30 : vector<6250x128xf32>
    %get3A_32 = arith.constant 0 : index
    %get3A_33 = arith.constant 0 : index
    %get3A_34 = vector.load %arg6[%get3A_32, %get3A_33] : memref<128x8xf32, #tpu.memory_space<vmem>>, vector<128x8xf32>
    %dot_general3A_35 = arith.constant dense<0.000000e+00> : vector<6250x8xf32>
    %dot_general3A_36 = tpu.matmul %max3A_31, %get3A_34, %dot_general3A_35 {dimension_numbers = #tpu.dot_dimension_numbers<[1], [0], [0], [1], [0, 0, 1, 1], [], []>, transpose_lhs_hint = false} : vector<6250x128xf32>, vector<128x8xf32>, vector<6250x8xf32> -> vector<6250x8xf32>
    %swap3A = arith.constant 0 : index
    %swap3A_37 = arith.constant 0 : index
    %swap3A_38 = vector.load %arg9[%swap3A, %swap3A_37] : memref<6250x8xf32, #tpu.memory_space<vmem>>, vector<6250x8xf32>
    tpu.vector_store %arg9[%swap3A, %swap3A_37], %dot_general3A_36 {strides = array<i32>} : memref<6250x8xf32, #tpu.memory_space<vmem>>, vector<6250x8xf32>,
    %get3A_39 = arith.constant 0 : index
    %get3A_40 = arith.constant 0 : index
    %get3A_41 = vector.load %arg7[%get3A_39, %get3A_40] : memref<128x8xf32, #tpu.memory_space<vmem>>, vector<128x8xf32>
    %dot_general3A_42 = arith.constant dense<0.000000e+00> : vector<6250x8xf32>
    %dot_general3A_43 = tpu.matmul %max3A_31, %get3A_41, %dot_general3A_42 {dimension_numbers = #tpu.dot_dimension_numbers<[1], [0], [0], [1], [0, 0, 1, 1], [], []>, transpose_lhs_hint = false} : vector<6250x128xf32>, vector<128x8xf32>, vector<6250x8xf32> -> vector<6250x8xf32>
    %get3A_44 = arith.constant 0 : index
    %get3A_45 = arith.constant 0 : index
    %get3A_46 = vector.load %arg8[%get3A_44, %get3A_45] : memref<1x8xf32, #tpu.memory_space<vmem>>, vector<1x8xf32>
    %add3A_47 = vector.broadcast %get3A_46 : vector<1x8xf32> to vector<6250x8xf32>
    %add3A_48 = arith.addf %dot_general3A_43, %add3A_47 : vector<6250x8xf32>
    %swap3A_49 = arith.constant 0 : index
    %swap3A_50 = arith.constant 0 : index
    %swap3A_51 = vector.load %arg10[%swap3A_49, %swap3A_50] : memref<6250x8xf32, #tpu.memory_space<vmem>>, vector<6250x8xf32>
    tpu.vector_store %arg10[%swap3A_49, %swap3A_50], %add3A_48 {strides = array<i32>} : memref<6250x8xf32, #tpu.memory_space<vmem>>, vector<6250x8xf32>,
    return
  }
}

module attributes {stable_mosaic.version = 14 : i64} {
  func.func @body(%arg0: memref<32x50000xf32, #tpu.memory_space<vmem>>, %arg1: memref<32x1x50000xf32, #tpu.memory_space<vmem>>, %arg2: memref<1x50000xf32, #tpu.memory_space<vmem>>, %arg3: memref<1x50000xf32, #tpu.memory_space<vmem>>) attributes {dimension_semantics = [], scalar_prefetch = 0 : i64, scratch_operands = 0 : i64, tpu.core_type = #tpu.core_type<tc>} {
    %get3A = arith.constant 0 : index
    %get3A_0 = arith.constant 0 : index
    %get3A_1 = vector.load %arg0[%get3A, %get3A_0] : memref<32x50000xf32, #tpu.memory_space<vmem>>, vector<32x50000xf32>
    %reduce_sum3A = arith.constant dense<0.000000e+00> : vector<50000xf32>
    %reduce_sum3A_2 = vector.multi_reduction <add>, %get3A_1, %reduce_sum3A [0] : vector<32x50000xf32> to vector<50000xf32>
    %broadcast_in_dim3A = vector.shape_cast %reduce_sum3A_2 : vector<50000xf32> to vector<1x50000xf32>
    %get3A_3 = arith.constant 0 : index
    %get3A_4 = arith.constant 0 : index
    %get3A_5 = arith.constant 0 : index
    %get3A_6 = vector.load %arg1[%get3A_3, %get3A_4, %get3A_5] : memref<32x1x50000xf32, #tpu.memory_space<vmem>>, vector<32x1x50000xf32>
    %reduce_sum3A_7 = arith.constant dense<0.000000e+00> : vector<1x50000xf32>
    %reduce_sum3A_8 = vector.multi_reduction <add>, %get3A_6, %reduce_sum3A_7 [0] : vector<32x1x50000xf32> to vector<1x50000xf32>
    %max3A = arith.constant 1.000000e+00 : f32
    %max3A_9 = vector.broadcast %max3A : f32 to vector<1x50000xf32>
    %max3A_10 = arith.maximumf %reduce_sum3A_8, %max3A_9 : vector<1x50000xf32>
    %div3A = arith.divf %broadcast_in_dim3A, %max3A_10 : vector<1x50000xf32>
    %get3A_11 = arith.constant 0 : index
    %get3A_12 = arith.constant 0 : index
    %get3A_13 = vector.load %arg2[%get3A_11, %get3A_12] : memref<1x50000xf32, #tpu.memory_space<vmem>>, vector<1x50000xf32>
    %add3A = arith.addf %div3A, %get3A_13 : vector<1x50000xf32>
    %swap3A = arith.constant 0 : index
    %swap3A_14 = arith.constant 0 : index
    %swap3A_15 = vector.load %arg3[%swap3A, %swap3A_14] : memref<1x50000xf32, #tpu.memory_space<vmem>>, vector<1x50000xf32>
    tpu.vector_store %arg3[%swap3A, %swap3A_14], %add3A {strides = array<i32>} : memref<1x50000xf32, #tpu.memory_space<vmem>>, vector<1x50000xf32>,
    return
  }
}

</mosaic_0001>

<sc_bundles>
// kernel: kernel.6.cloned.1.call-start
scs
__scs_entry_jumppad:
0x0: {  	(pc) =	sbr.rel $0x88, $3  }
0x1: {  	(tag) =	ssettag $0x0;
	lr =	simm.s32 $0x1  }
0x2: {  	[smem:$0x3F98] =	sst lr;
	_ =	strace $0xD0000000  }
0x3: {  	_ = 	snop  }
0x4: {  	_ = 	snop  }
0x5: {  	_ = 	snop  }
0x6: {  	_ = 	snop  }
0x7: {  	_ = 	snop  }
__scs_overlays_trampoline_lowered:
0x8: {  	[smem:$0x3FA7] =	sst s0  }
0x9: {  	[smem:$0x3FA8] =	sst s1  }
0xa: {  	[smem:$0x3FA9] =	sst s2  }
0xb: {  	[smem:$0x3FAA] =	sst s3  }
0xc: {  	[smem:$0x3FAB] =	sst s4  }
0xd: {  	[smem:$0x3FAC] =	sst s5  }
0xe: {  	[smem:$0x3FAD] =	sst s6  }
0xf: {  	[smem:$0x3FAE] =	sst s7  }
0x10: {  	[smem:$0x3FAF] =	sst s8  }
0x11: {  	[smem:$0x3FB0] =	sst s9;
	s0 =	simm.s32 @!p0 $0x0  }
0x12: {  	s1 =	sld [smem:$0x3F96];
	s0 =	simm.s32 @p0 $0x1  }
0x13: {  	[smem:$0x3FB1] =	sst s0;
	s0 =	simm.s32 @!p1 $0x0  }
0x14: {  	s2 =	sld [smem:$0x3F95];
	s0 =	simm.s32 @p1 $0x1  }
0x15: {  	[smem:$0x3FB2] =	sst s0;
	s0 =	simm.s32 @!p2 $0x0  }
0x16: {  	s3 =	sld [smem:$0x3FDB];
	s0 =	simm.s32 @p2 $0x1  }
0x17: {  	s4 =	simm.s32 $0x1BF5;
	[smem:$0x3FB4] =	sst s0  }
0x18: {  	s0 =	sld [smem:$0x3F97];
	_ =	swait.ge [sflag:s4], $0x0  }
0x19: {  	s7 =	sld [smem:$0x3F98]  }
0x1a: {  	s8 =	sadd.s32 $0xFFFFE003, lr  }
0x1b: {  	s9 =	sadd.s32 $0xFFFFFEF7, lr;
	s5 =	simm.s32 $0xFFFFFFFF;
	p2 =	slt.u32 s8, $0xFFFFF086  }
0x1c: {  	p1 =	slt.u32 s9, $0xF7A;
	s5 =	simm.s32 @!p2 $0x0  }
0x1d: {  	s5 =	simm.s32 @p1 $0x1;
	p0 =	seq.s32 s7, s2  }
0x1e: {  	s7 =	smul.u32 @!p0 $0xF7A, s2;
	p2 =	seq.s32 @!p0 s5, $0x0  }
0x1f: {  	s9 =	smul.u32 $0xF7A, s1;
	s8 =	simm.s32 @!p0 $0x1BF5;
	p2 =	por !p2, p0  }
0x20: {  	[sflag:s8] =	ssyncset.s32 @!p0 $0xFFFFF086;
	s6 =	sadd.s32 @!p0 s3, s7;
	s7 =	simm.s32 @!p0 $0x108  }
0x21: {  	s3 =	sadd.s32 s3, s9;
	s6 =	sadd.s32 @!p0 $0x88, s6;
	s7 =	simm.s32 @p2 $0x1082  }
0x22: {  	[simem:s7], [sflag:s8] =	dma.local @!p0 [hbm:s6], $0xF7A  }
0x23: {  	s9 =	sor.u32 $0xD0000000, s2;
	s6 =	simm.s32 $0x108;
	_ =	swait.ge @!p0 [sflag:s8], $0x0  }
0x24: {  	s3 =	sadd.s32 $0x88, s3;
	s6 =	simm.s32 @!p1 $0x1082;
	[sflag:s4] =	ssyncset.s32 $0xFFFFF086  }
0x25: {  	[simem:s6], [sflag:s4] =	dma.local [hbm:s3], $0xF7A  }
0x26: {  	[smem:$0x3F98] =	sst s1;
	(tag) =	ssettag s2;
	_ =	strace s9  }
0x27: {  	s1 =	sld [smem:$0x3FA8]  }
0x28: {  	s2 =	sld [smem:$0x3FA9]  }
0x29: {  	s4 =	sld [smem:$0x3FAB]  }
0x2a: {  	p0 =	seq.s32 s5, $0x0;
	s5 =	sld [smem:$0x3FAC]  }
0x2b: {  	s6 =	sld [smem:$0x3FAD]  }
0x2c: {  	s7 =	sld [smem:$0x3FAE]  }
0x2d: {  	s3 =	simm.s32 $0x108;
	s8 =	sld [smem:$0x3FAF]  }
0x2e: {  	s3 =	simm.s32 @!p0 $0x1082;
	s9 =	sld [smem:$0x3FB0]  }
0x2f: {  	lr =	sadd.s32 s0, s3;
	s0 =	sld [smem:$0x3FA7]  }
0x30: {  	s3 =	sld [smem:$0x3FAA]  }
0x31: {  	[smem:$0x3FB3] =	sst s10  }
0x32: {  	s10 =	sld [smem:$0x3FB1];
	_ =	sdelay $0x3  }
0x33: {  	p0 =	seq.s32 s10, $0x1;
	s10 =	sld [smem:$0x3FB3];
	_ =	sdelay $0x3  }
0x34: {  	[smem:$0x3FB3] =	sst s10  }
0x35: {  	s10 =	sld [smem:$0x3FB2];
	_ =	sdelay $0x3  }
0x36: {  	p1 =	seq.s32 s10, $0x1;
	s10 =	sld [smem:$0x3FB3];
	_ =	sdelay $0x3  }
0x37: {  	[smem:$0x3FB3] =	sst s10  }
0x38: {  	s10 =	sld [smem:$0x3FB4]  }
0x39: {  	_ = 	snop;
	(pc) =	sbr.ind lr, $3  }
0x3a: {  	_ = 	snop  }
0x3b: {  	_ = 	snop  }
0x3c: {  	p2 =	seq.s32 s10, $0x1;
	s10 =	sld [smem:$0x3FB3]  }
0x3d: {  	_ =	shalt  }
0x3e: {  	_ =	shalt  }
0x3f: {  	_ =	shalt  }
0x40: {  	_ =	shalt  }
0x41: {  	_ =	shalt  }
0x42: {  	_ =	shalt  }
0x43: {  	_ =	shalt  }
0x44: {  	_ =	shalt  }
0x45: {  	_ =	shalt  }
0x46: {  	_ =	shalt  }
0x47: {  	_ =	shalt  }
0x48: {  	_ =	shalt  }
0x49: {  	_ =	shalt  }
0x4a: {  	_ =	shalt  }
0x4b: {  	_ =	shalt  }
0x4c: {  	_ =	shalt  }
0x4d: {  	_ =	shalt  }
0x4e: {  	_ =	shalt  }
0x4f: {  	_ =	shalt  }
0x50: {  	_ =	shalt  }
0x51: {  	_ =	shalt  }
0x52: {  	_ =	shalt  }
0x53: {  	_ =	shalt  }
0x54: {  	_ =	shalt  }
0x55: {  	_ =	shalt  }
0x56: {  	_ =	shalt  }
0x57: {  	_ =	shalt  }
0x58: {  	_ =	shalt  }
0x59: {  	_ =	shalt  }
0x5a: {  	_ =	shalt  }
0x5b: {  	_ =	shalt  }
0x5c: {  	_ =	shalt  }
0x5d: {  	_ =	shalt  }
0x5e: {  	_ =	shalt  }
0x5f: {  	_ =	shalt  }
0x60: {  	_ =	shalt  }
0x61: {  	_ =	shalt  }
0x62: {  	_ =	shalt  }
0x63: {  	_ =	shalt  }
0x64: {  	_ =	shalt  }
0x65: {  	_ =	shalt  }
0x66: {  	_ =	shalt  }
0x67: {  	_ =	shalt  }
0x68: {  	_ =	shalt  }
0x69: {  	_ =	shalt  }
0x6a: {  	_ =	shalt  }
0x6b: {  	_ =	shalt  }
0x6c: {  	_ =	shalt  }
0x6d: {  	_ =	shalt  }
0x6e: {  	_ =	shalt  }
0x6f: {  	_ =	shalt  }
0x70: {  	_ =	shalt  }
0x71: {  	_ =	shalt  }
0x72: {  	_ =	shalt  }
0x73: {  	_ =	shalt  }
0x74: {  	_ =	shalt  }
0x75: {  	_ =	shalt  }
0x76: {  	_ =	shalt  }
0x77: {  	_ =	shalt  }
0x78: {  	_ =	shalt  }
0x79: {  	_ =	shalt  }
0x7a: {  	_ =	shalt  }
0x7b: {  	_ =	shalt  }
0x7c: {  	_ =	shalt  }
0x7d: {  	_ =	shalt  }
0x7e: {  	_ =	shalt  }
0x7f: {  	_ =	shalt  }
0x80: {  	_ =	shalt  }
0x81: {  	_ =	shalt  }
0x82: {  	_ =	shalt  }
0x83: {  	_ =	shalt  }
0x84: {  	_ =	shalt  }
0x85: {  	_ =	shalt  }
0x86: {  	_ =	shalt  }
0x87: {  	_ =	shalt  }
.Lfunc_end0:
.L_simem_size_0:
called_computation_lowered:
.L_overlay_start_0:
0x88: {  	s2 =	sld [smem:$0x3FD9]  }
0x89: {  	s3 =	sld [smem:$0x3FFE];
	_ =	sdelay $0x1  }
0x8a: {  	s1 =	srdreg.scid  }
0x8b: {  	s0 =	sand.u32 $0x1, s1  }
0x8c: {  	s16 =	sshll.u32 s0, $0xA;
	s2 =	sadd.s32 s3, s2  }
0x8d: {  	s2 =	sadd.s32 s2, s16  }
0x8e: {  	[smem:$0x3FBF] =	sst s2  }
0x8f: {  	_ = 	snop  }
0x90: {  	(tm) =	ssettm $0x1  }
0x91: {  	s17 =	sld [smem:$0x3FFB];
	_ =	sdelay $0x3  }
0x92: {  	_ =	strace s17  }
0x93: {  	s2 =	sld [smem:$0x3FFC];
	_ =	sdelay $0x3  }
0x94: {  	_ =	strace s2  }
0x95: {  	s2 =	sld [smem:$0x3FFD];
	_ =	sdelay $0x3  }
0x96: {  	_ =	strace s2  }
0x97: {  	_ =	strace $0x8FFFFFFF  }
0x98: {  	s18 =	sld [smem:$0x3FDB];
	_ =	sdelay $0x1  }
0x99: {  	s19 =	simm.s32 $_scs_section_size  }
0x9a: {  	s4 =	simm.s32 $_size__tile_overlayer_lowered;
	s5 =	simm.s32 $_tile_overlayer_lowered  }
0x9b: {  	s22 =	simm.s32 $0x1BFF;
	s21 =	sshll.u32 s5, $0x1;
	s2 =	sadd.s32 s19, s18  }
0x9c: {  	s6 =	simm.s32 $0x0;
	s20 =	sshll.u32 s4, $0x1;
	s4 =	sadd.s32 s21, s2  }
0x9d: {  	[timem:s6], [sflag:s22] =	dma.local [hbm:s4], s20  }
0x9e: {  	_ =	swait.ge [sflag:s22], s20  }
0x9f: {  	s3 =	ssub.s32 $0x0, s20;
	[sflag:s22] =	ssyncset.done $0x0  }
0xa0: {  	[sflag:s22] =	ssyncadd.s32 s3;
	_ =	sdelay $0x1  }
0xa1: {  	s23 =	simm.s32 $0x1B8B  }
0xa2: {  	_ =	swait.ge [sflag:s23], $0x1  }
0xa3: {  	[sflag:s23] =	ssyncset.done $0x0  }
0xa4: {  	s25 =	simm.s32 $0x1B8E;
	s24 =	sld [smem:$0x3FFE];
	[sflag:s23] =	ssyncadd.s32 $0xFFFFFFFF  }
0xa5: {  	s26 =	simm.s32 $execute0_lowered;
	[smem:$0x3FD2] =	sst s25  }
0xa6: {  	s4 =	sshll.u32 s26, $0x1;
	_ =	strace $0x80000046;
	[dreg:$0x1] =	wrdreg $0xFFFFFFFF  }
0xa7: {  	s28 =	simm.s32 $_size_execute0_lowered;
	s2 =	sadd.s32 s2, s4;
	[dreg:$0x0] =	wrdreg $0x0  }
0xa8: {  	s4 =	sshll.u32 s28, $0x1;
	[dreg:$0x2] =	wrdreg s2  }
0xa9: {  	[dreg:$0x3] =	wrdreg s4  }
0xaa: {  	[dreg:$0x4] =	wrdreg $0xC0  }
0xab: {  	_ =	task [dreg:s6], $0x5FFFF  }
0xac: {  	[dreg:$0x1] =	wrdreg $0xFFFFFFFF  }
0xad: {  	[dreg:$0x0] =	wrdreg $0x60  }
0xae: {  	[dreg:$0x2] =	wrdreg s24  }
0xaf: {  	[dreg:$0x3] =	wrdreg $0x12BE00  }
0xb0: {  	[dreg:$0x4] =	wrdreg $0x9  }
0xb1: {  	_ =	task.clear_ibuf [dreg:s6], $0x5FFFF;
	_ =	strace $0x90000046  }
0xb2: {  	s29 =	simm.s32 $0x9;
	_ =	strace $0x80000048  }
0xb3: {  	_ =	swait.ge [sflag:s29], $0x1  }
0xb4: {  	[sflag:s29] =	ssyncadd.s32 $0xFFFFFFFF  }
0xb5: {  	_ =	strace $0x90000048  }
0xb6: {  	_ =	sfence  }
0xb7: {  	s30 =	sld [smem:$0x0];
	_ =	sdelay $0x2  }
0xb8: {  	s31 =	sshll.u32 s1, $0xD;
	s1 =	sshrl.u32 s1, $0x2  }
0xb9: {  	s3 =	sand.u32 $0x4000, s31;
	s1 =	sadd.s32 s1, s30  }
0xba: {  	s0 =	sor.u32 s3, s0;
	s1 =	sshll.u32 s1, $0x11  }
0xbb: {  	s0 =	sor.u32 s1, s0  }
0xbc: {  	s0 =	sadd.s32 $0x8F2B, s0  }
0xbd: {  	[sflag:s0] =	ssyncadd.remote.s32 $0x1  }
0xbe: {  	_ =	sfence.sel $0xFFFF  }
0xbf: {  	[dreg:$0x0] =	wrdreg $0xFFFFFFFF;
	(pc) =	sbr.abs _section_cstart, $3  }
0xc0: {  	[dreg:$0x1] =	wrdreg $0xFFFFFFFF  }
0xc1: {  	_ =	task.clear_ibuf [dreg:s6], $0x2FFFF;
	_ =	strace $0x9FFFFFFF  }
0xc2: {  	(tm) =	ssettm $0x7FFFFFFF  }
0xc3: {  	_ =	shalt  }
tec
execute0_lowered:
.L_overlay_start_1:
0x0: {  	(tag) =	ssettag $0x1  }
0x1: {  	s0 =	rddreg [dreg:$0x0]  }
0x2: {  	s1 =	rddreg [dreg:$0x1];
	s2 =	simm.s32 $0x0  }
0x3: {  	s19 =	srdreg.scid;
	s13 =	stileid.u32;
	s30 =	simm.s32 $0xD  }
0x4: {  	s29 =	simm.s32 $0xC00;
	s31 =	simm.s32 $0x0;
	[smem:$0x7FF] =	sst s2  }
0x5: {  	s4 =	sadd.s32 $0xC6200, s0;
	s2 =	sand.u32 $0x1, s19;
	s3 =	sshll.u32 s13, $0x1  }
0x6: {  	s5 =	sadd.s32 $0xDEA00, s0;
	s6 =	smul.u32 $0x31000, s13;
	s7 =	sadd.s32 $0x171400, s0  }
0x7: {  	s11 =	smul.u32 $0xC400, s13;
	s16 =	sadd.s32 $0x10F740, s0;
	p1 =	sgt.u32 s13, $0xC  }
0x8: {  	s3 =	sor.u32 s2, s3;
	s9 =	ssub.s32 $0x2, s2;
	s2 =	smul.u32 $0xC3500, s2  }
0x9: {  	p2 =	seq.s32 s13, $0xF;
	s13 =	simm.s32 $0x4;
	s8 =	smul.u32 $0x186A, s3  }
0xa: {  	_ =	strace $0x80000047;
	s10 =	sshrl.u32 s9, $0x1;
	s24 =	smul.u32 $0xC000, s3  }
0xb: {  	s6 =	sshrl.u32 s6, $0x2;
	s28 =	sadd.s32 s11, s1;
	s26 =	smul.u32 $0x180, s3  }
0xc: {  	p0 =	sne.s32 s3, $0x1A;
	s9 =	ssub.s32 s9, s10;
	s6 =	sadd.s32 s6, s1  }
0xd: {  	s18 =	sadd.s32 s11, s2;
	[dreg:$0x3] =	wrdreg s28;
	s20 =	sadd.s32 $0x1880, s6  }
0xe: {  	s2 =	sshrl.u32 s2, $0x3;
	s21 =	sadd.s32 $0x3100, s6;
	[dreg:$0x4] =	wrdreg s20  }
0xf: {  	s11 =	simm.s32 $0x2;
	s22 =	sadd.s32 $0x4980, s6;
	[dreg:$0x5] =	wrdreg s21  }
0x10: {  	s8 =	sadd.s32 s8, s0;
	s23 =	sadd.s32 $0x6200, s6;
	[dreg:$0x6] =	wrdreg s22  }
0x11: {  	s12 =	sadd.s32 $0x7A80, s6;
	s25 =	sadd.s32 $0x9300, s6;
	[dreg:$0x7] =	wrdreg s23  }
0x12: {  	s6 =	sadd.s32 $0xAB80, s6;
	s10 =	sshrl.u32 s24, $0x3;
	[dreg:$0x8] =	wrdreg s12  }
0x13: {  	s15 =	sor.u32 $0x18, s26;
	s17 =	sor.u32 $0x30, s26;
	[dreg:$0x9] =	wrdreg s25  }
0x14: {  	s2 =	sadd.s32 s7, s2;
	[dreg:$0xa] =	wrdreg s6;
	s14 =	sadd.s32 s5, s10  }
0x15: {  	s12 =	sshll.u32 s3, $0x7;
	s10 =	sshrl.u32 s18, $0x3;
	s21 =	sadd.s32 $0x10F700, s0  }
0x16: {  	s0 =	sadd.s32 $0x140440, s0;
	s23 =	sadd.s32 $0x16F80, s2;
	[dreg:$0xe] =	wrdreg s21  }
0x17: {  	s24 =	sadd.s32 $0x140600, s8;
	s25 =	smax.u32 s9, $0x1;
	[dreg:$0xf] =	wrdreg s0  }
0x18: {  	s18 =	simm.s32 $0x9;
	s2 =	simm.s32 $0x3800;
	[dreg:$0x11] =	wrdreg s23  }
0x19: {  	s8 =	simm.s32 $0x4800;
	s9 =	simm.s32 $0x6880;
	[dreg:$0x12] =	wrdreg s24  }
0x1a: {  	s6 =	sadd.s32 s12, s5;
	s20 =	sadd.s32 s7, s10;
	[dreg:$0x13] =	wrdreg s25  }
0x1b: {  	[dreg:$0xb] =	wrdreg s14;
	s26 =	sadd.s32 $0x30D40, s14;
	s21 =	simm.s32 $0x80  }
0x1c: {  	s7 =	simm.s32 $0x4000;
	s10 =	simm.s32 $0x1;
	s12 =	simm.s32 $0x3  }
.Ltmp0:
0x1d: {  	s23 =	simm.s32 $0x6;
	s24 =	simm.s32 $0x7;
	(pc) =	sbr.rel .LBB2_1-.Ltmp0, $4  }
0x1e: {  	s25 =	simm.s32 $0x8;
	s14 =	simm.s32 $0xB;
	[dreg:$0xd] =	wrdreg s20  }
0x1f: {  	s19 =	sadd.s32 $0x30000, s6;
	s22 =	sadd.s32 $0x60D40, s6;
	[dreg:$0x14] =	wrdreg s26  }
0x20: {  	s20 =	simm.s32 $0xA;
	s26 =	simm.s32 $0xC;
	[dreg:$0xc] =	wrdreg s19  }
0x21: {  	v0 =	vimm.f32 $0.0e+00;
	v1 =	vimm.f32 $1.000000000e+00;
	[dreg:$0x10] =	wrdreg s22;
	s22 =	simm.s32 $0x3000;
	s19 =	simm.s32 $0x5  }
.LBB2_16:
0x22: {  	[bflag:$0x0] =	sbarrier.arrive $0xFFFF  }
0x23: {  	s0 =	sshrl.u32 @p2 s28, $0x3;
	s3 =	simm.s32 @p2 $0x1FCD;
	s6 =	rddreg [dreg:$0x11]  }
0x24: {  	[hbm:s6], [sflag:s3] =	dma.local @p2 [spmem:s0], $0x1720  }
0x25: {  	s0 =	simm.s32 @p2 $0xD  }
0x26: {  	s3 =	stileid.u32;
	_ =	swait.ge @p2 [sflag:s0], $0x1720  }
0x27: {  	s3 =	sshll.u32 @!p2 s3, $0x6;
	[sflag:s0] =	ssyncset.done @p2 $0x0;
	s6 =	rddreg [dreg:$0xd]  }
0x28: {  	[sflag:s0] =	ssyncadd.s32 @p2 $0xFFFFE8E0;
	s0 =	sor.u32 @!p2 $0x1C0D, s3;
	s3 =	sshrl.u32 @!p2 s28, $0x3  }
0x29: {  	[hbm:s6], [sflag:s0] =	dma.local @!p2 [spmem:s3], $0x1880  }
0x2a: {  	s0 =	simm.s32 @!p2 $0xD  }
0x2b: {  	_ =	swait.ge @!p2 [sflag:s0], $0x1880  }
0x2c: {  	[sflag:s0] =	ssyncset.done @!p2 $0x0  }
0x2d: {  	s3 =	simm.s32 $0x0;
	s6 =	rddreg [dreg:$0x12];
	[sflag:s0] =	ssyncadd.s32 @!p2 $0xFFFFE780  }
0x2e: {  	[hbm4b:s6+s3] =	stream.linear.scatter [tilespmem:s9], [sflag:$0xD], $0xC350, $0x38;
	[tilespmem:$0x1EFE0] =	vst v63  }
0x2f: {  	_ =	swait.ge [sflag:s30], $0xC350  }
0x30: {  	s31 =	sadd.s32 $0x1, s31;
	s6 =	rddreg [dreg:$0x13]  }
0x31: {  	p3 =	sne.s32 s31, s6  }
.Ltmp1:
0x32: {  	_ = 	snop;
	(pc) =	sbr.rel @!p3 .LBB2_17-.Ltmp1, $3  }
0x33: {  	_ =	sdelay $0x1  }
0x34: {  	[sflag:s30] =	ssyncset.done $0x0  }
0x35: {  	[sflag:s30] =	ssyncadd.s32 $0xFFFF3CB0  }
.LBB2_1:
0x36: {  	[dreg:$0x15] =	wrdreg s31;
	s0 =	simm.s32 $0x0;
	s3 =	simm.s32 $0x200  }
.LBB2_2:
0x37: {  	p3 =	sne.s32 s3, $0x6000;
	[tilespmem:s0+$0x5070] =	vst v0  }
0x38: {  	[tilespmem:s0+$0x5000] =	vst v0  }
0x39: {  	[tilespmem:s0+$0x5010] =	vst v0  }
.Ltmp2:
0x3a: {  	[tilespmem:s0+$0x5020] =	vst v0;
	(pc) =	sbr.rel @p3 .LBB2_2-.Ltmp2, $4  }
0x3b: {  	[tilespmem:s0+$0x5030] =	vst v0  }
0x3c: {  	[tilespmem:s0+$0x5040] =	vst v0  }
0x3d: {  	[tilespmem:s0+$0x5050] =	vst v0  }
0x3e: {  	[tilespmem:s0+$0x5060] =	vst v0;
	s0 =	sshra.s32 s3, $0x2;
	s3 =	sadd.s32 $0x200, s3  }
0x3f: {  	[tilespmem:s0+$0x5070] =	vst v0  }
0x40: {  	[tilespmem:s0+$0x5000] =	vst v0  }
0x41: {  	[tilespmem:s0+$0x5010] =	vst v0  }
0x42: {  	[tilespmem:s0+$0x5020] =	vst v0  }
0x43: {  	[tilespmem:s0+$0x5030] =	vst v0  }
0x44: {  	[tilespmem:s0+$0x5040] =	vst v0  }
0x45: {  	[tilespmem:s0+$0x5050] =	vst v0  }
0x46: {  	[tilespmem:s0+$0x5060] =	vst v0;
	s0 =	simm.s32 $0x0;
	s3 =	simm.s32 $0x200  }
.LBB2_4:
0x47: {  	p3 =	sne.s32 s3, $0x30A00;
	[tilespmem:s0+$0x68F0] =	vst v0  }
0x48: {  	[tilespmem:s0+$0x6880] =	vst v0  }
0x49: {  	[tilespmem:s0+$0x6890] =	vst v0  }
.Ltmp3:
0x4a: {  	[tilespmem:s0+$0x68A0] =	vst v0;
	(pc) =	sbr.rel @p3 .LBB2_4-.Ltmp3, $4  }
0x4b: {  	[tilespmem:s0+$0x68B0] =	vst v0  }
0x4c: {  	[tilespmem:s0+$0x68C0] =	vst v0  }
0x4d: {  	[tilespmem:s0+$0x68D0] =	vst v0  }
0x4e: {  	[tilespmem:s0+$0x68E0] =	vst v0;
	s0 =	sshra.s32 s3, $0x2;
	s3 =	sadd.s32 $0x200, s3  }
0x4f: {  	[tilespmem:s0+$0x68F0] =	vst v0  }
0x50: {  	[tilespmem:s0+$0x6880] =	vst v0  }
0x51: {  	[tilespmem:s0+$0x6890] =	vst v0  }
0x52: {  	[tilespmem:s0+$0x68A0] =	vst v0  }
0x53: {  	[tilespmem:s0+$0x68B0] =	vst v0  }
0x54: {  	[tilespmem:s0+$0x68C0] =	vst v0  }
0x55: {  	[tilespmem:s0+$0x68D0] =	vst v0  }
0x56: {  	[tilespmem:s0+$0x68E0] =	vst v0  }
0x57: {  	[tilespmem:$0x12B80] =	vst v0  }
0x58: {  	[tilespmem:$0x12B90] =	vst v0  }
0x59: {  	[tilespmem:$0x12BA0] =	vst v0  }
0x5a: {  	[tilespmem:$0x12BB0] =	vst v0  }
0x5b: {  	[tilespmem:$0x12BC0] =	vst v0  }
0x5c: {  	s3 =	simm.s32 $0x5000;
	[tilespmem:$0x12BD0] =	vst v0  }
0x5d: {  	[spmem:s28] =	stream.linear.scatter [tilespmem:s3], [sflag:$0xD], $0x1880, $0x38;
	[tilespmem:$0x1EFE0] =	vst v63  }
0x5e: {  	_ =	swait.ge [sflag:s30], $0x1880  }
0x5f: {  	[sflag:s30] =	ssyncset.done $0x0  }
0x60: {  	s6 =	rddreg [dreg:$0x4];
	[sflag:s30] =	ssyncadd.s32 $0xFFFFE780  }
0x61: {  	[spmem:s6] =	stream.linear.scatter [tilespmem:s3], [sflag:$0xD], $0x1880, $0x38;
	[tilespmem:$0x1EFE0] =	vst v63  }
0x62: {  	_ =	swait.ge [sflag:s30], $0x1880  }
0x63: {  	[sflag:s30] =	ssyncset.done $0x0  }
0x64: {  	s31 =	rddreg [dreg:$0x5];
	[sflag:s30] =	ssyncadd.s32 $0xFFFFE780  }
0x65: {  	[spmem:s31] =	stream.linear.scatter [tilespmem:s3], [sflag:$0xD], $0x1880, $0x38;
	[tilespmem:$0x1EFE0] =	vst v63  }
0x66: {  	_ =	swait.ge [sflag:s30], $0x1880  }
0x67: {  	[sflag:s30] =	ssyncset.done $0x0  }
0x68: {  	s6 =	rddreg [dreg:$0x6];
	[sflag:s30] =	ssyncadd.s32 $0xFFFFE780  }
0x69: {  	[spmem:s6] =	stream.linear.scatter [tilespmem:s3], [sflag:$0xD], $0x1880, $0x38;
	[tilespmem:$0x1EFE0] =	vst v63  }
0x6a: {  	_ =	swait.ge [sflag:s30], $0x1880  }
0x6b: {  	[sflag:s30] =	ssyncset.done $0x0  }
0x6c: {  	s31 =	rddreg [dreg:$0x7];
	[sflag:s30] =	ssyncadd.s32 $0xFFFFE780  }
0x6d: {  	[spmem:s31] =	stream.linear.scatter [tilespmem:s3], [sflag:$0xD], $0x1880, $0x38;
	[tilespmem:$0x1EFE0] =	vst v63  }
0x6e: {  	_ =	swait.ge [sflag:s30], $0x1880  }
0x6f: {  	[sflag:s30] =	ssyncset.done $0x0  }
0x70: {  	s6 =	rddreg [dreg:$0x8];
	[sflag:s30] =	ssyncadd.s32 $0xFFFFE780  }
0x71: {  	[spmem:s6] =	stream.linear.scatter [tilespmem:s3], [sflag:$0xD], $0x1880, $0x38;
	[tilespmem:$0x1EFE0] =	vst v63  }
0x72: {  	_ =	swait.ge [sflag:s30], $0x1880  }
0x73: {  	[sflag:s30] =	ssyncset.done $0x0  }
0x74: {  	s31 =	rddreg [dreg:$0x9];
	[sflag:s30] =	ssyncadd.s32 $0xFFFFE780  }
0x75: {  	[spmem:s31] =	stream.linear.scatter [tilespmem:s3], [sflag:$0xD], $0x1880, $0x38;
	[tilespmem:$0x1EFE0] =	vst v63  }
0x76: {  	_ =	swait.ge [sflag:s30], $0x1880  }
0x77: {  	[sflag:s30] =	ssyncset.done $0x0  }
0x78: {  	s6 =	rddreg [dreg:$0xa];
	[sflag:s30] =	ssyncadd.s32 $0xFFFFE780  }
0x79: {  	[spmem:s6] =	stream.linear.scatter [tilespmem:s3], [sflag:$0xD], $0x1880, $0x38;
	[tilespmem:$0x1EFE0] =	vst v63  }
0x7a: {  	_ =	swait.ge [sflag:s30], $0x1880  }
0x7b: {  	[sflag:s30] =	ssyncset.done $0x0  }
0x7c: {  	[sflag:s30] =	ssyncadd.s32 $0xFFFFE780  }
0x7d: {  	[bflag:$0x0] =	sbarrier.arrive $0xFFFF  }
0x7e: {  	s6 =	simm.s32 $0x0;
	s30 =	rddreg [dreg:$0xb]  }
0x7f: {  	[tilespmem:s6], [sflag:$0x9] =	stream.linear.gather [hbm4b:s30+s6], $0xC00, $0x38;
	[tilespmem:$0x1EFE0] =	vst v63  }
0x80: {  	s28 =	simm.s32 $0x0;
	s31 =	rddreg [dreg:$0x14]  }
0x81: {  	[tilespmem:s29], [sflag:$0xA] =	stream.linear.gather [hbm4b:s31+s6], $0xC00, $0x38;
	[tilespmem:$0x1EFE0] =	vst v63  }
.LBB2_6:
0x82: {  	s3 =	smul.u32 $0x30, s28;
	_ =	sdelay $0x1  }
0x83: {  	s0 =	sadd.s32 s3, s15  }
0x84: {  	s0 =	sshll.u32 s0, $0x4  }
0x85: {  	s30 =	simm.s32 $0x1800;
	s31 =	sadd.s32 s5, s0  }
0x86: {  	[tilespmem:s30], [sflag:$0xB] =	stream.linear.gather [hbm4b:s31+s6], $0xC00, $0x38;
	[tilespmem:$0x1EFE0] =	vst v63  }
0x87: {  	s0 =	sadd.s32 s0, s16;
	s30 =	simm.s32 $0x2400  }
0x88: {  	[tilespmem:s30], [sflag:$0xC] =	stream.linear.gather [hbm4b:s0+s6], $0xC00, $0x38;
	[tilespmem:$0x1EFE0] =	vst v63  }
0x89: {  	_ =	swait.ge [sflag:s18], $0xC00  }
0x8a: {  	[sflag:s18] =	ssyncset.done $0x0  }
0x8b: {  	[sflag:s18] =	ssyncadd.s32 $0xFFFFF400  }
0x8c: {  	_ =	swait.ge [sflag:s20], $0xC00  }
0x8d: {  	[sflag:s20] =	ssyncset.done $0x0  }
0x8e: {  	s31 =	simm.s32 $0x0;
	[sflag:s20] =	ssyncadd.s32 $0xFFFFF400  }
.LBB2_7:
0x8f: {  	s0 =	sshra.s32 s31, $0x2  }
0x90: {  	[tilespmem:s22], [sflag:$0x1] =	stream.indirect.gather [hbm4b:s4+s21], $0x10, s0, s21, $0xb8;
	[tilespmem:$0x1EFE0] =	vst v63  }
0x91: {  	s30 =	sadd.s32 $0x80, s0  }
0x92: {  	[tilespmem:s2], [sflag:$0x2] =	stream.indirect.gather [hbm4b:s4+s21], $0x10, s30, s21, $0xb8;
	[tilespmem:$0x1EFE0] =	vst v63  }
0x93: {  	s30 =	sadd.s32 $0x100, s0  }
0x94: {  	[tilespmem:s7], [sflag:$0x3] =	stream.indirect.gather [hbm4b:s4+s21], $0x10, s30, s21, $0xb8;
	[tilespmem:$0x1EFE0] =	vst v63  }
0x95: {  	s30 =	sadd.s32 $0x180, s0  }
0x96: {  	[tilespmem:s8], [sflag:$0x4] =	stream.indirect.gather [hbm4b:s4+s21], $0x10, s30, s21, $0xb8;
	[tilespmem:$0x1EFE0] =	vst v63  }
0x97: {  	v2 =	vld [tilespmem:s0+$0xC00];
	_ =	sdelay $0x7  }
0x98: {  	[tilespmem:v2+s9+$0x0] =	vst.idx.add.f32.msk $0xffff, v1  }
0x99: {  	v2 =	vld [tilespmem:s0+$0xC10];
	_ =	sdelay $0x7  }
0x9a: {  	[tilespmem:v2+s9+$0x0] =	vst.idx.add.f32.msk $0xffff, v1  }
0x9b: {  	v2 =	vld [tilespmem:s0+$0xC20];
	_ =	sdelay $0x7  }
0x9c: {  	[tilespmem:v2+s9+$0x0] =	vst.idx.add.f32.msk $0xffff, v1  }
0x9d: {  	v2 =	vld [tilespmem:s0+$0xC30];
	_ =	sdelay $0x7  }
0x9e: {  	[tilespmem:v2+s9+$0x0] =	vst.idx.add.f32.msk $0xffff, v1  }
0x9f: {  	v2 =	vld [tilespmem:s0+$0xC40];
	_ =	sdelay $0x7  }
0xa0: {  	[tilespmem:v2+s9+$0x0] =	vst.idx.add.f32.msk $0xffff, v1  }
0xa1: {  	v2 =	vld [tilespmem:s0+$0xC50];
	_ =	sdelay $0x7  }
0xa2: {  	[tilespmem:v2+s9+$0x0] =	vst.idx.add.f32.msk $0xffff, v1  }
0xa3: {  	v2 =	vld [tilespmem:s0+$0xC60];
	_ =	sdelay $0x7  }
0xa4: {  	[tilespmem:v2+s9+$0x0] =	vst.idx.add.f32.msk $0xffff, v1  }
0xa5: {  	v2 =	vld [tilespmem:s0+$0xC70];
	_ =	sdelay $0x7  }
0xa6: {  	[tilespmem:v2+s9+$0x0] =	vst.idx.add.f32.msk $0xffff, v1  }
0xa7: {  	v2 =	vld [tilespmem:s0+$0xC80];
	_ =	sdelay $0x7  }
0xa8: {  	[tilespmem:v2+s9+$0x0] =	vst.idx.add.f32.msk $0xffff, v1  }
0xa9: {  	v2 =	vld [tilespmem:s0+$0xC90];
	_ =	sdelay $0x7  }
0xaa: {  	[tilespmem:v2+s9+$0x0] =	vst.idx.add.f32.msk $0xffff, v1  }
0xab: {  	v2 =	vld [tilespmem:s0+$0xCA0];
	_ =	sdelay $0x7  }
0xac: {  	[tilespmem:v2+s9+$0x0] =	vst.idx.add.f32.msk $0xffff, v1  }
0xad: {  	v2 =	vld [tilespmem:s0+$0xCB0];
	_ =	sdelay $0x7  }
0xae: {  	[tilespmem:v2+s9+$0x0] =	vst.idx.add.f32.msk $0xffff, v1  }
0xaf: {  	v2 =	vld [tilespmem:s0+$0xCC0];
	_ =	sdelay $0x7  }
0xb0: {  	[tilespmem:v2+s9+$0x0] =	vst.idx.add.f32.msk $0xffff, v1  }
0xb1: {  	v2 =	vld [tilespmem:s0+$0xCD0];
	_ =	sdelay $0x7  }
0xb2: {  	[tilespmem:v2+s9+$0x0] =	vst.idx.add.f32.msk $0xffff, v1  }
0xb3: {  	v2 =	vld [tilespmem:s0+$0xCE0];
	_ =	sdelay $0x7  }
0xb4: {  	[tilespmem:v2+s9+$0x0] =	vst.idx.add.f32.msk $0xffff, v1  }
0xb5: {  	v2 =	vld [tilespmem:s0+$0xCF0];
	_ =	sdelay $0x7  }
0xb6: {  	[tilespmem:v2+s9+$0x0] =	vst.idx.add.f32.msk $0xffff, v1  }
0xb7: {  	v2 =	vld [tilespmem:s0+$0xD00];
	_ =	sdelay $0x7  }
0xb8: {  	[tilespmem:v2+s9+$0x0] =	vst.idx.add.f32.msk $0xffff, v1  }
0xb9: {  	v2 =	vld [tilespmem:s0+$0xD10];
	_ =	sdelay $0x7  }
0xba: {  	[tilespmem:v2+s9+$0x0] =	vst.idx.add.f32.msk $0xffff, v1  }
0xbb: {  	v2 =	vld [tilespmem:s0+$0xD20];
	_ =	sdelay $0x7  }
0xbc: {  	[tilespmem:v2+s9+$0x0] =	vst.idx.add.f32.msk $0xffff, v1  }
0xbd: {  	v2 =	vld [tilespmem:s0+$0xD30];
	_ =	sdelay $0x7  }
0xbe: {  	[tilespmem:v2+s9+$0x0] =	vst.idx.add.f32.msk $0xffff, v1  }
0xbf: {  	v2 =	vld [tilespmem:s0+$0xD40];
	_ =	sdelay $0x7  }
0xc0: {  	[tilespmem:v2+s9+$0x0] =	vst.idx.add.f32.msk $0xffff, v1  }
0xc1: {  	v2 =	vld [tilespmem:s0+$0xD50];
	_ =	sdelay $0x7  }
0xc2: {  	[tilespmem:v2+s9+$0x0] =	vst.idx.add.f32.msk $0xffff, v1  }
0xc3: {  	v2 =	vld [tilespmem:s0+$0xD60];
	_ =	sdelay $0x7  }
0xc4: {  	[tilespmem:v2+s9+$0x0] =	vst.idx.add.f32.msk $0xffff, v1  }
0xc5: {  	v2 =	vld [tilespmem:s0+$0xD70];
	_ =	sdelay $0x7  }
0xc6: {  	[tilespmem:v2+s9+$0x0] =	vst.idx.add.f32.msk $0xffff, v1  }
0xc7: {  	v2 =	vld [tilespmem:s0+$0xD80];
	_ =	sdelay $0x7  }
0xc8: {  	[tilespmem:v2+s9+$0x0] =	vst.idx.add.f32.msk $0xffff, v1  }
0xc9: {  	v2 =	vld [tilespmem:s0+$0xD90];
	_ =	sdelay $0x7  }
0xca: {  	[tilespmem:v2+s9+$0x0] =	vst.idx.add.f32.msk $0xffff, v1  }
0xcb: {  	v2 =	vld [tilespmem:s0+$0xDA0];
	_ =	sdelay $0x7  }
0xcc: {  	[tilespmem:v2+s9+$0x0] =	vst.idx.add.f32.msk $0xffff, v1  }
0xcd: {  	v2 =	vld [tilespmem:s0+$0xDB0];
	_ =	sdelay $0x7  }
0xce: {  	[tilespmem:v2+s9+$0x0] =	vst.idx.add.f32.msk $0xffff, v1  }
0xcf: {  	v2 =	vld [tilespmem:s0+$0xDC0];
	_ =	sdelay $0x7  }
0xd0: {  	[tilespmem:v2+s9+$0x0] =	vst.idx.add.f32.msk $0xffff, v1  }
0xd1: {  	v2 =	vld [tilespmem:s0+$0xDD0];
	_ =	sdelay $0x7  }
0xd2: {  	[tilespmem:v2+s9+$0x0] =	vst.idx.add.f32.msk $0xffff, v1  }
0xd3: {  	v2 =	vld [tilespmem:s0+$0xDE0];
	_ =	sdelay $0x7  }
0xd4: {  	[tilespmem:v2+s9+$0x0] =	vst.idx.add.f32.msk $0xffff, v1  }
0xd5: {  	v2 =	vld [tilespmem:s0+$0xDF0];
	_ =	sdelay $0x7  }
0xd6: {  	[tilespmem:v2+s9+$0x0] =	vst.idx.add.f32.msk $0xffff, v1  }
0xd7: {  	_ =	swait.ge [sflag:s10], $0x800  }
0xd8: {  	[sflag:s10] =	ssyncset.done $0x0  }
0xd9: {  	s30 =	sadd.s32 $0xC00, s0;
	[sflag:s10] =	ssyncadd.s32 $0xFFFFF800  }
0xda: {  	[spmem:s1] =	stream.indirect.scatter.add.f32 [tilespmem:s22], [sflag:$0x5], $0x10, s30, s21, $0xb8;
	[tilespmem:$0x1EFE0] =	vst v63  }
0xdb: {  	_ =	swait.ge [sflag:s11], $0x800  }
0xdc: {  	[sflag:s11] =	ssyncset.done $0x0  }
0xdd: {  	s30 =	sadd.s32 $0xC80, s0;
	[sflag:s11] =	ssyncadd.s32 $0xFFFFF800  }
0xde: {  	[spmem:s1] =	stream.indirect.scatter.add.f32 [tilespmem:s2], [sflag:$0x6], $0x10, s30, s21, $0xb8;
	[tilespmem:$0x1EFE0] =	vst v63  }
0xdf: {  	_ =	swait.ge [sflag:s12], $0x800  }
0xe0: {  	[sflag:s12] =	ssyncset.done $0x0  }
0xe1: {  	s30 =	sadd.s32 $0xD00, s0;
	[sflag:s12] =	ssyncadd.s32 $0xFFFFF800  }
0xe2: {  	[spmem:s1] =	stream.indirect.scatter.add.f32 [tilespmem:s7], [sflag:$0x7], $0x10, s30, s21, $0xb8;
	[tilespmem:$0x1EFE0] =	vst v63  }
0xe3: {  	_ =	swait.ge [sflag:s13], $0x800  }
0xe4: {  	[sflag:s13] =	ssyncset.done $0x0  }
0xe5: {  	s0 =	sadd.s32 $0xD80, s0;
	[sflag:s13] =	ssyncadd.s32 $0xFFFFF800  }
0xe6: {  	[spmem:s1] =	stream.indirect.scatter.add.f32 [tilespmem:s8], [sflag:$0x8], $0x10, s0, s21, $0xb8;
	[tilespmem:$0x1EFE0] =	vst v63  }
0xe7: {  	_ =	swait.ge [sflag:s19], $0x800  }
0xe8: {  	[sflag:s19] =	ssyncset.done $0x0  }
0xe9: {  	[sflag:s19] =	ssyncadd.s32 $0xFFFFF800  }
0xea: {  	_ =	swait.ge [sflag:s23], $0x800  }
0xeb: {  	[sflag:s23] =	ssyncset.done $0x0  }
0xec: {  	[sflag:s23] =	ssyncadd.s32 $0xFFFFF800  }
0xed: {  	p3 =	sne.s32 s31, $0x2800;
	_ =	swait.ge [sflag:s24], $0x800  }
.Ltmp4:
0xee: {  	[sflag:s24] =	ssyncset.done $0x0;
	(pc) =	sbr.rel @p3 .LBB2_7-.Ltmp4, $4  }
0xef: {  	[sflag:s24] =	ssyncadd.s32 $0xFFFFF800  }
0xf0: {  	_ =	swait.ge [sflag:s25], $0x800  }
0xf1: {  	[sflag:s25] =	ssyncset.done $0x0  }
0xf2: {  	s31 =	sadd.s32 $0x800, s31;
	[sflag:s25] =	ssyncadd.s32 $0xFFFFF800  }
0xf3: {  	s0 =	sadd.s32 s3, s17  }
0xf4: {  	s0 =	sshll.u32 s0, $0x4  }
0xf5: {  	s3 =	simm.s32 $0x0;
	s30 =	sadd.s32 s5, s0  }
0xf6: {  	[tilespmem:s3], [sflag:$0x9] =	stream.linear.gather [hbm4b:s30+s3], $0xC00, $0x38;
	[tilespmem:$0x1EFE0] =	vst v63  }
0xf7: {  	s0 =	sadd.s32 s0, s16  }
0xf8: {  	[tilespmem:s29], [sflag:$0xA] =	stream.linear.gather [hbm4b:s0+s3], $0xC00, $0x38;
	[tilespmem:$0x1EFE0] =	vst v63  }
0xf9: {  	_ =	swait.ge [sflag:s14], $0xC00  }
0xfa: {  	[sflag:s14] =	ssyncset.done $0x0  }
0xfb: {  	[sflag:s14] =	ssyncadd.s32 $0xFFFFF400  }
0xfc: {  	_ =	swait.ge [sflag:s26], $0xC00  }
0xfd: {  	[sflag:s26] =	ssyncset.done $0x0  }
0xfe: {  	[sflag:s26] =	ssyncadd.s32 $0xFFFFF400  }
.LBB2_9:
0xff: {  	s31 =	sshra.s32 s3, $0x2  }
0x100: {  	s0 =	sadd.s32 $0x1800, s31  }
0x101: {  	[tilespmem:s22], [sflag:$0x1] =	stream.indirect.gather [hbm4b:s4+s21], $0x10, s0, s21, $0xb8;
	[tilespmem:$0x1EFE0] =	vst v63  }
0x102: {  	s30 =	sadd.s32 $0x1880, s31  }
0x103: {  	[tilespmem:s2], [sflag:$0x2] =	stream.indirect.gather [hbm4b:s4+s21], $0x10, s30, s21, $0xb8;
	[tilespmem:$0x1EFE0] =	vst v63  }
0x104: {  	s30 =	sadd.s32 $0x1900, s31  }
0x105: {  	[tilespmem:s7], [sflag:$0x3] =	stream.indirect.gather [hbm4b:s4+s21], $0x10, s30, s21, $0xb8;
	[tilespmem:$0x1EFE0] =	vst v63  }
0x106: {  	s30 =	sadd.s32 $0x1980, s31  }
0x107: {  	[tilespmem:s8], [sflag:$0x4] =	stream.indirect.gather [hbm4b:s4+s21], $0x10, s30, s21, $0xb8;
	[tilespmem:$0x1EFE0] =	vst v63  }
0x108: {  	v2 =	vld [tilespmem:s31+$0x2400];
	_ =	sdelay $0x7  }
0x109: {  	[tilespmem:v2+s9+$0x0] =	vst.idx.add.f32.msk $0xffff, v1  }
0x10a: {  	v2 =	vld [tilespmem:s31+$0x2410];
	_ =	sdelay $0x7  }
0x10b: {  	[tilespmem:v2+s9+$0x0] =	vst.idx.add.f32.msk $0xffff, v1  }
0x10c: {  	v2 =	vld [tilespmem:s31+$0x2420];
	_ =	sdelay $0x7  }
0x10d: {  	[tilespmem:v2+s9+$0x0] =	vst.idx.add.f32.msk $0xffff, v1  }
0x10e: {  	v2 =	vld [tilespmem:s31+$0x2430];
	_ =	sdelay $0x7  }
0x10f: {  	[tilespmem:v2+s9+$0x0] =	vst.idx.add.f32.msk $0xffff, v1  }
0x110: {  	v2 =	vld [tilespmem:s31+$0x2440];
	_ =	sdelay $0x7  }
0x111: {  	[tilespmem:v2+s9+$0x0] =	vst.idx.add.f32.msk $0xffff, v1  }
0x112: {  	v2 =	vld [tilespmem:s31+$0x2450];
	_ =	sdelay $0x7  }
0x113: {  	[tilespmem:v2+s9+$0x0] =	vst.idx.add.f32.msk $0xffff, v1  }
0x114: {  	v2 =	vld [tilespmem:s31+$0x2460];
	_ =	sdelay $0x7  }
0x115: {  	[tilespmem:v2+s9+$0x0] =	vst.idx.add.f32.msk $0xffff, v1  }
0x116: {  	v2 =	vld [tilespmem:s31+$0x2470];
	_ =	sdelay $0x7  }
0x117: {  	[tilespmem:v2+s9+$0x0] =	vst.idx.add.f32.msk $0xffff, v1  }
0x118: {  	v2 =	vld [tilespmem:s31+$0x2480];
	_ =	sdelay $0x7  }
0x119: {  	[tilespmem:v2+s9+$0x0] =	vst.idx.add.f32.msk $0xffff, v1  }
0x11a: {  	v2 =	vld [tilespmem:s31+$0x2490];
	_ =	sdelay $0x7  }
0x11b: {  	[tilespmem:v2+s9+$0x0] =	vst.idx.add.f32.msk $0xffff, v1  }
0x11c: {  	v2 =	vld [tilespmem:s31+$0x24A0];
	_ =	sdelay $0x7  }
0x11d: {  	[tilespmem:v2+s9+$0x0] =	vst.idx.add.f32.msk $0xffff, v1  }
0x11e: {  	v2 =	vld [tilespmem:s31+$0x24B0];
	_ =	sdelay $0x7  }
0x11f: {  	[tilespmem:v2+s9+$0x0] =	vst.idx.add.f32.msk $0xffff, v1  }
0x120: {  	v2 =	vld [tilespmem:s31+$0x24C0];
	_ =	sdelay $0x7  }
0x121: {  	[tilespmem:v2+s9+$0x0] =	vst.idx.add.f32.msk $0xffff, v1  }
0x122: {  	v2 =	vld [tilespmem:s31+$0x24D0];
	_ =	sdelay $0x7  }
0x123: {  	[tilespmem:v2+s9+$0x0] =	vst.idx.add.f32.msk $0xffff, v1  }
0x124: {  	v2 =	vld [tilespmem:s31+$0x24E0];
	_ =	sdelay $0x7  }
0x125: {  	[tilespmem:v2+s9+$0x0] =	vst.idx.add.f32.msk $0xffff, v1  }
0x126: {  	v2 =	vld [tilespmem:s31+$0x24F0];
	_ =	sdelay $0x7  }
0x127: {  	[tilespmem:v2+s9+$0x0] =	vst.idx.add.f32.msk $0xffff, v1  }
0x128: {  	v2 =	vld [tilespmem:s31+$0x2500];
	_ =	sdelay $0x7  }
0x129: {  	[tilespmem:v2+s9+$0x0] =	vst.idx.add.f32.msk $0xffff, v1  }
0x12a: {  	v2 =	vld [tilespmem:s31+$0x2510];
	_ =	sdelay $0x7  }
0x12b: {  	[tilespmem:v2+s9+$0x0] =	vst.idx.add.f32.msk $0xffff, v1  }
0x12c: {  	v2 =	vld [tilespmem:s31+$0x2520];
	_ =	sdelay $0x7  }
0x12d: {  	[tilespmem:v2+s9+$0x0] =	vst.idx.add.f32.msk $0xffff, v1  }
0x12e: {  	v2 =	vld [tilespmem:s31+$0x2530];
	_ =	sdelay $0x7  }
0x12f: {  	[tilespmem:v2+s9+$0x0] =	vst.idx.add.f32.msk $0xffff, v1  }
0x130: {  	v2 =	vld [tilespmem:s31+$0x2540];
	_ =	sdelay $0x7  }
0x131: {  	[tilespmem:v2+s9+$0x0] =	vst.idx.add.f32.msk $0xffff, v1  }
0x132: {  	v2 =	vld [tilespmem:s31+$0x2550];
	_ =	sdelay $0x7  }
0x133: {  	[tilespmem:v2+s9+$0x0] =	vst.idx.add.f32.msk $0xffff, v1  }
0x134: {  	v2 =	vld [tilespmem:s31+$0x2560];
	_ =	sdelay $0x7  }
0x135: {  	[tilespmem:v2+s9+$0x0] =	vst.idx.add.f32.msk $0xffff, v1  }
0x136: {  	v2 =	vld [tilespmem:s31+$0x2570];
	_ =	sdelay $0x7  }
0x137: {  	[tilespmem:v2+s9+$0x0] =	vst.idx.add.f32.msk $0xffff, v1  }
0x138: {  	v2 =	vld [tilespmem:s31+$0x2580];
	_ =	sdelay $0x7  }
0x139: {  	[tilespmem:v2+s9+$0x0] =	vst.idx.add.f32.msk $0xffff, v1  }
0x13a: {  	v2 =	vld [tilespmem:s31+$0x2590];
	_ =	sdelay $0x7  }
0x13b: {  	[tilespmem:v2+s9+$0x0] =	vst.idx.add.f32.msk $0xffff, v1  }
0x13c: {  	v2 =	vld [tilespmem:s31+$0x25A0];
	_ =	sdelay $0x7  }
0x13d: {  	[tilespmem:v2+s9+$0x0] =	vst.idx.add.f32.msk $0xffff, v1  }
0x13e: {  	v2 =	vld [tilespmem:s31+$0x25B0];
	_ =	sdelay $0x7  }
0x13f: {  	[tilespmem:v2+s9+$0x0] =	vst.idx.add.f32.msk $0xffff, v1  }
0x140: {  	v2 =	vld [tilespmem:s31+$0x25C0];
	_ =	sdelay $0x7  }
0x141: {  	[tilespmem:v2+s9+$0x0] =	vst.idx.add.f32.msk $0xffff, v1  }
0x142: {  	v2 =	vld [tilespmem:s31+$0x25D0];
	_ =	sdelay $0x7  }
0x143: {  	[tilespmem:v2+s9+$0x0] =	vst.idx.add.f32.msk $0xffff, v1  }
0x144: {  	v2 =	vld [tilespmem:s31+$0x25E0];
	_ =	sdelay $0x7  }
0x145: {  	[tilespmem:v2+s9+$0x0] =	vst.idx.add.f32.msk $0xffff, v1  }
0x146: {  	v2 =	vld [tilespmem:s31+$0x25F0];
	_ =	sdelay $0x7  }
0x147: {  	[tilespmem:v2+s9+$0x0] =	vst.idx.add.f32.msk $0xffff, v1  }
0x148: {  	_ =	swait.ge [sflag:s10], $0x800  }
0x149: {  	[sflag:s10] =	ssyncset.done $0x0  }
0x14a: {  	s30 =	sadd.s32 $0x2400, s31;
	[sflag:s10] =	ssyncadd.s32 $0xFFFFF800  }
0x14b: {  	[spmem:s1] =	stream.indirect.scatter.add.f32 [tilespmem:s22], [sflag:$0x5], $0x10, s30, s21, $0xb8;
	[tilespmem:$0x1EFE0] =	vst v63  }
0x14c: {  	_ =	swait.ge [sflag:s11], $0x800  }
0x14d: {  	[sflag:s11] =	ssyncset.done $0x0  }
0x14e: {  	s30 =	sadd.s32 $0x2480, s31;
	[sflag:s11] =	ssyncadd.s32 $0xFFFFF800  }
0x14f: {  	[spmem:s1] =	stream.indirect.scatter.add.f32 [tilespmem:s2], [sflag:$0x6], $0x10, s30, s21, $0xb8;
	[tilespmem:$0x1EFE0] =	vst v63  }
0x150: {  	_ =	swait.ge [sflag:s12], $0x800  }
0x151: {  	[sflag:s12] =	ssyncset.done $0x0  }
0x152: {  	s30 =	sadd.s32 $0x2500, s31;
	[sflag:s12] =	ssyncadd.s32 $0xFFFFF800  }
0x153: {  	[spmem:s1] =	stream.indirect.scatter.add.f32 [tilespmem:s7], [sflag:$0x7], $0x10, s30, s21, $0xb8;
	[tilespmem:$0x1EFE0] =	vst v63  }
0x154: {  	_ =	swait.ge [sflag:s13], $0x800  }
0x155: {  	[sflag:s13] =	ssyncset.done $0x0  }
0x156: {  	s31 =	sadd.s32 $0x2580, s31;
	[sflag:s13] =	ssyncadd.s32 $0xFFFFF800  }
0x157: {  	[spmem:s1] =	stream.indirect.scatter.add.f32 [tilespmem:s8], [sflag:$0x8], $0x10, s31, s21, $0xb8;
	[tilespmem:$0x1EFE0] =	vst v63  }
0x158: {  	_ =	swait.ge [sflag:s19], $0x800  }
0x159: {  	[sflag:s19] =	ssyncset.done $0x0  }
0x15a: {  	[sflag:s19] =	ssyncadd.s32 $0xFFFFF800  }
0x15b: {  	_ =	swait.ge [sflag:s23], $0x800  }
0x15c: {  	[sflag:s23] =	ssyncset.done $0x0  }
0x15d: {  	[sflag:s23] =	ssyncadd.s32 $0xFFFFF800  }
0x15e: {  	p3 =	sne.s32 s3, $0x2800;
	_ =	swait.ge [sflag:s24], $0x800  }
.Ltmp5:
0x15f: {  	[sflag:s24] =	ssyncset.done $0x0;
	(pc) =	sbr.rel @p3 .LBB2_9-.Ltmp5, $4  }
0x160: {  	[sflag:s24] =	ssyncadd.s32 $0xFFFFF800  }
0x161: {  	_ =	swait.ge [sflag:s25], $0x800  }
0x162: {  	[sflag:s25] =	ssyncset.done $0x0  }
0x163: {  	s3 =	sadd.s32 $0x800, s3;
	[sflag:s25] =	ssyncadd.s32 $0xFFFFF800  }
0x164: {  	s28 =	sadd.s32 $0x1, s28  }
0x165: {  	p3 =	sne.s32 s28, $0x8  }
.Ltmp6:
0x166: {  	_ = 	snop;
	(pc) =	sbr.rel @p3 .LBB2_6-.Ltmp6, $1  }
0x167: {  	_ =	sdelay $0x3  }
0x168: {  	_ =	swait.ge [sflag:s18], $0xC00  }
.Ltmp7:
0x169: {  	[sflag:s18] =	ssyncset.done $0x0;
	(pc) =	sbr.rel @p1 .LBB2_14-.Ltmp7, $4  }
0x16a: {  	[sflag:s18] =	ssyncadd.s32 $0xFFFFF400  }
0x16b: {  	_ =	swait.ge [sflag:s20], $0xC00  }
0x16c: {  	[sflag:s20] =	ssyncset.done $0x0  }
0x16d: {  	s30 =	simm.s32 $0xD;
	[sflag:s20] =	ssyncadd.s32 $0xFFFFF400  }
0x16e: {  	s3 =	simm.s32 $0x0;
	s0 =	rddreg [dreg:$0xc]  }
0x16f: {  	[tilespmem:s3], [sflag:$0xD] =	stream.linear.gather [hbm4b:s0+s3], $0x400, $0x38;
	[tilespmem:$0x1EFE0] =	vst v63  }
0x170: {  	_ =	swait.ge [sflag:s30], $0x400  }
0x171: {  	[sflag:s30] =	ssyncset.done $0x0  }
0x172: {  	s31 =	rddreg [dreg:$0x10];
	[sflag:s30] =	ssyncadd.s32 $0xFFFFFC00  }
0x173: {  	[tilespmem:s29], [sflag:$0xD] =	stream.linear.gather [hbm4b:s31+s3], $0x400, $0x38;
	[tilespmem:$0x1EFE0] =	vst v63  }
0x174: {  	_ =	swait.ge [sflag:s30], $0x400  }
0x175: {  	[sflag:s30] =	ssyncset.done $0x0  }
0x176: {  	p3 =	por $0x1, $0x1;
	[sflag:s30] =	ssyncadd.s32 $0xFFFFFC00  }
.LBB2_13:
0x177: {  	[tilespmem:s22], [sflag:$0x1] =	stream.indirect.gather [hbm4b:s4+s21], $0x10, s3, s21, $0xb8;
	[tilespmem:$0x1EFE0] =	vst v63  }
0x178: {  	s0 =	sor.u32 $0x80, s3  }
0x179: {  	[tilespmem:s2], [sflag:$0x2] =	stream.indirect.gather [hbm4b:s4+s21], $0x10, s0, s21, $0xb8;
	[tilespmem:$0x1EFE0] =	vst v63  }
0x17a: {  	s6 =	sor.u32 $0x100, s3  }
0x17b: {  	[tilespmem:s7], [sflag:$0x3] =	stream.indirect.gather [hbm4b:s4+s21], $0x10, s6, s21, $0xb8;
	[tilespmem:$0x1EFE0] =	vst v63  }
0x17c: {  	s28 =	sor.u32 $0x180, s3  }
0x17d: {  	[tilespmem:s8], [sflag:$0x4] =	stream.indirect.gather [hbm4b:s4+s21], $0x10, s28, s21, $0xb8;
	[tilespmem:$0x1EFE0] =	vst v63  }
0x17e: {  	v2 =	vld [tilespmem:s3+$0xC00];
	_ =	sdelay $0x7  }
0x17f: {  	[tilespmem:v2+s9+$0x0] =	vst.idx.add.f32.msk $0xffff, v1  }
0x180: {  	v2 =	vld [tilespmem:s3+$0xC10];
	_ =	sdelay $0x7  }
0x181: {  	[tilespmem:v2+s9+$0x0] =	vst.idx.add.f32.msk $0xffff, v1  }
0x182: {  	v2 =	vld [tilespmem:s3+$0xC20];
	_ =	sdelay $0x7  }
0x183: {  	[tilespmem:v2+s9+$0x0] =	vst.idx.add.f32.msk $0xffff, v1  }
0x184: {  	v2 =	vld [tilespmem:s3+$0xC30];
	_ =	sdelay $0x7  }
0x185: {  	[tilespmem:v2+s9+$0x0] =	vst.idx.add.f32.msk $0xffff, v1  }
0x186: {  	v2 =	vld [tilespmem:s3+$0xC40];
	_ =	sdelay $0x7  }
0x187: {  	[tilespmem:v2+s9+$0x0] =	vst.idx.add.f32.msk $0xffff, v1  }
0x188: {  	v2 =	vld [tilespmem:s3+$0xC50];
	_ =	sdelay $0x7  }
0x189: {  	[tilespmem:v2+s9+$0x0] =	vst.idx.add.f32.msk $0xffff, v1  }
0x18a: {  	v2 =	vld [tilespmem:s3+$0xC60];
	_ =	sdelay $0x7  }
0x18b: {  	[tilespmem:v2+s9+$0x0] =	vst.idx.add.f32.msk $0xffff, v1  }
0x18c: {  	v2 =	vld [tilespmem:s3+$0xC70];
	_ =	sdelay $0x7  }
0x18d: {  	[tilespmem:v2+s9+$0x0] =	vst.idx.add.f32.msk $0xffff, v1  }
0x18e: {  	v2 =	vld [tilespmem:s3+$0xC80];
	_ =	sdelay $0x7  }
0x18f: {  	[tilespmem:v2+s9+$0x0] =	vst.idx.add.f32.msk $0xffff, v1  }
0x190: {  	v2 =	vld [tilespmem:s3+$0xC90];
	_ =	sdelay $0x7  }
0x191: {  	[tilespmem:v2+s9+$0x0] =	vst.idx.add.f32.msk $0xffff, v1  }
0x192: {  	v2 =	vld [tilespmem:s3+$0xCA0];
	_ =	sdelay $0x7  }
0x193: {  	[tilespmem:v2+s9+$0x0] =	vst.idx.add.f32.msk $0xffff, v1  }
0x194: {  	v2 =	vld [tilespmem:s3+$0xCB0];
	_ =	sdelay $0x7  }
0x195: {  	[tilespmem:v2+s9+$0x0] =	vst.idx.add.f32.msk $0xffff, v1  }
0x196: {  	v2 =	vld [tilespmem:s3+$0xCC0];
	_ =	sdelay $0x7  }
0x197: {  	[tilespmem:v2+s9+$0x0] =	vst.idx.add.f32.msk $0xffff, v1  }
0x198: {  	v2 =	vld [tilespmem:s3+$0xCD0];
	_ =	sdelay $0x7  }
0x199: {  	[tilespmem:v2+s9+$0x0] =	vst.idx.add.f32.msk $0xffff, v1  }
0x19a: {  	v2 =	vld [tilespmem:s3+$0xCE0];
	_ =	sdelay $0x7  }
0x19b: {  	[tilespmem:v2+s9+$0x0] =	vst.idx.add.f32.msk $0xffff, v1  }
0x19c: {  	v2 =	vld [tilespmem:s3+$0xCF0];
	_ =	sdelay $0x7  }
0x19d: {  	[tilespmem:v2+s9+$0x0] =	vst.idx.add.f32.msk $0xffff, v1  }
0x19e: {  	v2 =	vld [tilespmem:s3+$0xD00];
	_ =	sdelay $0x7  }
0x19f: {  	[tilespmem:v2+s9+$0x0] =	vst.idx.add.f32.msk $0xffff, v1  }
0x1a0: {  	v2 =	vld [tilespmem:s3+$0xD10];
	_ =	sdelay $0x7  }
0x1a1: {  	[tilespmem:v2+s9+$0x0] =	vst.idx.add.f32.msk $0xffff, v1  }
0x1a2: {  	v2 =	vld [tilespmem:s3+$0xD20];
	_ =	sdelay $0x7  }
0x1a3: {  	[tilespmem:v2+s9+$0x0] =	vst.idx.add.f32.msk $0xffff, v1  }
0x1a4: {  	v2 =	vld [tilespmem:s3+$0xD30];
	_ =	sdelay $0x7  }
0x1a5: {  	[tilespmem:v2+s9+$0x0] =	vst.idx.add.f32.msk $0xffff, v1  }
0x1a6: {  	v2 =	vld [tilespmem:s3+$0xD40];
	_ =	sdelay $0x7  }
0x1a7: {  	[tilespmem:v2+s9+$0x0] =	vst.idx.add.f32.msk $0xffff, v1  }
0x1a8: {  	v2 =	vld [tilespmem:s3+$0xD50];
	_ =	sdelay $0x7  }
0x1a9: {  	[tilespmem:v2+s9+$0x0] =	vst.idx.add.f32.msk $0xffff, v1  }
0x1aa: {  	v2 =	vld [tilespmem:s3+$0xD60];
	_ =	sdelay $0x7  }
0x1ab: {  	[tilespmem:v2+s9+$0x0] =	vst.idx.add.f32.msk $0xffff, v1  }
0x1ac: {  	v2 =	vld [tilespmem:s3+$0xD70];
	_ =	sdelay $0x7  }
0x1ad: {  	[tilespmem:v2+s9+$0x0] =	vst.idx.add.f32.msk $0xffff, v1  }
0x1ae: {  	v2 =	vld [tilespmem:s3+$0xD80];
	_ =	sdelay $0x7  }
0x1af: {  	[tilespmem:v2+s9+$0x0] =	vst.idx.add.f32.msk $0xffff, v1  }
0x1b0: {  	v2 =	vld [tilespmem:s3+$0xD90];
	_ =	sdelay $0x7  }
0x1b1: {  	[tilespmem:v2+s9+$0x0] =	vst.idx.add.f32.msk $0xffff, v1  }
0x1b2: {  	v2 =	vld [tilespmem:s3+$0xDA0];
	_ =	sdelay $0x7  }
0x1b3: {  	[tilespmem:v2+s9+$0x0] =	vst.idx.add.f32.msk $0xffff, v1  }
0x1b4: {  	v2 =	vld [tilespmem:s3+$0xDB0];
	_ =	sdelay $0x7  }
0x1b5: {  	[tilespmem:v2+s9+$0x0] =	vst.idx.add.f32.msk $0xffff, v1  }
0x1b6: {  	v2 =	vld [tilespmem:s3+$0xDC0];
	_ =	sdelay $0x7  }
0x1b7: {  	[tilespmem:v2+s9+$0x0] =	vst.idx.add.f32.msk $0xffff, v1  }
0x1b8: {  	v2 =	vld [tilespmem:s3+$0xDD0];
	_ =	sdelay $0x7  }
0x1b9: {  	[tilespmem:v2+s9+$0x0] =	vst.idx.add.f32.msk $0xffff, v1  }
0x1ba: {  	v2 =	vld [tilespmem:s3+$0xDE0];
	_ =	sdelay $0x7  }
0x1bb: {  	[tilespmem:v2+s9+$0x0] =	vst.idx.add.f32.msk $0xffff, v1  }
0x1bc: {  	v2 =	vld [tilespmem:s3+$0xDF0];
	_ =	sdelay $0x7  }
0x1bd: {  	[tilespmem:v2+s9+$0x0] =	vst.idx.add.f32.msk $0xffff, v1  }
0x1be: {  	_ =	swait.ge [sflag:s10], $0x800  }
0x1bf: {  	[sflag:s10] =	ssyncset.done $0x0  }
0x1c0: {  	s31 =	sadd.s32 $0xC00, s3;
	[sflag:s10] =	ssyncadd.s32 $0xFFFFF800  }
0x1c1: {  	[spmem:s1] =	stream.indirect.scatter.add.f32 [tilespmem:s22], [sflag:$0x5], $0x10, s31, s21, $0xb8;
	[tilespmem:$0x1EFE0] =	vst v63  }
0x1c2: {  	_ =	swait.ge [sflag:s11], $0x800  }
0x1c3: {  	[sflag:s11] =	ssyncset.done $0x0  }
0x1c4: {  	s6 =	sadd.s32 $0xC80, s3;
	[sflag:s11] =	ssyncadd.s32 $0xFFFFF800  }
0x1c5: {  	[spmem:s1] =	stream.indirect.scatter.add.f32 [tilespmem:s2], [sflag:$0x6], $0x10, s6, s21, $0xb8;
	[tilespmem:$0x1EFE0] =	vst v63  }
0x1c6: {  	_ =	swait.ge [sflag:s12], $0x800  }
0x1c7: {  	[sflag:s12] =	ssyncset.done $0x0  }
0x1c8: {  	s28 =	sadd.s32 $0xD00, s3;
	[sflag:s12] =	ssyncadd.s32 $0xFFFFF800  }
0x1c9: {  	[spmem:s1] =	stream.indirect.scatter.add.f32 [tilespmem:s7], [sflag:$0x7], $0x10, s28, s21, $0xb8;
	[tilespmem:$0x1EFE0] =	vst v63  }
0x1ca: {  	_ =	swait.ge [sflag:s13], $0x800  }
0x1cb: {  	[sflag:s13] =	ssyncset.done $0x0  }
0x1cc: {  	s31 =	sadd.s32 $0xD80, s3;
	[sflag:s13] =	ssyncadd.s32 $0xFFFFF800  }
0x1cd: {  	[spmem:s1] =	stream.indirect.scatter.add.f32 [tilespmem:s8], [sflag:$0x8], $0x10, s31, s21, $0xb8;
	[tilespmem:$0x1EFE0] =	vst v63  }
0x1ce: {  	_ =	swait.ge [sflag:s19], $0x800  }
0x1cf: {  	[sflag:s19] =	ssyncset.done $0x0  }
0x1d0: {  	[sflag:s19] =	ssyncadd.s32 $0xFFFFF800  }
0x1d1: {  	_ =	swait.ge [sflag:s23], $0x800  }
0x1d2: {  	[sflag:s23] =	ssyncset.done $0x0  }
0x1d3: {  	[sflag:s23] =	ssyncadd.s32 $0xFFFFF800  }
0x1d4: {  	p4 =	por p3, p3;
	_ =	swait.ge [sflag:s24], $0x800  }
.Ltmp8:
0x1d5: {  	[sflag:s24] =	ssyncset.done $0x0;
	(pc) =	sbr.rel @p4 .LBB2_13-.Ltmp8, $4  }
0x1d6: {  	[sflag:s24] =	ssyncadd.s32 $0xFFFFF800  }
0x1d7: {  	_ =	swait.ge [sflag:s25], $0x800  }
0x1d8: {  	[sflag:s25] =	ssyncset.done $0x0  }
0x1d9: {  	p3 =	por $0x0, $0x0;
	s3 =	simm.s32 $0x200;
	[sflag:s25] =	ssyncadd.s32 $0xFFFFF800  }
.LBB2_14:
.Ltmp9:
0x1da: {  	(pc) =	sbr.rel @p0 .LBB2_16-.Ltmp9, $3  }
0x1db: {  	_ =	sdelay $0x1  }
0x1dc: {  	s28 =	rddreg [dreg:$0x3]  }
0x1dd: {  	s31 =	rddreg [dreg:$0x15]  }
0x1de: {  	s0 =	simm.s32 $0x0;
	s3 =	rddreg [dreg:$0xe]  }
0x1df: {  	[tilespmem:s0], [sflag:$0xD] =	stream.linear.gather [hbm4b:s3+s0], $0x200, $0x38;
	[tilespmem:$0x1EFE0] =	vst v63  }
0x1e0: {  	_ =	swait.ge [sflag:s30], $0x200  }
0x1e1: {  	[sflag:s30] =	ssyncset.done $0x0  }
0x1e2: {  	s6 =	simm.s32 $0xC00;
	s3 =	rddreg [dreg:$0xf];
	[sflag:s30] =	ssyncadd.s32 $0xFFFFFE00  }
0x1e3: {  	[tilespmem:s6], [sflag:$0xD] =	stream.linear.gather [hbm4b:s3+s0], $0x200, $0x38;
	[tilespmem:$0x1EFE0] =	vst v63  }
0x1e4: {  	_ =	swait.ge [sflag:s30], $0x200  }
0x1e5: {  	[sflag:s30] =	ssyncset.done $0x0  }
0x1e6: {  	[sflag:s30] =	ssyncadd.s32 $0xFFFFFE00  }
0x1e7: {  	[tilespmem:s22], [sflag:$0x1] =	stream.indirect.gather [hbm4b:s4+s21], $0x10, s0, s21, $0xb8;
	[tilespmem:$0x1EFE0] =	vst v63  }
0x1e8: {  	_ =	swait.ge [sflag:s10], $0x800  }
0x1e9: {  	[sflag:s10] =	ssyncset.done $0x0  }
0x1ea: {  	[sflag:s10] =	ssyncadd.s32 $0xFFFFF800  }
0x1eb: {  	[spmem:s1] =	stream.indirect.scatter.add.f32 [tilespmem:s22], [sflag:$0xD], $0x10, s6, s21, $0xb8;
	[tilespmem:$0x1EFE0] =	vst v63  }
0x1ec: {  	_ =	swait.ge [sflag:s30], $0x800  }
0x1ed: {  	[sflag:s30] =	ssyncset.done $0x0  }
0x1ee: {  	[sflag:s30] =	ssyncadd.s32 $0xFFFFF800  }
0x1ef: {  	v2 =	vld [tilespmem:$0xC00];
	_ =	sdelay $0x7  }
0x1f0: {  	[tilespmem:v2+s9+$0x0] =	vst.idx.add.f32.msk $0xffff, v1  }
0x1f1: {  	v2 =	vld [tilespmem:$0xC10];
	_ =	sdelay $0x7  }
0x1f2: {  	[tilespmem:v2+s9+$0x0] =	vst.idx.add.f32.msk $0xffff, v1  }
0x1f3: {  	v2 =	vld [tilespmem:$0xC20];
	_ =	sdelay $0x7  }
0x1f4: {  	[tilespmem:v2+s9+$0x0] =	vst.idx.add.f32.msk $0xffff, v1  }
0x1f5: {  	v2 =	vld [tilespmem:$0xC30];
	_ =	sdelay $0x7  }
0x1f6: {  	[tilespmem:v2+s9+$0x0] =	vst.idx.add.f32.msk $0xffff, v1  }
0x1f7: {  	v2 =	vld [tilespmem:$0xC40];
	_ =	sdelay $0x7  }
0x1f8: {  	[tilespmem:v2+s9+$0x0] =	vst.idx.add.f32.msk $0xffff, v1  }
0x1f9: {  	v2 =	vld [tilespmem:$0xC50];
	_ =	sdelay $0x7  }
0x1fa: {  	[tilespmem:v2+s9+$0x0] =	vst.idx.add.f32.msk $0xffff, v1  }
0x1fb: {  	v2 =	vld [tilespmem:$0xC60];
	_ =	sdelay $0x7  }
0x1fc: {  	[tilespmem:v2+s9+$0x0] =	vst.idx.add.f32.msk $0xffff, v1  }
0x1fd: {  	v2 =	vld [tilespmem:$0xC70];
	_ =	sdelay $0x7  }
0x1fe: {  	[tilespmem:v2+s9+$0x0] =	vst.idx.add.f32.msk $0xffff, v1  }
0x1ff: {  	[tilespmem:s22], [sflag:$0x1] =	stream.indirect.gather [hbm4b:s4+s21], $0x10, s21, s21, $0xb8;
	[tilespmem:$0x1EFE0] =	vst v63  }
0x200: {  	_ =	swait.ge [sflag:s10], $0x800  }
0x201: {  	[sflag:s10] =	ssyncset.done $0x0  }
0x202: {  	s6 =	simm.s32 $0xC80;
	[sflag:s10] =	ssyncadd.s32 $0xFFFFF800  }
0x203: {  	[spmem:s1] =	stream.indirect.scatter.add.f32 [tilespmem:s22], [sflag:$0xD], $0x10, s6, s21, $0xb8;
	[tilespmem:$0x1EFE0] =	vst v63  }
0x204: {  	_ =	swait.ge [sflag:s30], $0x800  }
0x205: {  	[sflag:s30] =	ssyncset.done $0x0  }
0x206: {  	[sflag:s30] =	ssyncadd.s32 $0xFFFFF800  }
0x207: {  	v2 =	vld [tilespmem:$0xC80];
	_ =	sdelay $0x7  }
0x208: {  	[tilespmem:v2+s9+$0x0] =	vst.idx.add.f32.msk $0xffff, v1  }
0x209: {  	v2 =	vld [tilespmem:$0xC90];
	_ =	sdelay $0x7  }
0x20a: {  	[tilespmem:v2+s9+$0x0] =	vst.idx.add.f32.msk $0xffff, v1  }
0x20b: {  	v2 =	vld [tilespmem:$0xCA0];
	_ =	sdelay $0x7  }
0x20c: {  	[tilespmem:v2+s9+$0x0] =	vst.idx.add.f32.msk $0xffff, v1  }
0x20d: {  	v2 =	vld [tilespmem:$0xCB0];
	_ =	sdelay $0x7  }
0x20e: {  	[tilespmem:v2+s9+$0x0] =	vst.idx.add.f32.msk $0xffff, v1  }
0x20f: {  	v2 =	vld [tilespmem:$0xCC0];
	_ =	sdelay $0x7  }
0x210: {  	[tilespmem:v2+s9+$0x0] =	vst.idx.add.f32.msk $0xffff, v1  }
0x211: {  	v2 =	vld [tilespmem:$0xCD0];
	_ =	sdelay $0x7  }
0x212: {  	[tilespmem:v2+s9+$0x0] =	vst.idx.add.f32.msk $0xffff, v1  }
0x213: {  	v2 =	vld [tilespmem:$0xCE0];
	_ =	sdelay $0x7  }
0x214: {  	[tilespmem:v2+s9+$0x0] =	vst.idx.add.f32.msk $0xffff, v1  }
0x215: {  	v2 =	vld [tilespmem:$0xCF0];
	_ =	sdelay $0x7  }
0x216: {  	s3 =	simm.s32 $0x100;
	[tilespmem:v2+s9+$0x0] =	vst.idx.add.f32.msk $0xffff, v1  }
0x217: {  	[tilespmem:s22], [sflag:$0x1] =	stream.indirect.gather [hbm4b:s4+s21], $0x10, s3, s21, $0xb8;
	[tilespmem:$0x1EFE0] =	vst v63  }
0x218: {  	_ =	swait.ge [sflag:s10], $0x800  }
0x219: {  	[sflag:s10] =	ssyncset.done $0x0  }
0x21a: {  	s6 =	simm.s32 $0xD00;
	[sflag:s10] =	ssyncadd.s32 $0xFFFFF800  }
0x21b: {  	[spmem:s1] =	stream.indirect.scatter.add.f32 [tilespmem:s22], [sflag:$0xD], $0x10, s6, s21, $0xb8;
	[tilespmem:$0x1EFE0] =	vst v63  }
0x21c: {  	_ =	swait.ge [sflag:s30], $0x800  }
0x21d: {  	[sflag:s30] =	ssyncset.done $0x0  }
0x21e: {  	[sflag:s30] =	ssyncadd.s32 $0xFFFFF800  }
0x21f: {  	v2 =	vld [tilespmem:$0xD00];
	_ =	sdelay $0x7  }
0x220: {  	[tilespmem:v2+s9+$0x0] =	vst.idx.add.f32.msk $0xffff, v1  }
0x221: {  	v2 =	vld [tilespmem:$0xD10];
	_ =	sdelay $0x7  }
0x222: {  	[tilespmem:v2+s9+$0x0] =	vst.idx.add.f32.msk $0xffff, v1  }
0x223: {  	v2 =	vld [tilespmem:$0xD20];
	_ =	sdelay $0x7  }
0x224: {  	[tilespmem:v2+s9+$0x0] =	vst.idx.add.f32.msk $0xffff, v1  }
0x225: {  	v2 =	vld [tilespmem:$0xD30];
	_ =	sdelay $0x7  }
0x226: {  	[tilespmem:v2+s9+$0x0] =	vst.idx.add.f32.msk $0xffff, v1  }
0x227: {  	v2 =	vld [tilespmem:$0xD40];
	_ =	sdelay $0x7  }
0x228: {  	[tilespmem:v2+s9+$0x0] =	vst.idx.add.f32.msk $0xffff, v1  }
0x229: {  	v2 =	vld [tilespmem:$0xD50];
	_ =	sdelay $0x7  }
0x22a: {  	[tilespmem:v2+s9+$0x0] =	vst.idx.add.f32.msk $0xffff, v1  }
0x22b: {  	v2 =	vld [tilespmem:$0xD60];
	_ =	sdelay $0x7  }
0x22c: {  	[tilespmem:v2+s9+$0x0] =	vst.idx.add.f32.msk $0xffff, v1  }
0x22d: {  	v2 =	vld [tilespmem:$0xD70];
	_ =	sdelay $0x7  }
0x22e: {  	s3 =	simm.s32 $0x180;
	[tilespmem:v2+s9+$0x0] =	vst.idx.add.f32.msk $0xffff, v1  }
0x22f: {  	[tilespmem:s22], [sflag:$0x1] =	stream.indirect.gather [hbm4b:s4+s21], $0x10, s3, s21, $0xb8;
	[tilespmem:$0x1EFE0] =	vst v63  }
0x230: {  	_ =	swait.ge [sflag:s10], $0x800  }
0x231: {  	[sflag:s10] =	ssyncset.done $0x0  }
0x232: {  	s6 =	simm.s32 $0xD80;
	[sflag:s10] =	ssyncadd.s32 $0xFFFFF800  }
0x233: {  	[spmem:s1] =	stream.indirect.scatter.add.f32 [tilespmem:s22], [sflag:$0xD], $0x10, s6, s21, $0xb8;
	[tilespmem:$0x1EFE0] =	vst v63  }
0x234: {  	_ =	swait.ge [sflag:s30], $0x800  }
0x235: {  	[sflag:s30] =	ssyncset.done $0x0  }
0x236: {  	[sflag:s30] =	ssyncadd.s32 $0xFFFFF800  }
0x237: {  	v2 =	vld [tilespmem:$0xD80];
	_ =	sdelay $0x7  }
0x238: {  	[tilespmem:v2+s9+$0x0] =	vst.idx.add.f32.msk $0xffff, v1  }
0x239: {  	v2 =	vld [tilespmem:$0xD90];
	_ =	sdelay $0x7  }
0x23a: {  	[tilespmem:v2+s9+$0x0] =	vst.idx.add.f32.msk $0xffff, v1  }
0x23b: {  	v2 =	vld [tilespmem:$0xDA0];
	_ =	sdelay $0x7  }
0x23c: {  	[tilespmem:v2+s9+$0x0] =	vst.idx.add.f32.msk $0xffff, v1  }
0x23d: {  	v2 =	vld [tilespmem:$0xDB0];
	_ =	sdelay $0x7  }
0x23e: {  	[tilespmem:v2+s9+$0x0] =	vst.idx.add.f32.msk $0xffff, v1  }
0x23f: {  	v2 =	vld [tilespmem:$0xDC0];
	_ =	sdelay $0x7  }
0x240: {  	[tilespmem:v2+s9+$0x0] =	vst.idx.add.f32.msk $0xffff, v1  }
0x241: {  	v2 =	vld [tilespmem:$0xDD0];
	_ =	sdelay $0x7  }
0x242: {  	[tilespmem:v2+s9+$0x0] =	vst.idx.add.f32.msk $0xffff, v1  }
0x243: {  	v2 =	vld [tilespmem:$0xDE0];
	_ =	sdelay $0x7  }
0x244: {  	[tilespmem:v2+s9+$0x0] =	vst.idx.add.f32.msk $0xffff, v1  }
0x245: {  	v2 =	vld [tilespmem:$0xDF0];
	_ =	sdelay $0x3  }
.Ltmp10:
0x246: {  	_ = 	snop;
	(pc) =	sbr.rel .LBB2_16-.Ltmp10, $2  }
0x247: {  	_ =	sdelay $0x2  }
0x248: {  	s29 =	simm.s32 $0xC00;
	[tilespmem:v2+s9+$0x0] =	vst.idx.add.f32.msk $0xffff, v1  }
.LBB2_17:
0x249: {  	_ =	sfence.sel $0x180000  }
0x24a: {  	[bflag:$0x0] =	sbarrier.arrive $0xFFFF  }
0x24b: {  	_ =	strace $0x90000047  }
0x24c: {  	s0 =	stileid.u32;
	[bflag:$0x2] =	sbarrier.arrive $0xFFFF  }
0x24d: {  	p0 =	sne.s32 s0, $0x0;
	s0 =	rddreg [dreg:$0x2]  }
0x24e: {  	s0 =	sadd.s32 @!p0 $0x100000, s0  }
0x24f: {  	[sflag:s0] =	ssyncadd.tile.s32 @!p0 $0x1;
	_ =	shalt  }
.Lfunc_end2:
_tile_overlayer_lowered:
.L_overlay_start_2:
0x250: {  	(tag) =	ssettag $0x2  }
0x251: {  	s0 =	rddreg [dreg:$0x0];
	s2 =	stileid.u32  }
0x252: {  	s1 =	rddreg [dreg:$0x1];
	p0 =	sne.s32 s2, $0x0  }
0x253: {  	s3 =	rddreg [dreg:$0x2];
	[bflag:$0x3] =	sbarrier.arrive $0xFFFF;
	s2 =	simm.s32 @!p0 $0x1C0D  }
0x254: {  	[timem:s3], [sflag:s2] =	dma.local @!p0 [hbm:s0], s1  }
0x255: {  	s0 =	simm.s32 @!p0 $0xD  }
0x256: {  	_ =	swait.ge @!p0 [sflag:s0], s1  }
0x257: {  	s1 =	ssub.s32 @!p0 $0x0, s1;
	[sflag:s0] =	ssyncset.done @!p0 $0x0  }
0x258: {  	[sflag:s0] =	ssyncadd.s32 @!p0 s1  }
0x259: {  	[bflag:$0x3] =	sbarrier.arrive $0xFFFF  }
0x25a: {  	_ =	shalt  }

// kernel: kernel.9.cloned.1.call-start
scs
__scs_entry_jumppad:
0x0: {  	(pc) =	sbr.rel $0x88, $3  }
0x1: {  	(tag) =	ssettag $0x0;
	lr =	simm.s32 $0x1  }
0x2: {  	[smem:$0x3F98] =	sst lr;
	_ =	strace $0xD0000000  }
0x3: {  	_ = 	snop  }
0x4: {  	_ = 	snop  }
0x5: {  	_ = 	snop  }
0x6: {  	_ = 	snop  }
0x7: {  	_ = 	snop  }
__scs_overlays_trampoline_lowered:
0x8: {  	[smem:$0x3FA7] =	sst s0  }
0x9: {  	[smem:$0x3FA8] =	sst s1  }
0xa: {  	[smem:$0x3FA9] =	sst s2  }
0xb: {  	[smem:$0x3FAA] =	sst s3  }
0xc: {  	[smem:$0x3FAB] =	sst s4  }
0xd: {  	[smem:$0x3FAC] =	sst s5  }
0xe: {  	[smem:$0x3FAD] =	sst s6  }
0xf: {  	[smem:$0x3FAE] =	sst s7  }
0x10: {  	[smem:$0x3FAF] =	sst s8  }
0x11: {  	[smem:$0x3FB0] =	sst s9;
	s0 =	simm.s32 @!p0 $0x0  }
0x12: {  	s1 =	sld [smem:$0x3F96];
	s0 =	simm.s32 @p0 $0x1  }
0x13: {  	[smem:$0x3FB1] =	sst s0;
	s0 =	simm.s32 @!p1 $0x0  }
0x14: {  	s2 =	sld [smem:$0x3F95];
	s0 =	simm.s32 @p1 $0x1  }
0x15: {  	[smem:$0x3FB2] =	sst s0;
	s0 =	simm.s32 @!p2 $0x0  }
0x16: {  	s3 =	sld [smem:$0x3FDB];
	s0 =	simm.s32 @p2 $0x1  }
0x17: {  	s4 =	simm.s32 $0x1BF5;
	[smem:$0x3FB4] =	sst s0  }
0x18: {  	s0 =	sld [smem:$0x3F97];
	_ =	swait.ge [sflag:s4], $0x0  }
0x19: {  	s7 =	sld [smem:$0x3F98]  }
0x1a: {  	s8 =	sadd.s32 $0xFFFFE003, lr  }
0x1b: {  	s9 =	sadd.s32 $0xFFFFFEF7, lr;
	s5 =	simm.s32 $0xFFFFFFFF;
	p2 =	slt.u32 s8, $0xFFFFF086  }
0x1c: {  	p1 =	slt.u32 s9, $0xF7A;
	s5 =	simm.s32 @!p2 $0x0  }
0x1d: {  	s5 =	simm.s32 @p1 $0x1;
	p0 =	seq.s32 s7, s2  }
0x1e: {  	s7 =	smul.u32 @!p0 $0xF7A, s2;
	p2 =	seq.s32 @!p0 s5, $0x0  }
0x1f: {  	s9 =	smul.u32 $0xF7A, s1;
	s8 =	simm.s32 @!p0 $0x1BF5;
	p2 =	por !p2, p0  }
0x20: {  	[sflag:s8] =	ssyncset.s32 @!p0 $0xFFFFF086;
	s6 =	sadd.s32 @!p0 s3, s7;
	s7 =	simm.s32 @!p0 $0x108  }
0x21: {  	s3 =	sadd.s32 s3, s9;
	s6 =	sadd.s32 @!p0 $0x88, s6;
	s7 =	simm.s32 @p2 $0x1082  }
0x22: {  	[simem:s7], [sflag:s8] =	dma.local @!p0 [hbm:s6], $0xF7A  }
0x23: {  	s9 =	sor.u32 $0xD0000000, s2;
	s6 =	simm.s32 $0x108;
	_ =	swait.ge @!p0 [sflag:s8], $0x0  }
0x24: {  	s3 =	sadd.s32 $0x88, s3;
	s6 =	simm.s32 @!p1 $0x1082;
	[sflag:s4] =	ssyncset.s32 $0xFFFFF086  }
0x25: {  	[simem:s6], [sflag:s4] =	dma.local [hbm:s3], $0xF7A  }
0x26: {  	[smem:$0x3F98] =	sst s1;
	(tag) =	ssettag s2;
	_ =	strace s9  }
0x27: {  	s1 =	sld [smem:$0x3FA8]  }
0x28: {  	s2 =	sld [smem:$0x3FA9]  }
0x29: {  	s4 =	sld [smem:$0x3FAB]  }
0x2a: {  	p0 =	seq.s32 s5, $0x0;
	s5 =	sld [smem:$0x3FAC]  }
0x2b: {  	s6 =	sld [smem:$0x3FAD]  }
0x2c: {  	s7 =	sld [smem:$0x3FAE]  }
0x2d: {  	s3 =	simm.s32 $0x108;
	s8 =	sld [smem:$0x3FAF]  }
0x2e: {  	s3 =	simm.s32 @!p0 $0x1082;
	s9 =	sld [smem:$0x3FB0]  }
0x2f: {  	lr =	sadd.s32 s0, s3;
	s0 =	sld [smem:$0x3FA7]  }
0x30: {  	s3 =	sld [smem:$0x3FAA]  }
0x31: {  	[smem:$0x3FB3] =	sst s10  }
0x32: {  	s10 =	sld [smem:$0x3FB1];
	_ =	sdelay $0x3  }
0x33: {  	p0 =	seq.s32 s10, $0x1;
	s10 =	sld [smem:$0x3FB3];
	_ =	sdelay $0x3  }
0x34: {  	[smem:$0x3FB3] =	sst s10  }
0x35: {  	s10 =	sld [smem:$0x3FB2];
	_ =	sdelay $0x3  }
0x36: {  	p1 =	seq.s32 s10, $0x1;
	s10 =	sld [smem:$0x3FB3];
	_ =	sdelay $0x3  }
0x37: {  	[smem:$0x3FB3] =	sst s10  }
0x38: {  	s10 =	sld [smem:$0x3FB4]  }
0x39: {  	_ = 	snop;
	(pc) =	sbr.ind lr, $3  }
0x3a: {  	_ = 	snop  }
0x3b: {  	_ = 	snop  }
0x3c: {  	p2 =	seq.s32 s10, $0x1;
	s10 =	sld [smem:$0x3FB3]  }
0x3d: {  	_ =	shalt  }
0x3e: {  	_ =	shalt  }
0x3f: {  	_ =	shalt  }
0x40: {  	_ =	shalt  }
0x41: {  	_ =	shalt  }
0x42: {  	_ =	shalt  }
0x43: {  	_ =	shalt  }
0x44: {  	_ =	shalt  }
0x45: {  	_ =	shalt  }
0x46: {  	_ =	shalt  }
0x47: {  	_ =	shalt  }
0x48: {  	_ =	shalt  }
0x49: {  	_ =	shalt  }
0x4a: {  	_ =	shalt  }
0x4b: {  	_ =	shalt  }
0x4c: {  	_ =	shalt  }
0x4d: {  	_ =	shalt  }
0x4e: {  	_ =	shalt  }
0x4f: {  	_ =	shalt  }
0x50: {  	_ =	shalt  }
0x51: {  	_ =	shalt  }
0x52: {  	_ =	shalt  }
0x53: {  	_ =	shalt  }
0x54: {  	_ =	shalt  }
0x55: {  	_ =	shalt  }
0x56: {  	_ =	shalt  }
0x57: {  	_ =	shalt  }
0x58: {  	_ =	shalt  }
0x59: {  	_ =	shalt  }
0x5a: {  	_ =	shalt  }
0x5b: {  	_ =	shalt  }
0x5c: {  	_ =	shalt  }
0x5d: {  	_ =	shalt  }
0x5e: {  	_ =	shalt  }
0x5f: {  	_ =	shalt  }
0x60: {  	_ =	shalt  }
0x61: {  	_ =	shalt  }
0x62: {  	_ =	shalt  }
0x63: {  	_ =	shalt  }
0x64: {  	_ =	shalt  }
0x65: {  	_ =	shalt  }
0x66: {  	_ =	shalt  }
0x67: {  	_ =	shalt  }
0x68: {  	_ =	shalt  }
0x69: {  	_ =	shalt  }
0x6a: {  	_ =	shalt  }
0x6b: {  	_ =	shalt  }
0x6c: {  	_ =	shalt  }
0x6d: {  	_ =	shalt  }
0x6e: {  	_ =	shalt  }
0x6f: {  	_ =	shalt  }
0x70: {  	_ =	shalt  }
0x71: {  	_ =	shalt  }
0x72: {  	_ =	shalt  }
0x73: {  	_ =	shalt  }
0x74: {  	_ =	shalt  }
0x75: {  	_ =	shalt  }
0x76: {  	_ =	shalt  }
0x77: {  	_ =	shalt  }
0x78: {  	_ =	shalt  }
0x79: {  	_ =	shalt  }
0x7a: {  	_ =	shalt  }
0x7b: {  	_ =	shalt  }
0x7c: {  	_ =	shalt  }
0x7d: {  	_ =	shalt  }
0x7e: {  	_ =	shalt  }
0x7f: {  	_ =	shalt  }
0x80: {  	_ =	shalt  }
0x81: {  	_ =	shalt  }
0x82: {  	_ =	shalt  }
0x83: {  	_ =	shalt  }
0x84: {  	_ =	shalt  }
0x85: {  	_ =	shalt  }
0x86: {  	_ =	shalt  }
0x87: {  	_ =	shalt  }
.Lfunc_end0:
.L_simem_size_0:
called_computation.1_lowered:
.L_overlay_start_0:
0x88: {  	s2 =	sld [smem:$0x3FD9]  }
0x89: {  	s3 =	sld [smem:$0x3FFE];
	_ =	sdelay $0x1  }
0x8a: {  	s1 =	srdreg.scid  }
0x8b: {  	s0 =	sand.u32 $0x1, s1  }
0x8c: {  	s16 =	sshll.u32 s0, $0xA;
	s2 =	sadd.s32 s3, s2  }
0x8d: {  	s2 =	sadd.s32 s2, s16  }
0x8e: {  	[smem:$0x3FBF] =	sst s2  }
0x8f: {  	_ = 	snop  }
0x90: {  	(tm) =	ssettm $0x1  }
0x91: {  	s17 =	sld [smem:$0x3FFB];
	_ =	sdelay $0x3  }
0x92: {  	_ =	strace s17  }
0x93: {  	s2 =	sld [smem:$0x3FFC];
	_ =	sdelay $0x3  }
0x94: {  	_ =	strace s2  }
0x95: {  	s2 =	sld [smem:$0x3FFD];
	_ =	sdelay $0x3  }
0x96: {  	_ =	strace s2  }
0x97: {  	_ =	strace $0x8FFFFFFF  }
0x98: {  	s18 =	sld [smem:$0x3FDB];
	_ =	sdelay $0x1  }
0x99: {  	s19 =	simm.s32 $_scs_section_size  }
0x9a: {  	s4 =	simm.s32 $_size__tile_overlayer_lowered;
	s5 =	simm.s32 $_tile_overlayer_lowered  }
0x9b: {  	s22 =	simm.s32 $0x1BFF;
	s21 =	sshll.u32 s5, $0x1;
	s2 =	sadd.s32 s19, s18  }
0x9c: {  	s6 =	simm.s32 $0x0;
	s20 =	sshll.u32 s4, $0x1;
	s4 =	sadd.s32 s21, s2  }
0x9d: {  	[timem:s6], [sflag:s22] =	dma.local [hbm:s4], s20  }
0x9e: {  	_ =	swait.ge [sflag:s22], s20  }
0x9f: {  	s3 =	ssub.s32 $0x0, s20;
	[sflag:s22] =	ssyncset.done $0x0  }
0xa0: {  	[sflag:s22] =	ssyncadd.s32 s3;
	_ =	sdelay $0x1  }
0xa1: {  	s23 =	simm.s32 $0x1B8B  }
0xa2: {  	_ =	swait.ge [sflag:s23], $0x1  }
0xa3: {  	[sflag:s23] =	ssyncset.done $0x0  }
0xa4: {  	s25 =	simm.s32 $0x1B8E;
	s24 =	sld [smem:$0x3FFE];
	[sflag:s23] =	ssyncadd.s32 $0xFFFFFFFF  }
0xa5: {  	s26 =	simm.s32 $execute0_lowered;
	[smem:$0x3FD2] =	sst s25  }
0xa6: {  	s4 =	sshll.u32 s26, $0x1;
	_ =	strace $0x80000049;
	[dreg:$0x1] =	wrdreg $0xFFFFFFFF  }
0xa7: {  	s28 =	simm.s32 $_size_execute0_lowered;
	s2 =	sadd.s32 s2, s4;
	[dreg:$0x0] =	wrdreg $0x0  }
0xa8: {  	s4 =	sshll.u32 s28, $0x1;
	[dreg:$0x2] =	wrdreg s2  }
0xa9: {  	[dreg:$0x3] =	wrdreg s4  }
0xaa: {  	[dreg:$0x4] =	wrdreg $0xC0  }
0xab: {  	_ =	task [dreg:s6], $0x5FFFF  }
0xac: {  	[dreg:$0x1] =	wrdreg $0xFFFFFFFF  }
0xad: {  	[dreg:$0x0] =	wrdreg $0x60  }
0xae: {  	[dreg:$0x2] =	wrdreg s24  }
0xaf: {  	[dreg:$0x3] =	wrdreg $0x9  }
0xb0: {  	_ =	task.clear_ibuf [dreg:s6], $0x4FFFF;
	_ =	strace $0x90000049  }
0xb1: {  	s29 =	simm.s32 $0x9;
	_ =	strace $0x8000004B  }
0xb2: {  	_ =	swait.ge [sflag:s29], $0x1  }
0xb3: {  	[sflag:s29] =	ssyncadd.s32 $0xFFFFFFFF  }
0xb4: {  	_ =	strace $0x9000004B  }
0xb5: {  	_ =	sfence  }
0xb6: {  	s30 =	sld [smem:$0x0];
	_ =	sdelay $0x2  }
0xb7: {  	s31 =	sshll.u32 s1, $0xD;
	s1 =	sshrl.u32 s1, $0x2  }
0xb8: {  	s3 =	sand.u32 $0x4000, s31;
	s1 =	sadd.s32 s1, s30  }
0xb9: {  	s0 =	sor.u32 s3, s0;
	s1 =	sshll.u32 s1, $0x11  }
0xba: {  	s0 =	sor.u32 s1, s0  }
0xbb: {  	s0 =	sadd.s32 $0x8F2B, s0  }
0xbc: {  	[sflag:s0] =	ssyncadd.remote.s32 $0x1  }
0xbd: {  	_ =	sfence.sel $0xFFFF  }
0xbe: {  	[dreg:$0x0] =	wrdreg $0xFFFFFFFF;
	(pc) =	sbr.abs _section_cstart, $3  }
0xbf: {  	[dreg:$0x1] =	wrdreg $0xFFFFFFFF  }
0xc0: {  	_ =	task.clear_ibuf [dreg:s6], $0x2FFFF;
	_ =	strace $0x9FFFFFFF  }
0xc1: {  	(tm) =	ssettm $0x7FFFFFFF  }
tec
execute0_lowered:
.L_overlay_start_1:
0x0: {  	(tag) =	ssettag $0x1  }
0x1: {  	s10 =	rddreg [dreg:$0x0]  }
0x2: {  	s0 =	rddreg [dreg:$0x1];
	s3 =	srdreg.scid  }
0x3: {  	s1 =	stileid.u32;
	s2 =	simm.s32 $0x0;
	s13 =	simm.s32 $0x3000  }
0x4: {  	s14 =	simm.s32 $0x1;
	s15 =	simm.s32 $0x2;
	s16 =	simm.s32 $0x1800  }
0x5: {  	s17 =	simm.s32 $0xF380;
	s5 =	sand.u32 $0x1, s3;
	s30 =	sshll.u32 s1, $0x1  }
0x6: {  	[smem:$0x7FF] =	sst s2;
	s3 =	sadd.s32 $0x64800, s10;
	s4 =	sadd.s32 $0x2C00, s10  }
0x7: {  	s9 =	sadd.s32 $0x33900, s10;
	p0 =	sgt.u32 s1, $0xC;
	s18 =	sor.u32 s5, s30  }
0x8: {  	_ =	strace $0x8000004A;
	s5 =	ssub.s32 $0x2, s5;
	s6 =	smul.u32 $0x1870, s18  }
.Ltmp0:
0x9: {  	s31 =	sshrl.u32 s5, $0x1;
	s7 =	sshll.u32 s18, $0x7;
	(pc) =	sbr.rel .LBB2_1-.Ltmp0, $4  }
0xa: {  	p1 =	sne.s32 s18, $0x1A;
	s12 =	ssub.s32 s5, s31;
	s5 =	smul.u32 $0x180, s18  }
0xb: {  	s8 =	sadd.s32 s7, s4;
	s18 =	simm.s32 $0x0;
	s11 =	sadd.s32 s6, s10  }
0xc: {  	s6 =	sadd.s32 $0x33980, s10;
	s7 =	sadd.s32 $0x30000, s8;
	s8 =	sadd.s32 $0x60D80, s8  }
0xd: {  	v0 =	vimm.f32 $0.0e+00;
	s10 =	sadd.s32 $0x64680, s10;
	s12 =	smax.u32 s12, $0x1;
	s11 =	sadd.s32 $0x66200, s11  }
.LBB2_11:
0xe: {  	s18 =	sadd.s32 $0x1, s18  }
0xf: {  	p2 =	sne.s32 s18, s12  }
.Ltmp1:
0x10: {  	_ = 	snop;
	(pc) =	sbr.rel @!p2 .LBB2_12-.Ltmp1, $4  }
0x11: {  	[hbm4b:s11+s2] =	stream.linear.scatter [tilespmem:s17], [sflag:$0x2], $0xC350, $0x38;
	[tilespmem:$0x1B700] =	vst v63  }
0x12: {  	_ =	swait.ge [sflag:s15], $0xC350  }
0x13: {  	[sflag:s15] =	ssyncset.done $0x0  }
0x14: {  	[sflag:s15] =	ssyncadd.s32 $0xFFFF3CB0  }
.LBB2_1:
0x15: {  	[tilespmem:s13], [sflag:$0x1] =	stream.linear.gather [hbm4b:s3+s2], $0xC380, $0x38;
	[tilespmem:$0x1B700] =	vst v63  }
0x16: {  	s19 =	simm.s32 $0x0;
	s20 =	simm.s32 $0x200  }
.LBB2_2:
0x17: {  	p2 =	sne.s32 s20, $0x30A00;
	[tilespmem:s19+$0xF3F0] =	vst v0  }
0x18: {  	[tilespmem:s19+$0xF380] =	vst v0  }
0x19: {  	[tilespmem:s19+$0xF390] =	vst v0  }
.Ltmp2:
0x1a: {  	[tilespmem:s19+$0xF3A0] =	vst v0;
	(pc) =	sbr.rel @p2 .LBB2_2-.Ltmp2, $4  }
0x1b: {  	[tilespmem:s19+$0xF3B0] =	vst v0  }
0x1c: {  	[tilespmem:s19+$0xF3C0] =	vst v0  }
0x1d: {  	[tilespmem:s19+$0xF3D0] =	vst v0  }
0x1e: {  	[tilespmem:s19+$0xF3E0] =	vst v0;
	s19 =	sshra.s32 s20, $0x2;
	s20 =	sadd.s32 $0x200, s20  }
0x1f: {  	[tilespmem:s19+$0xF3F0] =	vst v0  }
0x20: {  	[tilespmem:s19+$0xF380] =	vst v0  }
0x21: {  	[tilespmem:s19+$0xF390] =	vst v0  }
0x22: {  	[tilespmem:s19+$0xF3A0] =	vst v0  }
0x23: {  	[tilespmem:s19+$0xF3B0] =	vst v0  }
0x24: {  	[tilespmem:s19+$0xF3C0] =	vst v0  }
0x25: {  	[tilespmem:s19+$0xF3D0] =	vst v0  }
0x26: {  	[tilespmem:s19+$0xF3E0] =	vst v0  }
0x27: {  	[tilespmem:$0x1B680] =	vst v0  }
0x28: {  	[tilespmem:$0x1B690] =	vst v0  }
0x29: {  	[tilespmem:$0x1B6A0] =	vst v0  }
0x2a: {  	[tilespmem:$0x1B6B0] =	vst v0  }
0x2b: {  	[tilespmem:$0x1B6C0] =	vst v0  }
0x2c: {  	[tilespmem:$0x1B6D0] =	vst v0  }
0x2d: {  	_ =	swait.ge [sflag:s14], $0xC380  }
0x2e: {  	[sflag:s14] =	ssyncset.done $0x0  }
0x2f: {  	s19 =	simm.s32 $0x0;
	s20 =	simm.s32 $0x0;
	[sflag:s14] =	ssyncadd.s32 $0xFFFF3C80  }
.LBB2_4:
0x30: {  	s21 =	smul.u32 $0x30, s20;
	_ =	sdelay $0x1  }
0x31: {  	s21 =	sadd.s32 s5, s21  }
0x32: {  	s21 =	sshll.u32 s21, $0x4  }
0x33: {  	s22 =	sadd.s32 s4, s21  }
0x34: {  	[tilespmem:s19], [sflag:$0x2] =	stream.linear.gather [hbm4b:s22+s19], $0x1800, $0x38;
	[tilespmem:$0x1B700] =	vst v63  }
0x35: {  	_ =	swait.ge [sflag:s15], $0x1800  }
0x36: {  	[sflag:s15] =	ssyncset.done $0x0  }
0x37: {  	s21 =	sadd.s32 s21, s6;
	[sflag:s15] =	ssyncadd.s32 $0xFFFFE800  }
0x38: {  	[tilespmem:s16], [sflag:$0x2] =	stream.linear.gather [hbm4b:s21+s19], $0x1800, $0x38;
	[tilespmem:$0x1B700] =	vst v63  }
0x39: {  	_ =	swait.ge [sflag:s15], $0x1800  }
0x3a: {  	[sflag:s15] =	ssyncset.done $0x0  }
0x3b: {  	s21 =	simm.s32 $0x0;
	[sflag:s15] =	ssyncadd.s32 $0xFFFFE800  }
.LBB2_5:
0x3c: {  	s22 =	sshra.s32 s21, $0x2  }
0x3d: {  	v1 =	vld [tilespmem:s22+$0x0];
	_ =	sdelay $0x4  }
0x3e: {  	v2 =	vld [tilespmem:s22+$0x1800];
	_ =	sdelay $0x2  }
0x3f: {  	v1 =	vld.idx.msk [tilespmem:v1+s13+$0x0], $0xffff;
	_ =	sdelay $0x4  }
0x40: {  	[tilespmem:v2+s17+$0x0] =	vst.idx.add.f32.msk $0xffff, v1  }
0x41: {  	v1 =	vld [tilespmem:s22+$0x10];
	_ =	sdelay $0x4  }
0x42: {  	v2 =	vld [tilespmem:s22+$0x1810];
	_ =	sdelay $0x2  }
0x43: {  	v1 =	vld.idx.msk [tilespmem:v1+s13+$0x0], $0xffff;
	_ =	sdelay $0x4  }
0x44: {  	[tilespmem:v2+s17+$0x0] =	vst.idx.add.f32.msk $0xffff, v1  }
0x45: {  	v1 =	vld [tilespmem:s22+$0x20];
	_ =	sdelay $0x4  }
0x46: {  	v2 =	vld [tilespmem:s22+$0x1820];
	_ =	sdelay $0x2  }
0x47: {  	v1 =	vld.idx.msk [tilespmem:v1+s13+$0x0], $0xffff;
	_ =	sdelay $0x4  }
0x48: {  	[tilespmem:v2+s17+$0x0] =	vst.idx.add.f32.msk $0xffff, v1  }
0x49: {  	v1 =	vld [tilespmem:s22+$0x30];
	_ =	sdelay $0x4  }
0x4a: {  	v2 =	vld [tilespmem:s22+$0x1830];
	_ =	sdelay $0x2  }
0x4b: {  	v1 =	vld.idx.msk [tilespmem:v1+s13+$0x0], $0xffff;
	_ =	sdelay $0x4  }
0x4c: {  	[tilespmem:v2+s17+$0x0] =	vst.idx.add.f32.msk $0xffff, v1  }
0x4d: {  	v1 =	vld [tilespmem:s22+$0x40];
	_ =	sdelay $0x4  }
0x4e: {  	v2 =	vld [tilespmem:s22+$0x1840];
	_ =	sdelay $0x2  }
0x4f: {  	v1 =	vld.idx.msk [tilespmem:v1+s13+$0x0], $0xffff;
	_ =	sdelay $0x4  }
0x50: {  	[tilespmem:v2+s17+$0x0] =	vst.idx.add.f32.msk $0xffff, v1  }
0x51: {  	v1 =	vld [tilespmem:s22+$0x50];
	_ =	sdelay $0x4  }
0x52: {  	v2 =	vld [tilespmem:s22+$0x1850];
	_ =	sdelay $0x2  }
0x53: {  	v1 =	vld.idx.msk [tilespmem:v1+s13+$0x0], $0xffff;
	_ =	sdelay $0x4  }
0x54: {  	[tilespmem:v2+s17+$0x0] =	vst.idx.add.f32.msk $0xffff, v1  }
0x55: {  	v1 =	vld [tilespmem:s22+$0x60];
	_ =	sdelay $0x4  }
0x56: {  	v2 =	vld [tilespmem:s22+$0x1860];
	_ =	sdelay $0x2  }
0x57: {  	v1 =	vld.idx.msk [tilespmem:v1+s13+$0x0], $0xffff;
	_ =	sdelay $0x4  }
0x58: {  	[tilespmem:v2+s17+$0x0] =	vst.idx.add.f32.msk $0xffff, v1  }
0x59: {  	v1 =	vld [tilespmem:s22+$0x70];
	_ =	sdelay $0x4  }
0x5a: {  	v2 =	vld [tilespmem:s22+$0x1870];
	_ =	sdelay $0x2  }
0x5b: {  	p2 =	sne.s32 s21, $0x5E00;
	v1 =	vld.idx.msk [tilespmem:v1+s13+$0x0], $0xffff  }
.Ltmp3:
0x5c: {  	_ = 	snop;
	(pc) =	sbr.rel @p2 .LBB2_5-.Ltmp3, $2  }
0x5d: {  	_ =	sdelay $0x2  }
0x5e: {  	s21 =	sadd.s32 $0x200, s21;
	[tilespmem:v2+s17+$0x0] =	vst.idx.add.f32.msk $0xffff, v1  }
0x5f: {  	s20 =	sadd.s32 $0x1, s20  }
0x60: {  	p2 =	sne.s32 s20, $0x8  }
.Ltmp4:
0x61: {  	_ = 	snop;
	(pc) =	sbr.rel @p2 .LBB2_4-.Ltmp4, $1  }
0x62: {  	_ =	sdelay $0x3  }
.Ltmp5:
0x63: {  	(pc) =	sbr.rel @p0 .LBB2_9-.Ltmp5, $1  }
0x64: {  	_ =	sdelay $0x3  }
0x65: {  	[tilespmem:s2], [sflag:$0x2] =	stream.linear.gather [hbm4b:s7+s2], $0x400, $0x38;
	[tilespmem:$0x1B700] =	vst v63  }
0x66: {  	_ =	swait.ge [sflag:s15], $0x400  }
0x67: {  	[sflag:s15] =	ssyncset.done $0x0  }
0x68: {  	[sflag:s15] =	ssyncadd.s32 $0xFFFFFC00  }
0x69: {  	[tilespmem:s16], [sflag:$0x2] =	stream.linear.gather [hbm4b:s8+s2], $0x400, $0x38;
	[tilespmem:$0x1B700] =	vst v63  }
0x6a: {  	_ =	swait.ge [sflag:s15], $0x400  }
0x6b: {  	[sflag:s15] =	ssyncset.done $0x0  }
0x6c: {  	[sflag:s15] =	ssyncadd.s32 $0xFFFFFC00  }
0x6d: {  	v1 =	vld [tilespmem:$0x0];
	_ =	sdelay $0x4  }
0x6e: {  	v2 =	vld [tilespmem:$0x1800];
	_ =	sdelay $0x2  }
0x6f: {  	v1 =	vld.idx.msk [tilespmem:v1+s13+$0x0], $0xffff;
	_ =	sdelay $0x4  }
0x70: {  	[tilespmem:v2+s17+$0x0] =	vst.idx.add.f32.msk $0xffff, v1  }
0x71: {  	v1 =	vld [tilespmem:$0x10];
	_ =	sdelay $0x4  }
0x72: {  	v2 =	vld [tilespmem:$0x1810];
	_ =	sdelay $0x2  }
0x73: {  	v1 =	vld.idx.msk [tilespmem:v1+s13+$0x0], $0xffff;
	_ =	sdelay $0x4  }
0x74: {  	[tilespmem:v2+s17+$0x0] =	vst.idx.add.f32.msk $0xffff, v1  }
0x75: {  	v1 =	vld [tilespmem:$0x20];
	_ =	sdelay $0x4  }
0x76: {  	v2 =	vld [tilespmem:$0x1820];
	_ =	sdelay $0x2  }
0x77: {  	v1 =	vld.idx.msk [tilespmem:v1+s13+$0x0], $0xffff;
	_ =	sdelay $0x4  }
0x78: {  	[tilespmem:v2+s17+$0x0] =	vst.idx.add.f32.msk $0xffff, v1  }
0x79: {  	v1 =	vld [tilespmem:$0x30];
	_ =	sdelay $0x4  }
0x7a: {  	v2 =	vld [tilespmem:$0x1830];
	_ =	sdelay $0x2  }
0x7b: {  	v1 =	vld.idx.msk [tilespmem:v1+s13+$0x0], $0xffff;
	_ =	sdelay $0x4  }
0x7c: {  	[tilespmem:v2+s17+$0x0] =	vst.idx.add.f32.msk $0xffff, v1  }
0x7d: {  	v1 =	vld [tilespmem:$0x40];
	_ =	sdelay $0x4  }
0x7e: {  	v2 =	vld [tilespmem:$0x1840];
	_ =	sdelay $0x2  }
0x7f: {  	v1 =	vld.idx.msk [tilespmem:v1+s13+$0x0], $0xffff;
	_ =	sdelay $0x4  }
0x80: {  	[tilespmem:v2+s17+$0x0] =	vst.idx.add.f32.msk $0xffff, v1  }
0x81: {  	v1 =	vld [tilespmem:$0x50];
	_ =	sdelay $0x4  }
0x82: {  	v2 =	vld [tilespmem:$0x1850];
	_ =	sdelay $0x2  }
0x83: {  	v1 =	vld.idx.msk [tilespmem:v1+s13+$0x0], $0xffff;
	_ =	sdelay $0x4  }
0x84: {  	[tilespmem:v2+s17+$0x0] =	vst.idx.add.f32.msk $0xffff, v1  }
0x85: {  	v1 =	vld [tilespmem:$0x60];
	_ =	sdelay $0x4  }
0x86: {  	v2 =	vld [tilespmem:$0x1860];
	_ =	sdelay $0x2  }
0x87: {  	v1 =	vld.idx.msk [tilespmem:v1+s13+$0x0], $0xffff;
	_ =	sdelay $0x4  }
0x88: {  	[tilespmem:v2+s17+$0x0] =	vst.idx.add.f32.msk $0xffff, v1  }
0x89: {  	v1 =	vld [tilespmem:$0x70];
	_ =	sdelay $0x4  }
0x8a: {  	v2 =	vld [tilespmem:$0x1870];
	_ =	sdelay $0x2  }
0x8b: {  	v1 =	vld.idx.msk [tilespmem:v1+s13+$0x0], $0xffff;
	_ =	sdelay $0x4  }
0x8c: {  	[tilespmem:v2+s17+$0x0] =	vst.idx.add.f32.msk $0xffff, v1  }
0x8d: {  	v1 =	vld [tilespmem:$0x80];
	_ =	sdelay $0x4  }
0x8e: {  	v2 =	vld [tilespmem:$0x1880];
	_ =	sdelay $0x2  }
0x8f: {  	v1 =	vld.idx.msk [tilespmem:v1+s13+$0x0], $0xffff;
	_ =	sdelay $0x4  }
0x90: {  	[tilespmem:v2+s17+$0x0] =	vst.idx.add.f32.msk $0xffff, v1  }
0x91: {  	v1 =	vld [tilespmem:$0x90];
	_ =	sdelay $0x4  }
0x92: {  	v2 =	vld [tilespmem:$0x1890];
	_ =	sdelay $0x2  }
0x93: {  	v1 =	vld.idx.msk [tilespmem:v1+s13+$0x0], $0xffff;
	_ =	sdelay $0x4  }
0x94: {  	[tilespmem:v2+s17+$0x0] =	vst.idx.add.f32.msk $0xffff, v1  }
0x95: {  	v1 =	vld [tilespmem:$0xA0];
	_ =	sdelay $0x4  }
0x96: {  	v2 =	vld [tilespmem:$0x18A0];
	_ =	sdelay $0x2  }
0x97: {  	v1 =	vld.idx.msk [tilespmem:v1+s13+$0x0], $0xffff;
	_ =	sdelay $0x4  }
0x98: {  	[tilespmem:v2+s17+$0x0] =	vst.idx.add.f32.msk $0xffff, v1  }
0x99: {  	v1 =	vld [tilespmem:$0xB0];
	_ =	sdelay $0x4  }
0x9a: {  	v2 =	vld [tilespmem:$0x18B0];
	_ =	sdelay $0x2  }
0x9b: {  	v1 =	vld.idx.msk [tilespmem:v1+s13+$0x0], $0xffff;
	_ =	sdelay $0x4  }
0x9c: {  	[tilespmem:v2+s17+$0x0] =	vst.idx.add.f32.msk $0xffff, v1  }
0x9d: {  	v1 =	vld [tilespmem:$0xC0];
	_ =	sdelay $0x4  }
0x9e: {  	v2 =	vld [tilespmem:$0x18C0];
	_ =	sdelay $0x2  }
0x9f: {  	v1 =	vld.idx.msk [tilespmem:v1+s13+$0x0], $0xffff;
	_ =	sdelay $0x4  }
0xa0: {  	[tilespmem:v2+s17+$0x0] =	vst.idx.add.f32.msk $0xffff, v1  }
0xa1: {  	v1 =	vld [tilespmem:$0xD0];
	_ =	sdelay $0x4  }
0xa2: {  	v2 =	vld [tilespmem:$0x18D0];
	_ =	sdelay $0x2  }
0xa3: {  	v1 =	vld.idx.msk [tilespmem:v1+s13+$0x0], $0xffff;
	_ =	sdelay $0x4  }
0xa4: {  	[tilespmem:v2+s17+$0x0] =	vst.idx.add.f32.msk $0xffff, v1  }
0xa5: {  	v1 =	vld [tilespmem:$0xE0];
	_ =	sdelay $0x4  }
0xa6: {  	v2 =	vld [tilespmem:$0x18E0];
	_ =	sdelay $0x2  }
0xa7: {  	v1 =	vld.idx.msk [tilespmem:v1+s13+$0x0], $0xffff;
	_ =	sdelay $0x4  }
0xa8: {  	[tilespmem:v2+s17+$0x0] =	vst.idx.add.f32.msk $0xffff, v1  }
0xa9: {  	v1 =	vld [tilespmem:$0xF0];
	_ =	sdelay $0x4  }
0xaa: {  	v2 =	vld [tilespmem:$0x18F0];
	_ =	sdelay $0x2  }
0xab: {  	v1 =	vld.idx.msk [tilespmem:v1+s13+$0x0], $0xffff;
	_ =	sdelay $0x4  }
0xac: {  	[tilespmem:v2+s17+$0x0] =	vst.idx.add.f32.msk $0xffff, v1  }
0xad: {  	v1 =	vld [tilespmem:$0x100];
	_ =	sdelay $0x4  }
0xae: {  	v2 =	vld [tilespmem:$0x1900];
	_ =	sdelay $0x2  }
0xaf: {  	v1 =	vld.idx.msk [tilespmem:v1+s13+$0x0], $0xffff;
	_ =	sdelay $0x4  }
0xb0: {  	[tilespmem:v2+s17+$0x0] =	vst.idx.add.f32.msk $0xffff, v1  }
0xb1: {  	v1 =	vld [tilespmem:$0x110];
	_ =	sdelay $0x4  }
0xb2: {  	v2 =	vld [tilespmem:$0x1910];
	_ =	sdelay $0x2  }
0xb3: {  	v1 =	vld.idx.msk [tilespmem:v1+s13+$0x0], $0xffff;
	_ =	sdelay $0x4  }
0xb4: {  	[tilespmem:v2+s17+$0x0] =	vst.idx.add.f32.msk $0xffff, v1  }
0xb5: {  	v1 =	vld [tilespmem:$0x120];
	_ =	sdelay $0x4  }
0xb6: {  	v2 =	vld [tilespmem:$0x1920];
	_ =	sdelay $0x2  }
0xb7: {  	v1 =	vld.idx.msk [tilespmem:v1+s13+$0x0], $0xffff;
	_ =	sdelay $0x4  }
0xb8: {  	[tilespmem:v2+s17+$0x0] =	vst.idx.add.f32.msk $0xffff, v1  }
0xb9: {  	v1 =	vld [tilespmem:$0x130];
	_ =	sdelay $0x4  }
0xba: {  	v2 =	vld [tilespmem:$0x1930];
	_ =	sdelay $0x2  }
0xbb: {  	v1 =	vld.idx.msk [tilespmem:v1+s13+$0x0], $0xffff;
	_ =	sdelay $0x4  }
0xbc: {  	[tilespmem:v2+s17+$0x0] =	vst.idx.add.f32.msk $0xffff, v1  }
0xbd: {  	v1 =	vld [tilespmem:$0x140];
	_ =	sdelay $0x4  }
0xbe: {  	v2 =	vld [tilespmem:$0x1940];
	_ =	sdelay $0x2  }
0xbf: {  	v1 =	vld.idx.msk [tilespmem:v1+s13+$0x0], $0xffff;
	_ =	sdelay $0x4  }
0xc0: {  	[tilespmem:v2+s17+$0x0] =	vst.idx.add.f32.msk $0xffff, v1  }
0xc1: {  	v1 =	vld [tilespmem:$0x150];
	_ =	sdelay $0x4  }
0xc2: {  	v2 =	vld [tilespmem:$0x1950];
	_ =	sdelay $0x2  }
0xc3: {  	v1 =	vld.idx.msk [tilespmem:v1+s13+$0x0], $0xffff;
	_ =	sdelay $0x4  }
0xc4: {  	[tilespmem:v2+s17+$0x0] =	vst.idx.add.f32.msk $0xffff, v1  }
0xc5: {  	v1 =	vld [tilespmem:$0x160];
	_ =	sdelay $0x4  }
0xc6: {  	v2 =	vld [tilespmem:$0x1960];
	_ =	sdelay $0x2  }
0xc7: {  	v1 =	vld.idx.msk [tilespmem:v1+s13+$0x0], $0xffff;
	_ =	sdelay $0x4  }
0xc8: {  	[tilespmem:v2+s17+$0x0] =	vst.idx.add.f32.msk $0xffff, v1  }
0xc9: {  	v1 =	vld [tilespmem:$0x170];
	_ =	sdelay $0x4  }
0xca: {  	v2 =	vld [tilespmem:$0x1970];
	_ =	sdelay $0x2  }
0xcb: {  	v1 =	vld.idx.msk [tilespmem:v1+s13+$0x0], $0xffff;
	_ =	sdelay $0x4  }
0xcc: {  	[tilespmem:v2+s17+$0x0] =	vst.idx.add.f32.msk $0xffff, v1  }
0xcd: {  	v1 =	vld [tilespmem:$0x180];
	_ =	sdelay $0x4  }
0xce: {  	v2 =	vld [tilespmem:$0x1980];
	_ =	sdelay $0x2  }
0xcf: {  	v1 =	vld.idx.msk [tilespmem:v1+s13+$0x0], $0xffff;
	_ =	sdelay $0x4  }
0xd0: {  	[tilespmem:v2+s17+$0x0] =	vst.idx.add.f32.msk $0xffff, v1  }
0xd1: {  	v1 =	vld [tilespmem:$0x190];
	_ =	sdelay $0x4  }
0xd2: {  	v2 =	vld [tilespmem:$0x1990];
	_ =	sdelay $0x2  }
0xd3: {  	v1 =	vld.idx.msk [tilespmem:v1+s13+$0x0], $0xffff;
	_ =	sdelay $0x4  }
0xd4: {  	[tilespmem:v2+s17+$0x0] =	vst.idx.add.f32.msk $0xffff, v1  }
0xd5: {  	v1 =	vld [tilespmem:$0x1A0];
	_ =	sdelay $0x4  }
0xd6: {  	v2 =	vld [tilespmem:$0x19A0];
	_ =	sdelay $0x2  }
0xd7: {  	v1 =	vld.idx.msk [tilespmem:v1+s13+$0x0], $0xffff;
	_ =	sdelay $0x4  }
0xd8: {  	[tilespmem:v2+s17+$0x0] =	vst.idx.add.f32.msk $0xffff, v1  }
0xd9: {  	v1 =	vld [tilespmem:$0x1B0];
	_ =	sdelay $0x4  }
0xda: {  	v2 =	vld [tilespmem:$0x19B0];
	_ =	sdelay $0x2  }
0xdb: {  	v1 =	vld.idx.msk [tilespmem:v1+s13+$0x0], $0xffff;
	_ =	sdelay $0x4  }
0xdc: {  	[tilespmem:v2+s17+$0x0] =	vst.idx.add.f32.msk $0xffff, v1  }
0xdd: {  	v1 =	vld [tilespmem:$0x1C0];
	_ =	sdelay $0x4  }
0xde: {  	v2 =	vld [tilespmem:$0x19C0];
	_ =	sdelay $0x2  }
0xdf: {  	v1 =	vld.idx.msk [tilespmem:v1+s13+$0x0], $0xffff;
	_ =	sdelay $0x4  }
0xe0: {  	[tilespmem:v2+s17+$0x0] =	vst.idx.add.f32.msk $0xffff, v1  }
0xe1: {  	v1 =	vld [tilespmem:$0x1D0];
	_ =	sdelay $0x4  }
0xe2: {  	v2 =	vld [tilespmem:$0x19D0];
	_ =	sdelay $0x2  }
0xe3: {  	v1 =	vld.idx.msk [tilespmem:v1+s13+$0x0], $0xffff;
	_ =	sdelay $0x4  }
0xe4: {  	[tilespmem:v2+s17+$0x0] =	vst.idx.add.f32.msk $0xffff, v1  }
0xe5: {  	v1 =	vld [tilespmem:$0x1E0];
	_ =	sdelay $0x4  }
0xe6: {  	v2 =	vld [tilespmem:$0x19E0];
	_ =	sdelay $0x2  }
0xe7: {  	v1 =	vld.idx.msk [tilespmem:v1+s13+$0x0], $0xffff;
	_ =	sdelay $0x4  }
0xe8: {  	[tilespmem:v2+s17+$0x0] =	vst.idx.add.f32.msk $0xffff, v1  }
0xe9: {  	v1 =	vld [tilespmem:$0x1F0];
	_ =	sdelay $0x4  }
0xea: {  	v2 =	vld [tilespmem:$0x19F0];
	_ =	sdelay $0x2  }
0xeb: {  	v1 =	vld.idx.msk [tilespmem:v1+s13+$0x0], $0xffff;
	_ =	sdelay $0x4  }
0xec: {  	[tilespmem:v2+s17+$0x0] =	vst.idx.add.f32.msk $0xffff, v1  }
0xed: {  	v1 =	vld [tilespmem:$0x200];
	_ =	sdelay $0x4  }
0xee: {  	v2 =	vld [tilespmem:$0x1A00];
	_ =	sdelay $0x2  }
0xef: {  	v1 =	vld.idx.msk [tilespmem:v1+s13+$0x0], $0xffff;
	_ =	sdelay $0x4  }
0xf0: {  	[tilespmem:v2+s17+$0x0] =	vst.idx.add.f32.msk $0xffff, v1  }
0xf1: {  	v1 =	vld [tilespmem:$0x210];
	_ =	sdelay $0x4  }
0xf2: {  	v2 =	vld [tilespmem:$0x1A10];
	_ =	sdelay $0x2  }
0xf3: {  	v1 =	vld.idx.msk [tilespmem:v1+s13+$0x0], $0xffff;
	_ =	sdelay $0x4  }
0xf4: {  	[tilespmem:v2+s17+$0x0] =	vst.idx.add.f32.msk $0xffff, v1  }
0xf5: {  	v1 =	vld [tilespmem:$0x220];
	_ =	sdelay $0x4  }
0xf6: {  	v2 =	vld [tilespmem:$0x1A20];
	_ =	sdelay $0x2  }
0xf7: {  	v1 =	vld.idx.msk [tilespmem:v1+s13+$0x0], $0xffff;
	_ =	sdelay $0x4  }
0xf8: {  	[tilespmem:v2+s17+$0x0] =	vst.idx.add.f32.msk $0xffff, v1  }
0xf9: {  	v1 =	vld [tilespmem:$0x230];
	_ =	sdelay $0x4  }
0xfa: {  	v2 =	vld [tilespmem:$0x1A30];
	_ =	sdelay $0x2  }
0xfb: {  	v1 =	vld.idx.msk [tilespmem:v1+s13+$0x0], $0xffff;
	_ =	sdelay $0x4  }
0xfc: {  	[tilespmem:v2+s17+$0x0] =	vst.idx.add.f32.msk $0xffff, v1  }
0xfd: {  	v1 =	vld [tilespmem:$0x240];
	_ =	sdelay $0x4  }
0xfe: {  	v2 =	vld [tilespmem:$0x1A40];
	_ =	sdelay $0x2  }
0xff: {  	v1 =	vld.idx.msk [tilespmem:v1+s13+$0x0], $0xffff;
	_ =	sdelay $0x4  }
0x100: {  	[tilespmem:v2+s17+$0x0] =	vst.idx.add.f32.msk $0xffff, v1  }
0x101: {  	v1 =	vld [tilespmem:$0x250];
	_ =	sdelay $0x4  }
0x102: {  	v2 =	vld [tilespmem:$0x1A50];
	_ =	sdelay $0x2  }
0x103: {  	v1 =	vld.idx.msk [tilespmem:v1+s13+$0x0], $0xffff;
	_ =	sdelay $0x4  }
0x104: {  	[tilespmem:v2+s17+$0x0] =	vst.idx.add.f32.msk $0xffff, v1  }
0x105: {  	v1 =	vld [tilespmem:$0x260];
	_ =	sdelay $0x4  }
0x106: {  	v2 =	vld [tilespmem:$0x1A60];
	_ =	sdelay $0x2  }
0x107: {  	v1 =	vld.idx.msk [tilespmem:v1+s13+$0x0], $0xffff;
	_ =	sdelay $0x4  }
0x108: {  	[tilespmem:v2+s17+$0x0] =	vst.idx.add.f32.msk $0xffff, v1  }
0x109: {  	v1 =	vld [tilespmem:$0x270];
	_ =	sdelay $0x4  }
0x10a: {  	v2 =	vld [tilespmem:$0x1A70];
	_ =	sdelay $0x2  }
0x10b: {  	v1 =	vld.idx.msk [tilespmem:v1+s13+$0x0], $0xffff;
	_ =	sdelay $0x4  }
0x10c: {  	[tilespmem:v2+s17+$0x0] =	vst.idx.add.f32.msk $0xffff, v1  }
0x10d: {  	v1 =	vld [tilespmem:$0x280];
	_ =	sdelay $0x4  }
0x10e: {  	v2 =	vld [tilespmem:$0x1A80];
	_ =	sdelay $0x2  }
0x10f: {  	v1 =	vld.idx.msk [tilespmem:v1+s13+$0x0], $0xffff;
	_ =	sdelay $0x4  }
0x110: {  	[tilespmem:v2+s17+$0x0] =	vst.idx.add.f32.msk $0xffff, v1  }
0x111: {  	v1 =	vld [tilespmem:$0x290];
	_ =	sdelay $0x4  }
0x112: {  	v2 =	vld [tilespmem:$0x1A90];
	_ =	sdelay $0x2  }
0x113: {  	v1 =	vld.idx.msk [tilespmem:v1+s13+$0x0], $0xffff;
	_ =	sdelay $0x4  }
0x114: {  	[tilespmem:v2+s17+$0x0] =	vst.idx.add.f32.msk $0xffff, v1  }
0x115: {  	v1 =	vld [tilespmem:$0x2A0];
	_ =	sdelay $0x4  }
0x116: {  	v2 =	vld [tilespmem:$0x1AA0];
	_ =	sdelay $0x2  }
0x117: {  	v1 =	vld.idx.msk [tilespmem:v1+s13+$0x0], $0xffff;
	_ =	sdelay $0x4  }
0x118: {  	[tilespmem:v2+s17+$0x0] =	vst.idx.add.f32.msk $0xffff, v1  }
0x119: {  	v1 =	vld [tilespmem:$0x2B0];
	_ =	sdelay $0x4  }
0x11a: {  	v2 =	vld [tilespmem:$0x1AB0];
	_ =	sdelay $0x2  }
0x11b: {  	v1 =	vld.idx.msk [tilespmem:v1+s13+$0x0], $0xffff;
	_ =	sdelay $0x4  }
0x11c: {  	[tilespmem:v2+s17+$0x0] =	vst.idx.add.f32.msk $0xffff, v1  }
0x11d: {  	v1 =	vld [tilespmem:$0x2C0];
	_ =	sdelay $0x4  }
0x11e: {  	v2 =	vld [tilespmem:$0x1AC0];
	_ =	sdelay $0x2  }
0x11f: {  	v1 =	vld.idx.msk [tilespmem:v1+s13+$0x0], $0xffff;
	_ =	sdelay $0x4  }
0x120: {  	[tilespmem:v2+s17+$0x0] =	vst.idx.add.f32.msk $0xffff, v1  }
0x121: {  	v1 =	vld [tilespmem:$0x2D0];
	_ =	sdelay $0x4  }
0x122: {  	v2 =	vld [tilespmem:$0x1AD0];
	_ =	sdelay $0x2  }
0x123: {  	v1 =	vld.idx.msk [tilespmem:v1+s13+$0x0], $0xffff;
	_ =	sdelay $0x4  }
0x124: {  	[tilespmem:v2+s17+$0x0] =	vst.idx.add.f32.msk $0xffff, v1  }
0x125: {  	v1 =	vld [tilespmem:$0x2E0];
	_ =	sdelay $0x4  }
0x126: {  	v2 =	vld [tilespmem:$0x1AE0];
	_ =	sdelay $0x2  }
0x127: {  	v1 =	vld.idx.msk [tilespmem:v1+s13+$0x0], $0xffff;
	_ =	sdelay $0x4  }
0x128: {  	[tilespmem:v2+s17+$0x0] =	vst.idx.add.f32.msk $0xffff, v1  }
0x129: {  	v1 =	vld [tilespmem:$0x2F0];
	_ =	sdelay $0x4  }
0x12a: {  	v2 =	vld [tilespmem:$0x1AF0];
	_ =	sdelay $0x2  }
0x12b: {  	v1 =	vld.idx.msk [tilespmem:v1+s13+$0x0], $0xffff;
	_ =	sdelay $0x4  }
0x12c: {  	[tilespmem:v2+s17+$0x0] =	vst.idx.add.f32.msk $0xffff, v1  }
0x12d: {  	v1 =	vld [tilespmem:$0x300];
	_ =	sdelay $0x4  }
0x12e: {  	v2 =	vld [tilespmem:$0x1B00];
	_ =	sdelay $0x2  }
0x12f: {  	v1 =	vld.idx.msk [tilespmem:v1+s13+$0x0], $0xffff;
	_ =	sdelay $0x4  }
0x130: {  	[tilespmem:v2+s17+$0x0] =	vst.idx.add.f32.msk $0xffff, v1  }
0x131: {  	v1 =	vld [tilespmem:$0x310];
	_ =	sdelay $0x4  }
0x132: {  	v2 =	vld [tilespmem:$0x1B10];
	_ =	sdelay $0x2  }
0x133: {  	v1 =	vld.idx.msk [tilespmem:v1+s13+$0x0], $0xffff;
	_ =	sdelay $0x4  }
0x134: {  	[tilespmem:v2+s17+$0x0] =	vst.idx.add.f32.msk $0xffff, v1  }
0x135: {  	v1 =	vld [tilespmem:$0x320];
	_ =	sdelay $0x4  }
0x136: {  	v2 =	vld [tilespmem:$0x1B20];
	_ =	sdelay $0x2  }
0x137: {  	v1 =	vld.idx.msk [tilespmem:v1+s13+$0x0], $0xffff;
	_ =	sdelay $0x4  }
0x138: {  	[tilespmem:v2+s17+$0x0] =	vst.idx.add.f32.msk $0xffff, v1  }
0x139: {  	v1 =	vld [tilespmem:$0x330];
	_ =	sdelay $0x4  }
0x13a: {  	v2 =	vld [tilespmem:$0x1B30];
	_ =	sdelay $0x2  }
0x13b: {  	v1 =	vld.idx.msk [tilespmem:v1+s13+$0x0], $0xffff;
	_ =	sdelay $0x4  }
0x13c: {  	[tilespmem:v2+s17+$0x0] =	vst.idx.add.f32.msk $0xffff, v1  }
0x13d: {  	v1 =	vld [tilespmem:$0x340];
	_ =	sdelay $0x4  }
0x13e: {  	v2 =	vld [tilespmem:$0x1B40];
	_ =	sdelay $0x2  }
0x13f: {  	v1 =	vld.idx.msk [tilespmem:v1+s13+$0x0], $0xffff;
	_ =	sdelay $0x4  }
0x140: {  	[tilespmem:v2+s17+$0x0] =	vst.idx.add.f32.msk $0xffff, v1  }
0x141: {  	v1 =	vld [tilespmem:$0x350];
	_ =	sdelay $0x4  }
0x142: {  	v2 =	vld [tilespmem:$0x1B50];
	_ =	sdelay $0x2  }
0x143: {  	v1 =	vld.idx.msk [tilespmem:v1+s13+$0x0], $0xffff;
	_ =	sdelay $0x4  }
0x144: {  	[tilespmem:v2+s17+$0x0] =	vst.idx.add.f32.msk $0xffff, v1  }
0x145: {  	v1 =	vld [tilespmem:$0x360];
	_ =	sdelay $0x4  }
0x146: {  	v2 =	vld [tilespmem:$0x1B60];
	_ =	sdelay $0x2  }
0x147: {  	v1 =	vld.idx.msk [tilespmem:v1+s13+$0x0], $0xffff;
	_ =	sdelay $0x4  }
0x148: {  	[tilespmem:v2+s17+$0x0] =	vst.idx.add.f32.msk $0xffff, v1  }
0x149: {  	v1 =	vld [tilespmem:$0x370];
	_ =	sdelay $0x4  }
0x14a: {  	v2 =	vld [tilespmem:$0x1B70];
	_ =	sdelay $0x2  }
0x14b: {  	v1 =	vld.idx.msk [tilespmem:v1+s13+$0x0], $0xffff;
	_ =	sdelay $0x4  }
0x14c: {  	[tilespmem:v2+s17+$0x0] =	vst.idx.add.f32.msk $0xffff, v1  }
0x14d: {  	v1 =	vld [tilespmem:$0x380];
	_ =	sdelay $0x4  }
0x14e: {  	v2 =	vld [tilespmem:$0x1B80];
	_ =	sdelay $0x2  }
0x14f: {  	v1 =	vld.idx.msk [tilespmem:v1+s13+$0x0], $0xffff;
	_ =	sdelay $0x4  }
0x150: {  	[tilespmem:v2+s17+$0x0] =	vst.idx.add.f32.msk $0xffff, v1  }
0x151: {  	v1 =	vld [tilespmem:$0x390];
	_ =	sdelay $0x4  }
0x152: {  	v2 =	vld [tilespmem:$0x1B90];
	_ =	sdelay $0x2  }
0x153: {  	v1 =	vld.idx.msk [tilespmem:v1+s13+$0x0], $0xffff;
	_ =	sdelay $0x4  }
0x154: {  	[tilespmem:v2+s17+$0x0] =	vst.idx.add.f32.msk $0xffff, v1  }
0x155: {  	v1 =	vld [tilespmem:$0x3A0];
	_ =	sdelay $0x4  }
0x156: {  	v2 =	vld [tilespmem:$0x1BA0];
	_ =	sdelay $0x2  }
0x157: {  	v1 =	vld.idx.msk [tilespmem:v1+s13+$0x0], $0xffff;
	_ =	sdelay $0x4  }
0x158: {  	[tilespmem:v2+s17+$0x0] =	vst.idx.add.f32.msk $0xffff, v1  }
0x159: {  	v1 =	vld [tilespmem:$0x3B0];
	_ =	sdelay $0x4  }
0x15a: {  	v2 =	vld [tilespmem:$0x1BB0];
	_ =	sdelay $0x2  }
0x15b: {  	v1 =	vld.idx.msk [tilespmem:v1+s13+$0x0], $0xffff;
	_ =	sdelay $0x4  }
0x15c: {  	[tilespmem:v2+s17+$0x0] =	vst.idx.add.f32.msk $0xffff, v1  }
0x15d: {  	v1 =	vld [tilespmem:$0x3C0];
	_ =	sdelay $0x4  }
0x15e: {  	v2 =	vld [tilespmem:$0x1BC0];
	_ =	sdelay $0x2  }
0x15f: {  	v1 =	vld.idx.msk [tilespmem:v1+s13+$0x0], $0xffff;
	_ =	sdelay $0x4  }
0x160: {  	[tilespmem:v2+s17+$0x0] =	vst.idx.add.f32.msk $0xffff, v1  }
0x161: {  	v1 =	vld [tilespmem:$0x3D0];
	_ =	sdelay $0x4  }
0x162: {  	v2 =	vld [tilespmem:$0x1BD0];
	_ =	sdelay $0x2  }
0x163: {  	v1 =	vld.idx.msk [tilespmem:v1+s13+$0x0], $0xffff;
	_ =	sdelay $0x4  }
0x164: {  	[tilespmem:v2+s17+$0x0] =	vst.idx.add.f32.msk $0xffff, v1  }
0x165: {  	v1 =	vld [tilespmem:$0x3E0];
	_ =	sdelay $0x4  }
0x166: {  	v2 =	vld [tilespmem:$0x1BE0];
	_ =	sdelay $0x2  }
0x167: {  	v1 =	vld.idx.msk [tilespmem:v1+s13+$0x0], $0xffff;
	_ =	sdelay $0x4  }
0x168: {  	[tilespmem:v2+s17+$0x0] =	vst.idx.add.f32.msk $0xffff, v1  }
0x169: {  	v1 =	vld [tilespmem:$0x3F0];
	_ =	sdelay $0x4  }
0x16a: {  	v2 =	vld [tilespmem:$0x1BF0];
	_ =	sdelay $0x2  }
0x16b: {  	v1 =	vld.idx.msk [tilespmem:v1+s13+$0x0], $0xffff;
	_ =	sdelay $0x4  }
0x16c: {  	[tilespmem:v2+s17+$0x0] =	vst.idx.add.f32.msk $0xffff, v1  }
.LBB2_9:
.Ltmp6:
0x16d: {  	(pc) =	sbr.rel @p1 .LBB2_11-.Ltmp6, $1  }
0x16e: {  	_ =	sdelay $0x3  }
0x16f: {  	[tilespmem:s2], [sflag:$0x2] =	stream.linear.gather [hbm4b:s9+s2], $0x200, $0x38;
	[tilespmem:$0x1B700] =	vst v63  }
0x170: {  	_ =	swait.ge [sflag:s15], $0x200  }
0x171: {  	[sflag:s15] =	ssyncset.done $0x0  }
0x172: {  	[sflag:s15] =	ssyncadd.s32 $0xFFFFFE00  }
0x173: {  	[tilespmem:s16], [sflag:$0x2] =	stream.linear.gather [hbm4b:s10+s2], $0x200, $0x38;
	[tilespmem:$0x1B700] =	vst v63  }
0x174: {  	_ =	swait.ge [sflag:s15], $0x200  }
0x175: {  	[sflag:s15] =	ssyncset.done $0x0  }
0x176: {  	[sflag:s15] =	ssyncadd.s32 $0xFFFFFE00  }
0x177: {  	v1 =	vld [tilespmem:$0x0];
	_ =	sdelay $0x4  }
0x178: {  	v2 =	vld [tilespmem:$0x1800];
	_ =	sdelay $0x2  }
0x179: {  	v1 =	vld.idx.msk [tilespmem:v1+s13+$0x0], $0xffff;
	_ =	sdelay $0x4  }
0x17a: {  	[tilespmem:v2+s17+$0x0] =	vst.idx.add.f32.msk $0xffff, v1  }
0x17b: {  	v1 =	vld [tilespmem:$0x10];
	_ =	sdelay $0x4  }
0x17c: {  	v2 =	vld [tilespmem:$0x1810];
	_ =	sdelay $0x2  }
0x17d: {  	v1 =	vld.idx.msk [tilespmem:v1+s13+$0x0], $0xffff;
	_ =	sdelay $0x4  }
0x17e: {  	[tilespmem:v2+s17+$0x0] =	vst.idx.add.f32.msk $0xffff, v1  }
0x17f: {  	v1 =	vld [tilespmem:$0x20];
	_ =	sdelay $0x4  }
0x180: {  	v2 =	vld [tilespmem:$0x1820];
	_ =	sdelay $0x2  }
0x181: {  	v1 =	vld.idx.msk [tilespmem:v1+s13+$0x0], $0xffff;
	_ =	sdelay $0x4  }
0x182: {  	[tilespmem:v2+s17+$0x0] =	vst.idx.add.f32.msk $0xffff, v1  }
0x183: {  	v1 =	vld [tilespmem:$0x30];
	_ =	sdelay $0x4  }
0x184: {  	v2 =	vld [tilespmem:$0x1830];
	_ =	sdelay $0x2  }
0x185: {  	v1 =	vld.idx.msk [tilespmem:v1+s13+$0x0], $0xffff;
	_ =	sdelay $0x4  }
0x186: {  	[tilespmem:v2+s17+$0x0] =	vst.idx.add.f32.msk $0xffff, v1  }
0x187: {  	v1 =	vld [tilespmem:$0x40];
	_ =	sdelay $0x4  }
0x188: {  	v2 =	vld [tilespmem:$0x1840];
	_ =	sdelay $0x2  }
0x189: {  	v1 =	vld.idx.msk [tilespmem:v1+s13+$0x0], $0xffff;
	_ =	sdelay $0x4  }
0x18a: {  	[tilespmem:v2+s17+$0x0] =	vst.idx.add.f32.msk $0xffff, v1  }
0x18b: {  	v1 =	vld [tilespmem:$0x50];
	_ =	sdelay $0x4  }
0x18c: {  	v2 =	vld [tilespmem:$0x1850];
	_ =	sdelay $0x2  }
0x18d: {  	v1 =	vld.idx.msk [tilespmem:v1+s13+$0x0], $0xffff;
	_ =	sdelay $0x4  }
0x18e: {  	[tilespmem:v2+s17+$0x0] =	vst.idx.add.f32.msk $0xffff, v1  }
0x18f: {  	v1 =	vld [tilespmem:$0x60];
	_ =	sdelay $0x4  }
0x190: {  	v2 =	vld [tilespmem:$0x1860];
	_ =	sdelay $0x2  }
0x191: {  	v1 =	vld.idx.msk [tilespmem:v1+s13+$0x0], $0xffff;
	_ =	sdelay $0x4  }
0x192: {  	[tilespmem:v2+s17+$0x0] =	vst.idx.add.f32.msk $0xffff, v1  }
0x193: {  	v1 =	vld [tilespmem:$0x70];
	_ =	sdelay $0x4  }
0x194: {  	v2 =	vld [tilespmem:$0x1870];
	_ =	sdelay $0x2  }
0x195: {  	v1 =	vld.idx.msk [tilespmem:v1+s13+$0x0], $0xffff;
	_ =	sdelay $0x4  }
0x196: {  	[tilespmem:v2+s17+$0x0] =	vst.idx.add.f32.msk $0xffff, v1  }
0x197: {  	v1 =	vld [tilespmem:$0x80];
	_ =	sdelay $0x4  }
0x198: {  	v2 =	vld [tilespmem:$0x1880];
	_ =	sdelay $0x2  }
0x199: {  	v1 =	vld.idx.msk [tilespmem:v1+s13+$0x0], $0xffff;
	_ =	sdelay $0x4  }
0x19a: {  	[tilespmem:v2+s17+$0x0] =	vst.idx.add.f32.msk $0xffff, v1  }
0x19b: {  	v1 =	vld [tilespmem:$0x90];
	_ =	sdelay $0x4  }
0x19c: {  	v2 =	vld [tilespmem:$0x1890];
	_ =	sdelay $0x2  }
0x19d: {  	v1 =	vld.idx.msk [tilespmem:v1+s13+$0x0], $0xffff;
	_ =	sdelay $0x4  }
0x19e: {  	[tilespmem:v2+s17+$0x0] =	vst.idx.add.f32.msk $0xffff, v1  }
0x19f: {  	v1 =	vld [tilespmem:$0xA0];
	_ =	sdelay $0x4  }
0x1a0: {  	v2 =	vld [tilespmem:$0x18A0];
	_ =	sdelay $0x2  }
0x1a1: {  	v1 =	vld.idx.msk [tilespmem:v1+s13+$0x0], $0xffff;
	_ =	sdelay $0x4  }
0x1a2: {  	[tilespmem:v2+s17+$0x0] =	vst.idx.add.f32.msk $0xffff, v1  }
0x1a3: {  	v1 =	vld [tilespmem:$0xB0];
	_ =	sdelay $0x4  }
0x1a4: {  	v2 =	vld [tilespmem:$0x18B0];
	_ =	sdelay $0x2  }
0x1a5: {  	v1 =	vld.idx.msk [tilespmem:v1+s13+$0x0], $0xffff;
	_ =	sdelay $0x4  }
0x1a6: {  	[tilespmem:v2+s17+$0x0] =	vst.idx.add.f32.msk $0xffff, v1  }
0x1a7: {  	v1 =	vld [tilespmem:$0xC0];
	_ =	sdelay $0x4  }
0x1a8: {  	v2 =	vld [tilespmem:$0x18C0];
	_ =	sdelay $0x2  }
0x1a9: {  	v1 =	vld.idx.msk [tilespmem:v1+s13+$0x0], $0xffff;
	_ =	sdelay $0x4  }
0x1aa: {  	[tilespmem:v2+s17+$0x0] =	vst.idx.add.f32.msk $0xffff, v1  }
0x1ab: {  	v1 =	vld [tilespmem:$0xD0];
	_ =	sdelay $0x4  }
0x1ac: {  	v2 =	vld [tilespmem:$0x18D0];
	_ =	sdelay $0x2  }
0x1ad: {  	v1 =	vld.idx.msk [tilespmem:v1+s13+$0x0], $0xffff;
	_ =	sdelay $0x4  }
0x1ae: {  	[tilespmem:v2+s17+$0x0] =	vst.idx.add.f32.msk $0xffff, v1  }
0x1af: {  	v1 =	vld [tilespmem:$0xE0];
	_ =	sdelay $0x4  }
0x1b0: {  	v2 =	vld [tilespmem:$0x18E0];
	_ =	sdelay $0x2  }
0x1b1: {  	v1 =	vld.idx.msk [tilespmem:v1+s13+$0x0], $0xffff;
	_ =	sdelay $0x4  }
0x1b2: {  	[tilespmem:v2+s17+$0x0] =	vst.idx.add.f32.msk $0xffff, v1  }
0x1b3: {  	v1 =	vld [tilespmem:$0xF0];
	_ =	sdelay $0x4  }
0x1b4: {  	v2 =	vld [tilespmem:$0x18F0];
	_ =	sdelay $0x2  }
0x1b5: {  	v1 =	vld.idx.msk [tilespmem:v1+s13+$0x0], $0xffff;
	_ =	sdelay $0x4  }
0x1b6: {  	[tilespmem:v2+s17+$0x0] =	vst.idx.add.f32.msk $0xffff, v1  }
0x1b7: {  	v1 =	vld [tilespmem:$0x100];
	_ =	sdelay $0x4  }
0x1b8: {  	v2 =	vld [tilespmem:$0x1900];
	_ =	sdelay $0x2  }
0x1b9: {  	v1 =	vld.idx.msk [tilespmem:v1+s13+$0x0], $0xffff;
	_ =	sdelay $0x4  }
0x1ba: {  	[tilespmem:v2+s17+$0x0] =	vst.idx.add.f32.msk $0xffff, v1  }
0x1bb: {  	v1 =	vld [tilespmem:$0x110];
	_ =	sdelay $0x4  }
0x1bc: {  	v2 =	vld [tilespmem:$0x1910];
	_ =	sdelay $0x2  }
0x1bd: {  	v1 =	vld.idx.msk [tilespmem:v1+s13+$0x0], $0xffff;
	_ =	sdelay $0x4  }
0x1be: {  	[tilespmem:v2+s17+$0x0] =	vst.idx.add.f32.msk $0xffff, v1  }
0x1bf: {  	v1 =	vld [tilespmem:$0x120];
	_ =	sdelay $0x4  }
0x1c0: {  	v2 =	vld [tilespmem:$0x1920];
	_ =	sdelay $0x2  }
0x1c1: {  	v1 =	vld.idx.msk [tilespmem:v1+s13+$0x0], $0xffff;
	_ =	sdelay $0x4  }
0x1c2: {  	[tilespmem:v2+s17+$0x0] =	vst.idx.add.f32.msk $0xffff, v1  }
0x1c3: {  	v1 =	vld [tilespmem:$0x130];
	_ =	sdelay $0x4  }
0x1c4: {  	v2 =	vld [tilespmem:$0x1930];
	_ =	sdelay $0x2  }
0x1c5: {  	v1 =	vld.idx.msk [tilespmem:v1+s13+$0x0], $0xffff;
	_ =	sdelay $0x4  }
0x1c6: {  	[tilespmem:v2+s17+$0x0] =	vst.idx.add.f32.msk $0xffff, v1  }
0x1c7: {  	v1 =	vld [tilespmem:$0x140];
	_ =	sdelay $0x4  }
0x1c8: {  	v2 =	vld [tilespmem:$0x1940];
	_ =	sdelay $0x2  }
0x1c9: {  	v1 =	vld.idx.msk [tilespmem:v1+s13+$0x0], $0xffff;
	_ =	sdelay $0x4  }
0x1ca: {  	[tilespmem:v2+s17+$0x0] =	vst.idx.add.f32.msk $0xffff, v1  }
0x1cb: {  	v1 =	vld [tilespmem:$0x150];
	_ =	sdelay $0x4  }
0x1cc: {  	v2 =	vld [tilespmem:$0x1950];
	_ =	sdelay $0x2  }
0x1cd: {  	v1 =	vld.idx.msk [tilespmem:v1+s13+$0x0], $0xffff;
	_ =	sdelay $0x4  }
0x1ce: {  	[tilespmem:v2+s17+$0x0] =	vst.idx.add.f32.msk $0xffff, v1  }
0x1cf: {  	v1 =	vld [tilespmem:$0x160];
	_ =	sdelay $0x4  }
0x1d0: {  	v2 =	vld [tilespmem:$0x1960];
	_ =	sdelay $0x2  }
0x1d1: {  	v1 =	vld.idx.msk [tilespmem:v1+s13+$0x0], $0xffff;
	_ =	sdelay $0x4  }
0x1d2: {  	[tilespmem:v2+s17+$0x0] =	vst.idx.add.f32.msk $0xffff, v1  }
0x1d3: {  	v1 =	vld [tilespmem:$0x170];
	_ =	sdelay $0x4  }
0x1d4: {  	v2 =	vld [tilespmem:$0x1970];
	_ =	sdelay $0x2  }
0x1d5: {  	v1 =	vld.idx.msk [tilespmem:v1+s13+$0x0], $0xffff;
	_ =	sdelay $0x4  }
0x1d6: {  	[tilespmem:v2+s17+$0x0] =	vst.idx.add.f32.msk $0xffff, v1  }
0x1d7: {  	v1 =	vld [tilespmem:$0x180];
	_ =	sdelay $0x4  }
0x1d8: {  	v2 =	vld [tilespmem:$0x1980];
	_ =	sdelay $0x2  }
0x1d9: {  	v1 =	vld.idx.msk [tilespmem:v1+s13+$0x0], $0xffff;
	_ =	sdelay $0x4  }
0x1da: {  	[tilespmem:v2+s17+$0x0] =	vst.idx.add.f32.msk $0xffff, v1  }
0x1db: {  	v1 =	vld [tilespmem:$0x190];
	_ =	sdelay $0x4  }
0x1dc: {  	v2 =	vld [tilespmem:$0x1990];
	_ =	sdelay $0x2  }
0x1dd: {  	v1 =	vld.idx.msk [tilespmem:v1+s13+$0x0], $0xffff;
	_ =	sdelay $0x4  }
0x1de: {  	[tilespmem:v2+s17+$0x0] =	vst.idx.add.f32.msk $0xffff, v1  }
0x1df: {  	v1 =	vld [tilespmem:$0x1A0];
	_ =	sdelay $0x4  }
0x1e0: {  	v2 =	vld [tilespmem:$0x19A0];
	_ =	sdelay $0x2  }
0x1e1: {  	v1 =	vld.idx.msk [tilespmem:v1+s13+$0x0], $0xffff;
	_ =	sdelay $0x4  }
0x1e2: {  	[tilespmem:v2+s17+$0x0] =	vst.idx.add.f32.msk $0xffff, v1  }
0x1e3: {  	v1 =	vld [tilespmem:$0x1B0];
	_ =	sdelay $0x4  }
0x1e4: {  	v2 =	vld [tilespmem:$0x19B0];
	_ =	sdelay $0x2  }
0x1e5: {  	v1 =	vld.idx.msk [tilespmem:v1+s13+$0x0], $0xffff;
	_ =	sdelay $0x4  }
0x1e6: {  	[tilespmem:v2+s17+$0x0] =	vst.idx.add.f32.msk $0xffff, v1  }
0x1e7: {  	v1 =	vld [tilespmem:$0x1C0];
	_ =	sdelay $0x4  }
0x1e8: {  	v2 =	vld [tilespmem:$0x19C0];
	_ =	sdelay $0x2  }
0x1e9: {  	v1 =	vld.idx.msk [tilespmem:v1+s13+$0x0], $0xffff;
	_ =	sdelay $0x4  }
0x1ea: {  	[tilespmem:v2+s17+$0x0] =	vst.idx.add.f32.msk $0xffff, v1  }
0x1eb: {  	v1 =	vld [tilespmem:$0x1D0];
	_ =	sdelay $0x4  }
0x1ec: {  	v2 =	vld [tilespmem:$0x19D0];
	_ =	sdelay $0x2  }
0x1ed: {  	v1 =	vld.idx.msk [tilespmem:v1+s13+$0x0], $0xffff;
	_ =	sdelay $0x4  }
0x1ee: {  	[tilespmem:v2+s17+$0x0] =	vst.idx.add.f32.msk $0xffff, v1  }
0x1ef: {  	v1 =	vld [tilespmem:$0x1E0];
	_ =	sdelay $0x4  }
0x1f0: {  	v2 =	vld [tilespmem:$0x19E0];
	_ =	sdelay $0x2  }
0x1f1: {  	v1 =	vld.idx.msk [tilespmem:v1+s13+$0x0], $0xffff;
	_ =	sdelay $0x4  }
0x1f2: {  	[tilespmem:v2+s17+$0x0] =	vst.idx.add.f32.msk $0xffff, v1  }
0x1f3: {  	v1 =	vld [tilespmem:$0x1F0];
	_ =	sdelay $0x4  }
0x1f4: {  	v2 =	vld [tilespmem:$0x19F0];
	_ =	sdelay $0x2  }
0x1f5: {  	v1 =	vld.idx.msk [tilespmem:v1+s13+$0x0], $0xffff  }
.Ltmp7:
0x1f6: {  	_ = 	snop;
	(pc) =	sbr.rel .LBB2_11-.Ltmp7, $2  }
0x1f7: {  	_ =	sdelay $0x2  }
0x1f8: {  	[tilespmem:v2+s17+$0x0] =	vst.idx.add.f32.msk $0xffff, v1  }
.LBB2_12:
0x1f9: {  	_ =	sfence.sel $0x180000  }
0x1fa: {  	[bflag:$0x0] =	sbarrier.arrive $0xFFFF  }
0x1fb: {  	p0 =	sne.s32 s1, $0x0;
	_ =	strace $0x9000004A  }
0x1fc: {  	s0 =	sadd.s32 @!p0 $0x100000, s0;
	[bflag:$0x2] =	sbarrier.arrive $0xFFFF  }
0x1fd: {  	[sflag:s0] =	ssyncadd.tile.s32 @!p0 $0x1;
	_ =	shalt  }
.Lfunc_end2:
_tile_overlayer_lowered:
.L_overlay_start_2:
0x1fe: {  	(tag) =	ssettag $0x2  }
0x1ff: {  	s0 =	rddreg [dreg:$0x0];
	s2 =	stileid.u32  }
0x200: {  	s1 =	rddreg [dreg:$0x1];
	p0 =	sne.s32 s2, $0x0  }
0x201: {  	s3 =	rddreg [dreg:$0x2];
	[bflag:$0x3] =	sbarrier.arrive $0xFFFF;
	s2 =	simm.s32 @!p0 $0x1C02  }
0x202: {  	[timem:s3], [sflag:s2] =	dma.local @!p0 [hbm:s0], s1  }
0x203: {  	s0 =	simm.s32 @!p0 $0x2  }
0x204: {  	_ =	swait.ge @!p0 [sflag:s0], s1  }
0x205: {  	s1 =	ssub.s32 @!p0 $0x0, s1;
	[sflag:s0] =	ssyncset.done @!p0 $0x0  }
0x206: {  	[sflag:s0] =	ssyncadd.s32 @!p0 s1  }
0x207: {  	[bflag:$0x3] =	sbarrier.arrive $0xFFFF  }
0x208: {  	_ =	shalt  }

</sc_bundles>
